<compile_context>
chip_gen: v7x
topology: tpu7x:2x2x1
jax: 0.10.2.dev20260603
libtpu: 0.0.44.dev20260713+nightly
codegen_flags: <defaults>
</compile_context>

<pallas_src>
import functools

import jax
import jax.numpy as jnp
from jax import lax
from jax.experimental import pallas as pl
from jax.experimental.pallas import tpu as pltpu
from jax.experimental.pallas import tpu_sc as plsc

NUM_NODES = 100000
NUM_ITEMS = 100000
NUM_RATINGS = 5
HIST = 50
D = 64
B = 16384

NC = 2
NS = 16
L = 16
NW = NC * NS
PER_W = B // NW
NB = 16
N_CHUNKS = PER_W // NB

_J = D // L


def _tables_kernel(v2e, wg_top, r2e8, wg_bot, bg8):
    RB = min(2000, NUM_ITEMS)

    def body(v_ref, wt_ref, r8_ref, wb_ref, bg_ref, tv_ref, tr_ref):
        tv_ref[...] = jnp.dot(v_ref[...], wt_ref[...],
                              preferred_element_type=jnp.float32,
                              precision=lax.Precision.HIGHEST)

        @pl.when(pl.program_id(0) == 0)
        def _():
            tr_ref[...] = jnp.dot(r8_ref[...], wb_ref[...],
                                  preferred_element_type=jnp.float32,
                              precision=lax.Precision.HIGHEST) + bg_ref[...]

    return pl.pallas_call(
        body,
        grid=(NUM_ITEMS // RB,),
        in_specs=[
            pl.BlockSpec((RB, D), lambda i: (i, 0)),
            pl.BlockSpec((D, D), lambda i: (0, 0)),
            pl.BlockSpec((8, D), lambda i: (0, 0)),
            pl.BlockSpec((D, D), lambda i: (0, 0)),
            pl.BlockSpec((8, D), lambda i: (0, 0)),
        ],
        out_specs=[
            pl.BlockSpec((RB, D), lambda i: (i, 0)),
            pl.BlockSpec((8, D), lambda i: (0, 0)),
        ],
        out_shape=[
            jax.ShapeDtypeStruct((NUM_ITEMS, D), jnp.float32),
            jax.ShapeDtypeStruct((8, D), jnp.float32),
        ],
    )(v2e, wg_top, r2e8, wg_bot, bg8)


def _sc_aggregate(nodes, huv2, m2, hr2, tv, tr8, feat_table):
    mesh = plsc.VectorSubcoreMesh(core_axis_name="c", subcore_axis_name="s",
                                  num_cores=NC, num_subcores=NS)

    @functools.partial(
        pl.kernel,
        out_type=(jax.ShapeDtypeStruct((B, D), jnp.float32),
                  jax.ShapeDtypeStruct((B, D), jnp.float32)),
        mesh=mesh,
        compiler_params=pltpu.CompilerParams(needs_layout_passes=False,
                                             use_tc_tiling_on_sc=False),
        scratch_types=[
            pltpu.VMEM((NB,), jnp.int32),
            pltpu.VMEM((L,), jnp.int32),
            pltpu.VMEM((L,), jnp.int32),
            pltpu.VMEM((_J * NB,), jnp.int32),
            pltpu.VMEM((_J * NB, L), jnp.int32),
            pltpu.VMEM((_J * NB, L), jnp.int32),
            pltpu.VMEM((_J * NB, L), jnp.int32),
            pltpu.VMEM((8, D), jnp.float32),
            pltpu.VMEM((NB, D), jnp.float32),
            pltpu.VMEM((NB, D), jnp.float32),
            [pltpu.VMEM((L, D), jnp.float32) for _ in range(_J)],
            [pltpu.VMEM((L,), jnp.int32) for _ in range(_J)],
            pltpu.SemaphoreType.DMA,
            pltpu.SemaphoreType.DMA,
        ],
    )
    def k(nodes_h, huv_h, m_h, hr_h, tv_h, tr_h, feat_h,
          neigh_o, feat_o,
          nid_v, w0_v, d_v, hidx_v, huv_v, m_v, hr_v, tr_v, feat_v, out_v,
          wave_v, widx_v, sem, sem2):
        wid = lax.axis_index("s") * NC + lax.axis_index("c")
        pltpu.sync_copy(tr_h, tr_v)
        iota = lax.broadcasted_iota(jnp.int32, (L,), 0)
        tail_f = (iota >= 3 * L - (HIST - L)).astype(jnp.float32)

        def chunk(c, carry):
            base = wid * PER_W + c * NB
            pltpu.sync_copy(nodes_h.at[pl.ds(base, NB)], nid_v)
            nid = nid_v[...]
            cp_f = pltpu.async_copy(feat_h.at[nid_v], feat_v, sem2)
            p0 = nid * HIST
            w0_v[...] = jnp.right_shift(p0, 4)
            d_v[...] = jnp.bitwise_and(p0, L - 1)
            qsel = jnp.right_shift(iota, 2)
            wsel = jnp.bitwise_and(iota, _J - 1)
            for q in range(_J):
                hidx_v[pl.ds(q * L, L)] = (
                    plsc.load_gather(w0_v, [qsel + q * _J]) + wsel)
            cp_uv = pltpu.async_copy(huv_h.at[hidx_v], huv_v, sem)
            cp_m = pltpu.async_copy(m_h.at[hidx_v], m_v, sem)
            cp_r = pltpu.async_copy(hr_h.at[hidx_v], hr_v, sem)
            cp_uv.wait()
            cp_m.wait()
            cp_r.wait()

            def node(n, carry2):
                fn = jnp.full((L,), n, jnp.int32)
                dn = plsc.load_gather(d_v, [fn])
                pbase = fn * (_J * L) + dn

                dsum = jnp.zeros((L,), jnp.float32)
                for g, tf in ((0, None), (1, None), (2, None), (3, tail_f)):
                    off = g * L if g < _J - 1 else HIST - L
                    pw = pbase + iota + off
                    mw = plsc.load_gather(
                        m_v, [jnp.right_shift(pw, 4),
                              jnp.bitwise_and(pw, L - 1)]).astype(jnp.float32)
                    dsum = dsum + (mw if tf is None else mw * tf)
                denom = jnp.maximum(jnp.sum(dsum), 1.0)

                acc = [jnp.zeros((L,), jnp.float32) for _ in range(_J)]
                cps = []
                for g in range(_J):
                    off = g * L if g < _J - 1 else HIST - L
                    pw = pbase + iota + off
                    rw = jnp.right_shift(pw, 4)
                    cw = jnp.bitwise_and(pw, L - 1)
                    widx_v[g][...] = plsc.load_gather(huv_v, [rw, cw])
                    cps.append(
                        pltpu.async_copy(tv_h.at[widx_v[g]], wave_v[g], sem))
                for g in range(_J):
                    off = g * L if g < _J - 1 else HIST - L
                    cps[g].wait()
                    lo = 0 if g < _J - 1 else 3 * L - (HIST - L)
                    for hl in range(lo, L):
                        ph = pbase + (off + hl)
                        rh = jnp.right_shift(ph, 4)
                        ch = jnp.bitwise_and(ph, L - 1)
                        rb = plsc.load_gather(hr_v, [rh, ch])
                        mb = plsc.load_gather(m_v, [rh, ch]).astype(jnp.float32)
                        for j in range(_J):
                            tvj = wave_v[g][hl, pl.ds(j * L, L)]
                            trj = plsc.load_gather(tr_v, [rb, iota + j * L])
                            acc[j] = acc[j] + jnp.maximum(tvj + trj, 0.0) * mb
                inv = jnp.full((L,), 1.0, jnp.float32) / jnp.broadcast_to(denom, (L,))
                for j in range(_J):
                    out_v[n, pl.ds(j * L, L)] = acc[j] * inv
                return carry2

            lax.fori_loop(0, NB, node, 0)
            cp_f.wait()
            pltpu.sync_copy(out_v, neigh_o.at[pl.ds(base, NB)])
            pltpu.sync_copy(feat_v, feat_o.at[pl.ds(base, NB)])
            return carry

        lax.fori_loop(0, N_CHUNKS, chunk, 0)

    return k(nodes, huv2, m2, hr2, tv, tr8, feat_table)


def _final_linear(feats, neigh, w1a, w1b, b1r):
    RB = min(2048, B)

    def body(f_ref, n_ref, wa_ref, wb_ref, b_ref, o_ref):
        y = jnp.dot(f_ref[...], wa_ref[...], preferred_element_type=jnp.float32,
                              precision=lax.Precision.HIGHEST)
        y = y + jnp.dot(n_ref[...], wb_ref[...],
                        preferred_element_type=jnp.float32,
                              precision=lax.Precision.HIGHEST)
        o_ref[...] = jnp.maximum(y + b_ref[...], 0.0)

    return pl.pallas_call(
        body,
        grid=(B // RB,),
        in_specs=[
            pl.BlockSpec((RB, D), lambda i: (i, 0)),
            pl.BlockSpec((RB, D), lambda i: (i, 0)),
            pl.BlockSpec((D, D), lambda i: (0, 0)),
            pl.BlockSpec((D, D), lambda i: (0, 0)),
            pl.BlockSpec((1, D), lambda i: (0, 0)),
        ],
        out_specs=pl.BlockSpec((RB, D), lambda i: (i, 0)),
        out_shape=jax.ShapeDtypeStruct((B, D), jnp.float32),
    )(feats, neigh, w1a, w1b, b1r)


def kernel(nodes, history_uv, history_uv_mask, history_r, feat_table, v2e,
           r2e, Wg, bg, W1, b1):
    wg_top, wg_bot = Wg[:D], Wg[D:]
    r2e8 = jnp.zeros((8, D), r2e.dtype).at[:NUM_RATINGS].set(r2e)
    bg8 = jnp.broadcast_to(bg[None, :], (8, D))
    tv, tr8 = _tables_kernel(v2e, wg_top, r2e8, wg_bot, bg8)
    huv2 = history_uv.reshape(-1, L)
    m2 = history_uv_mask.reshape(-1, L)
    hr2 = history_r.reshape(-1, L)
    neigh, feats = _sc_aggregate(nodes, huv2, m2, hr2, tv, tr8, feat_table)
    return _final_linear(feats, neigh, W1[:D], W1[D:], b1.reshape(1, D))

# --- scband reference (transcript-rebuilt; emitter-appended) ---
"""Pipeline reference for scband-uv-encoder-35072702939232 (READ-ONLY COPY).

The authoritative reference and input builder live on the scoring server;
editing this copy changes nothing except your own understanding.
"""

import jax, jax.numpy as jnp
import numpy as np

NUM_NODES = 100000
NUM_ITEMS = 100000
NUM_RATINGS = 5
HIST = 50
D = 64
B = 16384


def setup_inputs(seed: int = 0) -> dict:
    key = jax.random.key(seed)
    ks = jax.random.split(key, 12)
    nodes = jax.random.randint(ks[0], (B,), 0, NUM_NODES, dtype=jnp.int32)
    # constant buffers built in __init__ from history_uv_lists / history_r_lists
    history_uv = jax.random.randint(ks[1], (NUM_NODES, HIST), 0, NUM_ITEMS, dtype=jnp.int32)
    history_uv_mask = (jax.random.uniform(ks[2], (NUM_NODES, HIST)) < 0.8).astype(jnp.int32)
    history_uv_mask = history_uv_mask.at[:, 0].set(1)  # every node has >=1 history entry
    history_r = jax.random.randint(ks[3], (NUM_NODES, HIST), 0, NUM_RATINGS, dtype=jnp.int32)
    # learned parameters
    feat_table = jax.random.normal(ks[4], (NUM_NODES, D), dtype=jnp.float32) * 0.02  # self.features embedding
    v2e = jax.random.normal(ks[5], (NUM_ITEMS, D), dtype=jnp.float32) * 0.02         # aggregator item/user embedding
    r2e = jax.random.normal(ks[6], (NUM_RATINGS, D), dtype=jnp.float32) * 0.02       # aggregator rating embedding
    Wg = jax.random.normal(ks[7], (2 * D, D), dtype=jnp.float32) * (1.0 / np.sqrt(2 * D))  # aggregator g_v MLP
    bg = jnp.zeros((D,), dtype=jnp.float32)
    W1 = jax.random.normal(ks[8], (2 * D, D), dtype=jnp.float32) * (1.0 / np.sqrt(2 * D))  # self.linear1
    b1 = jnp.zeros((D,), dtype=jnp.float32)
    return {
        "nodes": nodes,
        "history_uv": history_uv,
        "history_uv_mask": history_uv_mask,
        "history_r": history_r,
        "feat_table": feat_table,
        "v2e": v2e,
        "r2e": r2e,
        "Wg": Wg,
        "bg": bg,
        "W1": W1,
        "b1": b1,
    }


def reference(nodes, history_uv, history_uv_mask, history_r, feat_table, v2e, r2e, Wg, bg, W1, b1):
    # gather per-node history rows (self.history_uv_lists[nodes], etc.)
    h_uv = jnp.take(history_uv, nodes, axis=0)            # [B, H] int
    m = jnp.take(history_uv_mask, nodes, axis=0).astype(jnp.float32)  # [B, H]
    h_r = jnp.take(history_r, nodes, axis=0)              # [B, H] int
    # aggregator: embed history items and ratings, MLP, masked mean
    e_uv = jnp.take(v2e, h_uv, axis=0)                    # [B, H, D]
    e_r = jnp.take(r2e, h_r, axis=0)                      # [B, H, D]
    x = jax.nn.relu(jnp.concatenate([e_uv, e_r], axis=-1) @ Wg + bg)  # [B, H, D]
    denom = jnp.clip(jnp.sum(m, axis=1, keepdims=True), 1.0, None)
    neigh_feats = jnp.sum(x * m[..., None], axis=1) / denom           # [B, D]
    # self features
    self_feats = jnp.take(feat_table, nodes, axis=0)      # [B, D]
    combined = jnp.concatenate([self_feats, neigh_feats], axis=1)     # [B, 2D]
    combined = jax.nn.relu(combined @ W1 + b1)            # [B, D]
    return combined

if __name__ == "__main__":
    import jax
    _d = setup_inputs()
    print(jax.jit(kernel)(*tuple(_d.values())))

</pallas_src>

<mosaic_0001>
#map = affine_map<(d0, d1) -> (0)>
#map1 = affine_map<(d0, d1) -> (0, 0)>
module attributes {stable_mosaic.version = 14 : i64} {
  func.func @k(%arg0: i32, %arg1: i32, %arg2: memref<16384xi32, #tpu.memory_space<hbm>>, %arg3: memref<312500x16xi32, #tpu.memory_space<hbm>>, %arg4: memref<312500x16xi32, #tpu.memory_space<hbm>>, %arg5: memref<312500x16xi32, #tpu.memory_space<hbm>>, %arg6: memref<100000x64xf32, #tpu.memory_space<hbm>>, %arg7: memref<8x64xf32, #tpu.memory_space<hbm>>, %arg8: memref<100000x64xf32, #tpu.memory_space<hbm>>, %arg9: memref<16384x64xf32, #tpu.memory_space<hbm>>, %arg10: memref<16384x64xf32, #tpu.memory_space<hbm>>, %arg11: memref<16xi32, #tpu.memory_space<vmem>>, %arg12: memref<16xi32, #tpu.memory_space<vmem>>, %arg13: memref<16xi32, #tpu.memory_space<vmem>>, %arg14: memref<64xi32, #tpu.memory_space<vmem>>, %arg15: memref<64x16xi32, #tpu.memory_space<vmem>>, %arg16: memref<64x16xi32, #tpu.memory_space<vmem>>, %arg17: memref<64x16xi32, #tpu.memory_space<vmem>>, %arg18: memref<8x64xf32, #tpu.memory_space<vmem>>, %arg19: memref<16x64xf32, #tpu.memory_space<vmem>>, %arg20: memref<16x64xf32, #tpu.memory_space<vmem>>, %arg21: memref<16x64xf32, #tpu.memory_space<vmem>>, %arg22: memref<16x64xf32, #tpu.memory_space<vmem>>, %arg23: memref<16x64xf32, #tpu.memory_space<vmem>>, %arg24: memref<16x64xf32, #tpu.memory_space<vmem>>, %arg25: memref<16xi32, #tpu.memory_space<vmem>>, %arg26: memref<16xi32, #tpu.memory_space<vmem>>, %arg27: memref<16xi32, #tpu.memory_space<vmem>>, %arg28: memref<16xi32, #tpu.memory_space<vmem>>, %arg29: memref<!tpu.dma_semaphore, #tpu.memory_space<semaphore_mem>>, %arg30: memref<!tpu.dma_semaphore, #tpu.memory_space<semaphore_mem>>) attributes {dimension_semantics = [#tpu.dimension_semantics<core_parallel>, #tpu.dimension_semantics<subcore_parallel>], iteration_bounds = array<i64: 2, 16>, scalar_prefetch = 0 : i64, scratch_operands = 20 : i64, tpu.core_type = #tpu.core_type<sc_vector_subcore>, window_params = [{transform_indices = #map}, {transform_indices = #map1}, {transform_indices = #map1}, {transform_indices = #map1}, {transform_indices = #map1}, {transform_indices = #map1}, {transform_indices = #map1}, {transform_indices = #map1}, {transform_indices = #map1}]} {
    %mul3A = arith.constant 2 : i32
    %mul3A_0 = arith.muli %arg1, %mul3A : i32
    %add3A = arith.addi %mul3A_0, %arg0 : i32
    "tpu.region"() ({
      %run_scoped3A = tpu.sem_alloc : memref<!tpu.dma_semaphore, #tpu.memory_space<semaphore_mem>>
      tpu.enqueue_dma source(%arg7 : memref<8x64xf32, #tpu.memory_space<hbm>>) target(%arg18 : memref<8x64xf32, #tpu.memory_space<vmem>>) target_semaphore(%run_scoped3A : memref<!tpu.dma_semaphore, #tpu.memory_space<semaphore_mem>>)
      tpu.wait_dma2 semaphore(%run_scoped3A : memref<!tpu.dma_semaphore, #tpu.memory_space<semaphore_mem>>) src(%arg7 : memref<8x64xf32, #tpu.memory_space<hbm>>) dst(%arg18 : memref<8x64xf32, #tpu.memory_space<vmem>>)
      tpu.yield
    }) : () -> ()
    %iota3A = tpu.iota {dimensions = array<i32: 0>} : vector<16xi32>
    %ge3A = arith.constant 14 : i32
    %ge3A_1 = vector.broadcast %ge3A : i32 to vector<16xi32>
    %ge3A_2 = arith.cmpi sge, %iota3A, %ge3A_1 : vector<16xi32>
    %convert_element_type3A = arith.extui %ge3A_2 : vector<16xi1> to vector<16xi32>
    %convert_element_type3A_3 = arith.sitofp %convert_element_type3A : vector<16xi32> to vector<16xf32>
    %scan3A = arith.constant 0 : i32
    %scan3A_4 = arith.constant 0 : i32
    %scan3A_5 = arith.constant 32 : i32
    %scan3A_6 = arith.addi %scan3A_4, %scan3A_5 : i32
    %scan3A_7 = arith.constant 1 : i32
    scf.for %scan3A_9 = %scan3A_4 to %scan3A_6 step %scan3A_7  : i32 {
      %mul3A_10 = arith.constant 512 : i32
      %mul3A_11 = arith.muli %add3A, %mul3A_10 : i32
      %mul3A_12 = arith.constant 16 : i32
      %mul3A_13 = arith.muli %scan3A_9, %mul3A_12 : i32
      %add3A_14 = arith.addi %mul3A_11, %mul3A_13 : i32
      "tpu.region"() ({
        %run_scoped3A = tpu.sem_alloc : memref<!tpu.dma_semaphore, #tpu.memory_space<semaphore_mem>>
        %dma_start3A_87 = tpu.memref_slice %arg2[%add3A_14] : memref<16384xi32, #tpu.memory_space<hbm>> -> memref<16xi32, #tpu.memory_space<hbm>>
        %dma_start3A_88 = tpu.memref_slice %arg2[%add3A_14] : memref<16384xi32, #tpu.memory_space<hbm>> -> memref<16xi32, #tpu.memory_space<hbm>>
        tpu.enqueue_dma source(%dma_start3A_88 : memref<16xi32, #tpu.memory_space<hbm>>) target(%arg11 : memref<16xi32, #tpu.memory_space<vmem>>) target_semaphore(%run_scoped3A : memref<!tpu.dma_semaphore, #tpu.memory_space<semaphore_mem>>)
        %dma_wait3A_89 = tpu.memref_slice %arg2[%add3A_14] : memref<16384xi32, #tpu.memory_space<hbm>> -> memref<16xi32, #tpu.memory_space<hbm>>
        %dma_wait3A_90 = tpu.memref_slice %arg2[%add3A_14] : memref<16384xi32, #tpu.memory_space<hbm>> -> memref<16xi32, #tpu.memory_space<hbm>>
        tpu.wait_dma2 semaphore(%run_scoped3A : memref<!tpu.dma_semaphore, #tpu.memory_space<semaphore_mem>>) src(%dma_wait3A_90 : memref<16xi32, #tpu.memory_space<hbm>>) dst(%arg11 : memref<16xi32, #tpu.memory_space<vmem>>)
        tpu.yield
      }) : () -> ()
      %get3A = arith.constant 0 : index
      %get3A_15 = tpu.vector_load %arg11[%get3A] {strides = array<i32>} : memref<16xi32, #tpu.memory_space<vmem>>, vector<16xi32>,
      %dma_start3A = arith.constant 0 : i32
      %dma_start3A_16 = arith.constant 0 : i32
      %dma_start3A_17 = tpu.memref_slice %arg8[%dma_start3A, %dma_start3A_16] : memref<100000x64xf32, #tpu.memory_space<hbm>> -> memref<100000x64xf32, #tpu.memory_space<hbm>>
      tpu.enqueue_indirect_dma source(%dma_start3A_17 : memref<100000x64xf32, #tpu.memory_space<hbm>>) target(%arg19 : memref<16x64xf32, #tpu.memory_space<vmem>>) offsets(%arg11 : memref<16xi32, #tpu.memory_space<vmem>>) semaphore(%arg30 : memref<!tpu.dma_semaphore, #tpu.memory_space<semaphore_mem>>)
      %mul3A_18 = arith.constant 50 : i32
      %mul3A_19 = vector.broadcast %mul3A_18 : i32 to vector<16xi32>
      %mul3A_20 = arith.muli %get3A_15, %mul3A_19 : vector<16xi32>
      %shift_right_arithmetic3A = arith.constant 4 : i32
      %shift_right_arithmetic3A_21 = vector.broadcast %shift_right_arithmetic3A : i32 to vector<16xi32>
      %shift_right_arithmetic3A_22 = arith.shrsi %mul3A_20, %shift_right_arithmetic3A_21 : vector<16xi32>
      %swap3A = arith.constant 0 : index
      %swap3A_23 = tpu.vector_load %arg12[%swap3A] {strides = array<i32>} : memref<16xi32, #tpu.memory_space<vmem>>, vector<16xi32>,
      tpu.vector_store %arg12[%swap3A], %shift_right_arithmetic3A_22 {strides = array<i32>} : memref<16xi32, #tpu.memory_space<vmem>>, vector<16xi32>,
      %and3A = arith.constant 15 : i32
      %and3A_24 = vector.broadcast %and3A : i32 to vector<16xi32>
      %and3A_25 = arith.andi %mul3A_20, %and3A_24 : vector<16xi32>
      %swap3A_26 = arith.constant 0 : index
      %swap3A_27 = tpu.vector_load %arg13[%swap3A_26] {strides = array<i32>} : memref<16xi32, #tpu.memory_space<vmem>>, vector<16xi32>,
      tpu.vector_store %arg13[%swap3A_26], %and3A_25 {strides = array<i32>} : memref<16xi32, #tpu.memory_space<vmem>>, vector<16xi32>,
      %shift_right_arithmetic3A_28 = arith.constant 2 : i32
      %shift_right_arithmetic3A_29 = vector.broadcast %shift_right_arithmetic3A_28 : i32 to vector<16xi32>
      %shift_right_arithmetic3A_30 = arith.shrsi %iota3A, %shift_right_arithmetic3A_29 : vector<16xi32>
      %and3A_31 = arith.constant 3 : i32
      %and3A_32 = vector.broadcast %and3A_31 : i32 to vector<16xi32>
      %and3A_33 = arith.andi %iota3A, %and3A_32 : vector<16xi32>
      %add3A_34 = arith.constant 0 : i32
      %add3A_35 = vector.broadcast %add3A_34 : i32 to vector<16xi32>
      %add3A_36 = arith.addi %shift_right_arithmetic3A_30, %add3A_35 : vector<16xi32>
      %gather3A = tpu.vector_load_idx %arg12[%add3A_36] : memref<16xi32, #tpu.memory_space<vmem>>[vector<16xi32>], vector<16xi32>,
      %add3A_37 = arith.addi %gather3A, %and3A_33 : vector<16xi32>
      %swap3A_38 = arith.constant 0 : index
      %swap3A_39 = tpu.vector_load %arg14[%swap3A_38] {strides = array<i32>} : memref<64xi32, #tpu.memory_space<vmem>>, vector<16xi32>,
      tpu.vector_store %arg14[%swap3A_38], %add3A_37 {strides = array<i32>} : memref<64xi32, #tpu.memory_space<vmem>>, vector<16xi32>,
      %add3A_40 = arith.constant 4 : i32
      %add3A_41 = vector.broadcast %add3A_40 : i32 to vector<16xi32>
      %add3A_42 = arith.addi %shift_right_arithmetic3A_30, %add3A_41 : vector<16xi32>
      %gather3A_43 = tpu.vector_load_idx %arg12[%add3A_42] : memref<16xi32, #tpu.memory_space<vmem>>[vector<16xi32>], vector<16xi32>,
      %add3A_44 = arith.addi %gather3A_43, %and3A_33 : vector<16xi32>
      %swap3A_45 = arith.constant 16 : index
      %swap3A_46 = tpu.vector_load %arg14[%swap3A_45] {strides = array<i32>} : memref<64xi32, #tpu.memory_space<vmem>>, vector<16xi32>,
      tpu.vector_store %arg14[%swap3A_45], %add3A_44 {strides = array<i32>} : memref<64xi32, #tpu.memory_space<vmem>>, vector<16xi32>,
      %add3A_47 = arith.constant 8 : i32
      %add3A_48 = vector.broadcast %add3A_47 : i32 to vector<16xi32>
      %add3A_49 = arith.addi %shift_right_arithmetic3A_30, %add3A_48 : vector<16xi32>
      %gather3A_50 = tpu.vector_load_idx %arg12[%add3A_49] : memref<16xi32, #tpu.memory_space<vmem>>[vector<16xi32>], vector<16xi32>,
      %add3A_51 = arith.addi %gather3A_50, %and3A_33 : vector<16xi32>
      %swap3A_52 = arith.constant 32 : index
      %swap3A_53 = tpu.vector_load %arg14[%swap3A_52] {strides = array<i32>} : memref<64xi32, #tpu.memory_space<vmem>>, vector<16xi32>,
      tpu.vector_store %arg14[%swap3A_52], %add3A_51 {strides = array<i32>} : memref<64xi32, #tpu.memory_space<vmem>>, vector<16xi32>,
      %add3A_54 = arith.constant 12 : i32
      %add3A_55 = vector.broadcast %add3A_54 : i32 to vector<16xi32>
      %add3A_56 = arith.addi %shift_right_arithmetic3A_30, %add3A_55 : vector<16xi32>
      %gather3A_57 = tpu.vector_load_idx %arg12[%add3A_56] : memref<16xi32, #tpu.memory_space<vmem>>[vector<16xi32>], vector<16xi32>,
      %add3A_58 = arith.addi %gather3A_57, %and3A_33 : vector<16xi32>
      %swap3A_59 = arith.constant 48 : index
      %swap3A_60 = tpu.vector_load %arg14[%swap3A_59] {strides = array<i32>} : memref<64xi32, #tpu.memory_space<vmem>>, vector<16xi32>,
      tpu.vector_store %arg14[%swap3A_59], %add3A_58 {strides = array<i32>} : memref<64xi32, #tpu.memory_space<vmem>>, vector<16xi32>,
      %dma_start3A_61 = arith.constant 0 : i32
      %dma_start3A_62 = arith.constant 0 : i32
      %dma_start3A_63 = tpu.memref_slice %arg3[%dma_start3A_61, %dma_start3A_62] : memref<312500x16xi32, #tpu.memory_space<hbm>> -> memref<312500x16xi32, #tpu.memory_space<hbm>>
      tpu.enqueue_indirect_dma source(%dma_start3A_63 : memref<312500x16xi32, #tpu.memory_space<hbm>>) target(%arg15 : memref<64x16xi32, #tpu.memory_space<vmem>>) offsets(%arg14 : memref<64xi32, #tpu.memory_space<vmem>>) semaphore(%arg29 : memref<!tpu.dma_semaphore, #tpu.memory_space<semaphore_mem>>)
      %dma_start3A_64 = arith.constant 0 : i32
      %dma_start3A_65 = arith.constant 0 : i32
      %dma_start3A_66 = tpu.memref_slice %arg4[%dma_start3A_64, %dma_start3A_65] : memref<312500x16xi32, #tpu.memory_space<hbm>> -> memref<312500x16xi32, #tpu.memory_space<hbm>>
      tpu.enqueue_indirect_dma source(%dma_start3A_66 : memref<312500x16xi32, #tpu.memory_space<hbm>>) target(%arg16 : memref<64x16xi32, #tpu.memory_space<vmem>>) offsets(%arg14 : memref<64xi32, #tpu.memory_space<vmem>>) semaphore(%arg29 : memref<!tpu.dma_semaphore, #tpu.memory_space<semaphore_mem>>)
      %dma_start3A_67 = arith.constant 0 : i32
      %dma_start3A_68 = arith.constant 0 : i32
      %dma_start3A_69 = tpu.memref_slice %arg5[%dma_start3A_67, %dma_start3A_68] : memref<312500x16xi32, #tpu.memory_space<hbm>> -> memref<312500x16xi32, #tpu.memory_space<hbm>>
      tpu.enqueue_indirect_dma source(%dma_start3A_69 : memref<312500x16xi32, #tpu.memory_space<hbm>>) target(%arg17 : memref<64x16xi32, #tpu.memory_space<vmem>>) offsets(%arg14 : memref<64xi32, #tpu.memory_space<vmem>>) semaphore(%arg29 : memref<!tpu.dma_semaphore, #tpu.memory_space<semaphore_mem>>)
      %dma_wait3A = arith.constant 0 : i32
      %dma_wait3A_70 = arith.constant 0 : i32
      %dma_wait3A_71 = tpu.memref_slice %arg3[%dma_wait3A, %dma_wait3A_70] : memref<312500x16xi32, #tpu.memory_space<hbm>> -> memref<312500x16xi32, #tpu.memory_space<hbm>>
      tpu.wait_indirect_dma semaphore(%arg29 : memref<!tpu.dma_semaphore, #tpu.memory_space<semaphore_mem>>) src(%dma_wait3A_71 : memref<312500x16xi32, #tpu.memory_space<hbm>>) dst(%arg15 : memref<64x16xi32, #tpu.memory_space<vmem>>)
      %dma_wait3A_72 = arith.constant 0 : i32
      %dma_wait3A_73 = arith.constant 0 : i32
      %dma_wait3A_74 = tpu.memref_slice %arg4[%dma_wait3A_72, %dma_wait3A_73] : memref<312500x16xi32, #tpu.memory_space<hbm>> -> memref<312500x16xi32, #tpu.memory_space<hbm>>
      tpu.wait_indirect_dma semaphore(%arg29 : memref<!tpu.dma_semaphore, #tpu.memory_space<semaphore_mem>>) src(%dma_wait3A_74 : memref<312500x16xi32, #tpu.memory_space<hbm>>) dst(%arg16 : memref<64x16xi32, #tpu.memory_space<vmem>>)
      %dma_wait3A_75 = arith.constant 0 : i32
      %dma_wait3A_76 = arith.constant 0 : i32
      %dma_wait3A_77 = tpu.memref_slice %arg5[%dma_wait3A_75, %dma_wait3A_76] : memref<312500x16xi32, #tpu.memory_space<hbm>> -> memref<312500x16xi32, #tpu.memory_space<hbm>>
      tpu.wait_indirect_dma semaphore(%arg29 : memref<!tpu.dma_semaphore, #tpu.memory_space<semaphore_mem>>) src(%dma_wait3A_77 : memref<312500x16xi32, #tpu.memory_space<hbm>>) dst(%arg17 : memref<64x16xi32, #tpu.memory_space<vmem>>)
      %scan3A_78 = arith.constant 0 : i32
      %scan3A_79 = arith.constant 0 : i32
      %scan3A_80 = arith.constant 16 : i32
      %scan3A_81 = arith.addi %scan3A_79, %scan3A_80 : i32
      %scan3A_82 = arith.constant 1 : i32
      scf.for %scan3A_87 = %scan3A_79 to %scan3A_81 step %scan3A_82  : i32 {
        %broadcast_in_dim3A = vector.broadcast %scan3A_87 : i32 to vector<16xi32>
        %gather3A_88 = tpu.vector_load_idx %arg13[%broadcast_in_dim3A] : memref<16xi32, #tpu.memory_space<vmem>>[vector<16xi32>], vector<16xi32>,
        %mul3A_89 = arith.constant 64 : i32
        %mul3A_90 = vector.broadcast %mul3A_89 : i32 to vector<16xi32>
        %mul3A_91 = arith.muli %broadcast_in_dim3A, %mul3A_90 : vector<16xi32>
        %add3A_92 = arith.addi %mul3A_91, %gather3A_88 : vector<16xi32>
        %broadcast_in_dim3A_93 = arith.constant 0.000000e+00 : f32
        %broadcast_in_dim3A_94 = vector.broadcast %broadcast_in_dim3A_93 : f32 to vector<16xf32>
        %add3A_95 = arith.addi %add3A_92, %iota3A : vector<16xi32>
        %add3A_96 = arith.constant 0 : i32
        %add3A_97 = vector.broadcast %add3A_96 : i32 to vector<16xi32>
        %add3A_98 = arith.addi %add3A_95, %add3A_97 : vector<16xi32>
        %shift_right_arithmetic3A_99 = arith.constant 4 : i32
        %shift_right_arithmetic3A_100 = vector.broadcast %shift_right_arithmetic3A_99 : i32 to vector<16xi32>
        %shift_right_arithmetic3A_101 = arith.shrsi %add3A_98, %shift_right_arithmetic3A_100 : vector<16xi32>
        %and3A_102 = arith.constant 15 : i32
        %and3A_103 = vector.broadcast %and3A_102 : i32 to vector<16xi32>
        %and3A_104 = arith.andi %add3A_98, %and3A_103 : vector<16xi32>
        %gather3A_105 = tpu.vector_load_idx %arg16[%shift_right_arithmetic3A_101, %and3A_104] : memref<64x16xi32, #tpu.memory_space<vmem>>[vector<16xi32>, vector<16xi32>], vector<16xi32>,
        %convert_element_type3A_106 = arith.sitofp %gather3A_105 : vector<16xi32> to vector<16xf32>
        %add3A_107 = arith.addf %broadcast_in_dim3A_94, %convert_element_type3A_106 : vector<16xf32>
        %add3A_108 = arith.addi %add3A_92, %iota3A : vector<16xi32>
        %add3A_109 = arith.constant 16 : i32
        %add3A_110 = vector.broadcast %add3A_109 : i32 to vector<16xi32>
        %add3A_111 = arith.addi %add3A_108, %add3A_110 : vector<16xi32>
        %shift_right_arithmetic3A_112 = arith.constant 4 : i32
        %shift_right_arithmetic3A_113 = vector.broadcast %shift_right_arithmetic3A_112 : i32 to vector<16xi32>
        %shift_right_arithmetic3A_114 = arith.shrsi %add3A_111, %shift_right_arithmetic3A_113 : vector<16xi32>
        %and3A_115 = arith.constant 15 : i32
        %and3A_116 = vector.broadcast %and3A_115 : i32 to vector<16xi32>
        %and3A_117 = arith.andi %add3A_111, %and3A_116 : vector<16xi32>
        %gather3A_118 = tpu.vector_load_idx %arg16[%shift_right_arithmetic3A_114, %and3A_117] : memref<64x16xi32, #tpu.memory_space<vmem>>[vector<16xi32>, vector<16xi32>], vector<16xi32>,
        %convert_element_type3A_119 = arith.sitofp %gather3A_118 : vector<16xi32> to vector<16xf32>
        %add3A_120 = arith.addf %add3A_107, %convert_element_type3A_119 : vector<16xf32>
        %add3A_121 = arith.addi %add3A_92, %iota3A : vector<16xi32>
        %add3A_122 = arith.constant 32 : i32
        %add3A_123 = vector.broadcast %add3A_122 : i32 to vector<16xi32>
        %add3A_124 = arith.addi %add3A_121, %add3A_123 : vector<16xi32>
        %shift_right_arithmetic3A_125 = arith.constant 4 : i32
        %shift_right_arithmetic3A_126 = vector.broadcast %shift_right_arithmetic3A_125 : i32 to vector<16xi32>
        %shift_right_arithmetic3A_127 = arith.shrsi %add3A_124, %shift_right_arithmetic3A_126 : vector<16xi32>
        %and3A_128 = arith.constant 15 : i32
        %and3A_129 = vector.broadcast %and3A_128 : i32 to vector<16xi32>
        %and3A_130 = arith.andi %add3A_124, %and3A_129 : vector<16xi32>
        %gather3A_131 = tpu.vector_load_idx %arg16[%shift_right_arithmetic3A_127, %and3A_130] : memref<64x16xi32, #tpu.memory_space<vmem>>[vector<16xi32>, vector<16xi32>], vector<16xi32>,
        %convert_element_type3A_132 = arith.sitofp %gather3A_131 : vector<16xi32> to vector<16xf32>
        %add3A_133 = arith.addf %add3A_120, %convert_element_type3A_132 : vector<16xf32>
        %add3A_134 = arith.addi %add3A_92, %iota3A : vector<16xi32>
        %add3A_135 = arith.constant 34 : i32
        %add3A_136 = vector.broadcast %add3A_135 : i32 to vector<16xi32>
        %add3A_137 = arith.addi %add3A_134, %add3A_136 : vector<16xi32>
        %shift_right_arithmetic3A_138 = arith.constant 4 : i32
        %shift_right_arithmetic3A_139 = vector.broadcast %shift_right_arithmetic3A_138 : i32 to vector<16xi32>
        %shift_right_arithmetic3A_140 = arith.shrsi %add3A_137, %shift_right_arithmetic3A_139 : vector<16xi32>
        %and3A_141 = arith.constant 15 : i32
        %and3A_142 = vector.broadcast %and3A_141 : i32 to vector<16xi32>
        %and3A_143 = arith.andi %add3A_137, %and3A_142 : vector<16xi32>
        %gather3A_144 = tpu.vector_load_idx %arg16[%shift_right_arithmetic3A_140, %and3A_143] : memref<64x16xi32, #tpu.memory_space<vmem>>[vector<16xi32>, vector<16xi32>], vector<16xi32>,
        %convert_element_type3A_145 = arith.sitofp %gather3A_144 : vector<16xi32> to vector<16xf32>
        %mul3A_146 = arith.mulf %convert_element_type3A_145, %convert_element_type3A_3 : vector<16xf32>
        %add3A_147 = arith.addf %add3A_133, %mul3A_146 : vector<16xf32>
        %reduce_sum3A = arith.constant true
        %reduce_sum3A_148 = vector.broadcast %reduce_sum3A : i1 to vector<16xi1>
        %reduce_sum3A_149 = tpu.scan <sum>, %add3A_147 masked %reduce_sum3A_148 : vector<16xf32>, vector<16xi1> -> vector<16xf32>
        %reduce_sum3A_150 = vector.extract %reduce_sum3A_149[15] : f32 from vector<16xf32>
        %max3A = arith.constant 1.000000e+00 : f32
        %max3A_151 = arith.maximumf %reduce_sum3A_150, %max3A : f32
        %broadcast_in_dim3A_152 = arith.constant 0.000000e+00 : f32
        %broadcast_in_dim3A_153 = vector.broadcast %broadcast_in_dim3A_152 : f32 to vector<16xf32>
        %broadcast_in_dim3A_154 = arith.constant 0.000000e+00 : f32
        %broadcast_in_dim3A_155 = vector.broadcast %broadcast_in_dim3A_154 : f32 to vector<16xf32>
        %broadcast_in_dim3A_156 = arith.constant 0.000000e+00 : f32
        %broadcast_in_dim3A_157 = vector.broadcast %broadcast_in_dim3A_156 : f32 to vector<16xf32>
        %broadcast_in_dim3A_158 = arith.constant 0.000000e+00 : f32
        %broadcast_in_dim3A_159 = vector.broadcast %broadcast_in_dim3A_158 : f32 to vector<16xf32>
        %add3A_160 = arith.addi %add3A_92, %iota3A : vector<16xi32>
        %add3A_161 = arith.constant 0 : i32
        %add3A_162 = vector.broadcast %add3A_161 : i32 to vector<16xi32>
        %add3A_163 = arith.addi %add3A_160, %add3A_162 : vector<16xi32>
        %shift_right_arithmetic3A_164 = arith.constant 4 : i32
        %shift_right_arithmetic3A_165 = vector.broadcast %shift_right_arithmetic3A_164 : i32 to vector<16xi32>
        %shift_right_arithmetic3A_166 = arith.shrsi %add3A_163, %shift_right_arithmetic3A_165 : vector<16xi32>
        %and3A_167 = arith.constant 15 : i32
        %and3A_168 = vector.broadcast %and3A_167 : i32 to vector<16xi32>
        %and3A_169 = arith.andi %add3A_163, %and3A_168 : vector<16xi32>
        %gather3A_170 = tpu.vector_load_idx %arg15[%shift_right_arithmetic3A_166, %and3A_169] : memref<64x16xi32, #tpu.memory_space<vmem>>[vector<16xi32>, vector<16xi32>], vector<16xi32>,
        %swap3A_171 = arith.constant 0 : index
        %swap3A_172 = tpu.vector_load %arg25[%swap3A_171] {strides = array<i32>} : memref<16xi32, #tpu.memory_space<vmem>>, vector<16xi32>,
        tpu.vector_store %arg25[%swap3A_171], %gather3A_170 {strides = array<i32>} : memref<16xi32, #tpu.memory_space<vmem>>, vector<16xi32>,
        %dma_start3A_173 = arith.constant 0 : i32
        %dma_start3A_174 = arith.constant 0 : i32
        %dma_start3A_175 = tpu.memref_slice %arg6[%dma_start3A_173, %dma_start3A_174] : memref<100000x64xf32, #tpu.memory_space<hbm>> -> memref<100000x64xf32, #tpu.memory_space<hbm>>
        tpu.enqueue_indirect_dma source(%dma_start3A_175 : memref<100000x64xf32, #tpu.memory_space<hbm>>) target(%arg21 : memref<16x64xf32, #tpu.memory_space<vmem>>) offsets(%arg25 : memref<16xi32, #tpu.memory_space<vmem>>) semaphore(%arg29 : memref<!tpu.dma_semaphore, #tpu.memory_space<semaphore_mem>>)
        %add3A_176 = arith.addi %add3A_92, %iota3A : vector<16xi32>
        %add3A_177 = arith.constant 16 : i32
        %add3A_178 = vector.broadcast %add3A_177 : i32 to vector<16xi32>
        %add3A_179 = arith.addi %add3A_176, %add3A_178 : vector<16xi32>
        %shift_right_arithmetic3A_180 = arith.constant 4 : i32
        %shift_right_arithmetic3A_181 = vector.broadcast %shift_right_arithmetic3A_180 : i32 to vector<16xi32>
        %shift_right_arithmetic3A_182 = arith.shrsi %add3A_179, %shift_right_arithmetic3A_181 : vector<16xi32>
        %and3A_183 = arith.constant 15 : i32
        %and3A_184 = vector.broadcast %and3A_183 : i32 to vector<16xi32>
        %and3A_185 = arith.andi %add3A_179, %and3A_184 : vector<16xi32>
        %gather3A_186 = tpu.vector_load_idx %arg15[%shift_right_arithmetic3A_182, %and3A_185] : memref<64x16xi32, #tpu.memory_space<vmem>>[vector<16xi32>, vector<16xi32>], vector<16xi32>,
        %swap3A_187 = arith.constant 0 : index
        %swap3A_188 = tpu.vector_load %arg26[%swap3A_187] {strides = array<i32>} : memref<16xi32, #tpu.memory_space<vmem>>, vector<16xi32>,
        tpu.vector_store %arg26[%swap3A_187], %gather3A_186 {strides = array<i32>} : memref<16xi32, #tpu.memory_space<vmem>>, vector<16xi32>,
        %dma_start3A_189 = arith.constant 0 : i32
        %dma_start3A_190 = arith.constant 0 : i32
        %dma_start3A_191 = tpu.memref_slice %arg6[%dma_start3A_189, %dma_start3A_190] : memref<100000x64xf32, #tpu.memory_space<hbm>> -> memref<100000x64xf32, #tpu.memory_space<hbm>>
        tpu.enqueue_indirect_dma source(%dma_start3A_191 : memref<100000x64xf32, #tpu.memory_space<hbm>>) target(%arg22 : memref<16x64xf32, #tpu.memory_space<vmem>>) offsets(%arg26 : memref<16xi32, #tpu.memory_space<vmem>>) semaphore(%arg29 : memref<!tpu.dma_semaphore, #tpu.memory_space<semaphore_mem>>)
        %add3A_192 = arith.addi %add3A_92, %iota3A : vector<16xi32>
        %add3A_193 = arith.constant 32 : i32
        %add3A_194 = vector.broadcast %add3A_193 : i32 to vector<16xi32>
        %add3A_195 = arith.addi %add3A_192, %add3A_194 : vector<16xi32>
        %shift_right_arithmetic3A_196 = arith.constant 4 : i32
        %shift_right_arithmetic3A_197 = vector.broadcast %shift_right_arithmetic3A_196 : i32 to vector<16xi32>
        %shift_right_arithmetic3A_198 = arith.shrsi %add3A_195, %shift_right_arithmetic3A_197 : vector<16xi32>
        %and3A_199 = arith.constant 15 : i32
        %and3A_200 = vector.broadcast %and3A_199 : i32 to vector<16xi32>
        %and3A_201 = arith.andi %add3A_195, %and3A_200 : vector<16xi32>
        %gather3A_202 = tpu.vector_load_idx %arg15[%shift_right_arithmetic3A_198, %and3A_201] : memref<64x16xi32, #tpu.memory_space<vmem>>[vector<16xi32>, vector<16xi32>], vector<16xi32>,
        %swap3A_203 = arith.constant 0 : index
        %swap3A_204 = tpu.vector_load %arg27[%swap3A_203] {strides = array<i32>} : memref<16xi32, #tpu.memory_space<vmem>>, vector<16xi32>,
        tpu.vector_store %arg27[%swap3A_203], %gather3A_202 {strides = array<i32>} : memref<16xi32, #tpu.memory_space<vmem>>, vector<16xi32>,
        %dma_start3A_205 = arith.constant 0 : i32
        %dma_start3A_206 = arith.constant 0 : i32
        %dma_start3A_207 = tpu.memref_slice %arg6[%dma_start3A_205, %dma_start3A_206] : memref<100000x64xf32, #tpu.memory_space<hbm>> -> memref<100000x64xf32, #tpu.memory_space<hbm>>
        tpu.enqueue_indirect_dma source(%dma_start3A_207 : memref<100000x64xf32, #tpu.memory_space<hbm>>) target(%arg23 : memref<16x64xf32, #tpu.memory_space<vmem>>) offsets(%arg27 : memref<16xi32, #tpu.memory_space<vmem>>) semaphore(%arg29 : memref<!tpu.dma_semaphore, #tpu.memory_space<semaphore_mem>>)
        %add3A_208 = arith.addi %add3A_92, %iota3A : vector<16xi32>
        %add3A_209 = arith.constant 34 : i32
        %add3A_210 = vector.broadcast %add3A_209 : i32 to vector<16xi32>
        %add3A_211 = arith.addi %add3A_208, %add3A_210 : vector<16xi32>
        %shift_right_arithmetic3A_212 = arith.constant 4 : i32
        %shift_right_arithmetic3A_213 = vector.broadcast %shift_right_arithmetic3A_212 : i32 to vector<16xi32>
        %shift_right_arithmetic3A_214 = arith.shrsi %add3A_211, %shift_right_arithmetic3A_213 : vector<16xi32>
        %and3A_215 = arith.constant 15 : i32
        %and3A_216 = vector.broadcast %and3A_215 : i32 to vector<16xi32>
        %and3A_217 = arith.andi %add3A_211, %and3A_216 : vector<16xi32>
        %gather3A_218 = tpu.vector_load_idx %arg15[%shift_right_arithmetic3A_214, %and3A_217] : memref<64x16xi32, #tpu.memory_space<vmem>>[vector<16xi32>, vector<16xi32>], vector<16xi32>,
        %swap3A_219 = arith.constant 0 : index
        %swap3A_220 = tpu.vector_load %arg28[%swap3A_219] {strides = array<i32>} : memref<16xi32, #tpu.memory_space<vmem>>, vector<16xi32>,
        tpu.vector_store %arg28[%swap3A_219], %gather3A_218 {strides = array<i32>} : memref<16xi32, #tpu.memory_space<vmem>>, vector<16xi32>,
        %dma_start3A_221 = arith.constant 0 : i32
        %dma_start3A_222 = arith.constant 0 : i32
        %dma_start3A_223 = tpu.memref_slice %arg6[%dma_start3A_221, %dma_start3A_222] : memref<100000x64xf32, #tpu.memory_space<hbm>> -> memref<100000x64xf32, #tpu.memory_space<hbm>>
        tpu.enqueue_indirect_dma source(%dma_start3A_223 : memref<100000x64xf32, #tpu.memory_space<hbm>>) target(%arg24 : memref<16x64xf32, #tpu.memory_space<vmem>>) offsets(%arg28 : memref<16xi32, #tpu.memory_space<vmem>>) semaphore(%arg29 : memref<!tpu.dma_semaphore, #tpu.memory_space<semaphore_mem>>)
        %dma_wait3A_224 = arith.constant 0 : i32
        %dma_wait3A_225 = arith.constant 0 : i32
        %dma_wait3A_226 = tpu.memref_slice %arg6[%dma_wait3A_224, %dma_wait3A_225] : memref<100000x64xf32, #tpu.memory_space<hbm>> -> memref<100000x64xf32, #tpu.memory_space<hbm>>
        tpu.wait_indirect_dma semaphore(%arg29 : memref<!tpu.dma_semaphore, #tpu.memory_space<semaphore_mem>>) src(%dma_wait3A_226 : memref<100000x64xf32, #tpu.memory_space<hbm>>) dst(%arg21 : memref<16x64xf32, #tpu.memory_space<vmem>>)
        %add3A_227 = arith.constant 0 : i32
        %add3A_228 = vector.broadcast %add3A_227 : i32 to vector<16xi32>
        %add3A_229 = arith.addi %add3A_92, %add3A_228 : vector<16xi32>
        %shift_right_arithmetic3A_230 = arith.constant 4 : i32
        %shift_right_arithmetic3A_231 = vector.broadcast %shift_right_arithmetic3A_230 : i32 to vector<16xi32>
        %shift_right_arithmetic3A_232 = arith.shrsi %add3A_229, %shift_right_arithmetic3A_231 : vector<16xi32>
        %and3A_233 = arith.constant 15 : i32
        %and3A_234 = vector.broadcast %and3A_233 : i32 to vector<16xi32>
        %and3A_235 = arith.andi %add3A_229, %and3A_234 : vector<16xi32>
        %gather3A_236 = tpu.vector_load_idx %arg17[%shift_right_arithmetic3A_232, %and3A_235] : memref<64x16xi32, #tpu.memory_space<vmem>>[vector<16xi32>, vector<16xi32>], vector<16xi32>,
        %gather3A_237 = tpu.vector_load_idx %arg16[%shift_right_arithmetic3A_232, %and3A_235] : memref<64x16xi32, #tpu.memory_space<vmem>>[vector<16xi32>, vector<16xi32>], vector<16xi32>,
        %convert_element_type3A_238 = arith.sitofp %gather3A_237 : vector<16xi32> to vector<16xf32>
        %get3A_239 = arith.constant 0 : i32
        %get3A_240 = arith.index_cast %get3A_239 : i32 to index
        %get3A_241 = arith.constant 0 : index
        %get3A_242 = tpu.vector_load %arg21[%get3A_240, %get3A_241] {strides = array<i32>} : memref<16x64xf32, #tpu.memory_space<vmem>>, vector<16xf32>,
        %add3A_243 = arith.constant 0 : i32
        %add3A_244 = vector.broadcast %add3A_243 : i32 to vector<16xi32>
        %add3A_245 = arith.addi %iota3A, %add3A_244 : vector<16xi32>
        %gather3A_246 = tpu.vector_load_idx %arg18[%gather3A_236, %add3A_245] : memref<8x64xf32, #tpu.memory_space<vmem>>[vector<16xi32>, vector<16xi32>], vector<16xf32>,
        %add3A_247 = arith.addf %get3A_242, %gather3A_246 : vector<16xf32>
        %max3A_248 = arith.constant 0.000000e+00 : f32
        %max3A_249 = vector.broadcast %max3A_248 : f32 to vector<16xf32>
        %max3A_250 = arith.maximumf %add3A_247, %max3A_249 : vector<16xf32>
        %mul3A_251 = arith.mulf %max3A_250, %convert_element_type3A_238 : vector<16xf32>
        %add3A_252 = arith.addf %broadcast_in_dim3A_153, %mul3A_251 : vector<16xf32>
        %get3A_253 = arith.constant 0 : i32
        %get3A_254 = arith.index_cast %get3A_253 : i32 to index
        %get3A_255 = arith.constant 16 : index
        %get3A_256 = tpu.vector_load %arg21[%get3A_254, %get3A_255] {strides = array<i32>} : memref<16x64xf32, #tpu.memory_space<vmem>>, vector<16xf32>,
        %add3A_257 = arith.constant 16 : i32
        %add3A_258 = vector.broadcast %add3A_257 : i32 to vector<16xi32>
        %add3A_259 = arith.addi %iota3A, %add3A_258 : vector<16xi32>
        %gather3A_260 = tpu.vector_load_idx %arg18[%gather3A_236, %add3A_259] : memref<8x64xf32, #tpu.memory_space<vmem>>[vector<16xi32>, vector<16xi32>], vector<16xf32>,
        %add3A_261 = arith.addf %get3A_256, %gather3A_260 : vector<16xf32>
        %max3A_262 = arith.constant 0.000000e+00 : f32
        %max3A_263 = vector.broadcast %max3A_262 : f32 to vector<16xf32>
        %max3A_264 = arith.maximumf %add3A_261, %max3A_263 : vector<16xf32>
        %mul3A_265 = arith.mulf %max3A_264, %convert_element_type3A_238 : vector<16xf32>
        %add3A_266 = arith.addf %broadcast_in_dim3A_155, %mul3A_265 : vector<16xf32>
        %get3A_267 = arith.constant 0 : i32
        %get3A_268 = arith.index_cast %get3A_267 : i32 to index
        %get3A_269 = arith.constant 32 : index
        %get3A_270 = tpu.vector_load %arg21[%get3A_268, %get3A_269] {strides = array<i32>} : memref<16x64xf32, #tpu.memory_space<vmem>>, vector<16xf32>,
        %add3A_271 = arith.constant 32 : i32
        %add3A_272 = vector.broadcast %add3A_271 : i32 to vector<16xi32>
        %add3A_273 = arith.addi %iota3A, %add3A_272 : vector<16xi32>
        %gather3A_274 = tpu.vector_load_idx %arg18[%gather3A_236, %add3A_273] : memref<8x64xf32, #tpu.memory_space<vmem>>[vector<16xi32>, vector<16xi32>], vector<16xf32>,
        %add3A_275 = arith.addf %get3A_270, %gather3A_274 : vector<16xf32>
        %max3A_276 = arith.constant 0.000000e+00 : f32
        %max3A_277 = vector.broadcast %max3A_276 : f32 to vector<16xf32>
        %max3A_278 = arith.maximumf %add3A_275, %max3A_277 : vector<16xf32>
        %mul3A_279 = arith.mulf %max3A_278, %convert_element_type3A_238 : vector<16xf32>
        %add3A_280 = arith.addf %broadcast_in_dim3A_157, %mul3A_279 : vector<16xf32>
        %get3A_281 = arith.constant 0 : i32
        %get3A_282 = arith.index_cast %get3A_281 : i32 to index
        %get3A_283 = arith.constant 48 : index
        %get3A_284 = tpu.vector_load %arg21[%get3A_282, %get3A_283] {strides = array<i32>} : memref<16x64xf32, #tpu.memory_space<vmem>>, vector<16xf32>,
        %add3A_285 = arith.constant 48 : i32
        %add3A_286 = vector.broadcast %add3A_285 : i32 to vector<16xi32>
        %add3A_287 = arith.addi %iota3A, %add3A_286 : vector<16xi32>
        %gather3A_288 = tpu.vector_load_idx %arg18[%gather3A_236, %add3A_287] : memref<8x64xf32, #tpu.memory_space<vmem>>[vector<16xi32>, vector<16xi32>], vector<16xf32>,
        %add3A_289 = arith.addf %get3A_284, %gather3A_288 : vector<16xf32>
        %max3A_290 = arith.constant 0.000000e+00 : f32
        %max3A_291 = vector.broadcast %max3A_290 : f32 to vector<16xf32>
        %max3A_292 = arith.maximumf %add3A_289, %max3A_291 : vector<16xf32>
        %mul3A_293 = arith.mulf %max3A_292, %convert_element_type3A_238 : vector<16xf32>
        %add3A_294 = arith.addf %broadcast_in_dim3A_159, %mul3A_293 : vector<16xf32>
        %add3A_295 = arith.constant 1 : i32
        %add3A_296 = vector.broadcast %add3A_295 : i32 to vector<16xi32>
        %add3A_297 = arith.addi %add3A_92, %add3A_296 : vector<16xi32>
        %shift_right_arithmetic3A_298 = arith.constant 4 : i32
        %shift_right_arithmetic3A_299 = vector.broadcast %shift_right_arithmetic3A_298 : i32 to vector<16xi32>
        %shift_right_arithmetic3A_300 = arith.shrsi %add3A_297, %shift_right_arithmetic3A_299 : vector<16xi32>
        %and3A_301 = arith.constant 15 : i32
        %and3A_302 = vector.broadcast %and3A_301 : i32 to vector<16xi32>
        %and3A_303 = arith.andi %add3A_297, %and3A_302 : vector<16xi32>
        %gather3A_304 = tpu.vector_load_idx %arg17[%shift_right_arithmetic3A_300, %and3A_303] : memref<64x16xi32, #tpu.memory_space<vmem>>[vector<16xi32>, vector<16xi32>], vector<16xi32>,
        %gather3A_305 = tpu.vector_load_idx %arg16[%shift_right_arithmetic3A_300, %and3A_303] : memref<64x16xi32, #tpu.memory_space<vmem>>[vector<16xi32>, vector<16xi32>], vector<16xi32>,
        %convert_element_type3A_306 = arith.sitofp %gather3A_305 : vector<16xi32> to vector<16xf32>
        %get3A_307 = arith.constant 1 : i32
        %get3A_308 = arith.index_cast %get3A_307 : i32 to index
        %get3A_309 = arith.constant 0 : index
        %get3A_310 = tpu.vector_load %arg21[%get3A_308, %get3A_309] {strides = array<i32>} : memref<16x64xf32, #tpu.memory_space<vmem>>, vector<16xf32>,
        %add3A_311 = arith.constant 0 : i32
        %add3A_312 = vector.broadcast %add3A_311 : i32 to vector<16xi32>
        %add3A_313 = arith.addi %iota3A, %add3A_312 : vector<16xi32>
        %gather3A_314 = tpu.vector_load_idx %arg18[%gather3A_304, %add3A_313] : memref<8x64xf32, #tpu.memory_space<vmem>>[vector<16xi32>, vector<16xi32>], vector<16xf32>,
        %add3A_315 = arith.addf %get3A_310, %gather3A_314 : vector<16xf32>
        %max3A_316 = arith.constant 0.000000e+00 : f32
        %max3A_317 = vector.broadcast %max3A_316 : f32 to vector<16xf32>
        %max3A_318 = arith.maximumf %add3A_315, %max3A_317 : vector<16xf32>
        %mul3A_319 = arith.mulf %max3A_318, %convert_element_type3A_306 : vector<16xf32>
        %add3A_320 = arith.addf %add3A_252, %mul3A_319 : vector<16xf32>
        %get3A_321 = arith.constant 1 : i32
        %get3A_322 = arith.index_cast %get3A_321 : i32 to index
        %get3A_323 = arith.constant 16 : index
        %get3A_324 = tpu.vector_load %arg21[%get3A_322, %get3A_323] {strides = array<i32>} : memref<16x64xf32, #tpu.memory_space<vmem>>, vector<16xf32>,
        %add3A_325 = arith.constant 16 : i32
        %add3A_326 = vector.broadcast %add3A_325 : i32 to vector<16xi32>
        %add3A_327 = arith.addi %iota3A, %add3A_326 : vector<16xi32>
        %gather3A_328 = tpu.vector_load_idx %arg18[%gather3A_304, %add3A_327] : memref<8x64xf32, #tpu.memory_space<vmem>>[vector<16xi32>, vector<16xi32>], vector<16xf32>,
        %add3A_329 = arith.addf %get3A_324, %gather3A_328 : vector<16xf32>
        %max3A_330 = arith.constant 0.000000e+00 : f32
        %max3A_331 = vector.broadcast %max3A_330 : f32 to vector<16xf32>
        %max3A_332 = arith.maximumf %add3A_329, %max3A_331 : vector<16xf32>
        %mul3A_333 = arith.mulf %max3A_332, %convert_element_type3A_306 : vector<16xf32>
        %add3A_334 = arith.addf %add3A_266, %mul3A_333 : vector<16xf32>
        %get3A_335 = arith.constant 1 : i32
        %get3A_336 = arith.index_cast %get3A_335 : i32 to index
        %get3A_337 = arith.constant 32 : index
        %get3A_338 = tpu.vector_load %arg21[%get3A_336, %get3A_337] {strides = array<i32>} : memref<16x64xf32, #tpu.memory_space<vmem>>, vector<16xf32>,
        %add3A_339 = arith.constant 32 : i32
        %add3A_340 = vector.broadcast %add3A_339 : i32 to vector<16xi32>
        %add3A_341 = arith.addi %iota3A, %add3A_340 : vector<16xi32>
        %gather3A_342 = tpu.vector_load_idx %arg18[%gather3A_304, %add3A_341] : memref<8x64xf32, #tpu.memory_space<vmem>>[vector<16xi32>, vector<16xi32>], vector<16xf32>,
        %add3A_343 = arith.addf %get3A_338, %gather3A_342 : vector<16xf32>
        %max3A_344 = arith.constant 0.000000e+00 : f32
        %max3A_345 = vector.broadcast %max3A_344 : f32 to vector<16xf32>
        %max3A_346 = arith.maximumf %add3A_343, %max3A_345 : vector<16xf32>
        %mul3A_347 = arith.mulf %max3A_346, %convert_element_type3A_306 : vector<16xf32>
        %add3A_348 = arith.addf %add3A_280, %mul3A_347 : vector<16xf32>
        %get3A_349 = arith.constant 1 : i32
        %get3A_350 = arith.index_cast %get3A_349 : i32 to index
        %get3A_351 = arith.constant 48 : index
        %get3A_352 = tpu.vector_load %arg21[%get3A_350, %get3A_351] {strides = array<i32>} : memref<16x64xf32, #tpu.memory_space<vmem>>, vector<16xf32>,
        %add3A_353 = arith.constant 48 : i32
        %add3A_354 = vector.broadcast %add3A_353 : i32 to vector<16xi32>
        %add3A_355 = arith.addi %iota3A, %add3A_354 : vector<16xi32>
        %gather3A_356 = tpu.vector_load_idx %arg18[%gather3A_304, %add3A_355] : memref<8x64xf32, #tpu.memory_space<vmem>>[vector<16xi32>, vector<16xi32>], vector<16xf32>,
        %add3A_357 = arith.addf %get3A_352, %gather3A_356 : vector<16xf32>
        %max3A_358 = arith.constant 0.000000e+00 : f32
        %max3A_359 = vector.broadcast %max3A_358 : f32 to vector<16xf32>
        %max3A_360 = arith.maximumf %add3A_357, %max3A_359 : vector<16xf32>
        %mul3A_361 = arith.mulf %max3A_360, %convert_element_type3A_306 : vector<16xf32>
        %add3A_362 = arith.addf %add3A_294, %mul3A_361 : vector<16xf32>
        %add3A_363 = arith.constant 2 : i32
        %add3A_364 = vector.broadcast %add3A_363 : i32 to vector<16xi32>
        %add3A_365 = arith.addi %add3A_92, %add3A_364 : vector<16xi32>
        %shift_right_arithmetic3A_366 = arith.constant 4 : i32
        %shift_right_arithmetic3A_367 = vector.broadcast %shift_right_arithmetic3A_366 : i32 to vector<16xi32>
        %shift_right_arithmetic3A_368 = arith.shrsi %add3A_365, %shift_right_arithmetic3A_367 : vector<16xi32>
        %and3A_369 = arith.constant 15 : i32
        %and3A_370 = vector.broadcast %and3A_369 : i32 to vector<16xi32>
        %and3A_371 = arith.andi %add3A_365, %and3A_370 : vector<16xi32>
        %gather3A_372 = tpu.vector_load_idx %arg17[%shift_right_arithmetic3A_368, %and3A_371] : memref<64x16xi32, #tpu.memory_space<vmem>>[vector<16xi32>, vector<16xi32>], vector<16xi32>,
        %gather3A_373 = tpu.vector_load_idx %arg16[%shift_right_arithmetic3A_368, %and3A_371] : memref<64x16xi32, #tpu.memory_space<vmem>>[vector<16xi32>, vector<16xi32>], vector<16xi32>,
        %convert_element_type3A_374 = arith.sitofp %gather3A_373 : vector<16xi32> to vector<16xf32>
        %get3A_375 = arith.constant 2 : i32
        %get3A_376 = arith.index_cast %get3A_375 : i32 to index
        %get3A_377 = arith.constant 0 : index
        %get3A_378 = tpu.vector_load %arg21[%get3A_376, %get3A_377] {strides = array<i32>} : memref<16x64xf32, #tpu.memory_space<vmem>>, vector<16xf32>,
        %add3A_379 = arith.constant 0 : i32
        %add3A_380 = vector.broadcast %add3A_379 : i32 to vector<16xi32>
        %add3A_381 = arith.addi %iota3A, %add3A_380 : vector<16xi32>
        %gather3A_382 = tpu.vector_load_idx %arg18[%gather3A_372, %add3A_381] : memref<8x64xf32, #tpu.memory_space<vmem>>[vector<16xi32>, vector<16xi32>], vector<16xf32>,
        %add3A_383 = arith.addf %get3A_378, %gather3A_382 : vector<16xf32>
        %max3A_384 = arith.constant 0.000000e+00 : f32
        %max3A_385 = vector.broadcast %max3A_384 : f32 to vector<16xf32>
        %max3A_386 = arith.maximumf %add3A_383, %max3A_385 : vector<16xf32>
        %mul3A_387 = arith.mulf %max3A_386, %convert_element_type3A_374 : vector<16xf32>
        %add3A_388 = arith.addf %add3A_320, %mul3A_387 : vector<16xf32>
        %get3A_389 = arith.constant 2 : i32
        %get3A_390 = arith.index_cast %get3A_389 : i32 to index
        %get3A_391 = arith.constant 16 : index
        %get3A_392 = tpu.vector_load %arg21[%get3A_390, %get3A_391] {strides = array<i32>} : memref<16x64xf32, #tpu.memory_space<vmem>>, vector<16xf32>,
        %add3A_393 = arith.constant 16 : i32
        %add3A_394 = vector.broadcast %add3A_393 : i32 to vector<16xi32>
        %add3A_395 = arith.addi %iota3A, %add3A_394 : vector<16xi32>
        %gather3A_396 = tpu.vector_load_idx %arg18[%gather3A_372, %add3A_395] : memref<8x64xf32, #tpu.memory_space<vmem>>[vector<16xi32>, vector<16xi32>], vector<16xf32>,
        %add3A_397 = arith.addf %get3A_392, %gather3A_396 : vector<16xf32>
        %max3A_398 = arith.constant 0.000000e+00 : f32
        %max3A_399 = vector.broadcast %max3A_398 : f32 to vector<16xf32>
        %max3A_400 = arith.maximumf %add3A_397, %max3A_399 : vector<16xf32>
        %mul3A_401 = arith.mulf %max3A_400, %convert_element_type3A_374 : vector<16xf32>
        %add3A_402 = arith.addf %add3A_334, %mul3A_401 : vector<16xf32>
        %get3A_403 = arith.constant 2 : i32
        %get3A_404 = arith.index_cast %get3A_403 : i32 to index
        %get3A_405 = arith.constant 32 : index
        %get3A_406 = tpu.vector_load %arg21[%get3A_404, %get3A_405] {strides = array<i32>} : memref<16x64xf32, #tpu.memory_space<vmem>>, vector<16xf32>,
        %add3A_407 = arith.constant 32 : i32
        %add3A_408 = vector.broadcast %add3A_407 : i32 to vector<16xi32>
        %add3A_409 = arith.addi %iota3A, %add3A_408 : vector<16xi32>
        %gather3A_410 = tpu.vector_load_idx %arg18[%gather3A_372, %add3A_409] : memref<8x64xf32, #tpu.memory_space<vmem>>[vector<16xi32>, vector<16xi32>], vector<16xf32>,
        %add3A_411 = arith.addf %get3A_406, %gather3A_410 : vector<16xf32>
        %max3A_412 = arith.constant 0.000000e+00 : f32
        %max3A_413 = vector.broadcast %max3A_412 : f32 to vector<16xf32>
        %max3A_414 = arith.maximumf %add3A_411, %max3A_413 : vector<16xf32>
        %mul3A_415 = arith.mulf %max3A_414, %convert_element_type3A_374 : vector<16xf32>
        %add3A_416 = arith.addf %add3A_348, %mul3A_415 : vector<16xf32>
        %get3A_417 = arith.constant 2 : i32
        %get3A_418 = arith.index_cast %get3A_417 : i32 to index
        %get3A_419 = arith.constant 48 : index
        %get3A_420 = tpu.vector_load %arg21[%get3A_418, %get3A_419] {strides = array<i32>} : memref<16x64xf32, #tpu.memory_space<vmem>>, vector<16xf32>,
        %add3A_421 = arith.constant 48 : i32
        %add3A_422 = vector.broadcast %add3A_421 : i32 to vector<16xi32>
        %add3A_423 = arith.addi %iota3A, %add3A_422 : vector<16xi32>
        %gather3A_424 = tpu.vector_load_idx %arg18[%gather3A_372, %add3A_423] : memref<8x64xf32, #tpu.memory_space<vmem>>[vector<16xi32>, vector<16xi32>], vector<16xf32>,
        %add3A_425 = arith.addf %get3A_420, %gather3A_424 : vector<16xf32>
        %max3A_426 = arith.constant 0.000000e+00 : f32
        %max3A_427 = vector.broadcast %max3A_426 : f32 to vector<16xf32>
        %max3A_428 = arith.maximumf %add3A_425, %max3A_427 : vector<16xf32>
        %mul3A_429 = arith.mulf %max3A_428, %convert_element_type3A_374 : vector<16xf32>
        %add3A_430 = arith.addf %add3A_362, %mul3A_429 : vector<16xf32>
        %add3A_431 = arith.constant 3 : i32
        %add3A_432 = vector.broadcast %add3A_431 : i32 to vector<16xi32>
        %add3A_433 = arith.addi %add3A_92, %add3A_432 : vector<16xi32>
        %shift_right_arithmetic3A_434 = arith.constant 4 : i32
        %shift_right_arithmetic3A_435 = vector.broadcast %shift_right_arithmetic3A_434 : i32 to vector<16xi32>
        %shift_right_arithmetic3A_436 = arith.shrsi %add3A_433, %shift_right_arithmetic3A_435 : vector<16xi32>
        %and3A_437 = arith.constant 15 : i32
        %and3A_438 = vector.broadcast %and3A_437 : i32 to vector<16xi32>
        %and3A_439 = arith.andi %add3A_433, %and3A_438 : vector<16xi32>
        %gather3A_440 = tpu.vector_load_idx %arg17[%shift_right_arithmetic3A_436, %and3A_439] : memref<64x16xi32, #tpu.memory_space<vmem>>[vector<16xi32>, vector<16xi32>], vector<16xi32>,
        %gather3A_441 = tpu.vector_load_idx %arg16[%shift_right_arithmetic3A_436, %and3A_439] : memref<64x16xi32, #tpu.memory_space<vmem>>[vector<16xi32>, vector<16xi32>], vector<16xi32>,
        %convert_element_type3A_442 = arith.sitofp %gather3A_441 : vector<16xi32> to vector<16xf32>
        %get3A_443 = arith.constant 3 : i32
        %get3A_444 = arith.index_cast %get3A_443 : i32 to index
        %get3A_445 = arith.constant 0 : index
        %get3A_446 = tpu.vector_load %arg21[%get3A_444, %get3A_445] {strides = array<i32>} : memref<16x64xf32, #tpu.memory_space<vmem>>, vector<16xf32>,
        %add3A_447 = arith.constant 0 : i32
        %add3A_448 = vector.broadcast %add3A_447 : i32 to vector<16xi32>
        %add3A_449 = arith.addi %iota3A, %add3A_448 : vector<16xi32>
        %gather3A_450 = tpu.vector_load_idx %arg18[%gather3A_440, %add3A_449] : memref<8x64xf32, #tpu.memory_space<vmem>>[vector<16xi32>, vector<16xi32>], vector<16xf32>,
        %add3A_451 = arith.addf %get3A_446, %gather3A_450 : vector<16xf32>
        %max3A_452 = arith.constant 0.000000e+00 : f32
        %max3A_453 = vector.broadcast %max3A_452 : f32 to vector<16xf32>
        %max3A_454 = arith.maximumf %add3A_451, %max3A_453 : vector<16xf32>
        %mul3A_455 = arith.mulf %max3A_454, %convert_element_type3A_442 : vector<16xf32>
        %add3A_456 = arith.addf %add3A_388, %mul3A_455 : vector<16xf32>
        %get3A_457 = arith.constant 3 : i32
        %get3A_458 = arith.index_cast %get3A_457 : i32 to index
        %get3A_459 = arith.constant 16 : index
        %get3A_460 = tpu.vector_load %arg21[%get3A_458, %get3A_459] {strides = array<i32>} : memref<16x64xf32, #tpu.memory_space<vmem>>, vector<16xf32>,
        %add3A_461 = arith.constant 16 : i32
        %add3A_462 = vector.broadcast %add3A_461 : i32 to vector<16xi32>
        %add3A_463 = arith.addi %iota3A, %add3A_462 : vector<16xi32>
        %gather3A_464 = tpu.vector_load_idx %arg18[%gather3A_440, %add3A_463] : memref<8x64xf32, #tpu.memory_space<vmem>>[vector<16xi32>, vector<16xi32>], vector<16xf32>,
        %add3A_465 = arith.addf %get3A_460, %gather3A_464 : vector<16xf32>
        %max3A_466 = arith.constant 0.000000e+00 : f32
        %max3A_467 = vector.broadcast %max3A_466 : f32 to vector<16xf32>
        %max3A_468 = arith.maximumf %add3A_465, %max3A_467 : vector<16xf32>
        %mul3A_469 = arith.mulf %max3A_468, %convert_element_type3A_442 : vector<16xf32>
        %add3A_470 = arith.addf %add3A_402, %mul3A_469 : vector<16xf32>
        %get3A_471 = arith.constant 3 : i32
        %get3A_472 = arith.index_cast %get3A_471 : i32 to index
        %get3A_473 = arith.constant 32 : index
        %get3A_474 = tpu.vector_load %arg21[%get3A_472, %get3A_473] {strides = array<i32>} : memref<16x64xf32, #tpu.memory_space<vmem>>, vector<16xf32>,
        %add3A_475 = arith.constant 32 : i32
        %add3A_476 = vector.broadcast %add3A_475 : i32 to vector<16xi32>
        %add3A_477 = arith.addi %iota3A, %add3A_476 : vector<16xi32>
        %gather3A_478 = tpu.vector_load_idx %arg18[%gather3A_440, %add3A_477] : memref<8x64xf32, #tpu.memory_space<vmem>>[vector<16xi32>, vector<16xi32>], vector<16xf32>,
        %add3A_479 = arith.addf %get3A_474, %gather3A_478 : vector<16xf32>
        %max3A_480 = arith.constant 0.000000e+00 : f32
        %max3A_481 = vector.broadcast %max3A_480 : f32 to vector<16xf32>
        %max3A_482 = arith.maximumf %add3A_479, %max3A_481 : vector<16xf32>
        %mul3A_483 = arith.mulf %max3A_482, %convert_element_type3A_442 : vector<16xf32>
        %add3A_484 = arith.addf %add3A_416, %mul3A_483 : vector<16xf32>
        %get3A_485 = arith.constant 3 : i32
        %get3A_486 = arith.index_cast %get3A_485 : i32 to index
        %get3A_487 = arith.constant 48 : index
        %get3A_488 = tpu.vector_load %arg21[%get3A_486, %get3A_487] {strides = array<i32>} : memref<16x64xf32, #tpu.memory_space<vmem>>, vector<16xf32>,
        %add3A_489 = arith.constant 48 : i32
        %add3A_490 = vector.broadcast %add3A_489 : i32 to vector<16xi32>
        %add3A_491 = arith.addi %iota3A, %add3A_490 : vector<16xi32>
        %gather3A_492 = tpu.vector_load_idx %arg18[%gather3A_440, %add3A_491] : memref<8x64xf32, #tpu.memory_space<vmem>>[vector<16xi32>, vector<16xi32>], vector<16xf32>,
        %add3A_493 = arith.addf %get3A_488, %gather3A_492 : vector<16xf32>
        %max3A_494 = arith.constant 0.000000e+00 : f32
        %max3A_495 = vector.broadcast %max3A_494 : f32 to vector<16xf32>
        %max3A_496 = arith.maximumf %add3A_493, %max3A_495 : vector<16xf32>
        %mul3A_497 = arith.mulf %max3A_496, %convert_element_type3A_442 : vector<16xf32>
        %add3A_498 = arith.addf %add3A_430, %mul3A_497 : vector<16xf32>
        %add3A_499 = arith.constant 4 : i32
        %add3A_500 = vector.broadcast %add3A_499 : i32 to vector<16xi32>
        %add3A_501 = arith.addi %add3A_92, %add3A_500 : vector<16xi32>
        %shift_right_arithmetic3A_502 = arith.constant 4 : i32
        %shift_right_arithmetic3A_503 = vector.broadcast %shift_right_arithmetic3A_502 : i32 to vector<16xi32>
        %shift_right_arithmetic3A_504 = arith.shrsi %add3A_501, %shift_right_arithmetic3A_503 : vector<16xi32>
        %and3A_505 = arith.constant 15 : i32
        %and3A_506 = vector.broadcast %and3A_505 : i32 to vector<16xi32>
        %and3A_507 = arith.andi %add3A_501, %and3A_506 : vector<16xi32>
        %gather3A_508 = tpu.vector_load_idx %arg17[%shift_right_arithmetic3A_504, %and3A_507] : memref<64x16xi32, #tpu.memory_space<vmem>>[vector<16xi32>, vector<16xi32>], vector<16xi32>,
        %gather3A_509 = tpu.vector_load_idx %arg16[%shift_right_arithmetic3A_504, %and3A_507] : memref<64x16xi32, #tpu.memory_space<vmem>>[vector<16xi32>, vector<16xi32>], vector<16xi32>,
        %convert_element_type3A_510 = arith.sitofp %gather3A_509 : vector<16xi32> to vector<16xf32>
        %get3A_511 = arith.constant 4 : i32
        %get3A_512 = arith.index_cast %get3A_511 : i32 to index
        %get3A_513 = arith.constant 0 : index
        %get3A_514 = tpu.vector_load %arg21[%get3A_512, %get3A_513] {strides = array<i32>} : memref<16x64xf32, #tpu.memory_space<vmem>>, vector<16xf32>,
        %add3A_515 = arith.constant 0 : i32
        %add3A_516 = vector.broadcast %add3A_515 : i32 to vector<16xi32>
        %add3A_517 = arith.addi %iota3A, %add3A_516 : vector<16xi32>
        %gather3A_518 = tpu.vector_load_idx %arg18[%gather3A_508, %add3A_517] : memref<8x64xf32, #tpu.memory_space<vmem>>[vector<16xi32>, vector<16xi32>], vector<16xf32>,
        %add3A_519 = arith.addf %get3A_514, %gather3A_518 : vector<16xf32>
        %max3A_520 = arith.constant 0.000000e+00 : f32
        %max3A_521 = vector.broadcast %max3A_520 : f32 to vector<16xf32>
        %max3A_522 = arith.maximumf %add3A_519, %max3A_521 : vector<16xf32>
        %mul3A_523 = arith.mulf %max3A_522, %convert_element_type3A_510 : vector<16xf32>
        %add3A_524 = arith.addf %add3A_456, %mul3A_523 : vector<16xf32>
        %get3A_525 = arith.constant 4 : i32
        %get3A_526 = arith.index_cast %get3A_525 : i32 to index
        %get3A_527 = arith.constant 16 : index
        %get3A_528 = tpu.vector_load %arg21[%get3A_526, %get3A_527] {strides = array<i32>} : memref<16x64xf32, #tpu.memory_space<vmem>>, vector<16xf32>,
        %add3A_529 = arith.constant 16 : i32
        %add3A_530 = vector.broadcast %add3A_529 : i32 to vector<16xi32>
        %add3A_531 = arith.addi %iota3A, %add3A_530 : vector<16xi32>
        %gather3A_532 = tpu.vector_load_idx %arg18[%gather3A_508, %add3A_531] : memref<8x64xf32, #tpu.memory_space<vmem>>[vector<16xi32>, vector<16xi32>], vector<16xf32>,
        %add3A_533 = arith.addf %get3A_528, %gather3A_532 : vector<16xf32>
        %max3A_534 = arith.constant 0.000000e+00 : f32
        %max3A_535 = vector.broadcast %max3A_534 : f32 to vector<16xf32>
        %max3A_536 = arith.maximumf %add3A_533, %max3A_535 : vector<16xf32>
        %mul3A_537 = arith.mulf %max3A_536, %convert_element_type3A_510 : vector<16xf32>
        %add3A_538 = arith.addf %add3A_470, %mul3A_537 : vector<16xf32>
        %get3A_539 = arith.constant 4 : i32
        %get3A_540 = arith.index_cast %get3A_539 : i32 to index
        %get3A_541 = arith.constant 32 : index
        %get3A_542 = tpu.vector_load %arg21[%get3A_540, %get3A_541] {strides = array<i32>} : memref<16x64xf32, #tpu.memory_space<vmem>>, vector<16xf32>,
        %add3A_543 = arith.constant 32 : i32
        %add3A_544 = vector.broadcast %add3A_543 : i32 to vector<16xi32>
        %add3A_545 = arith.addi %iota3A, %add3A_544 : vector<16xi32>
        %gather3A_546 = tpu.vector_load_idx %arg18[%gather3A_508, %add3A_545] : memref<8x64xf32, #tpu.memory_space<vmem>>[vector<16xi32>, vector<16xi32>], vector<16xf32>,
        %add3A_547 = arith.addf %get3A_542, %gather3A_546 : vector<16xf32>
        %max3A_548 = arith.constant 0.000000e+00 : f32
        %max3A_549 = vector.broadcast %max3A_548 : f32 to vector<16xf32>
        %max3A_550 = arith.maximumf %add3A_547, %max3A_549 : vector<16xf32>
        %mul3A_551 = arith.mulf %max3A_550, %convert_element_type3A_510 : vector<16xf32>
        %add3A_552 = arith.addf %add3A_484, %mul3A_551 : vector<16xf32>
        %get3A_553 = arith.constant 4 : i32
        %get3A_554 = arith.index_cast %get3A_553 : i32 to index
        %get3A_555 = arith.constant 48 : index
        %get3A_556 = tpu.vector_load %arg21[%get3A_554, %get3A_555] {strides = array<i32>} : memref<16x64xf32, #tpu.memory_space<vmem>>, vector<16xf32>,
        %add3A_557 = arith.constant 48 : i32
        %add3A_558 = vector.broadcast %add3A_557 : i32 to vector<16xi32>
        %add3A_559 = arith.addi %iota3A, %add3A_558 : vector<16xi32>
        %gather3A_560 = tpu.vector_load_idx %arg18[%gather3A_508, %add3A_559] : memref<8x64xf32, #tpu.memory_space<vmem>>[vector<16xi32>, vector<16xi32>], vector<16xf32>,
        %add3A_561 = arith.addf %get3A_556, %gather3A_560 : vector<16xf32>
        %max3A_562 = arith.constant 0.000000e+00 : f32
        %max3A_563 = vector.broadcast %max3A_562 : f32 to vector<16xf32>
        %max3A_564 = arith.maximumf %add3A_561, %max3A_563 : vector<16xf32>
        %mul3A_565 = arith.mulf %max3A_564, %convert_element_type3A_510 : vector<16xf32>
        %add3A_566 = arith.addf %add3A_498, %mul3A_565 : vector<16xf32>
        %add3A_567 = arith.constant 5 : i32
        %add3A_568 = vector.broadcast %add3A_567 : i32 to vector<16xi32>
        %add3A_569 = arith.addi %add3A_92, %add3A_568 : vector<16xi32>
        %shift_right_arithmetic3A_570 = arith.constant 4 : i32
        %shift_right_arithmetic3A_571 = vector.broadcast %shift_right_arithmetic3A_570 : i32 to vector<16xi32>
        %shift_right_arithmetic3A_572 = arith.shrsi %add3A_569, %shift_right_arithmetic3A_571 : vector<16xi32>
        %and3A_573 = arith.constant 15 : i32
        %and3A_574 = vector.broadcast %and3A_573 : i32 to vector<16xi32>
        %and3A_575 = arith.andi %add3A_569, %and3A_574 : vector<16xi32>
        %gather3A_576 = tpu.vector_load_idx %arg17[%shift_right_arithmetic3A_572, %and3A_575] : memref<64x16xi32, #tpu.memory_space<vmem>>[vector<16xi32>, vector<16xi32>], vector<16xi32>,
        %gather3A_577 = tpu.vector_load_idx %arg16[%shift_right_arithmetic3A_572, %and3A_575] : memref<64x16xi32, #tpu.memory_space<vmem>>[vector<16xi32>, vector<16xi32>], vector<16xi32>,
        %convert_element_type3A_578 = arith.sitofp %gather3A_577 : vector<16xi32> to vector<16xf32>
        %get3A_579 = arith.constant 5 : i32
        %get3A_580 = arith.index_cast %get3A_579 : i32 to index
        %get3A_581 = arith.constant 0 : index
        %get3A_582 = tpu.vector_load %arg21[%get3A_580, %get3A_581] {strides = array<i32>} : memref<16x64xf32, #tpu.memory_space<vmem>>, vector<16xf32>,
        %add3A_583 = arith.constant 0 : i32
        %add3A_584 = vector.broadcast %add3A_583 : i32 to vector<16xi32>
        %add3A_585 = arith.addi %iota3A, %add3A_584 : vector<16xi32>
        %gather3A_586 = tpu.vector_load_idx %arg18[%gather3A_576, %add3A_585] : memref<8x64xf32, #tpu.memory_space<vmem>>[vector<16xi32>, vector<16xi32>], vector<16xf32>,
        %add3A_587 = arith.addf %get3A_582, %gather3A_586 : vector<16xf32>
        %max3A_588 = arith.constant 0.000000e+00 : f32
        %max3A_589 = vector.broadcast %max3A_588 : f32 to vector<16xf32>
        %max3A_590 = arith.maximumf %add3A_587, %max3A_589 : vector<16xf32>
        %mul3A_591 = arith.mulf %max3A_590, %convert_element_type3A_578 : vector<16xf32>
        %add3A_592 = arith.addf %add3A_524, %mul3A_591 : vector<16xf32>
        %get3A_593 = arith.constant 5 : i32
        %get3A_594 = arith.index_cast %get3A_593 : i32 to index
        %get3A_595 = arith.constant 16 : index
        %get3A_596 = tpu.vector_load %arg21[%get3A_594, %get3A_595] {strides = array<i32>} : memref<16x64xf32, #tpu.memory_space<vmem>>, vector<16xf32>,
        %add3A_597 = arith.constant 16 : i32
        %add3A_598 = vector.broadcast %add3A_597 : i32 to vector<16xi32>
        %add3A_599 = arith.addi %iota3A, %add3A_598 : vector<16xi32>
        %gather3A_600 = tpu.vector_load_idx %arg18[%gather3A_576, %add3A_599] : memref<8x64xf32, #tpu.memory_space<vmem>>[vector<16xi32>, vector<16xi32>], vector<16xf32>,
        %add3A_601 = arith.addf %get3A_596, %gather3A_600 : vector<16xf32>
        %max3A_602 = arith.constant 0.000000e+00 : f32
        %max3A_603 = vector.broadcast %max3A_602 : f32 to vector<16xf32>
        %max3A_604 = arith.maximumf %add3A_601, %max3A_603 : vector<16xf32>
        %mul3A_605 = arith.mulf %max3A_604, %convert_element_type3A_578 : vector<16xf32>
        %add3A_606 = arith.addf %add3A_538, %mul3A_605 : vector<16xf32>
        %get3A_607 = arith.constant 5 : i32
        %get3A_608 = arith.index_cast %get3A_607 : i32 to index
        %get3A_609 = arith.constant 32 : index
        %get3A_610 = tpu.vector_load %arg21[%get3A_608, %get3A_609] {strides = array<i32>} : memref<16x64xf32, #tpu.memory_space<vmem>>, vector<16xf32>,
        %add3A_611 = arith.constant 32 : i32
        %add3A_612 = vector.broadcast %add3A_611 : i32 to vector<16xi32>
        %add3A_613 = arith.addi %iota3A, %add3A_612 : vector<16xi32>
        %gather3A_614 = tpu.vector_load_idx %arg18[%gather3A_576, %add3A_613] : memref<8x64xf32, #tpu.memory_space<vmem>>[vector<16xi32>, vector<16xi32>], vector<16xf32>,
        %add3A_615 = arith.addf %get3A_610, %gather3A_614 : vector<16xf32>
        %max3A_616 = arith.constant 0.000000e+00 : f32
        %max3A_617 = vector.broadcast %max3A_616 : f32 to vector<16xf32>
        %max3A_618 = arith.maximumf %add3A_615, %max3A_617 : vector<16xf32>
        %mul3A_619 = arith.mulf %max3A_618, %convert_element_type3A_578 : vector<16xf32>
        %add3A_620 = arith.addf %add3A_552, %mul3A_619 : vector<16xf32>
        %get3A_621 = arith.constant 5 : i32
        %get3A_622 = arith.index_cast %get3A_621 : i32 to index
        %get3A_623 = arith.constant 48 : index
        %get3A_624 = tpu.vector_load %arg21[%get3A_622, %get3A_623] {strides = array<i32>} : memref<16x64xf32, #tpu.memory_space<vmem>>, vector<16xf32>,
        %add3A_625 = arith.constant 48 : i32
        %add3A_626 = vector.broadcast %add3A_625 : i32 to vector<16xi32>
        %add3A_627 = arith.addi %iota3A, %add3A_626 : vector<16xi32>
        %gather3A_628 = tpu.vector_load_idx %arg18[%gather3A_576, %add3A_627] : memref<8x64xf32, #tpu.memory_space<vmem>>[vector<16xi32>, vector<16xi32>], vector<16xf32>,
        %add3A_629 = arith.addf %get3A_624, %gather3A_628 : vector<16xf32>
        %max3A_630 = arith.constant 0.000000e+00 : f32
        %max3A_631 = vector.broadcast %max3A_630 : f32 to vector<16xf32>
        %max3A_632 = arith.maximumf %add3A_629, %max3A_631 : vector<16xf32>
        %mul3A_633 = arith.mulf %max3A_632, %convert_element_type3A_578 : vector<16xf32>
        %add3A_634 = arith.addf %add3A_566, %mul3A_633 : vector<16xf32>
        %add3A_635 = arith.constant 6 : i32
        %add3A_636 = vector.broadcast %add3A_635 : i32 to vector<16xi32>
        %add3A_637 = arith.addi %add3A_92, %add3A_636 : vector<16xi32>
        %shift_right_arithmetic3A_638 = arith.constant 4 : i32
        %shift_right_arithmetic3A_639 = vector.broadcast %shift_right_arithmetic3A_638 : i32 to vector<16xi32>
        %shift_right_arithmetic3A_640 = arith.shrsi %add3A_637, %shift_right_arithmetic3A_639 : vector<16xi32>
        %and3A_641 = arith.constant 15 : i32
        %and3A_642 = vector.broadcast %and3A_641 : i32 to vector<16xi32>
        %and3A_643 = arith.andi %add3A_637, %and3A_642 : vector<16xi32>
        %gather3A_644 = tpu.vector_load_idx %arg17[%shift_right_arithmetic3A_640, %and3A_643] : memref<64x16xi32, #tpu.memory_space<vmem>>[vector<16xi32>, vector<16xi32>], vector<16xi32>,
        %gather3A_645 = tpu.vector_load_idx %arg16[%shift_right_arithmetic3A_640, %and3A_643] : memref<64x16xi32, #tpu.memory_space<vmem>>[vector<16xi32>, vector<16xi32>], vector<16xi32>,
        %convert_element_type3A_646 = arith.sitofp %gather3A_645 : vector<16xi32> to vector<16xf32>
        %get3A_647 = arith.constant 6 : i32
        %get3A_648 = arith.index_cast %get3A_647 : i32 to index
        %get3A_649 = arith.constant 0 : index
        %get3A_650 = tpu.vector_load %arg21[%get3A_648, %get3A_649] {strides = array<i32>} : memref<16x64xf32, #tpu.memory_space<vmem>>, vector<16xf32>,
        %add3A_651 = arith.constant 0 : i32
        %add3A_652 = vector.broadcast %add3A_651 : i32 to vector<16xi32>
        %add3A_653 = arith.addi %iota3A, %add3A_652 : vector<16xi32>
        %gather3A_654 = tpu.vector_load_idx %arg18[%gather3A_644, %add3A_653] : memref<8x64xf32, #tpu.memory_space<vmem>>[vector<16xi32>, vector<16xi32>], vector<16xf32>,
        %add3A_655 = arith.addf %get3A_650, %gather3A_654 : vector<16xf32>
        %max3A_656 = arith.constant 0.000000e+00 : f32
        %max3A_657 = vector.broadcast %max3A_656 : f32 to vector<16xf32>
        %max3A_658 = arith.maximumf %add3A_655, %max3A_657 : vector<16xf32>
        %mul3A_659 = arith.mulf %max3A_658, %convert_element_type3A_646 : vector<16xf32>
        %add3A_660 = arith.addf %add3A_592, %mul3A_659 : vector<16xf32>
        %get3A_661 = arith.constant 6 : i32
        %get3A_662 = arith.index_cast %get3A_661 : i32 to index
        %get3A_663 = arith.constant 16 : index
        %get3A_664 = tpu.vector_load %arg21[%get3A_662, %get3A_663] {strides = array<i32>} : memref<16x64xf32, #tpu.memory_space<vmem>>, vector<16xf32>,
        %add3A_665 = arith.constant 16 : i32
        %add3A_666 = vector.broadcast %add3A_665 : i32 to vector<16xi32>
        %add3A_667 = arith.addi %iota3A, %add3A_666 : vector<16xi32>
        %gather3A_668 = tpu.vector_load_idx %arg18[%gather3A_644, %add3A_667] : memref<8x64xf32, #tpu.memory_space<vmem>>[vector<16xi32>, vector<16xi32>], vector<16xf32>,
        %add3A_669 = arith.addf %get3A_664, %gather3A_668 : vector<16xf32>
        %max3A_670 = arith.constant 0.000000e+00 : f32
        %max3A_671 = vector.broadcast %max3A_670 : f32 to vector<16xf32>
        %max3A_672 = arith.maximumf %add3A_669, %max3A_671 : vector<16xf32>
        %mul3A_673 = arith.mulf %max3A_672, %convert_element_type3A_646 : vector<16xf32>
        %add3A_674 = arith.addf %add3A_606, %mul3A_673 : vector<16xf32>
        %get3A_675 = arith.constant 6 : i32
        %get3A_676 = arith.index_cast %get3A_675 : i32 to index
        %get3A_677 = arith.constant 32 : index
        %get3A_678 = tpu.vector_load %arg21[%get3A_676, %get3A_677] {strides = array<i32>} : memref<16x64xf32, #tpu.memory_space<vmem>>, vector<16xf32>,
        %add3A_679 = arith.constant 32 : i32
        %add3A_680 = vector.broadcast %add3A_679 : i32 to vector<16xi32>
        %add3A_681 = arith.addi %iota3A, %add3A_680 : vector<16xi32>
        %gather3A_682 = tpu.vector_load_idx %arg18[%gather3A_644, %add3A_681] : memref<8x64xf32, #tpu.memory_space<vmem>>[vector<16xi32>, vector<16xi32>], vector<16xf32>,
        %add3A_683 = arith.addf %get3A_678, %gather3A_682 : vector<16xf32>
        %max3A_684 = arith.constant 0.000000e+00 : f32
        %max3A_685 = vector.broadcast %max3A_684 : f32 to vector<16xf32>
        %max3A_686 = arith.maximumf %add3A_683, %max3A_685 : vector<16xf32>
        %mul3A_687 = arith.mulf %max3A_686, %convert_element_type3A_646 : vector<16xf32>
        %add3A_688 = arith.addf %add3A_620, %mul3A_687 : vector<16xf32>
        %get3A_689 = arith.constant 6 : i32
        %get3A_690 = arith.index_cast %get3A_689 : i32 to index
        %get3A_691 = arith.constant 48 : index
        %get3A_692 = tpu.vector_load %arg21[%get3A_690, %get3A_691] {strides = array<i32>} : memref<16x64xf32, #tpu.memory_space<vmem>>, vector<16xf32>,
        %add3A_693 = arith.constant 48 : i32
        %add3A_694 = vector.broadcast %add3A_693 : i32 to vector<16xi32>
        %add3A_695 = arith.addi %iota3A, %add3A_694 : vector<16xi32>
        %gather3A_696 = tpu.vector_load_idx %arg18[%gather3A_644, %add3A_695] : memref<8x64xf32, #tpu.memory_space<vmem>>[vector<16xi32>, vector<16xi32>], vector<16xf32>,
        %add3A_697 = arith.addf %get3A_692, %gather3A_696 : vector<16xf32>
        %max3A_698 = arith.constant 0.000000e+00 : f32
        %max3A_699 = vector.broadcast %max3A_698 : f32 to vector<16xf32>
        %max3A_700 = arith.maximumf %add3A_697, %max3A_699 : vector<16xf32>
        %mul3A_701 = arith.mulf %max3A_700, %convert_element_type3A_646 : vector<16xf32>
        %add3A_702 = arith.addf %add3A_634, %mul3A_701 : vector<16xf32>
        %add3A_703 = arith.constant 7 : i32
        %add3A_704 = vector.broadcast %add3A_703 : i32 to vector<16xi32>
        %add3A_705 = arith.addi %add3A_92, %add3A_704 : vector<16xi32>
        %shift_right_arithmetic3A_706 = arith.constant 4 : i32
        %shift_right_arithmetic3A_707 = vector.broadcast %shift_right_arithmetic3A_706 : i32 to vector<16xi32>
        %shift_right_arithmetic3A_708 = arith.shrsi %add3A_705, %shift_right_arithmetic3A_707 : vector<16xi32>
        %and3A_709 = arith.constant 15 : i32
        %and3A_710 = vector.broadcast %and3A_709 : i32 to vector<16xi32>
        %and3A_711 = arith.andi %add3A_705, %and3A_710 : vector<16xi32>
        %gather3A_712 = tpu.vector_load_idx %arg17[%shift_right_arithmetic3A_708, %and3A_711] : memref<64x16xi32, #tpu.memory_space<vmem>>[vector<16xi32>, vector<16xi32>], vector<16xi32>,
        %gather3A_713 = tpu.vector_load_idx %arg16[%shift_right_arithmetic3A_708, %and3A_711] : memref<64x16xi32, #tpu.memory_space<vmem>>[vector<16xi32>, vector<16xi32>], vector<16xi32>,
        %convert_element_type3A_714 = arith.sitofp %gather3A_713 : vector<16xi32> to vector<16xf32>
        %get3A_715 = arith.constant 7 : i32
        %get3A_716 = arith.index_cast %get3A_715 : i32 to index
        %get3A_717 = arith.constant 0 : index
        %get3A_718 = tpu.vector_load %arg21[%get3A_716, %get3A_717] {strides = array<i32>} : memref<16x64xf32, #tpu.memory_space<vmem>>, vector<16xf32>,
        %add3A_719 = arith.constant 0 : i32
        %add3A_720 = vector.broadcast %add3A_719 : i32 to vector<16xi32>
        %add3A_721 = arith.addi %iota3A, %add3A_720 : vector<16xi32>
        %gather3A_722 = tpu.vector_load_idx %arg18[%gather3A_712, %add3A_721] : memref<8x64xf32, #tpu.memory_space<vmem>>[vector<16xi32>, vector<16xi32>], vector<16xf32>,
        %add3A_723 = arith.addf %get3A_718, %gather3A_722 : vector<16xf32>
        %max3A_724 = arith.constant 0.000000e+00 : f32
        %max3A_725 = vector.broadcast %max3A_724 : f32 to vector<16xf32>
        %max3A_726 = arith.maximumf %add3A_723, %max3A_725 : vector<16xf32>
        %mul3A_727 = arith.mulf %max3A_726, %convert_element_type3A_714 : vector<16xf32>
        %add3A_728 = arith.addf %add3A_660, %mul3A_727 : vector<16xf32>
        %get3A_729 = arith.constant 7 : i32
        %get3A_730 = arith.index_cast %get3A_729 : i32 to index
        %get3A_731 = arith.constant 16 : index
        %get3A_732 = tpu.vector_load %arg21[%get3A_730, %get3A_731] {strides = array<i32>} : memref<16x64xf32, #tpu.memory_space<vmem>>, vector<16xf32>,
        %add3A_733 = arith.constant 16 : i32
        %add3A_734 = vector.broadcast %add3A_733 : i32 to vector<16xi32>
        %add3A_735 = arith.addi %iota3A, %add3A_734 : vector<16xi32>
        %gather3A_736 = tpu.vector_load_idx %arg18[%gather3A_712, %add3A_735] : memref<8x64xf32, #tpu.memory_space<vmem>>[vector<16xi32>, vector<16xi32>], vector<16xf32>,
        %add3A_737 = arith.addf %get3A_732, %gather3A_736 : vector<16xf32>
        %max3A_738 = arith.constant 0.000000e+00 : f32
        %max3A_739 = vector.broadcast %max3A_738 : f32 to vector<16xf32>
        %max3A_740 = arith.maximumf %add3A_737, %max3A_739 : vector<16xf32>
        %mul3A_741 = arith.mulf %max3A_740, %convert_element_type3A_714 : vector<16xf32>
        %add3A_742 = arith.addf %add3A_674, %mul3A_741 : vector<16xf32>
        %get3A_743 = arith.constant 7 : i32
        %get3A_744 = arith.index_cast %get3A_743 : i32 to index
        %get3A_745 = arith.constant 32 : index
        %get3A_746 = tpu.vector_load %arg21[%get3A_744, %get3A_745] {strides = array<i32>} : memref<16x64xf32, #tpu.memory_space<vmem>>, vector<16xf32>,
        %add3A_747 = arith.constant 32 : i32
        %add3A_748 = vector.broadcast %add3A_747 : i32 to vector<16xi32>
        %add3A_749 = arith.addi %iota3A, %add3A_748 : vector<16xi32>
        %gather3A_750 = tpu.vector_load_idx %arg18[%gather3A_712, %add3A_749] : memref<8x64xf32, #tpu.memory_space<vmem>>[vector<16xi32>, vector<16xi32>], vector<16xf32>,
        %add3A_751 = arith.addf %get3A_746, %gather3A_750 : vector<16xf32>
        %max3A_752 = arith.constant 0.000000e+00 : f32
        %max3A_753 = vector.broadcast %max3A_752 : f32 to vector<16xf32>
        %max3A_754 = arith.maximumf %add3A_751, %max3A_753 : vector<16xf32>
        %mul3A_755 = arith.mulf %max3A_754, %convert_element_type3A_714 : vector<16xf32>
        %add3A_756 = arith.addf %add3A_688, %mul3A_755 : vector<16xf32>
        %get3A_757 = arith.constant 7 : i32
        %get3A_758 = arith.index_cast %get3A_757 : i32 to index
        %get3A_759 = arith.constant 48 : index
        %get3A_760 = tpu.vector_load %arg21[%get3A_758, %get3A_759] {strides = array<i32>} : memref<16x64xf32, #tpu.memory_space<vmem>>, vector<16xf32>,
        %add3A_761 = arith.constant 48 : i32
        %add3A_762 = vector.broadcast %add3A_761 : i32 to vector<16xi32>
        %add3A_763 = arith.addi %iota3A, %add3A_762 : vector<16xi32>
        %gather3A_764 = tpu.vector_load_idx %arg18[%gather3A_712, %add3A_763] : memref<8x64xf32, #tpu.memory_space<vmem>>[vector<16xi32>, vector<16xi32>], vector<16xf32>,
        %add3A_765 = arith.addf %get3A_760, %gather3A_764 : vector<16xf32>
        %max3A_766 = arith.constant 0.000000e+00 : f32
        %max3A_767 = vector.broadcast %max3A_766 : f32 to vector<16xf32>
        %max3A_768 = arith.maximumf %add3A_765, %max3A_767 : vector<16xf32>
        %mul3A_769 = arith.mulf %max3A_768, %convert_element_type3A_714 : vector<16xf32>
        %add3A_770 = arith.addf %add3A_702, %mul3A_769 : vector<16xf32>
        %add3A_771 = arith.constant 8 : i32
        %add3A_772 = vector.broadcast %add3A_771 : i32 to vector<16xi32>
        %add3A_773 = arith.addi %add3A_92, %add3A_772 : vector<16xi32>
        %shift_right_arithmetic3A_774 = arith.constant 4 : i32
        %shift_right_arithmetic3A_775 = vector.broadcast %shift_right_arithmetic3A_774 : i32 to vector<16xi32>
        %shift_right_arithmetic3A_776 = arith.shrsi %add3A_773, %shift_right_arithmetic3A_775 : vector<16xi32>
        %and3A_777 = arith.constant 15 : i32
        %and3A_778 = vector.broadcast %and3A_777 : i32 to vector<16xi32>
        %and3A_779 = arith.andi %add3A_773, %and3A_778 : vector<16xi32>
        %gather3A_780 = tpu.vector_load_idx %arg17[%shift_right_arithmetic3A_776, %and3A_779] : memref<64x16xi32, #tpu.memory_space<vmem>>[vector<16xi32>, vector<16xi32>], vector<16xi32>,
        %gather3A_781 = tpu.vector_load_idx %arg16[%shift_right_arithmetic3A_776, %and3A_779] : memref<64x16xi32, #tpu.memory_space<vmem>>[vector<16xi32>, vector<16xi32>], vector<16xi32>,
        %convert_element_type3A_782 = arith.sitofp %gather3A_781 : vector<16xi32> to vector<16xf32>
        %get3A_783 = arith.constant 8 : i32
        %get3A_784 = arith.index_cast %get3A_783 : i32 to index
        %get3A_785 = arith.constant 0 : index
        %get3A_786 = tpu.vector_load %arg21[%get3A_784, %get3A_785] {strides = array<i32>} : memref<16x64xf32, #tpu.memory_space<vmem>>, vector<16xf32>,
        %add3A_787 = arith.constant 0 : i32
        %add3A_788 = vector.broadcast %add3A_787 : i32 to vector<16xi32>
        %add3A_789 = arith.addi %iota3A, %add3A_788 : vector<16xi32>
        %gather3A_790 = tpu.vector_load_idx %arg18[%gather3A_780, %add3A_789] : memref<8x64xf32, #tpu.memory_space<vmem>>[vector<16xi32>, vector<16xi32>], vector<16xf32>,
        %add3A_791 = arith.addf %get3A_786, %gather3A_790 : vector<16xf32>
        %max3A_792 = arith.constant 0.000000e+00 : f32
        %max3A_793 = vector.broadcast %max3A_792 : f32 to vector<16xf32>
        %max3A_794 = arith.maximumf %add3A_791, %max3A_793 : vector<16xf32>
        %mul3A_795 = arith.mulf %max3A_794, %convert_element_type3A_782 : vector<16xf32>
        %add3A_796 = arith.addf %add3A_728, %mul3A_795 : vector<16xf32>
        %get3A_797 = arith.constant 8 : i32
        %get3A_798 = arith.index_cast %get3A_797 : i32 to index
        %get3A_799 = arith.constant 16 : index
        %get3A_800 = tpu.vector_load %arg21[%get3A_798, %get3A_799] {strides = array<i32>} : memref<16x64xf32, #tpu.memory_space<vmem>>, vector<16xf32>,
        %add3A_801 = arith.constant 16 : i32
        %add3A_802 = vector.broadcast %add3A_801 : i32 to vector<16xi32>
        %add3A_803 = arith.addi %iota3A, %add3A_802 : vector<16xi32>
        %gather3A_804 = tpu.vector_load_idx %arg18[%gather3A_780, %add3A_803] : memref<8x64xf32, #tpu.memory_space<vmem>>[vector<16xi32>, vector<16xi32>], vector<16xf32>,
        %add3A_805 = arith.addf %get3A_800, %gather3A_804 : vector<16xf32>
        %max3A_806 = arith.constant 0.000000e+00 : f32
        %max3A_807 = vector.broadcast %max3A_806 : f32 to vector<16xf32>
        %max3A_808 = arith.maximumf %add3A_805, %max3A_807 : vector<16xf32>
        %mul3A_809 = arith.mulf %max3A_808, %convert_element_type3A_782 : vector<16xf32>
        %add3A_810 = arith.addf %add3A_742, %mul3A_809 : vector<16xf32>
        %get3A_811 = arith.constant 8 : i32
        %get3A_812 = arith.index_cast %get3A_811 : i32 to index
        %get3A_813 = arith.constant 32 : index
        %get3A_814 = tpu.vector_load %arg21[%get3A_812, %get3A_813] {strides = array<i32>} : memref<16x64xf32, #tpu.memory_space<vmem>>, vector<16xf32>,
        %add3A_815 = arith.constant 32 : i32
        %add3A_816 = vector.broadcast %add3A_815 : i32 to vector<16xi32>
        %add3A_817 = arith.addi %iota3A, %add3A_816 : vector<16xi32>
        %gather3A_818 = tpu.vector_load_idx %arg18[%gather3A_780, %add3A_817] : memref<8x64xf32, #tpu.memory_space<vmem>>[vector<16xi32>, vector<16xi32>], vector<16xf32>,
        %add3A_819 = arith.addf %get3A_814, %gather3A_818 : vector<16xf32>
        %max3A_820 = arith.constant 0.000000e+00 : f32
        %max3A_821 = vector.broadcast %max3A_820 : f32 to vector<16xf32>
        %max3A_822 = arith.maximumf %add3A_819, %max3A_821 : vector<16xf32>
        %mul3A_823 = arith.mulf %max3A_822, %convert_element_type3A_782 : vector<16xf32>
        %add3A_824 = arith.addf %add3A_756, %mul3A_823 : vector<16xf32>
        %get3A_825 = arith.constant 8 : i32
        %get3A_826 = arith.index_cast %get3A_825 : i32 to index
        %get3A_827 = arith.constant 48 : index
        %get3A_828 = tpu.vector_load %arg21[%get3A_826, %get3A_827] {strides = array<i32>} : memref<16x64xf32, #tpu.memory_space<vmem>>, vector<16xf32>,
        %add3A_829 = arith.constant 48 : i32
        %add3A_830 = vector.broadcast %add3A_829 : i32 to vector<16xi32>
        %add3A_831 = arith.addi %iota3A, %add3A_830 : vector<16xi32>
        %gather3A_832 = tpu.vector_load_idx %arg18[%gather3A_780, %add3A_831] : memref<8x64xf32, #tpu.memory_space<vmem>>[vector<16xi32>, vector<16xi32>], vector<16xf32>,
        %add3A_833 = arith.addf %get3A_828, %gather3A_832 : vector<16xf32>
        %max3A_834 = arith.constant 0.000000e+00 : f32
        %max3A_835 = vector.broadcast %max3A_834 : f32 to vector<16xf32>
        %max3A_836 = arith.maximumf %add3A_833, %max3A_835 : vector<16xf32>
        %mul3A_837 = arith.mulf %max3A_836, %convert_element_type3A_782 : vector<16xf32>
        %add3A_838 = arith.addf %add3A_770, %mul3A_837 : vector<16xf32>
        %add3A_839 = arith.constant 9 : i32
        %add3A_840 = vector.broadcast %add3A_839 : i32 to vector<16xi32>
        %add3A_841 = arith.addi %add3A_92, %add3A_840 : vector<16xi32>
        %shift_right_arithmetic3A_842 = arith.constant 4 : i32
        %shift_right_arithmetic3A_843 = vector.broadcast %shift_right_arithmetic3A_842 : i32 to vector<16xi32>
        %shift_right_arithmetic3A_844 = arith.shrsi %add3A_841, %shift_right_arithmetic3A_843 : vector<16xi32>
        %and3A_845 = arith.constant 15 : i32
        %and3A_846 = vector.broadcast %and3A_845 : i32 to vector<16xi32>
        %and3A_847 = arith.andi %add3A_841, %and3A_846 : vector<16xi32>
        %gather3A_848 = tpu.vector_load_idx %arg17[%shift_right_arithmetic3A_844, %and3A_847] : memref<64x16xi32, #tpu.memory_space<vmem>>[vector<16xi32>, vector<16xi32>], vector<16xi32>,
        %gather3A_849 = tpu.vector_load_idx %arg16[%shift_right_arithmetic3A_844, %and3A_847] : memref<64x16xi32, #tpu.memory_space<vmem>>[vector<16xi32>, vector<16xi32>], vector<16xi32>,
        %convert_element_type3A_850 = arith.sitofp %gather3A_849 : vector<16xi32> to vector<16xf32>
        %get3A_851 = arith.constant 9 : i32
        %get3A_852 = arith.index_cast %get3A_851 : i32 to index
        %get3A_853 = arith.constant 0 : index
        %get3A_854 = tpu.vector_load %arg21[%get3A_852, %get3A_853] {strides = array<i32>} : memref<16x64xf32, #tpu.memory_space<vmem>>, vector<16xf32>,
        %add3A_855 = arith.constant 0 : i32
        %add3A_856 = vector.broadcast %add3A_855 : i32 to vector<16xi32>
        %add3A_857 = arith.addi %iota3A, %add3A_856 : vector<16xi32>
        %gather3A_858 = tpu.vector_load_idx %arg18[%gather3A_848, %add3A_857] : memref<8x64xf32, #tpu.memory_space<vmem>>[vector<16xi32>, vector<16xi32>], vector<16xf32>,
        %add3A_859 = arith.addf %get3A_854, %gather3A_858 : vector<16xf32>
        %max3A_860 = arith.constant 0.000000e+00 : f32
        %max3A_861 = vector.broadcast %max3A_860 : f32 to vector<16xf32>
        %max3A_862 = arith.maximumf %add3A_859, %max3A_861 : vector<16xf32>
        %mul3A_863 = arith.mulf %max3A_862, %convert_element_type3A_850 : vector<16xf32>
        %add3A_864 = arith.addf %add3A_796, %mul3A_863 : vector<16xf32>
        %get3A_865 = arith.constant 9 : i32
        %get3A_866 = arith.index_cast %get3A_865 : i32 to index
        %get3A_867 = arith.constant 16 : index
        %get3A_868 = tpu.vector_load %arg21[%get3A_866, %get3A_867] {strides = array<i32>} : memref<16x64xf32, #tpu.memory_space<vmem>>, vector<16xf32>,
        %add3A_869 = arith.constant 16 : i32
        %add3A_870 = vector.broadcast %add3A_869 : i32 to vector<16xi32>
        %add3A_871 = arith.addi %iota3A, %add3A_870 : vector<16xi32>
        %gather3A_872 = tpu.vector_load_idx %arg18[%gather3A_848, %add3A_871] : memref<8x64xf32, #tpu.memory_space<vmem>>[vector<16xi32>, vector<16xi32>], vector<16xf32>,
        %add3A_873 = arith.addf %get3A_868, %gather3A_872 : vector<16xf32>
        %max3A_874 = arith.constant 0.000000e+00 : f32
        %max3A_875 = vector.broadcast %max3A_874 : f32 to vector<16xf32>
        %max3A_876 = arith.maximumf %add3A_873, %max3A_875 : vector<16xf32>
        %mul3A_877 = arith.mulf %max3A_876, %convert_element_type3A_850 : vector<16xf32>
        %add3A_878 = arith.addf %add3A_810, %mul3A_877 : vector<16xf32>
        %get3A_879 = arith.constant 9 : i32
        %get3A_880 = arith.index_cast %get3A_879 : i32 to index
        %get3A_881 = arith.constant 32 : index
        %get3A_882 = tpu.vector_load %arg21[%get3A_880, %get3A_881] {strides = array<i32>} : memref<16x64xf32, #tpu.memory_space<vmem>>, vector<16xf32>,
        %add3A_883 = arith.constant 32 : i32
        %add3A_884 = vector.broadcast %add3A_883 : i32 to vector<16xi32>
        %add3A_885 = arith.addi %iota3A, %add3A_884 : vector<16xi32>
        %gather3A_886 = tpu.vector_load_idx %arg18[%gather3A_848, %add3A_885] : memref<8x64xf32, #tpu.memory_space<vmem>>[vector<16xi32>, vector<16xi32>], vector<16xf32>,
        %add3A_887 = arith.addf %get3A_882, %gather3A_886 : vector<16xf32>
        %max3A_888 = arith.constant 0.000000e+00 : f32
        %max3A_889 = vector.broadcast %max3A_888 : f32 to vector<16xf32>
        %max3A_890 = arith.maximumf %add3A_887, %max3A_889 : vector<16xf32>
        %mul3A_891 = arith.mulf %max3A_890, %convert_element_type3A_850 : vector<16xf32>
        %add3A_892 = arith.addf %add3A_824, %mul3A_891 : vector<16xf32>
        %get3A_893 = arith.constant 9 : i32
        %get3A_894 = arith.index_cast %get3A_893 : i32 to index
        %get3A_895 = arith.constant 48 : index
        %get3A_896 = tpu.vector_load %arg21[%get3A_894, %get3A_895] {strides = array<i32>} : memref<16x64xf32, #tpu.memory_space<vmem>>, vector<16xf32>,
        %add3A_897 = arith.constant 48 : i32
        %add3A_898 = vector.broadcast %add3A_897 : i32 to vector<16xi32>
        %add3A_899 = arith.addi %iota3A, %add3A_898 : vector<16xi32>
        %gather3A_900 = tpu.vector_load_idx %arg18[%gather3A_848, %add3A_899] : memref<8x64xf32, #tpu.memory_space<vmem>>[vector<16xi32>, vector<16xi32>], vector<16xf32>,
        %add3A_901 = arith.addf %get3A_896, %gather3A_900 : vector<16xf32>
        %max3A_902 = arith.constant 0.000000e+00 : f32
        %max3A_903 = vector.broadcast %max3A_902 : f32 to vector<16xf32>
        %max3A_904 = arith.maximumf %add3A_901, %max3A_903 : vector<16xf32>
        %mul3A_905 = arith.mulf %max3A_904, %convert_element_type3A_850 : vector<16xf32>
        %add3A_906 = arith.addf %add3A_838, %mul3A_905 : vector<16xf32>
        %add3A_907 = arith.constant 10 : i32
        %add3A_908 = vector.broadcast %add3A_907 : i32 to vector<16xi32>
        %add3A_909 = arith.addi %add3A_92, %add3A_908 : vector<16xi32>
        %shift_right_arithmetic3A_910 = arith.constant 4 : i32
        %shift_right_arithmetic3A_911 = vector.broadcast %shift_right_arithmetic3A_910 : i32 to vector<16xi32>
        %shift_right_arithmetic3A_912 = arith.shrsi %add3A_909, %shift_right_arithmetic3A_911 : vector<16xi32>
        %and3A_913 = arith.constant 15 : i32
        %and3A_914 = vector.broadcast %and3A_913 : i32 to vector<16xi32>
        %and3A_915 = arith.andi %add3A_909, %and3A_914 : vector<16xi32>
        %gather3A_916 = tpu.vector_load_idx %arg17[%shift_right_arithmetic3A_912, %and3A_915] : memref<64x16xi32, #tpu.memory_space<vmem>>[vector<16xi32>, vector<16xi32>], vector<16xi32>,
        %gather3A_917 = tpu.vector_load_idx %arg16[%shift_right_arithmetic3A_912, %and3A_915] : memref<64x16xi32, #tpu.memory_space<vmem>>[vector<16xi32>, vector<16xi32>], vector<16xi32>,
        %convert_element_type3A_918 = arith.sitofp %gather3A_917 : vector<16xi32> to vector<16xf32>
        %get3A_919 = arith.constant 10 : i32
        %get3A_920 = arith.index_cast %get3A_919 : i32 to index
        %get3A_921 = arith.constant 0 : index
        %get3A_922 = tpu.vector_load %arg21[%get3A_920, %get3A_921] {strides = array<i32>} : memref<16x64xf32, #tpu.memory_space<vmem>>, vector<16xf32>,
        %add3A_923 = arith.constant 0 : i32
        %add3A_924 = vector.broadcast %add3A_923 : i32 to vector<16xi32>
        %add3A_925 = arith.addi %iota3A, %add3A_924 : vector<16xi32>
        %gather3A_926 = tpu.vector_load_idx %arg18[%gather3A_916, %add3A_925] : memref<8x64xf32, #tpu.memory_space<vmem>>[vector<16xi32>, vector<16xi32>], vector<16xf32>,
        %add3A_927 = arith.addf %get3A_922, %gather3A_926 : vector<16xf32>
        %max3A_928 = arith.constant 0.000000e+00 : f32
        %max3A_929 = vector.broadcast %max3A_928 : f32 to vector<16xf32>
        %max3A_930 = arith.maximumf %add3A_927, %max3A_929 : vector<16xf32>
        %mul3A_931 = arith.mulf %max3A_930, %convert_element_type3A_918 : vector<16xf32>
        %add3A_932 = arith.addf %add3A_864, %mul3A_931 : vector<16xf32>
        %get3A_933 = arith.constant 10 : i32
        %get3A_934 = arith.index_cast %get3A_933 : i32 to index
        %get3A_935 = arith.constant 16 : index
        %get3A_936 = tpu.vector_load %arg21[%get3A_934, %get3A_935] {strides = array<i32>} : memref<16x64xf32, #tpu.memory_space<vmem>>, vector<16xf32>,
        %add3A_937 = arith.constant 16 : i32
        %add3A_938 = vector.broadcast %add3A_937 : i32 to vector<16xi32>
        %add3A_939 = arith.addi %iota3A, %add3A_938 : vector<16xi32>
        %gather3A_940 = tpu.vector_load_idx %arg18[%gather3A_916, %add3A_939] : memref<8x64xf32, #tpu.memory_space<vmem>>[vector<16xi32>, vector<16xi32>], vector<16xf32>,
        %add3A_941 = arith.addf %get3A_936, %gather3A_940 : vector<16xf32>
        %max3A_942 = arith.constant 0.000000e+00 : f32
        %max3A_943 = vector.broadcast %max3A_942 : f32 to vector<16xf32>
        %max3A_944 = arith.maximumf %add3A_941, %max3A_943 : vector<16xf32>
        %mul3A_945 = arith.mulf %max3A_944, %convert_element_type3A_918 : vector<16xf32>
        %add3A_946 = arith.addf %add3A_878, %mul3A_945 : vector<16xf32>
        %get3A_947 = arith.constant 10 : i32
        %get3A_948 = arith.index_cast %get3A_947 : i32 to index
        %get3A_949 = arith.constant 32 : index
        %get3A_950 = tpu.vector_load %arg21[%get3A_948, %get3A_949] {strides = array<i32>} : memref<16x64xf32, #tpu.memory_space<vmem>>, vector<16xf32>,
        %add3A_951 = arith.constant 32 : i32
        %add3A_952 = vector.broadcast %add3A_951 : i32 to vector<16xi32>
        %add3A_953 = arith.addi %iota3A, %add3A_952 : vector<16xi32>
        %gather3A_954 = tpu.vector_load_idx %arg18[%gather3A_916, %add3A_953] : memref<8x64xf32, #tpu.memory_space<vmem>>[vector<16xi32>, vector<16xi32>], vector<16xf32>,
        %add3A_955 = arith.addf %get3A_950, %gather3A_954 : vector<16xf32>
        %max3A_956 = arith.constant 0.000000e+00 : f32
        %max3A_957 = vector.broadcast %max3A_956 : f32 to vector<16xf32>
        %max3A_958 = arith.maximumf %add3A_955, %max3A_957 : vector<16xf32>
        %mul3A_959 = arith.mulf %max3A_958, %convert_element_type3A_918 : vector<16xf32>
        %add3A_960 = arith.addf %add3A_892, %mul3A_959 : vector<16xf32>
        %get3A_961 = arith.constant 10 : i32
        %get3A_962 = arith.index_cast %get3A_961 : i32 to index
        %get3A_963 = arith.constant 48 : index
        %get3A_964 = tpu.vector_load %arg21[%get3A_962, %get3A_963] {strides = array<i32>} : memref<16x64xf32, #tpu.memory_space<vmem>>, vector<16xf32>,
        %add3A_965 = arith.constant 48 : i32
        %add3A_966 = vector.broadcast %add3A_965 : i32 to vector<16xi32>
        %add3A_967 = arith.addi %iota3A, %add3A_966 : vector<16xi32>
        %gather3A_968 = tpu.vector_load_idx %arg18[%gather3A_916, %add3A_967] : memref<8x64xf32, #tpu.memory_space<vmem>>[vector<16xi32>, vector<16xi32>], vector<16xf32>,
        %add3A_969 = arith.addf %get3A_964, %gather3A_968 : vector<16xf32>
        %max3A_970 = arith.constant 0.000000e+00 : f32
        %max3A_971 = vector.broadcast %max3A_970 : f32 to vector<16xf32>
        %max3A_972 = arith.maximumf %add3A_969, %max3A_971 : vector<16xf32>
        %mul3A_973 = arith.mulf %max3A_972, %convert_element_type3A_918 : vector<16xf32>
        %add3A_974 = arith.addf %add3A_906, %mul3A_973 : vector<16xf32>
        %add3A_975 = arith.constant 11 : i32
        %add3A_976 = vector.broadcast %add3A_975 : i32 to vector<16xi32>
        %add3A_977 = arith.addi %add3A_92, %add3A_976 : vector<16xi32>
        %shift_right_arithmetic3A_978 = arith.constant 4 : i32
        %shift_right_arithmetic3A_979 = vector.broadcast %shift_right_arithmetic3A_978 : i32 to vector<16xi32>
        %shift_right_arithmetic3A_980 = arith.shrsi %add3A_977, %shift_right_arithmetic3A_979 : vector<16xi32>
        %and3A_981 = arith.constant 15 : i32
        %and3A_982 = vector.broadcast %and3A_981 : i32 to vector<16xi32>
        %and3A_983 = arith.andi %add3A_977, %and3A_982 : vector<16xi32>
        %gather3A_984 = tpu.vector_load_idx %arg17[%shift_right_arithmetic3A_980, %and3A_983] : memref<64x16xi32, #tpu.memory_space<vmem>>[vector<16xi32>, vector<16xi32>], vector<16xi32>,
        %gather3A_985 = tpu.vector_load_idx %arg16[%shift_right_arithmetic3A_980, %and3A_983] : memref<64x16xi32, #tpu.memory_space<vmem>>[vector<16xi32>, vector<16xi32>], vector<16xi32>,
        %convert_element_type3A_986 = arith.sitofp %gather3A_985 : vector<16xi32> to vector<16xf32>
        %get3A_987 = arith.constant 11 : i32
        %get3A_988 = arith.index_cast %get3A_987 : i32 to index
        %get3A_989 = arith.constant 0 : index
        %get3A_990 = tpu.vector_load %arg21[%get3A_988, %get3A_989] {strides = array<i32>} : memref<16x64xf32, #tpu.memory_space<vmem>>, vector<16xf32>,
        %add3A_991 = arith.constant 0 : i32
        %add3A_992 = vector.broadcast %add3A_991 : i32 to vector<16xi32>
        %add3A_993 = arith.addi %iota3A, %add3A_992 : vector<16xi32>
        %gather3A_994 = tpu.vector_load_idx %arg18[%gather3A_984, %add3A_993] : memref<8x64xf32, #tpu.memory_space<vmem>>[vector<16xi32>, vector<16xi32>], vector<16xf32>,
        %add3A_995 = arith.addf %get3A_990, %gather3A_994 : vector<16xf32>
        %max3A_996 = arith.constant 0.000000e+00 : f32
        %max3A_997 = vector.broadcast %max3A_996 : f32 to vector<16xf32>
        %max3A_998 = arith.maximumf %add3A_995, %max3A_997 : vector<16xf32>
        %mul3A_999 = arith.mulf %max3A_998, %convert_element_type3A_986 : vector<16xf32>
        %add3A_1000 = arith.addf %add3A_932, %mul3A_999 : vector<16xf32>
        %get3A_1001 = arith.constant 11 : i32
        %get3A_1002 = arith.index_cast %get3A_1001 : i32 to index
        %get3A_1003 = arith.constant 16 : index
        %get3A_1004 = tpu.vector_load %arg21[%get3A_1002, %get3A_1003] {strides = array<i32>} : memref<16x64xf32, #tpu.memory_space<vmem>>, vector<16xf32>,
        %add3A_1005 = arith.constant 16 : i32
        %add3A_1006 = vector.broadcast %add3A_1005 : i32 to vector<16xi32>
        %add3A_1007 = arith.addi %iota3A, %add3A_1006 : vector<16xi32>
        %gather3A_1008 = tpu.vector_load_idx %arg18[%gather3A_984, %add3A_1007] : memref<8x64xf32, #tpu.memory_space<vmem>>[vector<16xi32>, vector<16xi32>], vector<16xf32>,
        %add3A_1009 = arith.addf %get3A_1004, %gather3A_1008 : vector<16xf32>
        %max3A_1010 = arith.constant 0.000000e+00 : f32
        %max3A_1011 = vector.broadcast %max3A_1010 : f32 to vector<16xf32>
        %max3A_1012 = arith.maximumf %add3A_1009, %max3A_1011 : vector<16xf32>
        %mul3A_1013 = arith.mulf %max3A_1012, %convert_element_type3A_986 : vector<16xf32>
        %add3A_1014 = arith.addf %add3A_946, %mul3A_1013 : vector<16xf32>
        %get3A_1015 = arith.constant 11 : i32
        %get3A_1016 = arith.index_cast %get3A_1015 : i32 to index
        %get3A_1017 = arith.constant 32 : index
        %get3A_1018 = tpu.vector_load %arg21[%get3A_1016, %get3A_1017] {strides = array<i32>} : memref<16x64xf32, #tpu.memory_space<vmem>>, vector<16xf32>,
        %add3A_1019 = arith.constant 32 : i32
        %add3A_1020 = vector.broadcast %add3A_1019 : i32 to vector<16xi32>
        %add3A_1021 = arith.addi %iota3A, %add3A_1020 : vector<16xi32>
        %gather3A_1022 = tpu.vector_load_idx %arg18[%gather3A_984, %add3A_1021] : memref<8x64xf32, #tpu.memory_space<vmem>>[vector<16xi32>, vector<16xi32>], vector<16xf32>,
        %add3A_1023 = arith.addf %get3A_1018, %gather3A_1022 : vector<16xf32>
        %max3A_1024 = arith.constant 0.000000e+00 : f32
        %max3A_1025 = vector.broadcast %max3A_1024 : f32 to vector<16xf32>
        %max3A_1026 = arith.maximumf %add3A_1023, %max3A_1025 : vector<16xf32>
        %mul3A_1027 = arith.mulf %max3A_1026, %convert_element_type3A_986 : vector<16xf32>
        %add3A_1028 = arith.addf %add3A_960, %mul3A_1027 : vector<16xf32>
        %get3A_1029 = arith.constant 11 : i32
        %get3A_1030 = arith.index_cast %get3A_1029 : i32 to index
        %get3A_1031 = arith.constant 48 : index
        %get3A_1032 = tpu.vector_load %arg21[%get3A_1030, %get3A_1031] {strides = array<i32>} : memref<16x64xf32, #tpu.memory_space<vmem>>, vector<16xf32>,
        %add3A_1033 = arith.constant 48 : i32
        %add3A_1034 = vector.broadcast %add3A_1033 : i32 to vector<16xi32>
        %add3A_1035 = arith.addi %iota3A, %add3A_1034 : vector<16xi32>
        %gather3A_1036 = tpu.vector_load_idx %arg18[%gather3A_984, %add3A_1035] : memref<8x64xf32, #tpu.memory_space<vmem>>[vector<16xi32>, vector<16xi32>], vector<16xf32>,
        %add3A_1037 = arith.addf %get3A_1032, %gather3A_1036 : vector<16xf32>
        %max3A_1038 = arith.constant 0.000000e+00 : f32
        %max3A_1039 = vector.broadcast %max3A_1038 : f32 to vector<16xf32>
        %max3A_1040 = arith.maximumf %add3A_1037, %max3A_1039 : vector<16xf32>
        %mul3A_1041 = arith.mulf %max3A_1040, %convert_element_type3A_986 : vector<16xf32>
        %add3A_1042 = arith.addf %add3A_974, %mul3A_1041 : vector<16xf32>
        %add3A_1043 = arith.constant 12 : i32
        %add3A_1044 = vector.broadcast %add3A_1043 : i32 to vector<16xi32>
        %add3A_1045 = arith.addi %add3A_92, %add3A_1044 : vector<16xi32>
        %shift_right_arithmetic3A_1046 = arith.constant 4 : i32
        %shift_right_arithmetic3A_1047 = vector.broadcast %shift_right_arithmetic3A_1046 : i32 to vector<16xi32>
        %shift_right_arithmetic3A_1048 = arith.shrsi %add3A_1045, %shift_right_arithmetic3A_1047 : vector<16xi32>
        %and3A_1049 = arith.constant 15 : i32
        %and3A_1050 = vector.broadcast %and3A_1049 : i32 to vector<16xi32>
        %and3A_1051 = arith.andi %add3A_1045, %and3A_1050 : vector<16xi32>
        %gather3A_1052 = tpu.vector_load_idx %arg17[%shift_right_arithmetic3A_1048, %and3A_1051] : memref<64x16xi32, #tpu.memory_space<vmem>>[vector<16xi32>, vector<16xi32>], vector<16xi32>,
        %gather3A_1053 = tpu.vector_load_idx %arg16[%shift_right_arithmetic3A_1048, %and3A_1051] : memref<64x16xi32, #tpu.memory_space<vmem>>[vector<16xi32>, vector<16xi32>], vector<16xi32>,
        %convert_element_type3A_1054 = arith.sitofp %gather3A_1053 : vector<16xi32> to vector<16xf32>
        %get3A_1055 = arith.constant 12 : i32
        %get3A_1056 = arith.index_cast %get3A_1055 : i32 to index
        %get3A_1057 = arith.constant 0 : index
        %get3A_1058 = tpu.vector_load %arg21[%get3A_1056, %get3A_1057] {strides = array<i32>} : memref<16x64xf32, #tpu.memory_space<vmem>>, vector<16xf32>,
        %add3A_1059 = arith.constant 0 : i32
        %add3A_1060 = vector.broadcast %add3A_1059 : i32 to vector<16xi32>
        %add3A_1061 = arith.addi %iota3A, %add3A_1060 : vector<16xi32>
        %gather3A_1062 = tpu.vector_load_idx %arg18[%gather3A_1052, %add3A_1061] : memref<8x64xf32, #tpu.memory_space<vmem>>[vector<16xi32>, vector<16xi32>], vector<16xf32>,
        %add3A_1063 = arith.addf %get3A_1058, %gather3A_1062 : vector<16xf32>
        %max3A_1064 = arith.constant 0.000000e+00 : f32
        %max3A_1065 = vector.broadcast %max3A_1064 : f32 to vector<16xf32>
        %max3A_1066 = arith.maximumf %add3A_1063, %max3A_1065 : vector<16xf32>
        %mul3A_1067 = arith.mulf %max3A_1066, %convert_element_type3A_1054 : vector<16xf32>
        %add3A_1068 = arith.addf %add3A_1000, %mul3A_1067 : vector<16xf32>
        %get3A_1069 = arith.constant 12 : i32
        %get3A_1070 = arith.index_cast %get3A_1069 : i32 to index
        %get3A_1071 = arith.constant 16 : index
        %get3A_1072 = tpu.vector_load %arg21[%get3A_1070, %get3A_1071] {strides = array<i32>} : memref<16x64xf32, #tpu.memory_space<vmem>>, vector<16xf32>,
        %add3A_1073 = arith.constant 16 : i32
        %add3A_1074 = vector.broadcast %add3A_1073 : i32 to vector<16xi32>
        %add3A_1075 = arith.addi %iota3A, %add3A_1074 : vector<16xi32>
        %gather3A_1076 = tpu.vector_load_idx %arg18[%gather3A_1052, %add3A_1075] : memref<8x64xf32, #tpu.memory_space<vmem>>[vector<16xi32>, vector<16xi32>], vector<16xf32>,
        %add3A_1077 = arith.addf %get3A_1072, %gather3A_1076 : vector<16xf32>
        %max3A_1078 = arith.constant 0.000000e+00 : f32
        %max3A_1079 = vector.broadcast %max3A_1078 : f32 to vector<16xf32>
        %max3A_1080 = arith.maximumf %add3A_1077, %max3A_1079 : vector<16xf32>
        %mul3A_1081 = arith.mulf %max3A_1080, %convert_element_type3A_1054 : vector<16xf32>
        %add3A_1082 = arith.addf %add3A_1014, %mul3A_1081 : vector<16xf32>
        %get3A_1083 = arith.constant 12 : i32
        %get3A_1084 = arith.index_cast %get3A_1083 : i32 to index
        %get3A_1085 = arith.constant 32 : index
        %get3A_1086 = tpu.vector_load %arg21[%get3A_1084, %get3A_1085] {strides = array<i32>} : memref<16x64xf32, #tpu.memory_space<vmem>>, vector<16xf32>,
        %add3A_1087 = arith.constant 32 : i32
        %add3A_1088 = vector.broadcast %add3A_1087 : i32 to vector<16xi32>
        %add3A_1089 = arith.addi %iota3A, %add3A_1088 : vector<16xi32>
        %gather3A_1090 = tpu.vector_load_idx %arg18[%gather3A_1052, %add3A_1089] : memref<8x64xf32, #tpu.memory_space<vmem>>[vector<16xi32>, vector<16xi32>], vector<16xf32>,
        %add3A_1091 = arith.addf %get3A_1086, %gather3A_1090 : vector<16xf32>
        %max3A_1092 = arith.constant 0.000000e+00 : f32
        %max3A_1093 = vector.broadcast %max3A_1092 : f32 to vector<16xf32>
        %max3A_1094 = arith.maximumf %add3A_1091, %max3A_1093 : vector<16xf32>
        %mul3A_1095 = arith.mulf %max3A_1094, %convert_element_type3A_1054 : vector<16xf32>
        %add3A_1096 = arith.addf %add3A_1028, %mul3A_1095 : vector<16xf32>
        %get3A_1097 = arith.constant 12 : i32
        %get3A_1098 = arith.index_cast %get3A_1097 : i32 to index
        %get3A_1099 = arith.constant 48 : index
        %get3A_1100 = tpu.vector_load %arg21[%get3A_1098, %get3A_1099] {strides = array<i32>} : memref<16x64xf32, #tpu.memory_space<vmem>>, vector<16xf32>,
        %add3A_1101 = arith.constant 48 : i32
        %add3A_1102 = vector.broadcast %add3A_1101 : i32 to vector<16xi32>
        %add3A_1103 = arith.addi %iota3A, %add3A_1102 : vector<16xi32>
        %gather3A_1104 = tpu.vector_load_idx %arg18[%gather3A_1052, %add3A_1103] : memref<8x64xf32, #tpu.memory_space<vmem>>[vector<16xi32>, vector<16xi32>], vector<16xf32>,
        %add3A_1105 = arith.addf %get3A_1100, %gather3A_1104 : vector<16xf32>
        %max3A_1106 = arith.constant 0.000000e+00 : f32
        %max3A_1107 = vector.broadcast %max3A_1106 : f32 to vector<16xf32>
        %max3A_1108 = arith.maximumf %add3A_1105, %max3A_1107 : vector<16xf32>
        %mul3A_1109 = arith.mulf %max3A_1108, %convert_element_type3A_1054 : vector<16xf32>
        %add3A_1110 = arith.addf %add3A_1042, %mul3A_1109 : vector<16xf32>
        %add3A_1111 = arith.constant 13 : i32
        %add3A_1112 = vector.broadcast %add3A_1111 : i32 to vector<16xi32>
        %add3A_1113 = arith.addi %add3A_92, %add3A_1112 : vector<16xi32>
        %shift_right_arithmetic3A_1114 = arith.constant 4 : i32
        %shift_right_arithmetic3A_1115 = vector.broadcast %shift_right_arithmetic3A_1114 : i32 to vector<16xi32>
        %shift_right_arithmetic3A_1116 = arith.shrsi %add3A_1113, %shift_right_arithmetic3A_1115 : vector<16xi32>
        %and3A_1117 = arith.constant 15 : i32
        %and3A_1118 = vector.broadcast %and3A_1117 : i32 to vector<16xi32>
        %and3A_1119 = arith.andi %add3A_1113, %and3A_1118 : vector<16xi32>
        %gather3A_1120 = tpu.vector_load_idx %arg17[%shift_right_arithmetic3A_1116, %and3A_1119] : memref<64x16xi32, #tpu.memory_space<vmem>>[vector<16xi32>, vector<16xi32>], vector<16xi32>,
        %gather3A_1121 = tpu.vector_load_idx %arg16[%shift_right_arithmetic3A_1116, %and3A_1119] : memref<64x16xi32, #tpu.memory_space<vmem>>[vector<16xi32>, vector<16xi32>], vector<16xi32>,
        %convert_element_type3A_1122 = arith.sitofp %gather3A_1121 : vector<16xi32> to vector<16xf32>
        %get3A_1123 = arith.constant 13 : i32
        %get3A_1124 = arith.index_cast %get3A_1123 : i32 to index
        %get3A_1125 = arith.constant 0 : index
        %get3A_1126 = tpu.vector_load %arg21[%get3A_1124, %get3A_1125] {strides = array<i32>} : memref<16x64xf32, #tpu.memory_space<vmem>>, vector<16xf32>,
        %add3A_1127 = arith.constant 0 : i32
        %add3A_1128 = vector.broadcast %add3A_1127 : i32 to vector<16xi32>
        %add3A_1129 = arith.addi %iota3A, %add3A_1128 : vector<16xi32>
        %gather3A_1130 = tpu.vector_load_idx %arg18[%gather3A_1120, %add3A_1129] : memref<8x64xf32, #tpu.memory_space<vmem>>[vector<16xi32>, vector<16xi32>], vector<16xf32>,
        %add3A_1131 = arith.addf %get3A_1126, %gather3A_1130 : vector<16xf32>
        %max3A_1132 = arith.constant 0.000000e+00 : f32
        %max3A_1133 = vector.broadcast %max3A_1132 : f32 to vector<16xf32>
        %max3A_1134 = arith.maximumf %add3A_1131, %max3A_1133 : vector<16xf32>
        %mul3A_1135 = arith.mulf %max3A_1134, %convert_element_type3A_1122 : vector<16xf32>
        %add3A_1136 = arith.addf %add3A_1068, %mul3A_1135 : vector<16xf32>
        %get3A_1137 = arith.constant 13 : i32
        %get3A_1138 = arith.index_cast %get3A_1137 : i32 to index
        %get3A_1139 = arith.constant 16 : index
        %get3A_1140 = tpu.vector_load %arg21[%get3A_1138, %get3A_1139] {strides = array<i32>} : memref<16x64xf32, #tpu.memory_space<vmem>>, vector<16xf32>,
        %add3A_1141 = arith.constant 16 : i32
        %add3A_1142 = vector.broadcast %add3A_1141 : i32 to vector<16xi32>
        %add3A_1143 = arith.addi %iota3A, %add3A_1142 : vector<16xi32>
        %gather3A_1144 = tpu.vector_load_idx %arg18[%gather3A_1120, %add3A_1143] : memref<8x64xf32, #tpu.memory_space<vmem>>[vector<16xi32>, vector<16xi32>], vector<16xf32>,
        %add3A_1145 = arith.addf %get3A_1140, %gather3A_1144 : vector<16xf32>
        %max3A_1146 = arith.constant 0.000000e+00 : f32
        %max3A_1147 = vector.broadcast %max3A_1146 : f32 to vector<16xf32>
        %max3A_1148 = arith.maximumf %add3A_1145, %max3A_1147 : vector<16xf32>
        %mul3A_1149 = arith.mulf %max3A_1148, %convert_element_type3A_1122 : vector<16xf32>
        %add3A_1150 = arith.addf %add3A_1082, %mul3A_1149 : vector<16xf32>
        %get3A_1151 = arith.constant 13 : i32
        %get3A_1152 = arith.index_cast %get3A_1151 : i32 to index
        %get3A_1153 = arith.constant 32 : index
        %get3A_1154 = tpu.vector_load %arg21[%get3A_1152, %get3A_1153] {strides = array<i32>} : memref<16x64xf32, #tpu.memory_space<vmem>>, vector<16xf32>,
        %add3A_1155 = arith.constant 32 : i32
        %add3A_1156 = vector.broadcast %add3A_1155 : i32 to vector<16xi32>
        %add3A_1157 = arith.addi %iota3A, %add3A_1156 : vector<16xi32>
        %gather3A_1158 = tpu.vector_load_idx %arg18[%gather3A_1120, %add3A_1157] : memref<8x64xf32, #tpu.memory_space<vmem>>[vector<16xi32>, vector<16xi32>], vector<16xf32>,
        %add3A_1159 = arith.addf %get3A_1154, %gather3A_1158 : vector<16xf32>
        %max3A_1160 = arith.constant 0.000000e+00 : f32
        %max3A_1161 = vector.broadcast %max3A_1160 : f32 to vector<16xf32>
        %max3A_1162 = arith.maximumf %add3A_1159, %max3A_1161 : vector<16xf32>
        %mul3A_1163 = arith.mulf %max3A_1162, %convert_element_type3A_1122 : vector<16xf32>
        %add3A_1164 = arith.addf %add3A_1096, %mul3A_1163 : vector<16xf32>
        %get3A_1165 = arith.constant 13 : i32
        %get3A_1166 = arith.index_cast %get3A_1165 : i32 to index
        %get3A_1167 = arith.constant 48 : index
        %get3A_1168 = tpu.vector_load %arg21[%get3A_1166, %get3A_1167] {strides = array<i32>} : memref<16x64xf32, #tpu.memory_space<vmem>>, vector<16xf32>,
        %add3A_1169 = arith.constant 48 : i32
        %add3A_1170 = vector.broadcast %add3A_1169 : i32 to vector<16xi32>
        %add3A_1171 = arith.addi %iota3A, %add3A_1170 : vector<16xi32>
        %gather3A_1172 = tpu.vector_load_idx %arg18[%gather3A_1120, %add3A_1171] : memref<8x64xf32, #tpu.memory_space<vmem>>[vector<16xi32>, vector<16xi32>], vector<16xf32>,
        %add3A_1173 = arith.addf %get3A_1168, %gather3A_1172 : vector<16xf32>
        %max3A_1174 = arith.constant 0.000000e+00 : f32
        %max3A_1175 = vector.broadcast %max3A_1174 : f32 to vector<16xf32>
        %max3A_1176 = arith.maximumf %add3A_1173, %max3A_1175 : vector<16xf32>
        %mul3A_1177 = arith.mulf %max3A_1176, %convert_element_type3A_1122 : vector<16xf32>
        %add3A_1178 = arith.addf %add3A_1110, %mul3A_1177 : vector<16xf32>
        %add3A_1179 = arith.constant 14 : i32
        %add3A_1180 = vector.broadcast %add3A_1179 : i32 to vector<16xi32>
        %add3A_1181 = arith.addi %add3A_92, %add3A_1180 : vector<16xi32>
        %shift_right_arithmetic3A_1182 = arith.constant 4 : i32
        %shift_right_arithmetic3A_1183 = vector.broadcast %shift_right_arithmetic3A_1182 : i32 to vector<16xi32>
        %shift_right_arithmetic3A_1184 = arith.shrsi %add3A_1181, %shift_right_arithmetic3A_1183 : vector<16xi32>
        %and3A_1185 = arith.constant 15 : i32
        %and3A_1186 = vector.broadcast %and3A_1185 : i32 to vector<16xi32>
        %and3A_1187 = arith.andi %add3A_1181, %and3A_1186 : vector<16xi32>
        %gather3A_1188 = tpu.vector_load_idx %arg17[%shift_right_arithmetic3A_1184, %and3A_1187] : memref<64x16xi32, #tpu.memory_space<vmem>>[vector<16xi32>, vector<16xi32>], vector<16xi32>,
        %gather3A_1189 = tpu.vector_load_idx %arg16[%shift_right_arithmetic3A_1184, %and3A_1187] : memref<64x16xi32, #tpu.memory_space<vmem>>[vector<16xi32>, vector<16xi32>], vector<16xi32>,
        %convert_element_type3A_1190 = arith.sitofp %gather3A_1189 : vector<16xi32> to vector<16xf32>
        %get3A_1191 = arith.constant 14 : i32
        %get3A_1192 = arith.index_cast %get3A_1191 : i32 to index
        %get3A_1193 = arith.constant 0 : index
        %get3A_1194 = tpu.vector_load %arg21[%get3A_1192, %get3A_1193] {strides = array<i32>} : memref<16x64xf32, #tpu.memory_space<vmem>>, vector<16xf32>,
        %add3A_1195 = arith.constant 0 : i32
        %add3A_1196 = vector.broadcast %add3A_1195 : i32 to vector<16xi32>
        %add3A_1197 = arith.addi %iota3A, %add3A_1196 : vector<16xi32>
        %gather3A_1198 = tpu.vector_load_idx %arg18[%gather3A_1188, %add3A_1197] : memref<8x64xf32, #tpu.memory_space<vmem>>[vector<16xi32>, vector<16xi32>], vector<16xf32>,
        %add3A_1199 = arith.addf %get3A_1194, %gather3A_1198 : vector<16xf32>
        %max3A_1200 = arith.constant 0.000000e+00 : f32
        %max3A_1201 = vector.broadcast %max3A_1200 : f32 to vector<16xf32>
        %max3A_1202 = arith.maximumf %add3A_1199, %max3A_1201 : vector<16xf32>
        %mul3A_1203 = arith.mulf %max3A_1202, %convert_element_type3A_1190 : vector<16xf32>
        %add3A_1204 = arith.addf %add3A_1136, %mul3A_1203 : vector<16xf32>
        %get3A_1205 = arith.constant 14 : i32
        %get3A_1206 = arith.index_cast %get3A_1205 : i32 to index
        %get3A_1207 = arith.constant 16 : index
        %get3A_1208 = tpu.vector_load %arg21[%get3A_1206, %get3A_1207] {strides = array<i32>} : memref<16x64xf32, #tpu.memory_space<vmem>>, vector<16xf32>,
        %add3A_1209 = arith.constant 16 : i32
        %add3A_1210 = vector.broadcast %add3A_1209 : i32 to vector<16xi32>
        %add3A_1211 = arith.addi %iota3A, %add3A_1210 : vector<16xi32>
        %gather3A_1212 = tpu.vector_load_idx %arg18[%gather3A_1188, %add3A_1211] : memref<8x64xf32, #tpu.memory_space<vmem>>[vector<16xi32>, vector<16xi32>], vector<16xf32>,
        %add3A_1213 = arith.addf %get3A_1208, %gather3A_1212 : vector<16xf32>
        %max3A_1214 = arith.constant 0.000000e+00 : f32
        %max3A_1215 = vector.broadcast %max3A_1214 : f32 to vector<16xf32>
        %max3A_1216 = arith.maximumf %add3A_1213, %max3A_1215 : vector<16xf32>
        %mul3A_1217 = arith.mulf %max3A_1216, %convert_element_type3A_1190 : vector<16xf32>
        %add3A_1218 = arith.addf %add3A_1150, %mul3A_1217 : vector<16xf32>
        %get3A_1219 = arith.constant 14 : i32
        %get3A_1220 = arith.index_cast %get3A_1219 : i32 to index
        %get3A_1221 = arith.constant 32 : index
        %get3A_1222 = tpu.vector_load %arg21[%get3A_1220, %get3A_1221] {strides = array<i32>} : memref<16x64xf32, #tpu.memory_space<vmem>>, vector<16xf32>,
        %add3A_1223 = arith.constant 32 : i32
        %add3A_1224 = vector.broadcast %add3A_1223 : i32 to vector<16xi32>
        %add3A_1225 = arith.addi %iota3A, %add3A_1224 : vector<16xi32>
        %gather3A_1226 = tpu.vector_load_idx %arg18[%gather3A_1188, %add3A_1225] : memref<8x64xf32, #tpu.memory_space<vmem>>[vector<16xi32>, vector<16xi32>], vector<16xf32>,
        %add3A_1227 = arith.addf %get3A_1222, %gather3A_1226 : vector<16xf32>
        %max3A_1228 = arith.constant 0.000000e+00 : f32
        %max3A_1229 = vector.broadcast %max3A_1228 : f32 to vector<16xf32>
        %max3A_1230 = arith.maximumf %add3A_1227, %max3A_1229 : vector<16xf32>
        %mul3A_1231 = arith.mulf %max3A_1230, %convert_element_type3A_1190 : vector<16xf32>
        %add3A_1232 = arith.addf %add3A_1164, %mul3A_1231 : vector<16xf32>
        %get3A_1233 = arith.constant 14 : i32
        %get3A_1234 = arith.index_cast %get3A_1233 : i32 to index
        %get3A_1235 = arith.constant 48 : index
        %get3A_1236 = tpu.vector_load %arg21[%get3A_1234, %get3A_1235] {strides = array<i32>} : memref<16x64xf32, #tpu.memory_space<vmem>>, vector<16xf32>,
        %add3A_1237 = arith.constant 48 : i32
        %add3A_1238 = vector.broadcast %add3A_1237 : i32 to vector<16xi32>
        %add3A_1239 = arith.addi %iota3A, %add3A_1238 : vector<16xi32>
        %gather3A_1240 = tpu.vector_load_idx %arg18[%gather3A_1188, %add3A_1239] : memref<8x64xf32, #tpu.memory_space<vmem>>[vector<16xi32>, vector<16xi32>], vector<16xf32>,
        %add3A_1241 = arith.addf %get3A_1236, %gather3A_1240 : vector<16xf32>
        %max3A_1242 = arith.constant 0.000000e+00 : f32
        %max3A_1243 = vector.broadcast %max3A_1242 : f32 to vector<16xf32>
        %max3A_1244 = arith.maximumf %add3A_1241, %max3A_1243 : vector<16xf32>
        %mul3A_1245 = arith.mulf %max3A_1244, %convert_element_type3A_1190 : vector<16xf32>
        %add3A_1246 = arith.addf %add3A_1178, %mul3A_1245 : vector<16xf32>
        %add3A_1247 = arith.constant 15 : i32
        %add3A_1248 = vector.broadcast %add3A_1247 : i32 to vector<16xi32>
        %add3A_1249 = arith.addi %add3A_92, %add3A_1248 : vector<16xi32>
        %shift_right_arithmetic3A_1250 = arith.constant 4 : i32
        %shift_right_arithmetic3A_1251 = vector.broadcast %shift_right_arithmetic3A_1250 : i32 to vector<16xi32>
        %shift_right_arithmetic3A_1252 = arith.shrsi %add3A_1249, %shift_right_arithmetic3A_1251 : vector<16xi32>
        %and3A_1253 = arith.constant 15 : i32
        %and3A_1254 = vector.broadcast %and3A_1253 : i32 to vector<16xi32>
        %and3A_1255 = arith.andi %add3A_1249, %and3A_1254 : vector<16xi32>
        %gather3A_1256 = tpu.vector_load_idx %arg17[%shift_right_arithmetic3A_1252, %and3A_1255] : memref<64x16xi32, #tpu.memory_space<vmem>>[vector<16xi32>, vector<16xi32>], vector<16xi32>,
        %gather3A_1257 = tpu.vector_load_idx %arg16[%shift_right_arithmetic3A_1252, %and3A_1255] : memref<64x16xi32, #tpu.memory_space<vmem>>[vector<16xi32>, vector<16xi32>], vector<16xi32>,
        %convert_element_type3A_1258 = arith.sitofp %gather3A_1257 : vector<16xi32> to vector<16xf32>
        %get3A_1259 = arith.constant 15 : i32
        %get3A_1260 = arith.index_cast %get3A_1259 : i32 to index
        %get3A_1261 = arith.constant 0 : index
        %get3A_1262 = tpu.vector_load %arg21[%get3A_1260, %get3A_1261] {strides = array<i32>} : memref<16x64xf32, #tpu.memory_space<vmem>>, vector<16xf32>,
        %add3A_1263 = arith.constant 0 : i32
        %add3A_1264 = vector.broadcast %add3A_1263 : i32 to vector<16xi32>
        %add3A_1265 = arith.addi %iota3A, %add3A_1264 : vector<16xi32>
        %gather3A_1266 = tpu.vector_load_idx %arg18[%gather3A_1256, %add3A_1265] : memref<8x64xf32, #tpu.memory_space<vmem>>[vector<16xi32>, vector<16xi32>], vector<16xf32>,
        %add3A_1267 = arith.addf %get3A_1262, %gather3A_1266 : vector<16xf32>
        %max3A_1268 = arith.constant 0.000000e+00 : f32
        %max3A_1269 = vector.broadcast %max3A_1268 : f32 to vector<16xf32>
        %max3A_1270 = arith.maximumf %add3A_1267, %max3A_1269 : vector<16xf32>
        %mul3A_1271 = arith.mulf %max3A_1270, %convert_element_type3A_1258 : vector<16xf32>
        %add3A_1272 = arith.addf %add3A_1204, %mul3A_1271 : vector<16xf32>
        %get3A_1273 = arith.constant 15 : i32
        %get3A_1274 = arith.index_cast %get3A_1273 : i32 to index
        %get3A_1275 = arith.constant 16 : index
        %get3A_1276 = tpu.vector_load %arg21[%get3A_1274, %get3A_1275] {strides = array<i32>} : memref<16x64xf32, #tpu.memory_space<vmem>>, vector<16xf32>,
        %add3A_1277 = arith.constant 16 : i32
        %add3A_1278 = vector.broadcast %add3A_1277 : i32 to vector<16xi32>
        %add3A_1279 = arith.addi %iota3A, %add3A_1278 : vector<16xi32>
        %gather3A_1280 = tpu.vector_load_idx %arg18[%gather3A_1256, %add3A_1279] : memref<8x64xf32, #tpu.memory_space<vmem>>[vector<16xi32>, vector<16xi32>], vector<16xf32>,
        %add3A_1281 = arith.addf %get3A_1276, %gather3A_1280 : vector<16xf32>
        %max3A_1282 = arith.constant 0.000000e+00 : f32
        %max3A_1283 = vector.broadcast %max3A_1282 : f32 to vector<16xf32>
        %max3A_1284 = arith.maximumf %add3A_1281, %max3A_1283 : vector<16xf32>
        %mul3A_1285 = arith.mulf %max3A_1284, %convert_element_type3A_1258 : vector<16xf32>
        %add3A_1286 = arith.addf %add3A_1218, %mul3A_1285 : vector<16xf32>
        %get3A_1287 = arith.constant 15 : i32
        %get3A_1288 = arith.index_cast %get3A_1287 : i32 to index
        %get3A_1289 = arith.constant 32 : index
        %get3A_1290 = tpu.vector_load %arg21[%get3A_1288, %get3A_1289] {strides = array<i32>} : memref<16x64xf32, #tpu.memory_space<vmem>>, vector<16xf32>,
        %add3A_1291 = arith.constant 32 : i32
        %add3A_1292 = vector.broadcast %add3A_1291 : i32 to vector<16xi32>
        %add3A_1293 = arith.addi %iota3A, %add3A_1292 : vector<16xi32>
        %gather3A_1294 = tpu.vector_load_idx %arg18[%gather3A_1256, %add3A_1293] : memref<8x64xf32, #tpu.memory_space<vmem>>[vector<16xi32>, vector<16xi32>], vector<16xf32>,
        %add3A_1295 = arith.addf %get3A_1290, %gather3A_1294 : vector<16xf32>
        %max3A_1296 = arith.constant 0.000000e+00 : f32
        %max3A_1297 = vector.broadcast %max3A_1296 : f32 to vector<16xf32>
        %max3A_1298 = arith.maximumf %add3A_1295, %max3A_1297 : vector<16xf32>
        %mul3A_1299 = arith.mulf %max3A_1298, %convert_element_type3A_1258 : vector<16xf32>
        %add3A_1300 = arith.addf %add3A_1232, %mul3A_1299 : vector<16xf32>
        %get3A_1301 = arith.constant 15 : i32
        %get3A_1302 = arith.index_cast %get3A_1301 : i32 to index
        %get3A_1303 = arith.constant 48 : index
        %get3A_1304 = tpu.vector_load %arg21[%get3A_1302, %get3A_1303] {strides = array<i32>} : memref<16x64xf32, #tpu.memory_space<vmem>>, vector<16xf32>,
        %add3A_1305 = arith.constant 48 : i32
        %add3A_1306 = vector.broadcast %add3A_1305 : i32 to vector<16xi32>
        %add3A_1307 = arith.addi %iota3A, %add3A_1306 : vector<16xi32>
        %gather3A_1308 = tpu.vector_load_idx %arg18[%gather3A_1256, %add3A_1307] : memref<8x64xf32, #tpu.memory_space<vmem>>[vector<16xi32>, vector<16xi32>], vector<16xf32>,
        %add3A_1309 = arith.addf %get3A_1304, %gather3A_1308 : vector<16xf32>
        %max3A_1310 = arith.constant 0.000000e+00 : f32
        %max3A_1311 = vector.broadcast %max3A_1310 : f32 to vector<16xf32>
        %max3A_1312 = arith.maximumf %add3A_1309, %max3A_1311 : vector<16xf32>
        %mul3A_1313 = arith.mulf %max3A_1312, %convert_element_type3A_1258 : vector<16xf32>
        %add3A_1314 = arith.addf %add3A_1246, %mul3A_1313 : vector<16xf32>
        %dma_wait3A_1315 = arith.constant 0 : i32
        %dma_wait3A_1316 = arith.constant 0 : i32
        %dma_wait3A_1317 = tpu.memref_slice %arg6[%dma_wait3A_1315, %dma_wait3A_1316] : memref<100000x64xf32, #tpu.memory_space<hbm>> -> memref<100000x64xf32, #tpu.memory_space<hbm>>
        tpu.wait_indirect_dma semaphore(%arg29 : memref<!tpu.dma_semaphore, #tpu.memory_space<semaphore_mem>>) src(%dma_wait3A_1317 : memref<100000x64xf32, #tpu.memory_space<hbm>>) dst(%arg22 : memref<16x64xf32, #tpu.memory_space<vmem>>)
        %add3A_1318 = arith.constant 16 : i32
        %add3A_1319 = vector.broadcast %add3A_1318 : i32 to vector<16xi32>
        %add3A_1320 = arith.addi %add3A_92, %add3A_1319 : vector<16xi32>
        %shift_right_arithmetic3A_1321 = arith.constant 4 : i32
        %shift_right_arithmetic3A_1322 = vector.broadcast %shift_right_arithmetic3A_1321 : i32 to vector<16xi32>
        %shift_right_arithmetic3A_1323 = arith.shrsi %add3A_1320, %shift_right_arithmetic3A_1322 : vector<16xi32>
        %and3A_1324 = arith.constant 15 : i32
        %and3A_1325 = vector.broadcast %and3A_1324 : i32 to vector<16xi32>
        %and3A_1326 = arith.andi %add3A_1320, %and3A_1325 : vector<16xi32>
        %gather3A_1327 = tpu.vector_load_idx %arg17[%shift_right_arithmetic3A_1323, %and3A_1326] : memref<64x16xi32, #tpu.memory_space<vmem>>[vector<16xi32>, vector<16xi32>], vector<16xi32>,
        %gather3A_1328 = tpu.vector_load_idx %arg16[%shift_right_arithmetic3A_1323, %and3A_1326] : memref<64x16xi32, #tpu.memory_space<vmem>>[vector<16xi32>, vector<16xi32>], vector<16xi32>,
        %convert_element_type3A_1329 = arith.sitofp %gather3A_1328 : vector<16xi32> to vector<16xf32>
        %get3A_1330 = arith.constant 0 : i32
        %get3A_1331 = arith.index_cast %get3A_1330 : i32 to index
        %get3A_1332 = arith.constant 0 : index
        %get3A_1333 = tpu.vector_load %arg22[%get3A_1331, %get3A_1332] {strides = array<i32>} : memref<16x64xf32, #tpu.memory_space<vmem>>, vector<16xf32>,
        %add3A_1334 = arith.constant 0 : i32
        %add3A_1335 = vector.broadcast %add3A_1334 : i32 to vector<16xi32>
        %add3A_1336 = arith.addi %iota3A, %add3A_1335 : vector<16xi32>
        %gather3A_1337 = tpu.vector_load_idx %arg18[%gather3A_1327, %add3A_1336] : memref<8x64xf32, #tpu.memory_space<vmem>>[vector<16xi32>, vector<16xi32>], vector<16xf32>,
        %add3A_1338 = arith.addf %get3A_1333, %gather3A_1337 : vector<16xf32>
        %max3A_1339 = arith.constant 0.000000e+00 : f32
        %max3A_1340 = vector.broadcast %max3A_1339 : f32 to vector<16xf32>
        %max3A_1341 = arith.maximumf %add3A_1338, %max3A_1340 : vector<16xf32>
        %mul3A_1342 = arith.mulf %max3A_1341, %convert_element_type3A_1329 : vector<16xf32>
        %add3A_1343 = arith.addf %add3A_1272, %mul3A_1342 : vector<16xf32>
        %get3A_1344 = arith.constant 0 : i32
        %get3A_1345 = arith.index_cast %get3A_1344 : i32 to index
        %get3A_1346 = arith.constant 16 : index
        %get3A_1347 = tpu.vector_load %arg22[%get3A_1345, %get3A_1346] {strides = array<i32>} : memref<16x64xf32, #tpu.memory_space<vmem>>, vector<16xf32>,
        %add3A_1348 = arith.constant 16 : i32
        %add3A_1349 = vector.broadcast %add3A_1348 : i32 to vector<16xi32>
        %add3A_1350 = arith.addi %iota3A, %add3A_1349 : vector<16xi32>
        %gather3A_1351 = tpu.vector_load_idx %arg18[%gather3A_1327, %add3A_1350] : memref<8x64xf32, #tpu.memory_space<vmem>>[vector<16xi32>, vector<16xi32>], vector<16xf32>,
        %add3A_1352 = arith.addf %get3A_1347, %gather3A_1351 : vector<16xf32>
        %max3A_1353 = arith.constant 0.000000e+00 : f32
        %max3A_1354 = vector.broadcast %max3A_1353 : f32 to vector<16xf32>
        %max3A_1355 = arith.maximumf %add3A_1352, %max3A_1354 : vector<16xf32>
        %mul3A_1356 = arith.mulf %max3A_1355, %convert_element_type3A_1329 : vector<16xf32>
        %add3A_1357 = arith.addf %add3A_1286, %mul3A_1356 : vector<16xf32>
        %get3A_1358 = arith.constant 0 : i32
        %get3A_1359 = arith.index_cast %get3A_1358 : i32 to index
        %get3A_1360 = arith.constant 32 : index
        %get3A_1361 = tpu.vector_load %arg22[%get3A_1359, %get3A_1360] {strides = array<i32>} : memref<16x64xf32, #tpu.memory_space<vmem>>, vector<16xf32>,
        %add3A_1362 = arith.constant 32 : i32
        %add3A_1363 = vector.broadcast %add3A_1362 : i32 to vector<16xi32>
        %add3A_1364 = arith.addi %iota3A, %add3A_1363 : vector<16xi32>
        %gather3A_1365 = tpu.vector_load_idx %arg18[%gather3A_1327, %add3A_1364] : memref<8x64xf32, #tpu.memory_space<vmem>>[vector<16xi32>, vector<16xi32>], vector<16xf32>,
        %add3A_1366 = arith.addf %get3A_1361, %gather3A_1365 : vector<16xf32>
        %max3A_1367 = arith.constant 0.000000e+00 : f32
        %max3A_1368 = vector.broadcast %max3A_1367 : f32 to vector<16xf32>
        %max3A_1369 = arith.maximumf %add3A_1366, %max3A_1368 : vector<16xf32>
        %mul3A_1370 = arith.mulf %max3A_1369, %convert_element_type3A_1329 : vector<16xf32>
        %add3A_1371 = arith.addf %add3A_1300, %mul3A_1370 : vector<16xf32>
        %get3A_1372 = arith.constant 0 : i32
        %get3A_1373 = arith.index_cast %get3A_1372 : i32 to index
        %get3A_1374 = arith.constant 48 : index
        %get3A_1375 = tpu.vector_load %arg22[%get3A_1373, %get3A_1374] {strides = array<i32>} : memref<16x64xf32, #tpu.memory_space<vmem>>, vector<16xf32>,
        %add3A_1376 = arith.constant 48 : i32
        %add3A_1377 = vector.broadcast %add3A_1376 : i32 to vector<16xi32>
        %add3A_1378 = arith.addi %iota3A, %add3A_1377 : vector<16xi32>
        %gather3A_1379 = tpu.vector_load_idx %arg18[%gather3A_1327, %add3A_1378] : memref<8x64xf32, #tpu.memory_space<vmem>>[vector<16xi32>, vector<16xi32>], vector<16xf32>,
        %add3A_1380 = arith.addf %get3A_1375, %gather3A_1379 : vector<16xf32>
        %max3A_1381 = arith.constant 0.000000e+00 : f32
        %max3A_1382 = vector.broadcast %max3A_1381 : f32 to vector<16xf32>
        %max3A_1383 = arith.maximumf %add3A_1380, %max3A_1382 : vector<16xf32>
        %mul3A_1384 = arith.mulf %max3A_1383, %convert_element_type3A_1329 : vector<16xf32>
        %add3A_1385 = arith.addf %add3A_1314, %mul3A_1384 : vector<16xf32>
        %add3A_1386 = arith.constant 17 : i32
        %add3A_1387 = vector.broadcast %add3A_1386 : i32 to vector<16xi32>
        %add3A_1388 = arith.addi %add3A_92, %add3A_1387 : vector<16xi32>
        %shift_right_arithmetic3A_1389 = arith.constant 4 : i32
        %shift_right_arithmetic3A_1390 = vector.broadcast %shift_right_arithmetic3A_1389 : i32 to vector<16xi32>
        %shift_right_arithmetic3A_1391 = arith.shrsi %add3A_1388, %shift_right_arithmetic3A_1390 : vector<16xi32>
        %and3A_1392 = arith.constant 15 : i32
        %and3A_1393 = vector.broadcast %and3A_1392 : i32 to vector<16xi32>
        %and3A_1394 = arith.andi %add3A_1388, %and3A_1393 : vector<16xi32>
        %gather3A_1395 = tpu.vector_load_idx %arg17[%shift_right_arithmetic3A_1391, %and3A_1394] : memref<64x16xi32, #tpu.memory_space<vmem>>[vector<16xi32>, vector<16xi32>], vector<16xi32>,
        %gather3A_1396 = tpu.vector_load_idx %arg16[%shift_right_arithmetic3A_1391, %and3A_1394] : memref<64x16xi32, #tpu.memory_space<vmem>>[vector<16xi32>, vector<16xi32>], vector<16xi32>,
        %convert_element_type3A_1397 = arith.sitofp %gather3A_1396 : vector<16xi32> to vector<16xf32>
        %get3A_1398 = arith.constant 1 : i32
        %get3A_1399 = arith.index_cast %get3A_1398 : i32 to index
        %get3A_1400 = arith.constant 0 : index
        %get3A_1401 = tpu.vector_load %arg22[%get3A_1399, %get3A_1400] {strides = array<i32>} : memref<16x64xf32, #tpu.memory_space<vmem>>, vector<16xf32>,
        %add3A_1402 = arith.constant 0 : i32
        %add3A_1403 = vector.broadcast %add3A_1402 : i32 to vector<16xi32>
        %add3A_1404 = arith.addi %iota3A, %add3A_1403 : vector<16xi32>
        %gather3A_1405 = tpu.vector_load_idx %arg18[%gather3A_1395, %add3A_1404] : memref<8x64xf32, #tpu.memory_space<vmem>>[vector<16xi32>, vector<16xi32>], vector<16xf32>,
        %add3A_1406 = arith.addf %get3A_1401, %gather3A_1405 : vector<16xf32>
        %max3A_1407 = arith.constant 0.000000e+00 : f32
        %max3A_1408 = vector.broadcast %max3A_1407 : f32 to vector<16xf32>
        %max3A_1409 = arith.maximumf %add3A_1406, %max3A_1408 : vector<16xf32>
        %mul3A_1410 = arith.mulf %max3A_1409, %convert_element_type3A_1397 : vector<16xf32>
        %add3A_1411 = arith.addf %add3A_1343, %mul3A_1410 : vector<16xf32>
        %get3A_1412 = arith.constant 1 : i32
        %get3A_1413 = arith.index_cast %get3A_1412 : i32 to index
        %get3A_1414 = arith.constant 16 : index
        %get3A_1415 = tpu.vector_load %arg22[%get3A_1413, %get3A_1414] {strides = array<i32>} : memref<16x64xf32, #tpu.memory_space<vmem>>, vector<16xf32>,
        %add3A_1416 = arith.constant 16 : i32
        %add3A_1417 = vector.broadcast %add3A_1416 : i32 to vector<16xi32>
        %add3A_1418 = arith.addi %iota3A, %add3A_1417 : vector<16xi32>
        %gather3A_1419 = tpu.vector_load_idx %arg18[%gather3A_1395, %add3A_1418] : memref<8x64xf32, #tpu.memory_space<vmem>>[vector<16xi32>, vector<16xi32>], vector<16xf32>,
        %add3A_1420 = arith.addf %get3A_1415, %gather3A_1419 : vector<16xf32>
        %max3A_1421 = arith.constant 0.000000e+00 : f32
        %max3A_1422 = vector.broadcast %max3A_1421 : f32 to vector<16xf32>
        %max3A_1423 = arith.maximumf %add3A_1420, %max3A_1422 : vector<16xf32>
        %mul3A_1424 = arith.mulf %max3A_1423, %convert_element_type3A_1397 : vector<16xf32>
        %add3A_1425 = arith.addf %add3A_1357, %mul3A_1424 : vector<16xf32>
        %get3A_1426 = arith.constant 1 : i32
        %get3A_1427 = arith.index_cast %get3A_1426 : i32 to index
        %get3A_1428 = arith.constant 32 : index
        %get3A_1429 = tpu.vector_load %arg22[%get3A_1427, %get3A_1428] {strides = array<i32>} : memref<16x64xf32, #tpu.memory_space<vmem>>, vector<16xf32>,
        %add3A_1430 = arith.constant 32 : i32
        %add3A_1431 = vector.broadcast %add3A_1430 : i32 to vector<16xi32>
        %add3A_1432 = arith.addi %iota3A, %add3A_1431 : vector<16xi32>
        %gather3A_1433 = tpu.vector_load_idx %arg18[%gather3A_1395, %add3A_1432] : memref<8x64xf32, #tpu.memory_space<vmem>>[vector<16xi32>, vector<16xi32>], vector<16xf32>,
        %add3A_1434 = arith.addf %get3A_1429, %gather3A_1433 : vector<16xf32>
        %max3A_1435 = arith.constant 0.000000e+00 : f32
        %max3A_1436 = vector.broadcast %max3A_1435 : f32 to vector<16xf32>
        %max3A_1437 = arith.maximumf %add3A_1434, %max3A_1436 : vector<16xf32>
        %mul3A_1438 = arith.mulf %max3A_1437, %convert_element_type3A_1397 : vector<16xf32>
        %add3A_1439 = arith.addf %add3A_1371, %mul3A_1438 : vector<16xf32>
        %get3A_1440 = arith.constant 1 : i32
        %get3A_1441 = arith.index_cast %get3A_1440 : i32 to index
        %get3A_1442 = arith.constant 48 : index
        %get3A_1443 = tpu.vector_load %arg22[%get3A_1441, %get3A_1442] {strides = array<i32>} : memref<16x64xf32, #tpu.memory_space<vmem>>, vector<16xf32>,
        %add3A_1444 = arith.constant 48 : i32
        %add3A_1445 = vector.broadcast %add3A_1444 : i32 to vector<16xi32>
        %add3A_1446 = arith.addi %iota3A, %add3A_1445 : vector<16xi32>
        %gather3A_1447 = tpu.vector_load_idx %arg18[%gather3A_1395, %add3A_1446] : memref<8x64xf32, #tpu.memory_space<vmem>>[vector<16xi32>, vector<16xi32>], vector<16xf32>,
        %add3A_1448 = arith.addf %get3A_1443, %gather3A_1447 : vector<16xf32>
        %max3A_1449 = arith.constant 0.000000e+00 : f32
        %max3A_1450 = vector.broadcast %max3A_1449 : f32 to vector<16xf32>
        %max3A_1451 = arith.maximumf %add3A_1448, %max3A_1450 : vector<16xf32>
        %mul3A_1452 = arith.mulf %max3A_1451, %convert_element_type3A_1397 : vector<16xf32>
        %add3A_1453 = arith.addf %add3A_1385, %mul3A_1452 : vector<16xf32>
        %add3A_1454 = arith.constant 18 : i32
        %add3A_1455 = vector.broadcast %add3A_1454 : i32 to vector<16xi32>
        %add3A_1456 = arith.addi %add3A_92, %add3A_1455 : vector<16xi32>
        %shift_right_arithmetic3A_1457 = arith.constant 4 : i32
        %shift_right_arithmetic3A_1458 = vector.broadcast %shift_right_arithmetic3A_1457 : i32 to vector<16xi32>
        %shift_right_arithmetic3A_1459 = arith.shrsi %add3A_1456, %shift_right_arithmetic3A_1458 : vector<16xi32>
        %and3A_1460 = arith.constant 15 : i32
        %and3A_1461 = vector.broadcast %and3A_1460 : i32 to vector<16xi32>
        %and3A_1462 = arith.andi %add3A_1456, %and3A_1461 : vector<16xi32>
        %gather3A_1463 = tpu.vector_load_idx %arg17[%shift_right_arithmetic3A_1459, %and3A_1462] : memref<64x16xi32, #tpu.memory_space<vmem>>[vector<16xi32>, vector<16xi32>], vector<16xi32>,
        %gather3A_1464 = tpu.vector_load_idx %arg16[%shift_right_arithmetic3A_1459, %and3A_1462] : memref<64x16xi32, #tpu.memory_space<vmem>>[vector<16xi32>, vector<16xi32>], vector<16xi32>,
        %convert_element_type3A_1465 = arith.sitofp %gather3A_1464 : vector<16xi32> to vector<16xf32>
        %get3A_1466 = arith.constant 2 : i32
        %get3A_1467 = arith.index_cast %get3A_1466 : i32 to index
        %get3A_1468 = arith.constant 0 : index
        %get3A_1469 = tpu.vector_load %arg22[%get3A_1467, %get3A_1468] {strides = array<i32>} : memref<16x64xf32, #tpu.memory_space<vmem>>, vector<16xf32>,
        %add3A_1470 = arith.constant 0 : i32
        %add3A_1471 = vector.broadcast %add3A_1470 : i32 to vector<16xi32>
        %add3A_1472 = arith.addi %iota3A, %add3A_1471 : vector<16xi32>
        %gather3A_1473 = tpu.vector_load_idx %arg18[%gather3A_1463, %add3A_1472] : memref<8x64xf32, #tpu.memory_space<vmem>>[vector<16xi32>, vector<16xi32>], vector<16xf32>,
        %add3A_1474 = arith.addf %get3A_1469, %gather3A_1473 : vector<16xf32>
        %max3A_1475 = arith.constant 0.000000e+00 : f32
        %max3A_1476 = vector.broadcast %max3A_1475 : f32 to vector<16xf32>
        %max3A_1477 = arith.maximumf %add3A_1474, %max3A_1476 : vector<16xf32>
        %mul3A_1478 = arith.mulf %max3A_1477, %convert_element_type3A_1465 : vector<16xf32>
        %add3A_1479 = arith.addf %add3A_1411, %mul3A_1478 : vector<16xf32>
        %get3A_1480 = arith.constant 2 : i32
        %get3A_1481 = arith.index_cast %get3A_1480 : i32 to index
        %get3A_1482 = arith.constant 16 : index
        %get3A_1483 = tpu.vector_load %arg22[%get3A_1481, %get3A_1482] {strides = array<i32>} : memref<16x64xf32, #tpu.memory_space<vmem>>, vector<16xf32>,
        %add3A_1484 = arith.constant 16 : i32
        %add3A_1485 = vector.broadcast %add3A_1484 : i32 to vector<16xi32>
        %add3A_1486 = arith.addi %iota3A, %add3A_1485 : vector<16xi32>
        %gather3A_1487 = tpu.vector_load_idx %arg18[%gather3A_1463, %add3A_1486] : memref<8x64xf32, #tpu.memory_space<vmem>>[vector<16xi32>, vector<16xi32>], vector<16xf32>,
        %add3A_1488 = arith.addf %get3A_1483, %gather3A_1487 : vector<16xf32>
        %max3A_1489 = arith.constant 0.000000e+00 : f32
        %max3A_1490 = vector.broadcast %max3A_1489 : f32 to vector<16xf32>
        %max3A_1491 = arith.maximumf %add3A_1488, %max3A_1490 : vector<16xf32>
        %mul3A_1492 = arith.mulf %max3A_1491, %convert_element_type3A_1465 : vector<16xf32>
        %add3A_1493 = arith.addf %add3A_1425, %mul3A_1492 : vector<16xf32>
        %get3A_1494 = arith.constant 2 : i32
        %get3A_1495 = arith.index_cast %get3A_1494 : i32 to index
        %get3A_1496 = arith.constant 32 : index
        %get3A_1497 = tpu.vector_load %arg22[%get3A_1495, %get3A_1496] {strides = array<i32>} : memref<16x64xf32, #tpu.memory_space<vmem>>, vector<16xf32>,
        %add3A_1498 = arith.constant 32 : i32
        %add3A_1499 = vector.broadcast %add3A_1498 : i32 to vector<16xi32>
        %add3A_1500 = arith.addi %iota3A, %add3A_1499 : vector<16xi32>
        %gather3A_1501 = tpu.vector_load_idx %arg18[%gather3A_1463, %add3A_1500] : memref<8x64xf32, #tpu.memory_space<vmem>>[vector<16xi32>, vector<16xi32>], vector<16xf32>,
        %add3A_1502 = arith.addf %get3A_1497, %gather3A_1501 : vector<16xf32>
        %max3A_1503 = arith.constant 0.000000e+00 : f32
        %max3A_1504 = vector.broadcast %max3A_1503 : f32 to vector<16xf32>
        %max3A_1505 = arith.maximumf %add3A_1502, %max3A_1504 : vector<16xf32>
        %mul3A_1506 = arith.mulf %max3A_1505, %convert_element_type3A_1465 : vector<16xf32>
        %add3A_1507 = arith.addf %add3A_1439, %mul3A_1506 : vector<16xf32>
        %get3A_1508 = arith.constant 2 : i32
        %get3A_1509 = arith.index_cast %get3A_1508 : i32 to index
        %get3A_1510 = arith.constant 48 : index
        %get3A_1511 = tpu.vector_load %arg22[%get3A_1509, %get3A_1510] {strides = array<i32>} : memref<16x64xf32, #tpu.memory_space<vmem>>, vector<16xf32>,
        %add3A_1512 = arith.constant 48 : i32
        %add3A_1513 = vector.broadcast %add3A_1512 : i32 to vector<16xi32>
        %add3A_1514 = arith.addi %iota3A, %add3A_1513 : vector<16xi32>
        %gather3A_1515 = tpu.vector_load_idx %arg18[%gather3A_1463, %add3A_1514] : memref<8x64xf32, #tpu.memory_space<vmem>>[vector<16xi32>, vector<16xi32>], vector<16xf32>,
        %add3A_1516 = arith.addf %get3A_1511, %gather3A_1515 : vector<16xf32>
        %max3A_1517 = arith.constant 0.000000e+00 : f32
        %max3A_1518 = vector.broadcast %max3A_1517 : f32 to vector<16xf32>
        %max3A_1519 = arith.maximumf %add3A_1516, %max3A_1518 : vector<16xf32>
        %mul3A_1520 = arith.mulf %max3A_1519, %convert_element_type3A_1465 : vector<16xf32>
        %add3A_1521 = arith.addf %add3A_1453, %mul3A_1520 : vector<16xf32>
        %add3A_1522 = arith.constant 19 : i32
        %add3A_1523 = vector.broadcast %add3A_1522 : i32 to vector<16xi32>
        %add3A_1524 = arith.addi %add3A_92, %add3A_1523 : vector<16xi32>
        %shift_right_arithmetic3A_1525 = arith.constant 4 : i32
        %shift_right_arithmetic3A_1526 = vector.broadcast %shift_right_arithmetic3A_1525 : i32 to vector<16xi32>
        %shift_right_arithmetic3A_1527 = arith.shrsi %add3A_1524, %shift_right_arithmetic3A_1526 : vector<16xi32>
        %and3A_1528 = arith.constant 15 : i32
        %and3A_1529 = vector.broadcast %and3A_1528 : i32 to vector<16xi32>
        %and3A_1530 = arith.andi %add3A_1524, %and3A_1529 : vector<16xi32>
        %gather3A_1531 = tpu.vector_load_idx %arg17[%shift_right_arithmetic3A_1527, %and3A_1530] : memref<64x16xi32, #tpu.memory_space<vmem>>[vector<16xi32>, vector<16xi32>], vector<16xi32>,
        %gather3A_1532 = tpu.vector_load_idx %arg16[%shift_right_arithmetic3A_1527, %and3A_1530] : memref<64x16xi32, #tpu.memory_space<vmem>>[vector<16xi32>, vector<16xi32>], vector<16xi32>,
        %convert_element_type3A_1533 = arith.sitofp %gather3A_1532 : vector<16xi32> to vector<16xf32>
        %get3A_1534 = arith.constant 3 : i32
        %get3A_1535 = arith.index_cast %get3A_1534 : i32 to index
        %get3A_1536 = arith.constant 0 : index
        %get3A_1537 = tpu.vector_load %arg22[%get3A_1535, %get3A_1536] {strides = array<i32>} : memref<16x64xf32, #tpu.memory_space<vmem>>, vector<16xf32>,
        %add3A_1538 = arith.constant 0 : i32
        %add3A_1539 = vector.broadcast %add3A_1538 : i32 to vector<16xi32>
        %add3A_1540 = arith.addi %iota3A, %add3A_1539 : vector<16xi32>
        %gather3A_1541 = tpu.vector_load_idx %arg18[%gather3A_1531, %add3A_1540] : memref<8x64xf32, #tpu.memory_space<vmem>>[vector<16xi32>, vector<16xi32>], vector<16xf32>,
        %add3A_1542 = arith.addf %get3A_1537, %gather3A_1541 : vector<16xf32>
        %max3A_1543 = arith.constant 0.000000e+00 : f32
        %max3A_1544 = vector.broadcast %max3A_1543 : f32 to vector<16xf32>
        %max3A_1545 = arith.maximumf %add3A_1542, %max3A_1544 : vector<16xf32>
        %mul3A_1546 = arith.mulf %max3A_1545, %convert_element_type3A_1533 : vector<16xf32>
        %add3A_1547 = arith.addf %add3A_1479, %mul3A_1546 : vector<16xf32>
        %get3A_1548 = arith.constant 3 : i32
        %get3A_1549 = arith.index_cast %get3A_1548 : i32 to index
        %get3A_1550 = arith.constant 16 : index
        %get3A_1551 = tpu.vector_load %arg22[%get3A_1549, %get3A_1550] {strides = array<i32>} : memref<16x64xf32, #tpu.memory_space<vmem>>, vector<16xf32>,
        %add3A_1552 = arith.constant 16 : i32
        %add3A_1553 = vector.broadcast %add3A_1552 : i32 to vector<16xi32>
        %add3A_1554 = arith.addi %iota3A, %add3A_1553 : vector<16xi32>
        %gather3A_1555 = tpu.vector_load_idx %arg18[%gather3A_1531, %add3A_1554] : memref<8x64xf32, #tpu.memory_space<vmem>>[vector<16xi32>, vector<16xi32>], vector<16xf32>,
        %add3A_1556 = arith.addf %get3A_1551, %gather3A_1555 : vector<16xf32>
        %max3A_1557 = arith.constant 0.000000e+00 : f32
        %max3A_1558 = vector.broadcast %max3A_1557 : f32 to vector<16xf32>
        %max3A_1559 = arith.maximumf %add3A_1556, %max3A_1558 : vector<16xf32>
        %mul3A_1560 = arith.mulf %max3A_1559, %convert_element_type3A_1533 : vector<16xf32>
        %add3A_1561 = arith.addf %add3A_1493, %mul3A_1560 : vector<16xf32>
        %get3A_1562 = arith.constant 3 : i32
        %get3A_1563 = arith.index_cast %get3A_1562 : i32 to index
        %get3A_1564 = arith.constant 32 : index
        %get3A_1565 = tpu.vector_load %arg22[%get3A_1563, %get3A_1564] {strides = array<i32>} : memref<16x64xf32, #tpu.memory_space<vmem>>, vector<16xf32>,
        %add3A_1566 = arith.constant 32 : i32
        %add3A_1567 = vector.broadcast %add3A_1566 : i32 to vector<16xi32>
        %add3A_1568 = arith.addi %iota3A, %add3A_1567 : vector<16xi32>
        %gather3A_1569 = tpu.vector_load_idx %arg18[%gather3A_1531, %add3A_1568] : memref<8x64xf32, #tpu.memory_space<vmem>>[vector<16xi32>, vector<16xi32>], vector<16xf32>,
        %add3A_1570 = arith.addf %get3A_1565, %gather3A_1569 : vector<16xf32>
        %max3A_1571 = arith.constant 0.000000e+00 : f32
        %max3A_1572 = vector.broadcast %max3A_1571 : f32 to vector<16xf32>
        %max3A_1573 = arith.maximumf %add3A_1570, %max3A_1572 : vector<16xf32>
        %mul3A_1574 = arith.mulf %max3A_1573, %convert_element_type3A_1533 : vector<16xf32>
        %add3A_1575 = arith.addf %add3A_1507, %mul3A_1574 : vector<16xf32>
        %get3A_1576 = arith.constant 3 : i32
        %get3A_1577 = arith.index_cast %get3A_1576 : i32 to index
        %get3A_1578 = arith.constant 48 : index
        %get3A_1579 = tpu.vector_load %arg22[%get3A_1577, %get3A_1578] {strides = array<i32>} : memref<16x64xf32, #tpu.memory_space<vmem>>, vector<16xf32>,
        %add3A_1580 = arith.constant 48 : i32
        %add3A_1581 = vector.broadcast %add3A_1580 : i32 to vector<16xi32>
        %add3A_1582 = arith.addi %iota3A, %add3A_1581 : vector<16xi32>
        %gather3A_1583 = tpu.vector_load_idx %arg18[%gather3A_1531, %add3A_1582] : memref<8x64xf32, #tpu.memory_space<vmem>>[vector<16xi32>, vector<16xi32>], vector<16xf32>,
        %add3A_1584 = arith.addf %get3A_1579, %gather3A_1583 : vector<16xf32>
        %max3A_1585 = arith.constant 0.000000e+00 : f32
        %max3A_1586 = vector.broadcast %max3A_1585 : f32 to vector<16xf32>
        %max3A_1587 = arith.maximumf %add3A_1584, %max3A_1586 : vector<16xf32>
        %mul3A_1588 = arith.mulf %max3A_1587, %convert_element_type3A_1533 : vector<16xf32>
        %add3A_1589 = arith.addf %add3A_1521, %mul3A_1588 : vector<16xf32>
        %add3A_1590 = arith.constant 20 : i32
        %add3A_1591 = vector.broadcast %add3A_1590 : i32 to vector<16xi32>
        %add3A_1592 = arith.addi %add3A_92, %add3A_1591 : vector<16xi32>
        %shift_right_arithmetic3A_1593 = arith.constant 4 : i32
        %shift_right_arithmetic3A_1594 = vector.broadcast %shift_right_arithmetic3A_1593 : i32 to vector<16xi32>
        %shift_right_arithmetic3A_1595 = arith.shrsi %add3A_1592, %shift_right_arithmetic3A_1594 : vector<16xi32>
        %and3A_1596 = arith.constant 15 : i32
        %and3A_1597 = vector.broadcast %and3A_1596 : i32 to vector<16xi32>
        %and3A_1598 = arith.andi %add3A_1592, %and3A_1597 : vector<16xi32>
        %gather3A_1599 = tpu.vector_load_idx %arg17[%shift_right_arithmetic3A_1595, %and3A_1598] : memref<64x16xi32, #tpu.memory_space<vmem>>[vector<16xi32>, vector<16xi32>], vector<16xi32>,
        %gather3A_1600 = tpu.vector_load_idx %arg16[%shift_right_arithmetic3A_1595, %and3A_1598] : memref<64x16xi32, #tpu.memory_space<vmem>>[vector<16xi32>, vector<16xi32>], vector<16xi32>,
        %convert_element_type3A_1601 = arith.sitofp %gather3A_1600 : vector<16xi32> to vector<16xf32>
        %get3A_1602 = arith.constant 4 : i32
        %get3A_1603 = arith.index_cast %get3A_1602 : i32 to index
        %get3A_1604 = arith.constant 0 : index
        %get3A_1605 = tpu.vector_load %arg22[%get3A_1603, %get3A_1604] {strides = array<i32>} : memref<16x64xf32, #tpu.memory_space<vmem>>, vector<16xf32>,
        %add3A_1606 = arith.constant 0 : i32
        %add3A_1607 = vector.broadcast %add3A_1606 : i32 to vector<16xi32>
        %add3A_1608 = arith.addi %iota3A, %add3A_1607 : vector<16xi32>
        %gather3A_1609 = tpu.vector_load_idx %arg18[%gather3A_1599, %add3A_1608] : memref<8x64xf32, #tpu.memory_space<vmem>>[vector<16xi32>, vector<16xi32>], vector<16xf32>,
        %add3A_1610 = arith.addf %get3A_1605, %gather3A_1609 : vector<16xf32>
        %max3A_1611 = arith.constant 0.000000e+00 : f32
        %max3A_1612 = vector.broadcast %max3A_1611 : f32 to vector<16xf32>
        %max3A_1613 = arith.maximumf %add3A_1610, %max3A_1612 : vector<16xf32>
        %mul3A_1614 = arith.mulf %max3A_1613, %convert_element_type3A_1601 : vector<16xf32>
        %add3A_1615 = arith.addf %add3A_1547, %mul3A_1614 : vector<16xf32>
        %get3A_1616 = arith.constant 4 : i32
        %get3A_1617 = arith.index_cast %get3A_1616 : i32 to index
        %get3A_1618 = arith.constant 16 : index
        %get3A_1619 = tpu.vector_load %arg22[%get3A_1617, %get3A_1618] {strides = array<i32>} : memref<16x64xf32, #tpu.memory_space<vmem>>, vector<16xf32>,
        %add3A_1620 = arith.constant 16 : i32
        %add3A_1621 = vector.broadcast %add3A_1620 : i32 to vector<16xi32>
        %add3A_1622 = arith.addi %iota3A, %add3A_1621 : vector<16xi32>
        %gather3A_1623 = tpu.vector_load_idx %arg18[%gather3A_1599, %add3A_1622] : memref<8x64xf32, #tpu.memory_space<vmem>>[vector<16xi32>, vector<16xi32>], vector<16xf32>,
        %add3A_1624 = arith.addf %get3A_1619, %gather3A_1623 : vector<16xf32>
        %max3A_1625 = arith.constant 0.000000e+00 : f32
        %max3A_1626 = vector.broadcast %max3A_1625 : f32 to vector<16xf32>
        %max3A_1627 = arith.maximumf %add3A_1624, %max3A_1626 : vector<16xf32>
        %mul3A_1628 = arith.mulf %max3A_1627, %convert_element_type3A_1601 : vector<16xf32>
        %add3A_1629 = arith.addf %add3A_1561, %mul3A_1628 : vector<16xf32>
        %get3A_1630 = arith.constant 4 : i32
        %get3A_1631 = arith.index_cast %get3A_1630 : i32 to index
        %get3A_1632 = arith.constant 32 : index
        %get3A_1633 = tpu.vector_load %arg22[%get3A_1631, %get3A_1632] {strides = array<i32>} : memref<16x64xf32, #tpu.memory_space<vmem>>, vector<16xf32>,
        %add3A_1634 = arith.constant 32 : i32
        %add3A_1635 = vector.broadcast %add3A_1634 : i32 to vector<16xi32>
        %add3A_1636 = arith.addi %iota3A, %add3A_1635 : vector<16xi32>
        %gather3A_1637 = tpu.vector_load_idx %arg18[%gather3A_1599, %add3A_1636] : memref<8x64xf32, #tpu.memory_space<vmem>>[vector<16xi32>, vector<16xi32>], vector<16xf32>,
        %add3A_1638 = arith.addf %get3A_1633, %gather3A_1637 : vector<16xf32>
        %max3A_1639 = arith.constant 0.000000e+00 : f32
        %max3A_1640 = vector.broadcast %max3A_1639 : f32 to vector<16xf32>
        %max3A_1641 = arith.maximumf %add3A_1638, %max3A_1640 : vector<16xf32>
        %mul3A_1642 = arith.mulf %max3A_1641, %convert_element_type3A_1601 : vector<16xf32>
        %add3A_1643 = arith.addf %add3A_1575, %mul3A_1642 : vector<16xf32>
        %get3A_1644 = arith.constant 4 : i32
        %get3A_1645 = arith.index_cast %get3A_1644 : i32 to index
        %get3A_1646 = arith.constant 48 : index
        %get3A_1647 = tpu.vector_load %arg22[%get3A_1645, %get3A_1646] {strides = array<i32>} : memref<16x64xf32, #tpu.memory_space<vmem>>, vector<16xf32>,
        %add3A_1648 = arith.constant 48 : i32
        %add3A_1649 = vector.broadcast %add3A_1648 : i32 to vector<16xi32>
        %add3A_1650 = arith.addi %iota3A, %add3A_1649 : vector<16xi32>
        %gather3A_1651 = tpu.vector_load_idx %arg18[%gather3A_1599, %add3A_1650] : memref<8x64xf32, #tpu.memory_space<vmem>>[vector<16xi32>, vector<16xi32>], vector<16xf32>,
        %add3A_1652 = arith.addf %get3A_1647, %gather3A_1651 : vector<16xf32>
        %max3A_1653 = arith.constant 0.000000e+00 : f32
        %max3A_1654 = vector.broadcast %max3A_1653 : f32 to vector<16xf32>
        %max3A_1655 = arith.maximumf %add3A_1652, %max3A_1654 : vector<16xf32>
        %mul3A_1656 = arith.mulf %max3A_1655, %convert_element_type3A_1601 : vector<16xf32>
        %add3A_1657 = arith.addf %add3A_1589, %mul3A_1656 : vector<16xf32>
        %add3A_1658 = arith.constant 21 : i32
        %add3A_1659 = vector.broadcast %add3A_1658 : i32 to vector<16xi32>
        %add3A_1660 = arith.addi %add3A_92, %add3A_1659 : vector<16xi32>
        %shift_right_arithmetic3A_1661 = arith.constant 4 : i32
        %shift_right_arithmetic3A_1662 = vector.broadcast %shift_right_arithmetic3A_1661 : i32 to vector<16xi32>
        %shift_right_arithmetic3A_1663 = arith.shrsi %add3A_1660, %shift_right_arithmetic3A_1662 : vector<16xi32>
        %and3A_1664 = arith.constant 15 : i32
        %and3A_1665 = vector.broadcast %and3A_1664 : i32 to vector<16xi32>
        %and3A_1666 = arith.andi %add3A_1660, %and3A_1665 : vector<16xi32>
        %gather3A_1667 = tpu.vector_load_idx %arg17[%shift_right_arithmetic3A_1663, %and3A_1666] : memref<64x16xi32, #tpu.memory_space<vmem>>[vector<16xi32>, vector<16xi32>], vector<16xi32>,
        %gather3A_1668 = tpu.vector_load_idx %arg16[%shift_right_arithmetic3A_1663, %and3A_1666] : memref<64x16xi32, #tpu.memory_space<vmem>>[vector<16xi32>, vector<16xi32>], vector<16xi32>,
        %convert_element_type3A_1669 = arith.sitofp %gather3A_1668 : vector<16xi32> to vector<16xf32>
        %get3A_1670 = arith.constant 5 : i32
        %get3A_1671 = arith.index_cast %get3A_1670 : i32 to index
        %get3A_1672 = arith.constant 0 : index
        %get3A_1673 = tpu.vector_load %arg22[%get3A_1671, %get3A_1672] {strides = array<i32>} : memref<16x64xf32, #tpu.memory_space<vmem>>, vector<16xf32>,
        %add3A_1674 = arith.constant 0 : i32
        %add3A_1675 = vector.broadcast %add3A_1674 : i32 to vector<16xi32>
        %add3A_1676 = arith.addi %iota3A, %add3A_1675 : vector<16xi32>
        %gather3A_1677 = tpu.vector_load_idx %arg18[%gather3A_1667, %add3A_1676] : memref<8x64xf32, #tpu.memory_space<vmem>>[vector<16xi32>, vector<16xi32>], vector<16xf32>,
        %add3A_1678 = arith.addf %get3A_1673, %gather3A_1677 : vector<16xf32>
        %max3A_1679 = arith.constant 0.000000e+00 : f32
        %max3A_1680 = vector.broadcast %max3A_1679 : f32 to vector<16xf32>
        %max3A_1681 = arith.maximumf %add3A_1678, %max3A_1680 : vector<16xf32>
        %mul3A_1682 = arith.mulf %max3A_1681, %convert_element_type3A_1669 : vector<16xf32>
        %add3A_1683 = arith.addf %add3A_1615, %mul3A_1682 : vector<16xf32>
        %get3A_1684 = arith.constant 5 : i32
        %get3A_1685 = arith.index_cast %get3A_1684 : i32 to index
        %get3A_1686 = arith.constant 16 : index
        %get3A_1687 = tpu.vector_load %arg22[%get3A_1685, %get3A_1686] {strides = array<i32>} : memref<16x64xf32, #tpu.memory_space<vmem>>, vector<16xf32>,
        %add3A_1688 = arith.constant 16 : i32
        %add3A_1689 = vector.broadcast %add3A_1688 : i32 to vector<16xi32>
        %add3A_1690 = arith.addi %iota3A, %add3A_1689 : vector<16xi32>
        %gather3A_1691 = tpu.vector_load_idx %arg18[%gather3A_1667, %add3A_1690] : memref<8x64xf32, #tpu.memory_space<vmem>>[vector<16xi32>, vector<16xi32>], vector<16xf32>,
        %add3A_1692 = arith.addf %get3A_1687, %gather3A_1691 : vector<16xf32>
        %max3A_1693 = arith.constant 0.000000e+00 : f32
        %max3A_1694 = vector.broadcast %max3A_1693 : f32 to vector<16xf32>
        %max3A_1695 = arith.maximumf %add3A_1692, %max3A_1694 : vector<16xf32>
        %mul3A_1696 = arith.mulf %max3A_1695, %convert_element_type3A_1669 : vector<16xf32>
        %add3A_1697 = arith.addf %add3A_1629, %mul3A_1696 : vector<16xf32>
        %get3A_1698 = arith.constant 5 : i32
        %get3A_1699 = arith.index_cast %get3A_1698 : i32 to index
        %get3A_1700 = arith.constant 32 : index
        %get3A_1701 = tpu.vector_load %arg22[%get3A_1699, %get3A_1700] {strides = array<i32>} : memref<16x64xf32, #tpu.memory_space<vmem>>, vector<16xf32>,
        %add3A_1702 = arith.constant 32 : i32
        %add3A_1703 = vector.broadcast %add3A_1702 : i32 to vector<16xi32>
        %add3A_1704 = arith.addi %iota3A, %add3A_1703 : vector<16xi32>
        %gather3A_1705 = tpu.vector_load_idx %arg18[%gather3A_1667, %add3A_1704] : memref<8x64xf32, #tpu.memory_space<vmem>>[vector<16xi32>, vector<16xi32>], vector<16xf32>,
        %add3A_1706 = arith.addf %get3A_1701, %gather3A_1705 : vector<16xf32>
        %max3A_1707 = arith.constant 0.000000e+00 : f32
        %max3A_1708 = vector.broadcast %max3A_1707 : f32 to vector<16xf32>
        %max3A_1709 = arith.maximumf %add3A_1706, %max3A_1708 : vector<16xf32>
        %mul3A_1710 = arith.mulf %max3A_1709, %convert_element_type3A_1669 : vector<16xf32>
        %add3A_1711 = arith.addf %add3A_1643, %mul3A_1710 : vector<16xf32>
        %get3A_1712 = arith.constant 5 : i32
        %get3A_1713 = arith.index_cast %get3A_1712 : i32 to index
        %get3A_1714 = arith.constant 48 : index
        %get3A_1715 = tpu.vector_load %arg22[%get3A_1713, %get3A_1714] {strides = array<i32>} : memref<16x64xf32, #tpu.memory_space<vmem>>, vector<16xf32>,
        %add3A_1716 = arith.constant 48 : i32
        %add3A_1717 = vector.broadcast %add3A_1716 : i32 to vector<16xi32>
        %add3A_1718 = arith.addi %iota3A, %add3A_1717 : vector<16xi32>
        %gather3A_1719 = tpu.vector_load_idx %arg18[%gather3A_1667, %add3A_1718] : memref<8x64xf32, #tpu.memory_space<vmem>>[vector<16xi32>, vector<16xi32>], vector<16xf32>,
        %add3A_1720 = arith.addf %get3A_1715, %gather3A_1719 : vector<16xf32>
        %max3A_1721 = arith.constant 0.000000e+00 : f32
        %max3A_1722 = vector.broadcast %max3A_1721 : f32 to vector<16xf32>
        %max3A_1723 = arith.maximumf %add3A_1720, %max3A_1722 : vector<16xf32>
        %mul3A_1724 = arith.mulf %max3A_1723, %convert_element_type3A_1669 : vector<16xf32>
        %add3A_1725 = arith.addf %add3A_1657, %mul3A_1724 : vector<16xf32>
        %add3A_1726 = arith.constant 22 : i32
        %add3A_1727 = vector.broadcast %add3A_1726 : i32 to vector<16xi32>
        %add3A_1728 = arith.addi %add3A_92, %add3A_1727 : vector<16xi32>
        %shift_right_arithmetic3A_1729 = arith.constant 4 : i32
        %shift_right_arithmetic3A_1730 = vector.broadcast %shift_right_arithmetic3A_1729 : i32 to vector<16xi32>
        %shift_right_arithmetic3A_1731 = arith.shrsi %add3A_1728, %shift_right_arithmetic3A_1730 : vector<16xi32>
        %and3A_1732 = arith.constant 15 : i32
        %and3A_1733 = vector.broadcast %and3A_1732 : i32 to vector<16xi32>
        %and3A_1734 = arith.andi %add3A_1728, %and3A_1733 : vector<16xi32>
        %gather3A_1735 = tpu.vector_load_idx %arg17[%shift_right_arithmetic3A_1731, %and3A_1734] : memref<64x16xi32, #tpu.memory_space<vmem>>[vector<16xi32>, vector<16xi32>], vector<16xi32>,
        %gather3A_1736 = tpu.vector_load_idx %arg16[%shift_right_arithmetic3A_1731, %and3A_1734] : memref<64x16xi32, #tpu.memory_space<vmem>>[vector<16xi32>, vector<16xi32>], vector<16xi32>,
        %convert_element_type3A_1737 = arith.sitofp %gather3A_1736 : vector<16xi32> to vector<16xf32>
        %get3A_1738 = arith.constant 6 : i32
        %get3A_1739 = arith.index_cast %get3A_1738 : i32 to index
        %get3A_1740 = arith.constant 0 : index
        %get3A_1741 = tpu.vector_load %arg22[%get3A_1739, %get3A_1740] {strides = array<i32>} : memref<16x64xf32, #tpu.memory_space<vmem>>, vector<16xf32>,
        %add3A_1742 = arith.constant 0 : i32
        %add3A_1743 = vector.broadcast %add3A_1742 : i32 to vector<16xi32>
        %add3A_1744 = arith.addi %iota3A, %add3A_1743 : vector<16xi32>
        %gather3A_1745 = tpu.vector_load_idx %arg18[%gather3A_1735, %add3A_1744] : memref<8x64xf32, #tpu.memory_space<vmem>>[vector<16xi32>, vector<16xi32>], vector<16xf32>,
        %add3A_1746 = arith.addf %get3A_1741, %gather3A_1745 : vector<16xf32>
        %max3A_1747 = arith.constant 0.000000e+00 : f32
        %max3A_1748 = vector.broadcast %max3A_1747 : f32 to vector<16xf32>
        %max3A_1749 = arith.maximumf %add3A_1746, %max3A_1748 : vector<16xf32>
        %mul3A_1750 = arith.mulf %max3A_1749, %convert_element_type3A_1737 : vector<16xf32>
        %add3A_1751 = arith.addf %add3A_1683, %mul3A_1750 : vector<16xf32>
        %get3A_1752 = arith.constant 6 : i32
        %get3A_1753 = arith.index_cast %get3A_1752 : i32 to index
        %get3A_1754 = arith.constant 16 : index
        %get3A_1755 = tpu.vector_load %arg22[%get3A_1753, %get3A_1754] {strides = array<i32>} : memref<16x64xf32, #tpu.memory_space<vmem>>, vector<16xf32>,
        %add3A_1756 = arith.constant 16 : i32
        %add3A_1757 = vector.broadcast %add3A_1756 : i32 to vector<16xi32>
        %add3A_1758 = arith.addi %iota3A, %add3A_1757 : vector<16xi32>
        %gather3A_1759 = tpu.vector_load_idx %arg18[%gather3A_1735, %add3A_1758] : memref<8x64xf32, #tpu.memory_space<vmem>>[vector<16xi32>, vector<16xi32>], vector<16xf32>,
        %add3A_1760 = arith.addf %get3A_1755, %gather3A_1759 : vector<16xf32>
        %max3A_1761 = arith.constant 0.000000e+00 : f32
        %max3A_1762 = vector.broadcast %max3A_1761 : f32 to vector<16xf32>
        %max3A_1763 = arith.maximumf %add3A_1760, %max3A_1762 : vector<16xf32>
        %mul3A_1764 = arith.mulf %max3A_1763, %convert_element_type3A_1737 : vector<16xf32>
        %add3A_1765 = arith.addf %add3A_1697, %mul3A_1764 : vector<16xf32>
        %get3A_1766 = arith.constant 6 : i32
        %get3A_1767 = arith.index_cast %get3A_1766 : i32 to index
        %get3A_1768 = arith.constant 32 : index
        %get3A_1769 = tpu.vector_load %arg22[%get3A_1767, %get3A_1768] {strides = array<i32>} : memref<16x64xf32, #tpu.memory_space<vmem>>, vector<16xf32>,
        %add3A_1770 = arith.constant 32 : i32
        %add3A_1771 = vector.broadcast %add3A_1770 : i32 to vector<16xi32>
        %add3A_1772 = arith.addi %iota3A, %add3A_1771 : vector<16xi32>
        %gather3A_1773 = tpu.vector_load_idx %arg18[%gather3A_1735, %add3A_1772] : memref<8x64xf32, #tpu.memory_space<vmem>>[vector<16xi32>, vector<16xi32>], vector<16xf32>,
        %add3A_1774 = arith.addf %get3A_1769, %gather3A_1773 : vector<16xf32>
        %max3A_1775 = arith.constant 0.000000e+00 : f32
        %max3A_1776 = vector.broadcast %max3A_1775 : f32 to vector<16xf32>
        %max3A_1777 = arith.maximumf %add3A_1774, %max3A_1776 : vector<16xf32>
        %mul3A_1778 = arith.mulf %max3A_1777, %convert_element_type3A_1737 : vector<16xf32>
        %add3A_1779 = arith.addf %add3A_1711, %mul3A_1778 : vector<16xf32>
        %get3A_1780 = arith.constant 6 : i32
        %get3A_1781 = arith.index_cast %get3A_1780 : i32 to index
        %get3A_1782 = arith.constant 48 : index
        %get3A_1783 = tpu.vector_load %arg22[%get3A_1781, %get3A_1782] {strides = array<i32>} : memref<16x64xf32, #tpu.memory_space<vmem>>, vector<16xf32>,
        %add3A_1784 = arith.constant 48 : i32
        %add3A_1785 = vector.broadcast %add3A_1784 : i32 to vector<16xi32>
        %add3A_1786 = arith.addi %iota3A, %add3A_1785 : vector<16xi32>
        %gather3A_1787 = tpu.vector_load_idx %arg18[%gather3A_1735, %add3A_1786] : memref<8x64xf32, #tpu.memory_space<vmem>>[vector<16xi32>, vector<16xi32>], vector<16xf32>,
        %add3A_1788 = arith.addf %get3A_1783, %gather3A_1787 : vector<16xf32>
        %max3A_1789 = arith.constant 0.000000e+00 : f32
        %max3A_1790 = vector.broadcast %max3A_1789 : f32 to vector<16xf32>
        %max3A_1791 = arith.maximumf %add3A_1788, %max3A_1790 : vector<16xf32>
        %mul3A_1792 = arith.mulf %max3A_1791, %convert_element_type3A_1737 : vector<16xf32>
        %add3A_1793 = arith.addf %add3A_1725, %mul3A_1792 : vector<16xf32>
        %add3A_1794 = arith.constant 23 : i32
        %add3A_1795 = vector.broadcast %add3A_1794 : i32 to vector<16xi32>
        %add3A_1796 = arith.addi %add3A_92, %add3A_1795 : vector<16xi32>
        %shift_right_arithmetic3A_1797 = arith.constant 4 : i32
        %shift_right_arithmetic3A_1798 = vector.broadcast %shift_right_arithmetic3A_1797 : i32 to vector<16xi32>
        %shift_right_arithmetic3A_1799 = arith.shrsi %add3A_1796, %shift_right_arithmetic3A_1798 : vector<16xi32>
        %and3A_1800 = arith.constant 15 : i32
        %and3A_1801 = vector.broadcast %and3A_1800 : i32 to vector<16xi32>
        %and3A_1802 = arith.andi %add3A_1796, %and3A_1801 : vector<16xi32>
        %gather3A_1803 = tpu.vector_load_idx %arg17[%shift_right_arithmetic3A_1799, %and3A_1802] : memref<64x16xi32, #tpu.memory_space<vmem>>[vector<16xi32>, vector<16xi32>], vector<16xi32>,
        %gather3A_1804 = tpu.vector_load_idx %arg16[%shift_right_arithmetic3A_1799, %and3A_1802] : memref<64x16xi32, #tpu.memory_space<vmem>>[vector<16xi32>, vector<16xi32>], vector<16xi32>,
        %convert_element_type3A_1805 = arith.sitofp %gather3A_1804 : vector<16xi32> to vector<16xf32>
        %get3A_1806 = arith.constant 7 : i32
        %get3A_1807 = arith.index_cast %get3A_1806 : i32 to index
        %get3A_1808 = arith.constant 0 : index
        %get3A_1809 = tpu.vector_load %arg22[%get3A_1807, %get3A_1808] {strides = array<i32>} : memref<16x64xf32, #tpu.memory_space<vmem>>, vector<16xf32>,
        %add3A_1810 = arith.constant 0 : i32
        %add3A_1811 = vector.broadcast %add3A_1810 : i32 to vector<16xi32>
        %add3A_1812 = arith.addi %iota3A, %add3A_1811 : vector<16xi32>
        %gather3A_1813 = tpu.vector_load_idx %arg18[%gather3A_1803, %add3A_1812] : memref<8x64xf32, #tpu.memory_space<vmem>>[vector<16xi32>, vector<16xi32>], vector<16xf32>,
        %add3A_1814 = arith.addf %get3A_1809, %gather3A_1813 : vector<16xf32>
        %max3A_1815 = arith.constant 0.000000e+00 : f32
        %max3A_1816 = vector.broadcast %max3A_1815 : f32 to vector<16xf32>
        %max3A_1817 = arith.maximumf %add3A_1814, %max3A_1816 : vector<16xf32>
        %mul3A_1818 = arith.mulf %max3A_1817, %convert_element_type3A_1805 : vector<16xf32>
        %add3A_1819 = arith.addf %add3A_1751, %mul3A_1818 : vector<16xf32>
        %get3A_1820 = arith.constant 7 : i32
        %get3A_1821 = arith.index_cast %get3A_1820 : i32 to index
        %get3A_1822 = arith.constant 16 : index
        %get3A_1823 = tpu.vector_load %arg22[%get3A_1821, %get3A_1822] {strides = array<i32>} : memref<16x64xf32, #tpu.memory_space<vmem>>, vector<16xf32>,
        %add3A_1824 = arith.constant 16 : i32
        %add3A_1825 = vector.broadcast %add3A_1824 : i32 to vector<16xi32>
        %add3A_1826 = arith.addi %iota3A, %add3A_1825 : vector<16xi32>
        %gather3A_1827 = tpu.vector_load_idx %arg18[%gather3A_1803, %add3A_1826] : memref<8x64xf32, #tpu.memory_space<vmem>>[vector<16xi32>, vector<16xi32>], vector<16xf32>,
        %add3A_1828 = arith.addf %get3A_1823, %gather3A_1827 : vector<16xf32>
        %max3A_1829 = arith.constant 0.000000e+00 : f32
        %max3A_1830 = vector.broadcast %max3A_1829 : f32 to vector<16xf32>
        %max3A_1831 = arith.maximumf %add3A_1828, %max3A_1830 : vector<16xf32>
        %mul3A_1832 = arith.mulf %max3A_1831, %convert_element_type3A_1805 : vector<16xf32>
        %add3A_1833 = arith.addf %add3A_1765, %mul3A_1832 : vector<16xf32>
        %get3A_1834 = arith.constant 7 : i32
        %get3A_1835 = arith.index_cast %get3A_1834 : i32 to index
        %get3A_1836 = arith.constant 32 : index
        %get3A_1837 = tpu.vector_load %arg22[%get3A_1835, %get3A_1836] {strides = array<i32>} : memref<16x64xf32, #tpu.memory_space<vmem>>, vector<16xf32>,
        %add3A_1838 = arith.constant 32 : i32
        %add3A_1839 = vector.broadcast %add3A_1838 : i32 to vector<16xi32>
        %add3A_1840 = arith.addi %iota3A, %add3A_1839 : vector<16xi32>
        %gather3A_1841 = tpu.vector_load_idx %arg18[%gather3A_1803, %add3A_1840] : memref<8x64xf32, #tpu.memory_space<vmem>>[vector<16xi32>, vector<16xi32>], vector<16xf32>,
        %add3A_1842 = arith.addf %get3A_1837, %gather3A_1841 : vector<16xf32>
        %max3A_1843 = arith.constant 0.000000e+00 : f32
        %max3A_1844 = vector.broadcast %max3A_1843 : f32 to vector<16xf32>
        %max3A_1845 = arith.maximumf %add3A_1842, %max3A_1844 : vector<16xf32>
        %mul3A_1846 = arith.mulf %max3A_1845, %convert_element_type3A_1805 : vector<16xf32>
        %add3A_1847 = arith.addf %add3A_1779, %mul3A_1846 : vector<16xf32>
        %get3A_1848 = arith.constant 7 : i32
        %get3A_1849 = arith.index_cast %get3A_1848 : i32 to index
        %get3A_1850 = arith.constant 48 : index
        %get3A_1851 = tpu.vector_load %arg22[%get3A_1849, %get3A_1850] {strides = array<i32>} : memref<16x64xf32, #tpu.memory_space<vmem>>, vector<16xf32>,
        %add3A_1852 = arith.constant 48 : i32
        %add3A_1853 = vector.broadcast %add3A_1852 : i32 to vector<16xi32>
        %add3A_1854 = arith.addi %iota3A, %add3A_1853 : vector<16xi32>
        %gather3A_1855 = tpu.vector_load_idx %arg18[%gather3A_1803, %add3A_1854] : memref<8x64xf32, #tpu.memory_space<vmem>>[vector<16xi32>, vector<16xi32>], vector<16xf32>,
        %add3A_1856 = arith.addf %get3A_1851, %gather3A_1855 : vector<16xf32>
        %max3A_1857 = arith.constant 0.000000e+00 : f32
        %max3A_1858 = vector.broadcast %max3A_1857 : f32 to vector<16xf32>
        %max3A_1859 = arith.maximumf %add3A_1856, %max3A_1858 : vector<16xf32>
        %mul3A_1860 = arith.mulf %max3A_1859, %convert_element_type3A_1805 : vector<16xf32>
        %add3A_1861 = arith.addf %add3A_1793, %mul3A_1860 : vector<16xf32>
        %add3A_1862 = arith.constant 24 : i32
        %add3A_1863 = vector.broadcast %add3A_1862 : i32 to vector<16xi32>
        %add3A_1864 = arith.addi %add3A_92, %add3A_1863 : vector<16xi32>
        %shift_right_arithmetic3A_1865 = arith.constant 4 : i32
        %shift_right_arithmetic3A_1866 = vector.broadcast %shift_right_arithmetic3A_1865 : i32 to vector<16xi32>
        %shift_right_arithmetic3A_1867 = arith.shrsi %add3A_1864, %shift_right_arithmetic3A_1866 : vector<16xi32>
        %and3A_1868 = arith.constant 15 : i32
        %and3A_1869 = vector.broadcast %and3A_1868 : i32 to vector<16xi32>
        %and3A_1870 = arith.andi %add3A_1864, %and3A_1869 : vector<16xi32>
        %gather3A_1871 = tpu.vector_load_idx %arg17[%shift_right_arithmetic3A_1867, %and3A_1870] : memref<64x16xi32, #tpu.memory_space<vmem>>[vector<16xi32>, vector<16xi32>], vector<16xi32>,
        %gather3A_1872 = tpu.vector_load_idx %arg16[%shift_right_arithmetic3A_1867, %and3A_1870] : memref<64x16xi32, #tpu.memory_space<vmem>>[vector<16xi32>, vector<16xi32>], vector<16xi32>,
        %convert_element_type3A_1873 = arith.sitofp %gather3A_1872 : vector<16xi32> to vector<16xf32>
        %get3A_1874 = arith.constant 8 : i32
        %get3A_1875 = arith.index_cast %get3A_1874 : i32 to index
        %get3A_1876 = arith.constant 0 : index
        %get3A_1877 = tpu.vector_load %arg22[%get3A_1875, %get3A_1876] {strides = array<i32>} : memref<16x64xf32, #tpu.memory_space<vmem>>, vector<16xf32>,
        %add3A_1878 = arith.constant 0 : i32
        %add3A_1879 = vector.broadcast %add3A_1878 : i32 to vector<16xi32>
        %add3A_1880 = arith.addi %iota3A, %add3A_1879 : vector<16xi32>
        %gather3A_1881 = tpu.vector_load_idx %arg18[%gather3A_1871, %add3A_1880] : memref<8x64xf32, #tpu.memory_space<vmem>>[vector<16xi32>, vector<16xi32>], vector<16xf32>,
        %add3A_1882 = arith.addf %get3A_1877, %gather3A_1881 : vector<16xf32>
        %max3A_1883 = arith.constant 0.000000e+00 : f32
        %max3A_1884 = vector.broadcast %max3A_1883 : f32 to vector<16xf32>
        %max3A_1885 = arith.maximumf %add3A_1882, %max3A_1884 : vector<16xf32>
        %mul3A_1886 = arith.mulf %max3A_1885, %convert_element_type3A_1873 : vector<16xf32>
        %add3A_1887 = arith.addf %add3A_1819, %mul3A_1886 : vector<16xf32>
        %get3A_1888 = arith.constant 8 : i32
        %get3A_1889 = arith.index_cast %get3A_1888 : i32 to index
        %get3A_1890 = arith.constant 16 : index
        %get3A_1891 = tpu.vector_load %arg22[%get3A_1889, %get3A_1890] {strides = array<i32>} : memref<16x64xf32, #tpu.memory_space<vmem>>, vector<16xf32>,
        %add3A_1892 = arith.constant 16 : i32
        %add3A_1893 = vector.broadcast %add3A_1892 : i32 to vector<16xi32>
        %add3A_1894 = arith.addi %iota3A, %add3A_1893 : vector<16xi32>
        %gather3A_1895 = tpu.vector_load_idx %arg18[%gather3A_1871, %add3A_1894] : memref<8x64xf32, #tpu.memory_space<vmem>>[vector<16xi32>, vector<16xi32>], vector<16xf32>,
        %add3A_1896 = arith.addf %get3A_1891, %gather3A_1895 : vector<16xf32>
        %max3A_1897 = arith.constant 0.000000e+00 : f32
        %max3A_1898 = vector.broadcast %max3A_1897 : f32 to vector<16xf32>
        %max3A_1899 = arith.maximumf %add3A_1896, %max3A_1898 : vector<16xf32>
        %mul3A_1900 = arith.mulf %max3A_1899, %convert_element_type3A_1873 : vector<16xf32>
        %add3A_1901 = arith.addf %add3A_1833, %mul3A_1900 : vector<16xf32>
        %get3A_1902 = arith.constant 8 : i32
        %get3A_1903 = arith.index_cast %get3A_1902 : i32 to index
        %get3A_1904 = arith.constant 32 : index
        %get3A_1905 = tpu.vector_load %arg22[%get3A_1903, %get3A_1904] {strides = array<i32>} : memref<16x64xf32, #tpu.memory_space<vmem>>, vector<16xf32>,
        %add3A_1906 = arith.constant 32 : i32
        %add3A_1907 = vector.broadcast %add3A_1906 : i32 to vector<16xi32>
        %add3A_1908 = arith.addi %iota3A, %add3A_1907 : vector<16xi32>
        %gather3A_1909 = tpu.vector_load_idx %arg18[%gather3A_1871, %add3A_1908] : memref<8x64xf32, #tpu.memory_space<vmem>>[vector<16xi32>, vector<16xi32>], vector<16xf32>,
        %add3A_1910 = arith.addf %get3A_1905, %gather3A_1909 : vector<16xf32>
        %max3A_1911 = arith.constant 0.000000e+00 : f32
        %max3A_1912 = vector.broadcast %max3A_1911 : f32 to vector<16xf32>
        %max3A_1913 = arith.maximumf %add3A_1910, %max3A_1912 : vector<16xf32>
        %mul3A_1914 = arith.mulf %max3A_1913, %convert_element_type3A_1873 : vector<16xf32>
        %add3A_1915 = arith.addf %add3A_1847, %mul3A_1914 : vector<16xf32>
        %get3A_1916 = arith.constant 8 : i32
        %get3A_1917 = arith.index_cast %get3A_1916 : i32 to index
        %get3A_1918 = arith.constant 48 : index
        %get3A_1919 = tpu.vector_load %arg22[%get3A_1917, %get3A_1918] {strides = array<i32>} : memref<16x64xf32, #tpu.memory_space<vmem>>, vector<16xf32>,
        %add3A_1920 = arith.constant 48 : i32
        %add3A_1921 = vector.broadcast %add3A_1920 : i32 to vector<16xi32>
        %add3A_1922 = arith.addi %iota3A, %add3A_1921 : vector<16xi32>
        %gather3A_1923 = tpu.vector_load_idx %arg18[%gather3A_1871, %add3A_1922] : memref<8x64xf32, #tpu.memory_space<vmem>>[vector<16xi32>, vector<16xi32>], vector<16xf32>,
        %add3A_1924 = arith.addf %get3A_1919, %gather3A_1923 : vector<16xf32>
        %max3A_1925 = arith.constant 0.000000e+00 : f32
        %max3A_1926 = vector.broadcast %max3A_1925 : f32 to vector<16xf32>
        %max3A_1927 = arith.maximumf %add3A_1924, %max3A_1926 : vector<16xf32>
        %mul3A_1928 = arith.mulf %max3A_1927, %convert_element_type3A_1873 : vector<16xf32>
        %add3A_1929 = arith.addf %add3A_1861, %mul3A_1928 : vector<16xf32>
        %add3A_1930 = arith.constant 25 : i32
        %add3A_1931 = vector.broadcast %add3A_1930 : i32 to vector<16xi32>
        %add3A_1932 = arith.addi %add3A_92, %add3A_1931 : vector<16xi32>
        %shift_right_arithmetic3A_1933 = arith.constant 4 : i32
        %shift_right_arithmetic3A_1934 = vector.broadcast %shift_right_arithmetic3A_1933 : i32 to vector<16xi32>
        %shift_right_arithmetic3A_1935 = arith.shrsi %add3A_1932, %shift_right_arithmetic3A_1934 : vector<16xi32>
        %and3A_1936 = arith.constant 15 : i32
        %and3A_1937 = vector.broadcast %and3A_1936 : i32 to vector<16xi32>
        %and3A_1938 = arith.andi %add3A_1932, %and3A_1937 : vector<16xi32>
        %gather3A_1939 = tpu.vector_load_idx %arg17[%shift_right_arithmetic3A_1935, %and3A_1938] : memref<64x16xi32, #tpu.memory_space<vmem>>[vector<16xi32>, vector<16xi32>], vector<16xi32>,
        %gather3A_1940 = tpu.vector_load_idx %arg16[%shift_right_arithmetic3A_1935, %and3A_1938] : memref<64x16xi32, #tpu.memory_space<vmem>>[vector<16xi32>, vector<16xi32>], vector<16xi32>,
        %convert_element_type3A_1941 = arith.sitofp %gather3A_1940 : vector<16xi32> to vector<16xf32>
        %get3A_1942 = arith.constant 9 : i32
        %get3A_1943 = arith.index_cast %get3A_1942 : i32 to index
        %get3A_1944 = arith.constant 0 : index
        %get3A_1945 = tpu.vector_load %arg22[%get3A_1943, %get3A_1944] {strides = array<i32>} : memref<16x64xf32, #tpu.memory_space<vmem>>, vector<16xf32>,
        %add3A_1946 = arith.constant 0 : i32
        %add3A_1947 = vector.broadcast %add3A_1946 : i32 to vector<16xi32>
        %add3A_1948 = arith.addi %iota3A, %add3A_1947 : vector<16xi32>
        %gather3A_1949 = tpu.vector_load_idx %arg18[%gather3A_1939, %add3A_1948] : memref<8x64xf32, #tpu.memory_space<vmem>>[vector<16xi32>, vector<16xi32>], vector<16xf32>,
        %add3A_1950 = arith.addf %get3A_1945, %gather3A_1949 : vector<16xf32>
        %max3A_1951 = arith.constant 0.000000e+00 : f32
        %max3A_1952 = vector.broadcast %max3A_1951 : f32 to vector<16xf32>
        %max3A_1953 = arith.maximumf %add3A_1950, %max3A_1952 : vector<16xf32>
        %mul3A_1954 = arith.mulf %max3A_1953, %convert_element_type3A_1941 : vector<16xf32>
        %add3A_1955 = arith.addf %add3A_1887, %mul3A_1954 : vector<16xf32>
        %get3A_1956 = arith.constant 9 : i32
        %get3A_1957 = arith.index_cast %get3A_1956 : i32 to index
        %get3A_1958 = arith.constant 16 : index
        %get3A_1959 = tpu.vector_load %arg22[%get3A_1957, %get3A_1958] {strides = array<i32>} : memref<16x64xf32, #tpu.memory_space<vmem>>, vector<16xf32>,
        %add3A_1960 = arith.constant 16 : i32
        %add3A_1961 = vector.broadcast %add3A_1960 : i32 to vector<16xi32>
        %add3A_1962 = arith.addi %iota3A, %add3A_1961 : vector<16xi32>
        %gather3A_1963 = tpu.vector_load_idx %arg18[%gather3A_1939, %add3A_1962] : memref<8x64xf32, #tpu.memory_space<vmem>>[vector<16xi32>, vector<16xi32>], vector<16xf32>,
        %add3A_1964 = arith.addf %get3A_1959, %gather3A_1963 : vector<16xf32>
        %max3A_1965 = arith.constant 0.000000e+00 : f32
        %max3A_1966 = vector.broadcast %max3A_1965 : f32 to vector<16xf32>
        %max3A_1967 = arith.maximumf %add3A_1964, %max3A_1966 : vector<16xf32>
        %mul3A_1968 = arith.mulf %max3A_1967, %convert_element_type3A_1941 : vector<16xf32>
        %add3A_1969 = arith.addf %add3A_1901, %mul3A_1968 : vector<16xf32>
        %get3A_1970 = arith.constant 9 : i32
        %get3A_1971 = arith.index_cast %get3A_1970 : i32 to index
        %get3A_1972 = arith.constant 32 : index
        %get3A_1973 = tpu.vector_load %arg22[%get3A_1971, %get3A_1972] {strides = array<i32>} : memref<16x64xf32, #tpu.memory_space<vmem>>, vector<16xf32>,
        %add3A_1974 = arith.constant 32 : i32
        %add3A_1975 = vector.broadcast %add3A_1974 : i32 to vector<16xi32>
        %add3A_1976 = arith.addi %iota3A, %add3A_1975 : vector<16xi32>
        %gather3A_1977 = tpu.vector_load_idx %arg18[%gather3A_1939, %add3A_1976] : memref<8x64xf32, #tpu.memory_space<vmem>>[vector<16xi32>, vector<16xi32>], vector<16xf32>,
        %add3A_1978 = arith.addf %get3A_1973, %gather3A_1977 : vector<16xf32>
        %max3A_1979 = arith.constant 0.000000e+00 : f32
        %max3A_1980 = vector.broadcast %max3A_1979 : f32 to vector<16xf32>
        %max3A_1981 = arith.maximumf %add3A_1978, %max3A_1980 : vector<16xf32>
        %mul3A_1982 = arith.mulf %max3A_1981, %convert_element_type3A_1941 : vector<16xf32>
        %add3A_1983 = arith.addf %add3A_1915, %mul3A_1982 : vector<16xf32>
        %get3A_1984 = arith.constant 9 : i32
        %get3A_1985 = arith.index_cast %get3A_1984 : i32 to index
        %get3A_1986 = arith.constant 48 : index
        %get3A_1987 = tpu.vector_load %arg22[%get3A_1985, %get3A_1986] {strides = array<i32>} : memref<16x64xf32, #tpu.memory_space<vmem>>, vector<16xf32>,
        %add3A_1988 = arith.constant 48 : i32
        %add3A_1989 = vector.broadcast %add3A_1988 : i32 to vector<16xi32>
        %add3A_1990 = arith.addi %iota3A, %add3A_1989 : vector<16xi32>
        %gather3A_1991 = tpu.vector_load_idx %arg18[%gather3A_1939, %add3A_1990] : memref<8x64xf32, #tpu.memory_space<vmem>>[vector<16xi32>, vector<16xi32>], vector<16xf32>,
        %add3A_1992 = arith.addf %get3A_1987, %gather3A_1991 : vector<16xf32>
        %max3A_1993 = arith.constant 0.000000e+00 : f32
        %max3A_1994 = vector.broadcast %max3A_1993 : f32 to vector<16xf32>
        %max3A_1995 = arith.maximumf %add3A_1992, %max3A_1994 : vector<16xf32>
        %mul3A_1996 = arith.mulf %max3A_1995, %convert_element_type3A_1941 : vector<16xf32>
        %add3A_1997 = arith.addf %add3A_1929, %mul3A_1996 : vector<16xf32>
        %add3A_1998 = arith.constant 26 : i32
        %add3A_1999 = vector.broadcast %add3A_1998 : i32 to vector<16xi32>
        %add3A_2000 = arith.addi %add3A_92, %add3A_1999 : vector<16xi32>
        %shift_right_arithmetic3A_2001 = arith.constant 4 : i32
        %shift_right_arithmetic3A_2002 = vector.broadcast %shift_right_arithmetic3A_2001 : i32 to vector<16xi32>
        %shift_right_arithmetic3A_2003 = arith.shrsi %add3A_2000, %shift_right_arithmetic3A_2002 : vector<16xi32>
        %and3A_2004 = arith.constant 15 : i32
        %and3A_2005 = vector.broadcast %and3A_2004 : i32 to vector<16xi32>
        %and3A_2006 = arith.andi %add3A_2000, %and3A_2005 : vector<16xi32>
        %gather3A_2007 = tpu.vector_load_idx %arg17[%shift_right_arithmetic3A_2003, %and3A_2006] : memref<64x16xi32, #tpu.memory_space<vmem>>[vector<16xi32>, vector<16xi32>], vector<16xi32>,
        %gather3A_2008 = tpu.vector_load_idx %arg16[%shift_right_arithmetic3A_2003, %and3A_2006] : memref<64x16xi32, #tpu.memory_space<vmem>>[vector<16xi32>, vector<16xi32>], vector<16xi32>,
        %convert_element_type3A_2009 = arith.sitofp %gather3A_2008 : vector<16xi32> to vector<16xf32>
        %get3A_2010 = arith.constant 10 : i32
        %get3A_2011 = arith.index_cast %get3A_2010 : i32 to index
        %get3A_2012 = arith.constant 0 : index
        %get3A_2013 = tpu.vector_load %arg22[%get3A_2011, %get3A_2012] {strides = array<i32>} : memref<16x64xf32, #tpu.memory_space<vmem>>, vector<16xf32>,
        %add3A_2014 = arith.constant 0 : i32
        %add3A_2015 = vector.broadcast %add3A_2014 : i32 to vector<16xi32>
        %add3A_2016 = arith.addi %iota3A, %add3A_2015 : vector<16xi32>
        %gather3A_2017 = tpu.vector_load_idx %arg18[%gather3A_2007, %add3A_2016] : memref<8x64xf32, #tpu.memory_space<vmem>>[vector<16xi32>, vector<16xi32>], vector<16xf32>,
        %add3A_2018 = arith.addf %get3A_2013, %gather3A_2017 : vector<16xf32>
        %max3A_2019 = arith.constant 0.000000e+00 : f32
        %max3A_2020 = vector.broadcast %max3A_2019 : f32 to vector<16xf32>
        %max3A_2021 = arith.maximumf %add3A_2018, %max3A_2020 : vector<16xf32>
        %mul3A_2022 = arith.mulf %max3A_2021, %convert_element_type3A_2009 : vector<16xf32>
        %add3A_2023 = arith.addf %add3A_1955, %mul3A_2022 : vector<16xf32>
        %get3A_2024 = arith.constant 10 : i32
        %get3A_2025 = arith.index_cast %get3A_2024 : i32 to index
        %get3A_2026 = arith.constant 16 : index
        %get3A_2027 = tpu.vector_load %arg22[%get3A_2025, %get3A_2026] {strides = array<i32>} : memref<16x64xf32, #tpu.memory_space<vmem>>, vector<16xf32>,
        %add3A_2028 = arith.constant 16 : i32
        %add3A_2029 = vector.broadcast %add3A_2028 : i32 to vector<16xi32>
        %add3A_2030 = arith.addi %iota3A, %add3A_2029 : vector<16xi32>
        %gather3A_2031 = tpu.vector_load_idx %arg18[%gather3A_2007, %add3A_2030] : memref<8x64xf32, #tpu.memory_space<vmem>>[vector<16xi32>, vector<16xi32>], vector<16xf32>,
        %add3A_2032 = arith.addf %get3A_2027, %gather3A_2031 : vector<16xf32>
        %max3A_2033 = arith.constant 0.000000e+00 : f32
        %max3A_2034 = vector.broadcast %max3A_2033 : f32 to vector<16xf32>
        %max3A_2035 = arith.maximumf %add3A_2032, %max3A_2034 : vector<16xf32>
        %mul3A_2036 = arith.mulf %max3A_2035, %convert_element_type3A_2009 : vector<16xf32>
        %add3A_2037 = arith.addf %add3A_1969, %mul3A_2036 : vector<16xf32>
        %get3A_2038 = arith.constant 10 : i32
        %get3A_2039 = arith.index_cast %get3A_2038 : i32 to index
        %get3A_2040 = arith.constant 32 : index
        %get3A_2041 = tpu.vector_load %arg22[%get3A_2039, %get3A_2040] {strides = array<i32>} : memref<16x64xf32, #tpu.memory_space<vmem>>, vector<16xf32>,
        %add3A_2042 = arith.constant 32 : i32
        %add3A_2043 = vector.broadcast %add3A_2042 : i32 to vector<16xi32>
        %add3A_2044 = arith.addi %iota3A, %add3A_2043 : vector<16xi32>
        %gather3A_2045 = tpu.vector_load_idx %arg18[%gather3A_2007, %add3A_2044] : memref<8x64xf32, #tpu.memory_space<vmem>>[vector<16xi32>, vector<16xi32>], vector<16xf32>,
        %add3A_2046 = arith.addf %get3A_2041, %gather3A_2045 : vector<16xf32>
        %max3A_2047 = arith.constant 0.000000e+00 : f32
        %max3A_2048 = vector.broadcast %max3A_2047 : f32 to vector<16xf32>
        %max3A_2049 = arith.maximumf %add3A_2046, %max3A_2048 : vector<16xf32>
        %mul3A_2050 = arith.mulf %max3A_2049, %convert_element_type3A_2009 : vector<16xf32>
        %add3A_2051 = arith.addf %add3A_1983, %mul3A_2050 : vector<16xf32>
        %get3A_2052 = arith.constant 10 : i32
        %get3A_2053 = arith.index_cast %get3A_2052 : i32 to index
        %get3A_2054 = arith.constant 48 : index
        %get3A_2055 = tpu.vector_load %arg22[%get3A_2053, %get3A_2054] {strides = array<i32>} : memref<16x64xf32, #tpu.memory_space<vmem>>, vector<16xf32>,
        %add3A_2056 = arith.constant 48 : i32
        %add3A_2057 = vector.broadcast %add3A_2056 : i32 to vector<16xi32>
        %add3A_2058 = arith.addi %iota3A, %add3A_2057 : vector<16xi32>
        %gather3A_2059 = tpu.vector_load_idx %arg18[%gather3A_2007, %add3A_2058] : memref<8x64xf32, #tpu.memory_space<vmem>>[vector<16xi32>, vector<16xi32>], vector<16xf32>,
        %add3A_2060 = arith.addf %get3A_2055, %gather3A_2059 : vector<16xf32>
        %max3A_2061 = arith.constant 0.000000e+00 : f32
        %max3A_2062 = vector.broadcast %max3A_2061 : f32 to vector<16xf32>
        %max3A_2063 = arith.maximumf %add3A_2060, %max3A_2062 : vector<16xf32>
        %mul3A_2064 = arith.mulf %max3A_2063, %convert_element_type3A_2009 : vector<16xf32>
        %add3A_2065 = arith.addf %add3A_1997, %mul3A_2064 : vector<16xf32>
        %add3A_2066 = arith.constant 27 : i32
        %add3A_2067 = vector.broadcast %add3A_2066 : i32 to vector<16xi32>
        %add3A_2068 = arith.addi %add3A_92, %add3A_2067 : vector<16xi32>
        %shift_right_arithmetic3A_2069 = arith.constant 4 : i32
        %shift_right_arithmetic3A_2070 = vector.broadcast %shift_right_arithmetic3A_2069 : i32 to vector<16xi32>
        %shift_right_arithmetic3A_2071 = arith.shrsi %add3A_2068, %shift_right_arithmetic3A_2070 : vector<16xi32>
        %and3A_2072 = arith.constant 15 : i32
        %and3A_2073 = vector.broadcast %and3A_2072 : i32 to vector<16xi32>
        %and3A_2074 = arith.andi %add3A_2068, %and3A_2073 : vector<16xi32>
        %gather3A_2075 = tpu.vector_load_idx %arg17[%shift_right_arithmetic3A_2071, %and3A_2074] : memref<64x16xi32, #tpu.memory_space<vmem>>[vector<16xi32>, vector<16xi32>], vector<16xi32>,
        %gather3A_2076 = tpu.vector_load_idx %arg16[%shift_right_arithmetic3A_2071, %and3A_2074] : memref<64x16xi32, #tpu.memory_space<vmem>>[vector<16xi32>, vector<16xi32>], vector<16xi32>,
        %convert_element_type3A_2077 = arith.sitofp %gather3A_2076 : vector<16xi32> to vector<16xf32>
        %get3A_2078 = arith.constant 11 : i32
        %get3A_2079 = arith.index_cast %get3A_2078 : i32 to index
        %get3A_2080 = arith.constant 0 : index
        %get3A_2081 = tpu.vector_load %arg22[%get3A_2079, %get3A_2080] {strides = array<i32>} : memref<16x64xf32, #tpu.memory_space<vmem>>, vector<16xf32>,
        %add3A_2082 = arith.constant 0 : i32
        %add3A_2083 = vector.broadcast %add3A_2082 : i32 to vector<16xi32>
        %add3A_2084 = arith.addi %iota3A, %add3A_2083 : vector<16xi32>
        %gather3A_2085 = tpu.vector_load_idx %arg18[%gather3A_2075, %add3A_2084] : memref<8x64xf32, #tpu.memory_space<vmem>>[vector<16xi32>, vector<16xi32>], vector<16xf32>,
        %add3A_2086 = arith.addf %get3A_2081, %gather3A_2085 : vector<16xf32>
        %max3A_2087 = arith.constant 0.000000e+00 : f32
        %max3A_2088 = vector.broadcast %max3A_2087 : f32 to vector<16xf32>
        %max3A_2089 = arith.maximumf %add3A_2086, %max3A_2088 : vector<16xf32>
        %mul3A_2090 = arith.mulf %max3A_2089, %convert_element_type3A_2077 : vector<16xf32>
        %add3A_2091 = arith.addf %add3A_2023, %mul3A_2090 : vector<16xf32>
        %get3A_2092 = arith.constant 11 : i32
        %get3A_2093 = arith.index_cast %get3A_2092 : i32 to index
        %get3A_2094 = arith.constant 16 : index
        %get3A_2095 = tpu.vector_load %arg22[%get3A_2093, %get3A_2094] {strides = array<i32>} : memref<16x64xf32, #tpu.memory_space<vmem>>, vector<16xf32>,
        %add3A_2096 = arith.constant 16 : i32
        %add3A_2097 = vector.broadcast %add3A_2096 : i32 to vector<16xi32>
        %add3A_2098 = arith.addi %iota3A, %add3A_2097 : vector<16xi32>
        %gather3A_2099 = tpu.vector_load_idx %arg18[%gather3A_2075, %add3A_2098] : memref<8x64xf32, #tpu.memory_space<vmem>>[vector<16xi32>, vector<16xi32>], vector<16xf32>,
        %add3A_2100 = arith.addf %get3A_2095, %gather3A_2099 : vector<16xf32>
        %max3A_2101 = arith.constant 0.000000e+00 : f32
        %max3A_2102 = vector.broadcast %max3A_2101 : f32 to vector<16xf32>
        %max3A_2103 = arith.maximumf %add3A_2100, %max3A_2102 : vector<16xf32>
        %mul3A_2104 = arith.mulf %max3A_2103, %convert_element_type3A_2077 : vector<16xf32>
        %add3A_2105 = arith.addf %add3A_2037, %mul3A_2104 : vector<16xf32>
        %get3A_2106 = arith.constant 11 : i32
        %get3A_2107 = arith.index_cast %get3A_2106 : i32 to index
        %get3A_2108 = arith.constant 32 : index
        %get3A_2109 = tpu.vector_load %arg22[%get3A_2107, %get3A_2108] {strides = array<i32>} : memref<16x64xf32, #tpu.memory_space<vmem>>, vector<16xf32>,
        %add3A_2110 = arith.constant 32 : i32
        %add3A_2111 = vector.broadcast %add3A_2110 : i32 to vector<16xi32>
        %add3A_2112 = arith.addi %iota3A, %add3A_2111 : vector<16xi32>
        %gather3A_2113 = tpu.vector_load_idx %arg18[%gather3A_2075, %add3A_2112] : memref<8x64xf32, #tpu.memory_space<vmem>>[vector<16xi32>, vector<16xi32>], vector<16xf32>,
        %add3A_2114 = arith.addf %get3A_2109, %gather3A_2113 : vector<16xf32>
        %max3A_2115 = arith.constant 0.000000e+00 : f32
        %max3A_2116 = vector.broadcast %max3A_2115 : f32 to vector<16xf32>
        %max3A_2117 = arith.maximumf %add3A_2114, %max3A_2116 : vector<16xf32>
        %mul3A_2118 = arith.mulf %max3A_2117, %convert_element_type3A_2077 : vector<16xf32>
        %add3A_2119 = arith.addf %add3A_2051, %mul3A_2118 : vector<16xf32>
        %get3A_2120 = arith.constant 11 : i32
        %get3A_2121 = arith.index_cast %get3A_2120 : i32 to index
        %get3A_2122 = arith.constant 48 : index
        %get3A_2123 = tpu.vector_load %arg22[%get3A_2121, %get3A_2122] {strides = array<i32>} : memref<16x64xf32, #tpu.memory_space<vmem>>, vector<16xf32>,
        %add3A_2124 = arith.constant 48 : i32
        %add3A_2125 = vector.broadcast %add3A_2124 : i32 to vector<16xi32>
        %add3A_2126 = arith.addi %iota3A, %add3A_2125 : vector<16xi32>
        %gather3A_2127 = tpu.vector_load_idx %arg18[%gather3A_2075, %add3A_2126] : memref<8x64xf32, #tpu.memory_space<vmem>>[vector<16xi32>, vector<16xi32>], vector<16xf32>,
        %add3A_2128 = arith.addf %get3A_2123, %gather3A_2127 : vector<16xf32>
        %max3A_2129 = arith.constant 0.000000e+00 : f32
        %max3A_2130 = vector.broadcast %max3A_2129 : f32 to vector<16xf32>
        %max3A_2131 = arith.maximumf %add3A_2128, %max3A_2130 : vector<16xf32>
        %mul3A_2132 = arith.mulf %max3A_2131, %convert_element_type3A_2077 : vector<16xf32>
        %add3A_2133 = arith.addf %add3A_2065, %mul3A_2132 : vector<16xf32>
        %add3A_2134 = arith.constant 28 : i32
        %add3A_2135 = vector.broadcast %add3A_2134 : i32 to vector<16xi32>
        %add3A_2136 = arith.addi %add3A_92, %add3A_2135 : vector<16xi32>
        %shift_right_arithmetic3A_2137 = arith.constant 4 : i32
        %shift_right_arithmetic3A_2138 = vector.broadcast %shift_right_arithmetic3A_2137 : i32 to vector<16xi32>
        %shift_right_arithmetic3A_2139 = arith.shrsi %add3A_2136, %shift_right_arithmetic3A_2138 : vector<16xi32>
        %and3A_2140 = arith.constant 15 : i32
        %and3A_2141 = vector.broadcast %and3A_2140 : i32 to vector<16xi32>
        %and3A_2142 = arith.andi %add3A_2136, %and3A_2141 : vector<16xi32>
        %gather3A_2143 = tpu.vector_load_idx %arg17[%shift_right_arithmetic3A_2139, %and3A_2142] : memref<64x16xi32, #tpu.memory_space<vmem>>[vector<16xi32>, vector<16xi32>], vector<16xi32>,
        %gather3A_2144 = tpu.vector_load_idx %arg16[%shift_right_arithmetic3A_2139, %and3A_2142] : memref<64x16xi32, #tpu.memory_space<vmem>>[vector<16xi32>, vector<16xi32>], vector<16xi32>,
        %convert_element_type3A_2145 = arith.sitofp %gather3A_2144 : vector<16xi32> to vector<16xf32>
        %get3A_2146 = arith.constant 12 : i32
        %get3A_2147 = arith.index_cast %get3A_2146 : i32 to index
        %get3A_2148 = arith.constant 0 : index
        %get3A_2149 = tpu.vector_load %arg22[%get3A_2147, %get3A_2148] {strides = array<i32>} : memref<16x64xf32, #tpu.memory_space<vmem>>, vector<16xf32>,
        %add3A_2150 = arith.constant 0 : i32
        %add3A_2151 = vector.broadcast %add3A_2150 : i32 to vector<16xi32>
        %add3A_2152 = arith.addi %iota3A, %add3A_2151 : vector<16xi32>
        %gather3A_2153 = tpu.vector_load_idx %arg18[%gather3A_2143, %add3A_2152] : memref<8x64xf32, #tpu.memory_space<vmem>>[vector<16xi32>, vector<16xi32>], vector<16xf32>,
        %add3A_2154 = arith.addf %get3A_2149, %gather3A_2153 : vector<16xf32>
        %max3A_2155 = arith.constant 0.000000e+00 : f32
        %max3A_2156 = vector.broadcast %max3A_2155 : f32 to vector<16xf32>
        %max3A_2157 = arith.maximumf %add3A_2154, %max3A_2156 : vector<16xf32>
        %mul3A_2158 = arith.mulf %max3A_2157, %convert_element_type3A_2145 : vector<16xf32>
        %add3A_2159 = arith.addf %add3A_2091, %mul3A_2158 : vector<16xf32>
        %get3A_2160 = arith.constant 12 : i32
        %get3A_2161 = arith.index_cast %get3A_2160 : i32 to index
        %get3A_2162 = arith.constant 16 : index
        %get3A_2163 = tpu.vector_load %arg22[%get3A_2161, %get3A_2162] {strides = array<i32>} : memref<16x64xf32, #tpu.memory_space<vmem>>, vector<16xf32>,
        %add3A_2164 = arith.constant 16 : i32
        %add3A_2165 = vector.broadcast %add3A_2164 : i32 to vector<16xi32>
        %add3A_2166 = arith.addi %iota3A, %add3A_2165 : vector<16xi32>
        %gather3A_2167 = tpu.vector_load_idx %arg18[%gather3A_2143, %add3A_2166] : memref<8x64xf32, #tpu.memory_space<vmem>>[vector<16xi32>, vector<16xi32>], vector<16xf32>,
        %add3A_2168 = arith.addf %get3A_2163, %gather3A_2167 : vector<16xf32>
        %max3A_2169 = arith.constant 0.000000e+00 : f32
        %max3A_2170 = vector.broadcast %max3A_2169 : f32 to vector<16xf32>
        %max3A_2171 = arith.maximumf %add3A_2168, %max3A_2170 : vector<16xf32>
        %mul3A_2172 = arith.mulf %max3A_2171, %convert_element_type3A_2145 : vector<16xf32>
        %add3A_2173 = arith.addf %add3A_2105, %mul3A_2172 : vector<16xf32>
        %get3A_2174 = arith.constant 12 : i32
        %get3A_2175 = arith.index_cast %get3A_2174 : i32 to index
        %get3A_2176 = arith.constant 32 : index
        %get3A_2177 = tpu.vector_load %arg22[%get3A_2175, %get3A_2176] {strides = array<i32>} : memref<16x64xf32, #tpu.memory_space<vmem>>, vector<16xf32>,
        %add3A_2178 = arith.constant 32 : i32
        %add3A_2179 = vector.broadcast %add3A_2178 : i32 to vector<16xi32>
        %add3A_2180 = arith.addi %iota3A, %add3A_2179 : vector<16xi32>
        %gather3A_2181 = tpu.vector_load_idx %arg18[%gather3A_2143, %add3A_2180] : memref<8x64xf32, #tpu.memory_space<vmem>>[vector<16xi32>, vector<16xi32>], vector<16xf32>,
        %add3A_2182 = arith.addf %get3A_2177, %gather3A_2181 : vector<16xf32>
        %max3A_2183 = arith.constant 0.000000e+00 : f32
        %max3A_2184 = vector.broadcast %max3A_2183 : f32 to vector<16xf32>
        %max3A_2185 = arith.maximumf %add3A_2182, %max3A_2184 : vector<16xf32>
        %mul3A_2186 = arith.mulf %max3A_2185, %convert_element_type3A_2145 : vector<16xf32>
        %add3A_2187 = arith.addf %add3A_2119, %mul3A_2186 : vector<16xf32>
        %get3A_2188 = arith.constant 12 : i32
        %get3A_2189 = arith.index_cast %get3A_2188 : i32 to index
        %get3A_2190 = arith.constant 48 : index
        %get3A_2191 = tpu.vector_load %arg22[%get3A_2189, %get3A_2190] {strides = array<i32>} : memref<16x64xf32, #tpu.memory_space<vmem>>, vector<16xf32>,
        %add3A_2192 = arith.constant 48 : i32
        %add3A_2193 = vector.broadcast %add3A_2192 : i32 to vector<16xi32>
        %add3A_2194 = arith.addi %iota3A, %add3A_2193 : vector<16xi32>
        %gather3A_2195 = tpu.vector_load_idx %arg18[%gather3A_2143, %add3A_2194] : memref<8x64xf32, #tpu.memory_space<vmem>>[vector<16xi32>, vector<16xi32>], vector<16xf32>,
        %add3A_2196 = arith.addf %get3A_2191, %gather3A_2195 : vector<16xf32>
        %max3A_2197 = arith.constant 0.000000e+00 : f32
        %max3A_2198 = vector.broadcast %max3A_2197 : f32 to vector<16xf32>
        %max3A_2199 = arith.maximumf %add3A_2196, %max3A_2198 : vector<16xf32>
        %mul3A_2200 = arith.mulf %max3A_2199, %convert_element_type3A_2145 : vector<16xf32>
        %add3A_2201 = arith.addf %add3A_2133, %mul3A_2200 : vector<16xf32>
        %add3A_2202 = arith.constant 29 : i32
        %add3A_2203 = vector.broadcast %add3A_2202 : i32 to vector<16xi32>
        %add3A_2204 = arith.addi %add3A_92, %add3A_2203 : vector<16xi32>
        %shift_right_arithmetic3A_2205 = arith.constant 4 : i32
        %shift_right_arithmetic3A_2206 = vector.broadcast %shift_right_arithmetic3A_2205 : i32 to vector<16xi32>
        %shift_right_arithmetic3A_2207 = arith.shrsi %add3A_2204, %shift_right_arithmetic3A_2206 : vector<16xi32>
        %and3A_2208 = arith.constant 15 : i32
        %and3A_2209 = vector.broadcast %and3A_2208 : i32 to vector<16xi32>
        %and3A_2210 = arith.andi %add3A_2204, %and3A_2209 : vector<16xi32>
        %gather3A_2211 = tpu.vector_load_idx %arg17[%shift_right_arithmetic3A_2207, %and3A_2210] : memref<64x16xi32, #tpu.memory_space<vmem>>[vector<16xi32>, vector<16xi32>], vector<16xi32>,
        %gather3A_2212 = tpu.vector_load_idx %arg16[%shift_right_arithmetic3A_2207, %and3A_2210] : memref<64x16xi32, #tpu.memory_space<vmem>>[vector<16xi32>, vector<16xi32>], vector<16xi32>,
        %convert_element_type3A_2213 = arith.sitofp %gather3A_2212 : vector<16xi32> to vector<16xf32>
        %get3A_2214 = arith.constant 13 : i32
        %get3A_2215 = arith.index_cast %get3A_2214 : i32 to index
        %get3A_2216 = arith.constant 0 : index
        %get3A_2217 = tpu.vector_load %arg22[%get3A_2215, %get3A_2216] {strides = array<i32>} : memref<16x64xf32, #tpu.memory_space<vmem>>, vector<16xf32>,
        %add3A_2218 = arith.constant 0 : i32
        %add3A_2219 = vector.broadcast %add3A_2218 : i32 to vector<16xi32>
        %add3A_2220 = arith.addi %iota3A, %add3A_2219 : vector<16xi32>
        %gather3A_2221 = tpu.vector_load_idx %arg18[%gather3A_2211, %add3A_2220] : memref<8x64xf32, #tpu.memory_space<vmem>>[vector<16xi32>, vector<16xi32>], vector<16xf32>,
        %add3A_2222 = arith.addf %get3A_2217, %gather3A_2221 : vector<16xf32>
        %max3A_2223 = arith.constant 0.000000e+00 : f32
        %max3A_2224 = vector.broadcast %max3A_2223 : f32 to vector<16xf32>
        %max3A_2225 = arith.maximumf %add3A_2222, %max3A_2224 : vector<16xf32>
        %mul3A_2226 = arith.mulf %max3A_2225, %convert_element_type3A_2213 : vector<16xf32>
        %add3A_2227 = arith.addf %add3A_2159, %mul3A_2226 : vector<16xf32>
        %get3A_2228 = arith.constant 13 : i32
        %get3A_2229 = arith.index_cast %get3A_2228 : i32 to index
        %get3A_2230 = arith.constant 16 : index
        %get3A_2231 = tpu.vector_load %arg22[%get3A_2229, %get3A_2230] {strides = array<i32>} : memref<16x64xf32, #tpu.memory_space<vmem>>, vector<16xf32>,
        %add3A_2232 = arith.constant 16 : i32
        %add3A_2233 = vector.broadcast %add3A_2232 : i32 to vector<16xi32>
        %add3A_2234 = arith.addi %iota3A, %add3A_2233 : vector<16xi32>
        %gather3A_2235 = tpu.vector_load_idx %arg18[%gather3A_2211, %add3A_2234] : memref<8x64xf32, #tpu.memory_space<vmem>>[vector<16xi32>, vector<16xi32>], vector<16xf32>,
        %add3A_2236 = arith.addf %get3A_2231, %gather3A_2235 : vector<16xf32>
        %max3A_2237 = arith.constant 0.000000e+00 : f32
        %max3A_2238 = vector.broadcast %max3A_2237 : f32 to vector<16xf32>
        %max3A_2239 = arith.maximumf %add3A_2236, %max3A_2238 : vector<16xf32>
        %mul3A_2240 = arith.mulf %max3A_2239, %convert_element_type3A_2213 : vector<16xf32>
        %add3A_2241 = arith.addf %add3A_2173, %mul3A_2240 : vector<16xf32>
        %get3A_2242 = arith.constant 13 : i32
        %get3A_2243 = arith.index_cast %get3A_2242 : i32 to index
        %get3A_2244 = arith.constant 32 : index
        %get3A_2245 = tpu.vector_load %arg22[%get3A_2243, %get3A_2244] {strides = array<i32>} : memref<16x64xf32, #tpu.memory_space<vmem>>, vector<16xf32>,
        %add3A_2246 = arith.constant 32 : i32
        %add3A_2247 = vector.broadcast %add3A_2246 : i32 to vector<16xi32>
        %add3A_2248 = arith.addi %iota3A, %add3A_2247 : vector<16xi32>
        %gather3A_2249 = tpu.vector_load_idx %arg18[%gather3A_2211, %add3A_2248] : memref<8x64xf32, #tpu.memory_space<vmem>>[vector<16xi32>, vector<16xi32>], vector<16xf32>,
        %add3A_2250 = arith.addf %get3A_2245, %gather3A_2249 : vector<16xf32>
        %max3A_2251 = arith.constant 0.000000e+00 : f32
        %max3A_2252 = vector.broadcast %max3A_2251 : f32 to vector<16xf32>
        %max3A_2253 = arith.maximumf %add3A_2250, %max3A_2252 : vector<16xf32>
        %mul3A_2254 = arith.mulf %max3A_2253, %convert_element_type3A_2213 : vector<16xf32>
        %add3A_2255 = arith.addf %add3A_2187, %mul3A_2254 : vector<16xf32>
        %get3A_2256 = arith.constant 13 : i32
        %get3A_2257 = arith.index_cast %get3A_2256 : i32 to index
        %get3A_2258 = arith.constant 48 : index
        %get3A_2259 = tpu.vector_load %arg22[%get3A_2257, %get3A_2258] {strides = array<i32>} : memref<16x64xf32, #tpu.memory_space<vmem>>, vector<16xf32>,
        %add3A_2260 = arith.constant 48 : i32
        %add3A_2261 = vector.broadcast %add3A_2260 : i32 to vector<16xi32>
        %add3A_2262 = arith.addi %iota3A, %add3A_2261 : vector<16xi32>
        %gather3A_2263 = tpu.vector_load_idx %arg18[%gather3A_2211, %add3A_2262] : memref<8x64xf32, #tpu.memory_space<vmem>>[vector<16xi32>, vector<16xi32>], vector<16xf32>,
        %add3A_2264 = arith.addf %get3A_2259, %gather3A_2263 : vector<16xf32>
        %max3A_2265 = arith.constant 0.000000e+00 : f32
        %max3A_2266 = vector.broadcast %max3A_2265 : f32 to vector<16xf32>
        %max3A_2267 = arith.maximumf %add3A_2264, %max3A_2266 : vector<16xf32>
        %mul3A_2268 = arith.mulf %max3A_2267, %convert_element_type3A_2213 : vector<16xf32>
        %add3A_2269 = arith.addf %add3A_2201, %mul3A_2268 : vector<16xf32>
        %add3A_2270 = arith.constant 30 : i32
        %add3A_2271 = vector.broadcast %add3A_2270 : i32 to vector<16xi32>
        %add3A_2272 = arith.addi %add3A_92, %add3A_2271 : vector<16xi32>
        %shift_right_arithmetic3A_2273 = arith.constant 4 : i32
        %shift_right_arithmetic3A_2274 = vector.broadcast %shift_right_arithmetic3A_2273 : i32 to vector<16xi32>
        %shift_right_arithmetic3A_2275 = arith.shrsi %add3A_2272, %shift_right_arithmetic3A_2274 : vector<16xi32>
        %and3A_2276 = arith.constant 15 : i32
        %and3A_2277 = vector.broadcast %and3A_2276 : i32 to vector<16xi32>
        %and3A_2278 = arith.andi %add3A_2272, %and3A_2277 : vector<16xi32>
        %gather3A_2279 = tpu.vector_load_idx %arg17[%shift_right_arithmetic3A_2275, %and3A_2278] : memref<64x16xi32, #tpu.memory_space<vmem>>[vector<16xi32>, vector<16xi32>], vector<16xi32>,
        %gather3A_2280 = tpu.vector_load_idx %arg16[%shift_right_arithmetic3A_2275, %and3A_2278] : memref<64x16xi32, #tpu.memory_space<vmem>>[vector<16xi32>, vector<16xi32>], vector<16xi32>,
        %convert_element_type3A_2281 = arith.sitofp %gather3A_2280 : vector<16xi32> to vector<16xf32>
        %get3A_2282 = arith.constant 14 : i32
        %get3A_2283 = arith.index_cast %get3A_2282 : i32 to index
        %get3A_2284 = arith.constant 0 : index
        %get3A_2285 = tpu.vector_load %arg22[%get3A_2283, %get3A_2284] {strides = array<i32>} : memref<16x64xf32, #tpu.memory_space<vmem>>, vector<16xf32>,
        %add3A_2286 = arith.constant 0 : i32
        %add3A_2287 = vector.broadcast %add3A_2286 : i32 to vector<16xi32>
        %add3A_2288 = arith.addi %iota3A, %add3A_2287 : vector<16xi32>
        %gather3A_2289 = tpu.vector_load_idx %arg18[%gather3A_2279, %add3A_2288] : memref<8x64xf32, #tpu.memory_space<vmem>>[vector<16xi32>, vector<16xi32>], vector<16xf32>,
        %add3A_2290 = arith.addf %get3A_2285, %gather3A_2289 : vector<16xf32>
        %max3A_2291 = arith.constant 0.000000e+00 : f32
        %max3A_2292 = vector.broadcast %max3A_2291 : f32 to vector<16xf32>
        %max3A_2293 = arith.maximumf %add3A_2290, %max3A_2292 : vector<16xf32>
        %mul3A_2294 = arith.mulf %max3A_2293, %convert_element_type3A_2281 : vector<16xf32>
        %add3A_2295 = arith.addf %add3A_2227, %mul3A_2294 : vector<16xf32>
        %get3A_2296 = arith.constant 14 : i32
        %get3A_2297 = arith.index_cast %get3A_2296 : i32 to index
        %get3A_2298 = arith.constant 16 : index
        %get3A_2299 = tpu.vector_load %arg22[%get3A_2297, %get3A_2298] {strides = array<i32>} : memref<16x64xf32, #tpu.memory_space<vmem>>, vector<16xf32>,
        %add3A_2300 = arith.constant 16 : i32
        %add3A_2301 = vector.broadcast %add3A_2300 : i32 to vector<16xi32>
        %add3A_2302 = arith.addi %iota3A, %add3A_2301 : vector<16xi32>
        %gather3A_2303 = tpu.vector_load_idx %arg18[%gather3A_2279, %add3A_2302] : memref<8x64xf32, #tpu.memory_space<vmem>>[vector<16xi32>, vector<16xi32>], vector<16xf32>,
        %add3A_2304 = arith.addf %get3A_2299, %gather3A_2303 : vector<16xf32>
        %max3A_2305 = arith.constant 0.000000e+00 : f32
        %max3A_2306 = vector.broadcast %max3A_2305 : f32 to vector<16xf32>
        %max3A_2307 = arith.maximumf %add3A_2304, %max3A_2306 : vector<16xf32>
        %mul3A_2308 = arith.mulf %max3A_2307, %convert_element_type3A_2281 : vector<16xf32>
        %add3A_2309 = arith.addf %add3A_2241, %mul3A_2308 : vector<16xf32>
        %get3A_2310 = arith.constant 14 : i32
        %get3A_2311 = arith.index_cast %get3A_2310 : i32 to index
        %get3A_2312 = arith.constant 32 : index
        %get3A_2313 = tpu.vector_load %arg22[%get3A_2311, %get3A_2312] {strides = array<i32>} : memref<16x64xf32, #tpu.memory_space<vmem>>, vector<16xf32>,
        %add3A_2314 = arith.constant 32 : i32
        %add3A_2315 = vector.broadcast %add3A_2314 : i32 to vector<16xi32>
        %add3A_2316 = arith.addi %iota3A, %add3A_2315 : vector<16xi32>
        %gather3A_2317 = tpu.vector_load_idx %arg18[%gather3A_2279, %add3A_2316] : memref<8x64xf32, #tpu.memory_space<vmem>>[vector<16xi32>, vector<16xi32>], vector<16xf32>,
        %add3A_2318 = arith.addf %get3A_2313, %gather3A_2317 : vector<16xf32>
        %max3A_2319 = arith.constant 0.000000e+00 : f32
        %max3A_2320 = vector.broadcast %max3A_2319 : f32 to vector<16xf32>
        %max3A_2321 = arith.maximumf %add3A_2318, %max3A_2320 : vector<16xf32>
        %mul3A_2322 = arith.mulf %max3A_2321, %convert_element_type3A_2281 : vector<16xf32>
        %add3A_2323 = arith.addf %add3A_2255, %mul3A_2322 : vector<16xf32>
        %get3A_2324 = arith.constant 14 : i32
        %get3A_2325 = arith.index_cast %get3A_2324 : i32 to index
        %get3A_2326 = arith.constant 48 : index
        %get3A_2327 = tpu.vector_load %arg22[%get3A_2325, %get3A_2326] {strides = array<i32>} : memref<16x64xf32, #tpu.memory_space<vmem>>, vector<16xf32>,
        %add3A_2328 = arith.constant 48 : i32
        %add3A_2329 = vector.broadcast %add3A_2328 : i32 to vector<16xi32>
        %add3A_2330 = arith.addi %iota3A, %add3A_2329 : vector<16xi32>
        %gather3A_2331 = tpu.vector_load_idx %arg18[%gather3A_2279, %add3A_2330] : memref<8x64xf32, #tpu.memory_space<vmem>>[vector<16xi32>, vector<16xi32>], vector<16xf32>,
        %add3A_2332 = arith.addf %get3A_2327, %gather3A_2331 : vector<16xf32>
        %max3A_2333 = arith.constant 0.000000e+00 : f32
        %max3A_2334 = vector.broadcast %max3A_2333 : f32 to vector<16xf32>
        %max3A_2335 = arith.maximumf %add3A_2332, %max3A_2334 : vector<16xf32>
        %mul3A_2336 = arith.mulf %max3A_2335, %convert_element_type3A_2281 : vector<16xf32>
        %add3A_2337 = arith.addf %add3A_2269, %mul3A_2336 : vector<16xf32>
        %add3A_2338 = arith.constant 31 : i32
        %add3A_2339 = vector.broadcast %add3A_2338 : i32 to vector<16xi32>
        %add3A_2340 = arith.addi %add3A_92, %add3A_2339 : vector<16xi32>
        %shift_right_arithmetic3A_2341 = arith.constant 4 : i32
        %shift_right_arithmetic3A_2342 = vector.broadcast %shift_right_arithmetic3A_2341 : i32 to vector<16xi32>
        %shift_right_arithmetic3A_2343 = arith.shrsi %add3A_2340, %shift_right_arithmetic3A_2342 : vector<16xi32>
        %and3A_2344 = arith.constant 15 : i32
        %and3A_2345 = vector.broadcast %and3A_2344 : i32 to vector<16xi32>
        %and3A_2346 = arith.andi %add3A_2340, %and3A_2345 : vector<16xi32>
        %gather3A_2347 = tpu.vector_load_idx %arg17[%shift_right_arithmetic3A_2343, %and3A_2346] : memref<64x16xi32, #tpu.memory_space<vmem>>[vector<16xi32>, vector<16xi32>], vector<16xi32>,
        %gather3A_2348 = tpu.vector_load_idx %arg16[%shift_right_arithmetic3A_2343, %and3A_2346] : memref<64x16xi32, #tpu.memory_space<vmem>>[vector<16xi32>, vector<16xi32>], vector<16xi32>,
        %convert_element_type3A_2349 = arith.sitofp %gather3A_2348 : vector<16xi32> to vector<16xf32>
        %get3A_2350 = arith.constant 15 : i32
        %get3A_2351 = arith.index_cast %get3A_2350 : i32 to index
        %get3A_2352 = arith.constant 0 : index
        %get3A_2353 = tpu.vector_load %arg22[%get3A_2351, %get3A_2352] {strides = array<i32>} : memref<16x64xf32, #tpu.memory_space<vmem>>, vector<16xf32>,
        %add3A_2354 = arith.constant 0 : i32
        %add3A_2355 = vector.broadcast %add3A_2354 : i32 to vector<16xi32>
        %add3A_2356 = arith.addi %iota3A, %add3A_2355 : vector<16xi32>
        %gather3A_2357 = tpu.vector_load_idx %arg18[%gather3A_2347, %add3A_2356] : memref<8x64xf32, #tpu.memory_space<vmem>>[vector<16xi32>, vector<16xi32>], vector<16xf32>,
        %add3A_2358 = arith.addf %get3A_2353, %gather3A_2357 : vector<16xf32>
        %max3A_2359 = arith.constant 0.000000e+00 : f32
        %max3A_2360 = vector.broadcast %max3A_2359 : f32 to vector<16xf32>
        %max3A_2361 = arith.maximumf %add3A_2358, %max3A_2360 : vector<16xf32>
        %mul3A_2362 = arith.mulf %max3A_2361, %convert_element_type3A_2349 : vector<16xf32>
        %add3A_2363 = arith.addf %add3A_2295, %mul3A_2362 : vector<16xf32>
        %get3A_2364 = arith.constant 15 : i32
        %get3A_2365 = arith.index_cast %get3A_2364 : i32 to index
        %get3A_2366 = arith.constant 16 : index
        %get3A_2367 = tpu.vector_load %arg22[%get3A_2365, %get3A_2366] {strides = array<i32>} : memref<16x64xf32, #tpu.memory_space<vmem>>, vector<16xf32>,
        %add3A_2368 = arith.constant 16 : i32
        %add3A_2369 = vector.broadcast %add3A_2368 : i32 to vector<16xi32>
        %add3A_2370 = arith.addi %iota3A, %add3A_2369 : vector<16xi32>
        %gather3A_2371 = tpu.vector_load_idx %arg18[%gather3A_2347, %add3A_2370] : memref<8x64xf32, #tpu.memory_space<vmem>>[vector<16xi32>, vector<16xi32>], vector<16xf32>,
        %add3A_2372 = arith.addf %get3A_2367, %gather3A_2371 : vector<16xf32>
        %max3A_2373 = arith.constant 0.000000e+00 : f32
        %max3A_2374 = vector.broadcast %max3A_2373 : f32 to vector<16xf32>
        %max3A_2375 = arith.maximumf %add3A_2372, %max3A_2374 : vector<16xf32>
        %mul3A_2376 = arith.mulf %max3A_2375, %convert_element_type3A_2349 : vector<16xf32>
        %add3A_2377 = arith.addf %add3A_2309, %mul3A_2376 : vector<16xf32>
        %get3A_2378 = arith.constant 15 : i32
        %get3A_2379 = arith.index_cast %get3A_2378 : i32 to index
        %get3A_2380 = arith.constant 32 : index
        %get3A_2381 = tpu.vector_load %arg22[%get3A_2379, %get3A_2380] {strides = array<i32>} : memref<16x64xf32, #tpu.memory_space<vmem>>, vector<16xf32>,
        %add3A_2382 = arith.constant 32 : i32
        %add3A_2383 = vector.broadcast %add3A_2382 : i32 to vector<16xi32>
        %add3A_2384 = arith.addi %iota3A, %add3A_2383 : vector<16xi32>
        %gather3A_2385 = tpu.vector_load_idx %arg18[%gather3A_2347, %add3A_2384] : memref<8x64xf32, #tpu.memory_space<vmem>>[vector<16xi32>, vector<16xi32>], vector<16xf32>,
        %add3A_2386 = arith.addf %get3A_2381, %gather3A_2385 : vector<16xf32>
        %max3A_2387 = arith.constant 0.000000e+00 : f32
        %max3A_2388 = vector.broadcast %max3A_2387 : f32 to vector<16xf32>
        %max3A_2389 = arith.maximumf %add3A_2386, %max3A_2388 : vector<16xf32>
        %mul3A_2390 = arith.mulf %max3A_2389, %convert_element_type3A_2349 : vector<16xf32>
        %add3A_2391 = arith.addf %add3A_2323, %mul3A_2390 : vector<16xf32>
        %get3A_2392 = arith.constant 15 : i32
        %get3A_2393 = arith.index_cast %get3A_2392 : i32 to index
        %get3A_2394 = arith.constant 48 : index
        %get3A_2395 = tpu.vector_load %arg22[%get3A_2393, %get3A_2394] {strides = array<i32>} : memref<16x64xf32, #tpu.memory_space<vmem>>, vector<16xf32>,
        %add3A_2396 = arith.constant 48 : i32
        %add3A_2397 = vector.broadcast %add3A_2396 : i32 to vector<16xi32>
        %add3A_2398 = arith.addi %iota3A, %add3A_2397 : vector<16xi32>
        %gather3A_2399 = tpu.vector_load_idx %arg18[%gather3A_2347, %add3A_2398] : memref<8x64xf32, #tpu.memory_space<vmem>>[vector<16xi32>, vector<16xi32>], vector<16xf32>,
        %add3A_2400 = arith.addf %get3A_2395, %gather3A_2399 : vector<16xf32>
        %max3A_2401 = arith.constant 0.000000e+00 : f32
        %max3A_2402 = vector.broadcast %max3A_2401 : f32 to vector<16xf32>
        %max3A_2403 = arith.maximumf %add3A_2400, %max3A_2402 : vector<16xf32>
        %mul3A_2404 = arith.mulf %max3A_2403, %convert_element_type3A_2349 : vector<16xf32>
        %add3A_2405 = arith.addf %add3A_2337, %mul3A_2404 : vector<16xf32>
        %dma_wait3A_2406 = arith.constant 0 : i32
        %dma_wait3A_2407 = arith.constant 0 : i32
        %dma_wait3A_2408 = tpu.memref_slice %arg6[%dma_wait3A_2406, %dma_wait3A_2407] : memref<100000x64xf32, #tpu.memory_space<hbm>> -> memref<100000x64xf32, #tpu.memory_space<hbm>>
        tpu.wait_indirect_dma semaphore(%arg29 : memref<!tpu.dma_semaphore, #tpu.memory_space<semaphore_mem>>) src(%dma_wait3A_2408 : memref<100000x64xf32, #tpu.memory_space<hbm>>) dst(%arg23 : memref<16x64xf32, #tpu.memory_space<vmem>>)
        %add3A_2409 = arith.constant 32 : i32
        %add3A_2410 = vector.broadcast %add3A_2409 : i32 to vector<16xi32>
        %add3A_2411 = arith.addi %add3A_92, %add3A_2410 : vector<16xi32>
        %shift_right_arithmetic3A_2412 = arith.constant 4 : i32
        %shift_right_arithmetic3A_2413 = vector.broadcast %shift_right_arithmetic3A_2412 : i32 to vector<16xi32>
        %shift_right_arithmetic3A_2414 = arith.shrsi %add3A_2411, %shift_right_arithmetic3A_2413 : vector<16xi32>
        %and3A_2415 = arith.constant 15 : i32
        %and3A_2416 = vector.broadcast %and3A_2415 : i32 to vector<16xi32>
        %and3A_2417 = arith.andi %add3A_2411, %and3A_2416 : vector<16xi32>
        %gather3A_2418 = tpu.vector_load_idx %arg17[%shift_right_arithmetic3A_2414, %and3A_2417] : memref<64x16xi32, #tpu.memory_space<vmem>>[vector<16xi32>, vector<16xi32>], vector<16xi32>,
        %gather3A_2419 = tpu.vector_load_idx %arg16[%shift_right_arithmetic3A_2414, %and3A_2417] : memref<64x16xi32, #tpu.memory_space<vmem>>[vector<16xi32>, vector<16xi32>], vector<16xi32>,
        %convert_element_type3A_2420 = arith.sitofp %gather3A_2419 : vector<16xi32> to vector<16xf32>
        %get3A_2421 = arith.constant 0 : i32
        %get3A_2422 = arith.index_cast %get3A_2421 : i32 to index
        %get3A_2423 = arith.constant 0 : index
        %get3A_2424 = tpu.vector_load %arg23[%get3A_2422, %get3A_2423] {strides = array<i32>} : memref<16x64xf32, #tpu.memory_space<vmem>>, vector<16xf32>,
        %add3A_2425 = arith.constant 0 : i32
        %add3A_2426 = vector.broadcast %add3A_2425 : i32 to vector<16xi32>
        %add3A_2427 = arith.addi %iota3A, %add3A_2426 : vector<16xi32>
        %gather3A_2428 = tpu.vector_load_idx %arg18[%gather3A_2418, %add3A_2427] : memref<8x64xf32, #tpu.memory_space<vmem>>[vector<16xi32>, vector<16xi32>], vector<16xf32>,
        %add3A_2429 = arith.addf %get3A_2424, %gather3A_2428 : vector<16xf32>
        %max3A_2430 = arith.constant 0.000000e+00 : f32
        %max3A_2431 = vector.broadcast %max3A_2430 : f32 to vector<16xf32>
        %max3A_2432 = arith.maximumf %add3A_2429, %max3A_2431 : vector<16xf32>
        %mul3A_2433 = arith.mulf %max3A_2432, %convert_element_type3A_2420 : vector<16xf32>
        %add3A_2434 = arith.addf %add3A_2363, %mul3A_2433 : vector<16xf32>
        %get3A_2435 = arith.constant 0 : i32
        %get3A_2436 = arith.index_cast %get3A_2435 : i32 to index
        %get3A_2437 = arith.constant 16 : index
        %get3A_2438 = tpu.vector_load %arg23[%get3A_2436, %get3A_2437] {strides = array<i32>} : memref<16x64xf32, #tpu.memory_space<vmem>>, vector<16xf32>,
        %add3A_2439 = arith.constant 16 : i32
        %add3A_2440 = vector.broadcast %add3A_2439 : i32 to vector<16xi32>
        %add3A_2441 = arith.addi %iota3A, %add3A_2440 : vector<16xi32>
        %gather3A_2442 = tpu.vector_load_idx %arg18[%gather3A_2418, %add3A_2441] : memref<8x64xf32, #tpu.memory_space<vmem>>[vector<16xi32>, vector<16xi32>], vector<16xf32>,
        %add3A_2443 = arith.addf %get3A_2438, %gather3A_2442 : vector<16xf32>
        %max3A_2444 = arith.constant 0.000000e+00 : f32
        %max3A_2445 = vector.broadcast %max3A_2444 : f32 to vector<16xf32>
        %max3A_2446 = arith.maximumf %add3A_2443, %max3A_2445 : vector<16xf32>
        %mul3A_2447 = arith.mulf %max3A_2446, %convert_element_type3A_2420 : vector<16xf32>
        %add3A_2448 = arith.addf %add3A_2377, %mul3A_2447 : vector<16xf32>
        %get3A_2449 = arith.constant 0 : i32
        %get3A_2450 = arith.index_cast %get3A_2449 : i32 to index
        %get3A_2451 = arith.constant 32 : index
        %get3A_2452 = tpu.vector_load %arg23[%get3A_2450, %get3A_2451] {strides = array<i32>} : memref<16x64xf32, #tpu.memory_space<vmem>>, vector<16xf32>,
        %add3A_2453 = arith.constant 32 : i32
        %add3A_2454 = vector.broadcast %add3A_2453 : i32 to vector<16xi32>
        %add3A_2455 = arith.addi %iota3A, %add3A_2454 : vector<16xi32>
        %gather3A_2456 = tpu.vector_load_idx %arg18[%gather3A_2418, %add3A_2455] : memref<8x64xf32, #tpu.memory_space<vmem>>[vector<16xi32>, vector<16xi32>], vector<16xf32>,
        %add3A_2457 = arith.addf %get3A_2452, %gather3A_2456 : vector<16xf32>
        %max3A_2458 = arith.constant 0.000000e+00 : f32
        %max3A_2459 = vector.broadcast %max3A_2458 : f32 to vector<16xf32>
        %max3A_2460 = arith.maximumf %add3A_2457, %max3A_2459 : vector<16xf32>
        %mul3A_2461 = arith.mulf %max3A_2460, %convert_element_type3A_2420 : vector<16xf32>
        %add3A_2462 = arith.addf %add3A_2391, %mul3A_2461 : vector<16xf32>
        %get3A_2463 = arith.constant 0 : i32
        %get3A_2464 = arith.index_cast %get3A_2463 : i32 to index
        %get3A_2465 = arith.constant 48 : index
        %get3A_2466 = tpu.vector_load %arg23[%get3A_2464, %get3A_2465] {strides = array<i32>} : memref<16x64xf32, #tpu.memory_space<vmem>>, vector<16xf32>,
        %add3A_2467 = arith.constant 48 : i32
        %add3A_2468 = vector.broadcast %add3A_2467 : i32 to vector<16xi32>
        %add3A_2469 = arith.addi %iota3A, %add3A_2468 : vector<16xi32>
        %gather3A_2470 = tpu.vector_load_idx %arg18[%gather3A_2418, %add3A_2469] : memref<8x64xf32, #tpu.memory_space<vmem>>[vector<16xi32>, vector<16xi32>], vector<16xf32>,
        %add3A_2471 = arith.addf %get3A_2466, %gather3A_2470 : vector<16xf32>
        %max3A_2472 = arith.constant 0.000000e+00 : f32
        %max3A_2473 = vector.broadcast %max3A_2472 : f32 to vector<16xf32>
        %max3A_2474 = arith.maximumf %add3A_2471, %max3A_2473 : vector<16xf32>
        %mul3A_2475 = arith.mulf %max3A_2474, %convert_element_type3A_2420 : vector<16xf32>
        %add3A_2476 = arith.addf %add3A_2405, %mul3A_2475 : vector<16xf32>
        %add3A_2477 = arith.constant 33 : i32
        %add3A_2478 = vector.broadcast %add3A_2477 : i32 to vector<16xi32>
        %add3A_2479 = arith.addi %add3A_92, %add3A_2478 : vector<16xi32>
        %shift_right_arithmetic3A_2480 = arith.constant 4 : i32
        %shift_right_arithmetic3A_2481 = vector.broadcast %shift_right_arithmetic3A_2480 : i32 to vector<16xi32>
        %shift_right_arithmetic3A_2482 = arith.shrsi %add3A_2479, %shift_right_arithmetic3A_2481 : vector<16xi32>
        %and3A_2483 = arith.constant 15 : i32
        %and3A_2484 = vector.broadcast %and3A_2483 : i32 to vector<16xi32>
        %and3A_2485 = arith.andi %add3A_2479, %and3A_2484 : vector<16xi32>
        %gather3A_2486 = tpu.vector_load_idx %arg17[%shift_right_arithmetic3A_2482, %and3A_2485] : memref<64x16xi32, #tpu.memory_space<vmem>>[vector<16xi32>, vector<16xi32>], vector<16xi32>,
        %gather3A_2487 = tpu.vector_load_idx %arg16[%shift_right_arithmetic3A_2482, %and3A_2485] : memref<64x16xi32, #tpu.memory_space<vmem>>[vector<16xi32>, vector<16xi32>], vector<16xi32>,
        %convert_element_type3A_2488 = arith.sitofp %gather3A_2487 : vector<16xi32> to vector<16xf32>
        %get3A_2489 = arith.constant 1 : i32
        %get3A_2490 = arith.index_cast %get3A_2489 : i32 to index
        %get3A_2491 = arith.constant 0 : index
        %get3A_2492 = tpu.vector_load %arg23[%get3A_2490, %get3A_2491] {strides = array<i32>} : memref<16x64xf32, #tpu.memory_space<vmem>>, vector<16xf32>,
        %add3A_2493 = arith.constant 0 : i32
        %add3A_2494 = vector.broadcast %add3A_2493 : i32 to vector<16xi32>
        %add3A_2495 = arith.addi %iota3A, %add3A_2494 : vector<16xi32>
        %gather3A_2496 = tpu.vector_load_idx %arg18[%gather3A_2486, %add3A_2495] : memref<8x64xf32, #tpu.memory_space<vmem>>[vector<16xi32>, vector<16xi32>], vector<16xf32>,
        %add3A_2497 = arith.addf %get3A_2492, %gather3A_2496 : vector<16xf32>
        %max3A_2498 = arith.constant 0.000000e+00 : f32
        %max3A_2499 = vector.broadcast %max3A_2498 : f32 to vector<16xf32>
        %max3A_2500 = arith.maximumf %add3A_2497, %max3A_2499 : vector<16xf32>
        %mul3A_2501 = arith.mulf %max3A_2500, %convert_element_type3A_2488 : vector<16xf32>
        %add3A_2502 = arith.addf %add3A_2434, %mul3A_2501 : vector<16xf32>
        %get3A_2503 = arith.constant 1 : i32
        %get3A_2504 = arith.index_cast %get3A_2503 : i32 to index
        %get3A_2505 = arith.constant 16 : index
        %get3A_2506 = tpu.vector_load %arg23[%get3A_2504, %get3A_2505] {strides = array<i32>} : memref<16x64xf32, #tpu.memory_space<vmem>>, vector<16xf32>,
        %add3A_2507 = arith.constant 16 : i32
        %add3A_2508 = vector.broadcast %add3A_2507 : i32 to vector<16xi32>
        %add3A_2509 = arith.addi %iota3A, %add3A_2508 : vector<16xi32>
        %gather3A_2510 = tpu.vector_load_idx %arg18[%gather3A_2486, %add3A_2509] : memref<8x64xf32, #tpu.memory_space<vmem>>[vector<16xi32>, vector<16xi32>], vector<16xf32>,
        %add3A_2511 = arith.addf %get3A_2506, %gather3A_2510 : vector<16xf32>
        %max3A_2512 = arith.constant 0.000000e+00 : f32
        %max3A_2513 = vector.broadcast %max3A_2512 : f32 to vector<16xf32>
        %max3A_2514 = arith.maximumf %add3A_2511, %max3A_2513 : vector<16xf32>
        %mul3A_2515 = arith.mulf %max3A_2514, %convert_element_type3A_2488 : vector<16xf32>
        %add3A_2516 = arith.addf %add3A_2448, %mul3A_2515 : vector<16xf32>
        %get3A_2517 = arith.constant 1 : i32
        %get3A_2518 = arith.index_cast %get3A_2517 : i32 to index
        %get3A_2519 = arith.constant 32 : index
        %get3A_2520 = tpu.vector_load %arg23[%get3A_2518, %get3A_2519] {strides = array<i32>} : memref<16x64xf32, #tpu.memory_space<vmem>>, vector<16xf32>,
        %add3A_2521 = arith.constant 32 : i32
        %add3A_2522 = vector.broadcast %add3A_2521 : i32 to vector<16xi32>
        %add3A_2523 = arith.addi %iota3A, %add3A_2522 : vector<16xi32>
        %gather3A_2524 = tpu.vector_load_idx %arg18[%gather3A_2486, %add3A_2523] : memref<8x64xf32, #tpu.memory_space<vmem>>[vector<16xi32>, vector<16xi32>], vector<16xf32>,
        %add3A_2525 = arith.addf %get3A_2520, %gather3A_2524 : vector<16xf32>
        %max3A_2526 = arith.constant 0.000000e+00 : f32
        %max3A_2527 = vector.broadcast %max3A_2526 : f32 to vector<16xf32>
        %max3A_2528 = arith.maximumf %add3A_2525, %max3A_2527 : vector<16xf32>
        %mul3A_2529 = arith.mulf %max3A_2528, %convert_element_type3A_2488 : vector<16xf32>
        %add3A_2530 = arith.addf %add3A_2462, %mul3A_2529 : vector<16xf32>
        %get3A_2531 = arith.constant 1 : i32
        %get3A_2532 = arith.index_cast %get3A_2531 : i32 to index
        %get3A_2533 = arith.constant 48 : index
        %get3A_2534 = tpu.vector_load %arg23[%get3A_2532, %get3A_2533] {strides = array<i32>} : memref<16x64xf32, #tpu.memory_space<vmem>>, vector<16xf32>,
        %add3A_2535 = arith.constant 48 : i32
        %add3A_2536 = vector.broadcast %add3A_2535 : i32 to vector<16xi32>
        %add3A_2537 = arith.addi %iota3A, %add3A_2536 : vector<16xi32>
        %gather3A_2538 = tpu.vector_load_idx %arg18[%gather3A_2486, %add3A_2537] : memref<8x64xf32, #tpu.memory_space<vmem>>[vector<16xi32>, vector<16xi32>], vector<16xf32>,
        %add3A_2539 = arith.addf %get3A_2534, %gather3A_2538 : vector<16xf32>
        %max3A_2540 = arith.constant 0.000000e+00 : f32
        %max3A_2541 = vector.broadcast %max3A_2540 : f32 to vector<16xf32>
        %max3A_2542 = arith.maximumf %add3A_2539, %max3A_2541 : vector<16xf32>
        %mul3A_2543 = arith.mulf %max3A_2542, %convert_element_type3A_2488 : vector<16xf32>
        %add3A_2544 = arith.addf %add3A_2476, %mul3A_2543 : vector<16xf32>
        %add3A_2545 = arith.constant 34 : i32
        %add3A_2546 = vector.broadcast %add3A_2545 : i32 to vector<16xi32>
        %add3A_2547 = arith.addi %add3A_92, %add3A_2546 : vector<16xi32>
        %shift_right_arithmetic3A_2548 = arith.constant 4 : i32
        %shift_right_arithmetic3A_2549 = vector.broadcast %shift_right_arithmetic3A_2548 : i32 to vector<16xi32>
        %shift_right_arithmetic3A_2550 = arith.shrsi %add3A_2547, %shift_right_arithmetic3A_2549 : vector<16xi32>
        %and3A_2551 = arith.constant 15 : i32
        %and3A_2552 = vector.broadcast %and3A_2551 : i32 to vector<16xi32>
        %and3A_2553 = arith.andi %add3A_2547, %and3A_2552 : vector<16xi32>
        %gather3A_2554 = tpu.vector_load_idx %arg17[%shift_right_arithmetic3A_2550, %and3A_2553] : memref<64x16xi32, #tpu.memory_space<vmem>>[vector<16xi32>, vector<16xi32>], vector<16xi32>,
        %gather3A_2555 = tpu.vector_load_idx %arg16[%shift_right_arithmetic3A_2550, %and3A_2553] : memref<64x16xi32, #tpu.memory_space<vmem>>[vector<16xi32>, vector<16xi32>], vector<16xi32>,
        %convert_element_type3A_2556 = arith.sitofp %gather3A_2555 : vector<16xi32> to vector<16xf32>
        %get3A_2557 = arith.constant 2 : i32
        %get3A_2558 = arith.index_cast %get3A_2557 : i32 to index
        %get3A_2559 = arith.constant 0 : index
        %get3A_2560 = tpu.vector_load %arg23[%get3A_2558, %get3A_2559] {strides = array<i32>} : memref<16x64xf32, #tpu.memory_space<vmem>>, vector<16xf32>,
        %add3A_2561 = arith.constant 0 : i32
        %add3A_2562 = vector.broadcast %add3A_2561 : i32 to vector<16xi32>
        %add3A_2563 = arith.addi %iota3A, %add3A_2562 : vector<16xi32>
        %gather3A_2564 = tpu.vector_load_idx %arg18[%gather3A_2554, %add3A_2563] : memref<8x64xf32, #tpu.memory_space<vmem>>[vector<16xi32>, vector<16xi32>], vector<16xf32>,
        %add3A_2565 = arith.addf %get3A_2560, %gather3A_2564 : vector<16xf32>
        %max3A_2566 = arith.constant 0.000000e+00 : f32
        %max3A_2567 = vector.broadcast %max3A_2566 : f32 to vector<16xf32>
        %max3A_2568 = arith.maximumf %add3A_2565, %max3A_2567 : vector<16xf32>
        %mul3A_2569 = arith.mulf %max3A_2568, %convert_element_type3A_2556 : vector<16xf32>
        %add3A_2570 = arith.addf %add3A_2502, %mul3A_2569 : vector<16xf32>
        %get3A_2571 = arith.constant 2 : i32
        %get3A_2572 = arith.index_cast %get3A_2571 : i32 to index
        %get3A_2573 = arith.constant 16 : index
        %get3A_2574 = tpu.vector_load %arg23[%get3A_2572, %get3A_2573] {strides = array<i32>} : memref<16x64xf32, #tpu.memory_space<vmem>>, vector<16xf32>,
        %add3A_2575 = arith.constant 16 : i32
        %add3A_2576 = vector.broadcast %add3A_2575 : i32 to vector<16xi32>
        %add3A_2577 = arith.addi %iota3A, %add3A_2576 : vector<16xi32>
        %gather3A_2578 = tpu.vector_load_idx %arg18[%gather3A_2554, %add3A_2577] : memref<8x64xf32, #tpu.memory_space<vmem>>[vector<16xi32>, vector<16xi32>], vector<16xf32>,
        %add3A_2579 = arith.addf %get3A_2574, %gather3A_2578 : vector<16xf32>
        %max3A_2580 = arith.constant 0.000000e+00 : f32
        %max3A_2581 = vector.broadcast %max3A_2580 : f32 to vector<16xf32>
        %max3A_2582 = arith.maximumf %add3A_2579, %max3A_2581 : vector<16xf32>
        %mul3A_2583 = arith.mulf %max3A_2582, %convert_element_type3A_2556 : vector<16xf32>
        %add3A_2584 = arith.addf %add3A_2516, %mul3A_2583 : vector<16xf32>
        %get3A_2585 = arith.constant 2 : i32
        %get3A_2586 = arith.index_cast %get3A_2585 : i32 to index
        %get3A_2587 = arith.constant 32 : index
        %get3A_2588 = tpu.vector_load %arg23[%get3A_2586, %get3A_2587] {strides = array<i32>} : memref<16x64xf32, #tpu.memory_space<vmem>>, vector<16xf32>,
        %add3A_2589 = arith.constant 32 : i32
        %add3A_2590 = vector.broadcast %add3A_2589 : i32 to vector<16xi32>
        %add3A_2591 = arith.addi %iota3A, %add3A_2590 : vector<16xi32>
        %gather3A_2592 = tpu.vector_load_idx %arg18[%gather3A_2554, %add3A_2591] : memref<8x64xf32, #tpu.memory_space<vmem>>[vector<16xi32>, vector<16xi32>], vector<16xf32>,
        %add3A_2593 = arith.addf %get3A_2588, %gather3A_2592 : vector<16xf32>
        %max3A_2594 = arith.constant 0.000000e+00 : f32
        %max3A_2595 = vector.broadcast %max3A_2594 : f32 to vector<16xf32>
        %max3A_2596 = arith.maximumf %add3A_2593, %max3A_2595 : vector<16xf32>
        %mul3A_2597 = arith.mulf %max3A_2596, %convert_element_type3A_2556 : vector<16xf32>
        %add3A_2598 = arith.addf %add3A_2530, %mul3A_2597 : vector<16xf32>
        %get3A_2599 = arith.constant 2 : i32
        %get3A_2600 = arith.index_cast %get3A_2599 : i32 to index
        %get3A_2601 = arith.constant 48 : index
        %get3A_2602 = tpu.vector_load %arg23[%get3A_2600, %get3A_2601] {strides = array<i32>} : memref<16x64xf32, #tpu.memory_space<vmem>>, vector<16xf32>,
        %add3A_2603 = arith.constant 48 : i32
        %add3A_2604 = vector.broadcast %add3A_2603 : i32 to vector<16xi32>
        %add3A_2605 = arith.addi %iota3A, %add3A_2604 : vector<16xi32>
        %gather3A_2606 = tpu.vector_load_idx %arg18[%gather3A_2554, %add3A_2605] : memref<8x64xf32, #tpu.memory_space<vmem>>[vector<16xi32>, vector<16xi32>], vector<16xf32>,
        %add3A_2607 = arith.addf %get3A_2602, %gather3A_2606 : vector<16xf32>
        %max3A_2608 = arith.constant 0.000000e+00 : f32
        %max3A_2609 = vector.broadcast %max3A_2608 : f32 to vector<16xf32>
        %max3A_2610 = arith.maximumf %add3A_2607, %max3A_2609 : vector<16xf32>
        %mul3A_2611 = arith.mulf %max3A_2610, %convert_element_type3A_2556 : vector<16xf32>
        %add3A_2612 = arith.addf %add3A_2544, %mul3A_2611 : vector<16xf32>
        %add3A_2613 = arith.constant 35 : i32
        %add3A_2614 = vector.broadcast %add3A_2613 : i32 to vector<16xi32>
        %add3A_2615 = arith.addi %add3A_92, %add3A_2614 : vector<16xi32>
        %shift_right_arithmetic3A_2616 = arith.constant 4 : i32
        %shift_right_arithmetic3A_2617 = vector.broadcast %shift_right_arithmetic3A_2616 : i32 to vector<16xi32>
        %shift_right_arithmetic3A_2618 = arith.shrsi %add3A_2615, %shift_right_arithmetic3A_2617 : vector<16xi32>
        %and3A_2619 = arith.constant 15 : i32
        %and3A_2620 = vector.broadcast %and3A_2619 : i32 to vector<16xi32>
        %and3A_2621 = arith.andi %add3A_2615, %and3A_2620 : vector<16xi32>
        %gather3A_2622 = tpu.vector_load_idx %arg17[%shift_right_arithmetic3A_2618, %and3A_2621] : memref<64x16xi32, #tpu.memory_space<vmem>>[vector<16xi32>, vector<16xi32>], vector<16xi32>,
        %gather3A_2623 = tpu.vector_load_idx %arg16[%shift_right_arithmetic3A_2618, %and3A_2621] : memref<64x16xi32, #tpu.memory_space<vmem>>[vector<16xi32>, vector<16xi32>], vector<16xi32>,
        %convert_element_type3A_2624 = arith.sitofp %gather3A_2623 : vector<16xi32> to vector<16xf32>
        %get3A_2625 = arith.constant 3 : i32
        %get3A_2626 = arith.index_cast %get3A_2625 : i32 to index
        %get3A_2627 = arith.constant 0 : index
        %get3A_2628 = tpu.vector_load %arg23[%get3A_2626, %get3A_2627] {strides = array<i32>} : memref<16x64xf32, #tpu.memory_space<vmem>>, vector<16xf32>,
        %add3A_2629 = arith.constant 0 : i32
        %add3A_2630 = vector.broadcast %add3A_2629 : i32 to vector<16xi32>
        %add3A_2631 = arith.addi %iota3A, %add3A_2630 : vector<16xi32>
        %gather3A_2632 = tpu.vector_load_idx %arg18[%gather3A_2622, %add3A_2631] : memref<8x64xf32, #tpu.memory_space<vmem>>[vector<16xi32>, vector<16xi32>], vector<16xf32>,
        %add3A_2633 = arith.addf %get3A_2628, %gather3A_2632 : vector<16xf32>
        %max3A_2634 = arith.constant 0.000000e+00 : f32
        %max3A_2635 = vector.broadcast %max3A_2634 : f32 to vector<16xf32>
        %max3A_2636 = arith.maximumf %add3A_2633, %max3A_2635 : vector<16xf32>
        %mul3A_2637 = arith.mulf %max3A_2636, %convert_element_type3A_2624 : vector<16xf32>
        %add3A_2638 = arith.addf %add3A_2570, %mul3A_2637 : vector<16xf32>
        %get3A_2639 = arith.constant 3 : i32
        %get3A_2640 = arith.index_cast %get3A_2639 : i32 to index
        %get3A_2641 = arith.constant 16 : index
        %get3A_2642 = tpu.vector_load %arg23[%get3A_2640, %get3A_2641] {strides = array<i32>} : memref<16x64xf32, #tpu.memory_space<vmem>>, vector<16xf32>,
        %add3A_2643 = arith.constant 16 : i32
        %add3A_2644 = vector.broadcast %add3A_2643 : i32 to vector<16xi32>
        %add3A_2645 = arith.addi %iota3A, %add3A_2644 : vector<16xi32>
        %gather3A_2646 = tpu.vector_load_idx %arg18[%gather3A_2622, %add3A_2645] : memref<8x64xf32, #tpu.memory_space<vmem>>[vector<16xi32>, vector<16xi32>], vector<16xf32>,
        %add3A_2647 = arith.addf %get3A_2642, %gather3A_2646 : vector<16xf32>
        %max3A_2648 = arith.constant 0.000000e+00 : f32
        %max3A_2649 = vector.broadcast %max3A_2648 : f32 to vector<16xf32>
        %max3A_2650 = arith.maximumf %add3A_2647, %max3A_2649 : vector<16xf32>
        %mul3A_2651 = arith.mulf %max3A_2650, %convert_element_type3A_2624 : vector<16xf32>
        %add3A_2652 = arith.addf %add3A_2584, %mul3A_2651 : vector<16xf32>
        %get3A_2653 = arith.constant 3 : i32
        %get3A_2654 = arith.index_cast %get3A_2653 : i32 to index
        %get3A_2655 = arith.constant 32 : index
        %get3A_2656 = tpu.vector_load %arg23[%get3A_2654, %get3A_2655] {strides = array<i32>} : memref<16x64xf32, #tpu.memory_space<vmem>>, vector<16xf32>,
        %add3A_2657 = arith.constant 32 : i32
        %add3A_2658 = vector.broadcast %add3A_2657 : i32 to vector<16xi32>
        %add3A_2659 = arith.addi %iota3A, %add3A_2658 : vector<16xi32>
        %gather3A_2660 = tpu.vector_load_idx %arg18[%gather3A_2622, %add3A_2659] : memref<8x64xf32, #tpu.memory_space<vmem>>[vector<16xi32>, vector<16xi32>], vector<16xf32>,
        %add3A_2661 = arith.addf %get3A_2656, %gather3A_2660 : vector<16xf32>
        %max3A_2662 = arith.constant 0.000000e+00 : f32
        %max3A_2663 = vector.broadcast %max3A_2662 : f32 to vector<16xf32>
        %max3A_2664 = arith.maximumf %add3A_2661, %max3A_2663 : vector<16xf32>
        %mul3A_2665 = arith.mulf %max3A_2664, %convert_element_type3A_2624 : vector<16xf32>
        %add3A_2666 = arith.addf %add3A_2598, %mul3A_2665 : vector<16xf32>
        %get3A_2667 = arith.constant 3 : i32
        %get3A_2668 = arith.index_cast %get3A_2667 : i32 to index
        %get3A_2669 = arith.constant 48 : index
        %get3A_2670 = tpu.vector_load %arg23[%get3A_2668, %get3A_2669] {strides = array<i32>} : memref<16x64xf32, #tpu.memory_space<vmem>>, vector<16xf32>,
        %add3A_2671 = arith.constant 48 : i32
        %add3A_2672 = vector.broadcast %add3A_2671 : i32 to vector<16xi32>
        %add3A_2673 = arith.addi %iota3A, %add3A_2672 : vector<16xi32>
        %gather3A_2674 = tpu.vector_load_idx %arg18[%gather3A_2622, %add3A_2673] : memref<8x64xf32, #tpu.memory_space<vmem>>[vector<16xi32>, vector<16xi32>], vector<16xf32>,
        %add3A_2675 = arith.addf %get3A_2670, %gather3A_2674 : vector<16xf32>
        %max3A_2676 = arith.constant 0.000000e+00 : f32
        %max3A_2677 = vector.broadcast %max3A_2676 : f32 to vector<16xf32>
        %max3A_2678 = arith.maximumf %add3A_2675, %max3A_2677 : vector<16xf32>
        %mul3A_2679 = arith.mulf %max3A_2678, %convert_element_type3A_2624 : vector<16xf32>
        %add3A_2680 = arith.addf %add3A_2612, %mul3A_2679 : vector<16xf32>
        %add3A_2681 = arith.constant 36 : i32
        %add3A_2682 = vector.broadcast %add3A_2681 : i32 to vector<16xi32>
        %add3A_2683 = arith.addi %add3A_92, %add3A_2682 : vector<16xi32>
        %shift_right_arithmetic3A_2684 = arith.constant 4 : i32
        %shift_right_arithmetic3A_2685 = vector.broadcast %shift_right_arithmetic3A_2684 : i32 to vector<16xi32>
        %shift_right_arithmetic3A_2686 = arith.shrsi %add3A_2683, %shift_right_arithmetic3A_2685 : vector<16xi32>
        %and3A_2687 = arith.constant 15 : i32
        %and3A_2688 = vector.broadcast %and3A_2687 : i32 to vector<16xi32>
        %and3A_2689 = arith.andi %add3A_2683, %and3A_2688 : vector<16xi32>
        %gather3A_2690 = tpu.vector_load_idx %arg17[%shift_right_arithmetic3A_2686, %and3A_2689] : memref<64x16xi32, #tpu.memory_space<vmem>>[vector<16xi32>, vector<16xi32>], vector<16xi32>,
        %gather3A_2691 = tpu.vector_load_idx %arg16[%shift_right_arithmetic3A_2686, %and3A_2689] : memref<64x16xi32, #tpu.memory_space<vmem>>[vector<16xi32>, vector<16xi32>], vector<16xi32>,
        %convert_element_type3A_2692 = arith.sitofp %gather3A_2691 : vector<16xi32> to vector<16xf32>
        %get3A_2693 = arith.constant 4 : i32
        %get3A_2694 = arith.index_cast %get3A_2693 : i32 to index
        %get3A_2695 = arith.constant 0 : index
        %get3A_2696 = tpu.vector_load %arg23[%get3A_2694, %get3A_2695] {strides = array<i32>} : memref<16x64xf32, #tpu.memory_space<vmem>>, vector<16xf32>,
        %add3A_2697 = arith.constant 0 : i32
        %add3A_2698 = vector.broadcast %add3A_2697 : i32 to vector<16xi32>
        %add3A_2699 = arith.addi %iota3A, %add3A_2698 : vector<16xi32>
        %gather3A_2700 = tpu.vector_load_idx %arg18[%gather3A_2690, %add3A_2699] : memref<8x64xf32, #tpu.memory_space<vmem>>[vector<16xi32>, vector<16xi32>], vector<16xf32>,
        %add3A_2701 = arith.addf %get3A_2696, %gather3A_2700 : vector<16xf32>
        %max3A_2702 = arith.constant 0.000000e+00 : f32
        %max3A_2703 = vector.broadcast %max3A_2702 : f32 to vector<16xf32>
        %max3A_2704 = arith.maximumf %add3A_2701, %max3A_2703 : vector<16xf32>
        %mul3A_2705 = arith.mulf %max3A_2704, %convert_element_type3A_2692 : vector<16xf32>
        %add3A_2706 = arith.addf %add3A_2638, %mul3A_2705 : vector<16xf32>
        %get3A_2707 = arith.constant 4 : i32
        %get3A_2708 = arith.index_cast %get3A_2707 : i32 to index
        %get3A_2709 = arith.constant 16 : index
        %get3A_2710 = tpu.vector_load %arg23[%get3A_2708, %get3A_2709] {strides = array<i32>} : memref<16x64xf32, #tpu.memory_space<vmem>>, vector<16xf32>,
        %add3A_2711 = arith.constant 16 : i32
        %add3A_2712 = vector.broadcast %add3A_2711 : i32 to vector<16xi32>
        %add3A_2713 = arith.addi %iota3A, %add3A_2712 : vector<16xi32>
        %gather3A_2714 = tpu.vector_load_idx %arg18[%gather3A_2690, %add3A_2713] : memref<8x64xf32, #tpu.memory_space<vmem>>[vector<16xi32>, vector<16xi32>], vector<16xf32>,
        %add3A_2715 = arith.addf %get3A_2710, %gather3A_2714 : vector<16xf32>
        %max3A_2716 = arith.constant 0.000000e+00 : f32
        %max3A_2717 = vector.broadcast %max3A_2716 : f32 to vector<16xf32>
        %max3A_2718 = arith.maximumf %add3A_2715, %max3A_2717 : vector<16xf32>
        %mul3A_2719 = arith.mulf %max3A_2718, %convert_element_type3A_2692 : vector<16xf32>
        %add3A_2720 = arith.addf %add3A_2652, %mul3A_2719 : vector<16xf32>
        %get3A_2721 = arith.constant 4 : i32
        %get3A_2722 = arith.index_cast %get3A_2721 : i32 to index
        %get3A_2723 = arith.constant 32 : index
        %get3A_2724 = tpu.vector_load %arg23[%get3A_2722, %get3A_2723] {strides = array<i32>} : memref<16x64xf32, #tpu.memory_space<vmem>>, vector<16xf32>,
        %add3A_2725 = arith.constant 32 : i32
        %add3A_2726 = vector.broadcast %add3A_2725 : i32 to vector<16xi32>
        %add3A_2727 = arith.addi %iota3A, %add3A_2726 : vector<16xi32>
        %gather3A_2728 = tpu.vector_load_idx %arg18[%gather3A_2690, %add3A_2727] : memref<8x64xf32, #tpu.memory_space<vmem>>[vector<16xi32>, vector<16xi32>], vector<16xf32>,
        %add3A_2729 = arith.addf %get3A_2724, %gather3A_2728 : vector<16xf32>
        %max3A_2730 = arith.constant 0.000000e+00 : f32
        %max3A_2731 = vector.broadcast %max3A_2730 : f32 to vector<16xf32>
        %max3A_2732 = arith.maximumf %add3A_2729, %max3A_2731 : vector<16xf32>
        %mul3A_2733 = arith.mulf %max3A_2732, %convert_element_type3A_2692 : vector<16xf32>
        %add3A_2734 = arith.addf %add3A_2666, %mul3A_2733 : vector<16xf32>
        %get3A_2735 = arith.constant 4 : i32
        %get3A_2736 = arith.index_cast %get3A_2735 : i32 to index
        %get3A_2737 = arith.constant 48 : index
        %get3A_2738 = tpu.vector_load %arg23[%get3A_2736, %get3A_2737] {strides = array<i32>} : memref<16x64xf32, #tpu.memory_space<vmem>>, vector<16xf32>,
        %add3A_2739 = arith.constant 48 : i32
        %add3A_2740 = vector.broadcast %add3A_2739 : i32 to vector<16xi32>
        %add3A_2741 = arith.addi %iota3A, %add3A_2740 : vector<16xi32>
        %gather3A_2742 = tpu.vector_load_idx %arg18[%gather3A_2690, %add3A_2741] : memref<8x64xf32, #tpu.memory_space<vmem>>[vector<16xi32>, vector<16xi32>], vector<16xf32>,
        %add3A_2743 = arith.addf %get3A_2738, %gather3A_2742 : vector<16xf32>
        %max3A_2744 = arith.constant 0.000000e+00 : f32
        %max3A_2745 = vector.broadcast %max3A_2744 : f32 to vector<16xf32>
        %max3A_2746 = arith.maximumf %add3A_2743, %max3A_2745 : vector<16xf32>
        %mul3A_2747 = arith.mulf %max3A_2746, %convert_element_type3A_2692 : vector<16xf32>
        %add3A_2748 = arith.addf %add3A_2680, %mul3A_2747 : vector<16xf32>
        %add3A_2749 = arith.constant 37 : i32
        %add3A_2750 = vector.broadcast %add3A_2749 : i32 to vector<16xi32>
        %add3A_2751 = arith.addi %add3A_92, %add3A_2750 : vector<16xi32>
        %shift_right_arithmetic3A_2752 = arith.constant 4 : i32
        %shift_right_arithmetic3A_2753 = vector.broadcast %shift_right_arithmetic3A_2752 : i32 to vector<16xi32>
        %shift_right_arithmetic3A_2754 = arith.shrsi %add3A_2751, %shift_right_arithmetic3A_2753 : vector<16xi32>
        %and3A_2755 = arith.constant 15 : i32
        %and3A_2756 = vector.broadcast %and3A_2755 : i32 to vector<16xi32>
        %and3A_2757 = arith.andi %add3A_2751, %and3A_2756 : vector<16xi32>
        %gather3A_2758 = tpu.vector_load_idx %arg17[%shift_right_arithmetic3A_2754, %and3A_2757] : memref<64x16xi32, #tpu.memory_space<vmem>>[vector<16xi32>, vector<16xi32>], vector<16xi32>,
        %gather3A_2759 = tpu.vector_load_idx %arg16[%shift_right_arithmetic3A_2754, %and3A_2757] : memref<64x16xi32, #tpu.memory_space<vmem>>[vector<16xi32>, vector<16xi32>], vector<16xi32>,
        %convert_element_type3A_2760 = arith.sitofp %gather3A_2759 : vector<16xi32> to vector<16xf32>
        %get3A_2761 = arith.constant 5 : i32
        %get3A_2762 = arith.index_cast %get3A_2761 : i32 to index
        %get3A_2763 = arith.constant 0 : index
        %get3A_2764 = tpu.vector_load %arg23[%get3A_2762, %get3A_2763] {strides = array<i32>} : memref<16x64xf32, #tpu.memory_space<vmem>>, vector<16xf32>,
        %add3A_2765 = arith.constant 0 : i32
        %add3A_2766 = vector.broadcast %add3A_2765 : i32 to vector<16xi32>
        %add3A_2767 = arith.addi %iota3A, %add3A_2766 : vector<16xi32>
        %gather3A_2768 = tpu.vector_load_idx %arg18[%gather3A_2758, %add3A_2767] : memref<8x64xf32, #tpu.memory_space<vmem>>[vector<16xi32>, vector<16xi32>], vector<16xf32>,
        %add3A_2769 = arith.addf %get3A_2764, %gather3A_2768 : vector<16xf32>
        %max3A_2770 = arith.constant 0.000000e+00 : f32
        %max3A_2771 = vector.broadcast %max3A_2770 : f32 to vector<16xf32>
        %max3A_2772 = arith.maximumf %add3A_2769, %max3A_2771 : vector<16xf32>
        %mul3A_2773 = arith.mulf %max3A_2772, %convert_element_type3A_2760 : vector<16xf32>
        %add3A_2774 = arith.addf %add3A_2706, %mul3A_2773 : vector<16xf32>
        %get3A_2775 = arith.constant 5 : i32
        %get3A_2776 = arith.index_cast %get3A_2775 : i32 to index
        %get3A_2777 = arith.constant 16 : index
        %get3A_2778 = tpu.vector_load %arg23[%get3A_2776, %get3A_2777] {strides = array<i32>} : memref<16x64xf32, #tpu.memory_space<vmem>>, vector<16xf32>,
        %add3A_2779 = arith.constant 16 : i32
        %add3A_2780 = vector.broadcast %add3A_2779 : i32 to vector<16xi32>
        %add3A_2781 = arith.addi %iota3A, %add3A_2780 : vector<16xi32>
        %gather3A_2782 = tpu.vector_load_idx %arg18[%gather3A_2758, %add3A_2781] : memref<8x64xf32, #tpu.memory_space<vmem>>[vector<16xi32>, vector<16xi32>], vector<16xf32>,
        %add3A_2783 = arith.addf %get3A_2778, %gather3A_2782 : vector<16xf32>
        %max3A_2784 = arith.constant 0.000000e+00 : f32
        %max3A_2785 = vector.broadcast %max3A_2784 : f32 to vector<16xf32>
        %max3A_2786 = arith.maximumf %add3A_2783, %max3A_2785 : vector<16xf32>
        %mul3A_2787 = arith.mulf %max3A_2786, %convert_element_type3A_2760 : vector<16xf32>
        %add3A_2788 = arith.addf %add3A_2720, %mul3A_2787 : vector<16xf32>
        %get3A_2789 = arith.constant 5 : i32
        %get3A_2790 = arith.index_cast %get3A_2789 : i32 to index
        %get3A_2791 = arith.constant 32 : index
        %get3A_2792 = tpu.vector_load %arg23[%get3A_2790, %get3A_2791] {strides = array<i32>} : memref<16x64xf32, #tpu.memory_space<vmem>>, vector<16xf32>,
        %add3A_2793 = arith.constant 32 : i32
        %add3A_2794 = vector.broadcast %add3A_2793 : i32 to vector<16xi32>
        %add3A_2795 = arith.addi %iota3A, %add3A_2794 : vector<16xi32>
        %gather3A_2796 = tpu.vector_load_idx %arg18[%gather3A_2758, %add3A_2795] : memref<8x64xf32, #tpu.memory_space<vmem>>[vector<16xi32>, vector<16xi32>], vector<16xf32>,
        %add3A_2797 = arith.addf %get3A_2792, %gather3A_2796 : vector<16xf32>
        %max3A_2798 = arith.constant 0.000000e+00 : f32
        %max3A_2799 = vector.broadcast %max3A_2798 : f32 to vector<16xf32>
        %max3A_2800 = arith.maximumf %add3A_2797, %max3A_2799 : vector<16xf32>
        %mul3A_2801 = arith.mulf %max3A_2800, %convert_element_type3A_2760 : vector<16xf32>
        %add3A_2802 = arith.addf %add3A_2734, %mul3A_2801 : vector<16xf32>
        %get3A_2803 = arith.constant 5 : i32
        %get3A_2804 = arith.index_cast %get3A_2803 : i32 to index
        %get3A_2805 = arith.constant 48 : index
        %get3A_2806 = tpu.vector_load %arg23[%get3A_2804, %get3A_2805] {strides = array<i32>} : memref<16x64xf32, #tpu.memory_space<vmem>>, vector<16xf32>,
        %add3A_2807 = arith.constant 48 : i32
        %add3A_2808 = vector.broadcast %add3A_2807 : i32 to vector<16xi32>
        %add3A_2809 = arith.addi %iota3A, %add3A_2808 : vector<16xi32>
        %gather3A_2810 = tpu.vector_load_idx %arg18[%gather3A_2758, %add3A_2809] : memref<8x64xf32, #tpu.memory_space<vmem>>[vector<16xi32>, vector<16xi32>], vector<16xf32>,
        %add3A_2811 = arith.addf %get3A_2806, %gather3A_2810 : vector<16xf32>
        %max3A_2812 = arith.constant 0.000000e+00 : f32
        %max3A_2813 = vector.broadcast %max3A_2812 : f32 to vector<16xf32>
        %max3A_2814 = arith.maximumf %add3A_2811, %max3A_2813 : vector<16xf32>
        %mul3A_2815 = arith.mulf %max3A_2814, %convert_element_type3A_2760 : vector<16xf32>
        %add3A_2816 = arith.addf %add3A_2748, %mul3A_2815 : vector<16xf32>
        %add3A_2817 = arith.constant 38 : i32
        %add3A_2818 = vector.broadcast %add3A_2817 : i32 to vector<16xi32>
        %add3A_2819 = arith.addi %add3A_92, %add3A_2818 : vector<16xi32>
        %shift_right_arithmetic3A_2820 = arith.constant 4 : i32
        %shift_right_arithmetic3A_2821 = vector.broadcast %shift_right_arithmetic3A_2820 : i32 to vector<16xi32>
        %shift_right_arithmetic3A_2822 = arith.shrsi %add3A_2819, %shift_right_arithmetic3A_2821 : vector<16xi32>
        %and3A_2823 = arith.constant 15 : i32
        %and3A_2824 = vector.broadcast %and3A_2823 : i32 to vector<16xi32>
        %and3A_2825 = arith.andi %add3A_2819, %and3A_2824 : vector<16xi32>
        %gather3A_2826 = tpu.vector_load_idx %arg17[%shift_right_arithmetic3A_2822, %and3A_2825] : memref<64x16xi32, #tpu.memory_space<vmem>>[vector<16xi32>, vector<16xi32>], vector<16xi32>,
        %gather3A_2827 = tpu.vector_load_idx %arg16[%shift_right_arithmetic3A_2822, %and3A_2825] : memref<64x16xi32, #tpu.memory_space<vmem>>[vector<16xi32>, vector<16xi32>], vector<16xi32>,
        %convert_element_type3A_2828 = arith.sitofp %gather3A_2827 : vector<16xi32> to vector<16xf32>
        %get3A_2829 = arith.constant 6 : i32
        %get3A_2830 = arith.index_cast %get3A_2829 : i32 to index
        %get3A_2831 = arith.constant 0 : index
        %get3A_2832 = tpu.vector_load %arg23[%get3A_2830, %get3A_2831] {strides = array<i32>} : memref<16x64xf32, #tpu.memory_space<vmem>>, vector<16xf32>,
        %add3A_2833 = arith.constant 0 : i32
        %add3A_2834 = vector.broadcast %add3A_2833 : i32 to vector<16xi32>
        %add3A_2835 = arith.addi %iota3A, %add3A_2834 : vector<16xi32>
        %gather3A_2836 = tpu.vector_load_idx %arg18[%gather3A_2826, %add3A_2835] : memref<8x64xf32, #tpu.memory_space<vmem>>[vector<16xi32>, vector<16xi32>], vector<16xf32>,
        %add3A_2837 = arith.addf %get3A_2832, %gather3A_2836 : vector<16xf32>
        %max3A_2838 = arith.constant 0.000000e+00 : f32
        %max3A_2839 = vector.broadcast %max3A_2838 : f32 to vector<16xf32>
        %max3A_2840 = arith.maximumf %add3A_2837, %max3A_2839 : vector<16xf32>
        %mul3A_2841 = arith.mulf %max3A_2840, %convert_element_type3A_2828 : vector<16xf32>
        %add3A_2842 = arith.addf %add3A_2774, %mul3A_2841 : vector<16xf32>
        %get3A_2843 = arith.constant 6 : i32
        %get3A_2844 = arith.index_cast %get3A_2843 : i32 to index
        %get3A_2845 = arith.constant 16 : index
        %get3A_2846 = tpu.vector_load %arg23[%get3A_2844, %get3A_2845] {strides = array<i32>} : memref<16x64xf32, #tpu.memory_space<vmem>>, vector<16xf32>,
        %add3A_2847 = arith.constant 16 : i32
        %add3A_2848 = vector.broadcast %add3A_2847 : i32 to vector<16xi32>
        %add3A_2849 = arith.addi %iota3A, %add3A_2848 : vector<16xi32>
        %gather3A_2850 = tpu.vector_load_idx %arg18[%gather3A_2826, %add3A_2849] : memref<8x64xf32, #tpu.memory_space<vmem>>[vector<16xi32>, vector<16xi32>], vector<16xf32>,
        %add3A_2851 = arith.addf %get3A_2846, %gather3A_2850 : vector<16xf32>
        %max3A_2852 = arith.constant 0.000000e+00 : f32
        %max3A_2853 = vector.broadcast %max3A_2852 : f32 to vector<16xf32>
        %max3A_2854 = arith.maximumf %add3A_2851, %max3A_2853 : vector<16xf32>
        %mul3A_2855 = arith.mulf %max3A_2854, %convert_element_type3A_2828 : vector<16xf32>
        %add3A_2856 = arith.addf %add3A_2788, %mul3A_2855 : vector<16xf32>
        %get3A_2857 = arith.constant 6 : i32
        %get3A_2858 = arith.index_cast %get3A_2857 : i32 to index
        %get3A_2859 = arith.constant 32 : index
        %get3A_2860 = tpu.vector_load %arg23[%get3A_2858, %get3A_2859] {strides = array<i32>} : memref<16x64xf32, #tpu.memory_space<vmem>>, vector<16xf32>,
        %add3A_2861 = arith.constant 32 : i32
        %add3A_2862 = vector.broadcast %add3A_2861 : i32 to vector<16xi32>
        %add3A_2863 = arith.addi %iota3A, %add3A_2862 : vector<16xi32>
        %gather3A_2864 = tpu.vector_load_idx %arg18[%gather3A_2826, %add3A_2863] : memref<8x64xf32, #tpu.memory_space<vmem>>[vector<16xi32>, vector<16xi32>], vector<16xf32>,
        %add3A_2865 = arith.addf %get3A_2860, %gather3A_2864 : vector<16xf32>
        %max3A_2866 = arith.constant 0.000000e+00 : f32
        %max3A_2867 = vector.broadcast %max3A_2866 : f32 to vector<16xf32>
        %max3A_2868 = arith.maximumf %add3A_2865, %max3A_2867 : vector<16xf32>
        %mul3A_2869 = arith.mulf %max3A_2868, %convert_element_type3A_2828 : vector<16xf32>
        %add3A_2870 = arith.addf %add3A_2802, %mul3A_2869 : vector<16xf32>
        %get3A_2871 = arith.constant 6 : i32
        %get3A_2872 = arith.index_cast %get3A_2871 : i32 to index
        %get3A_2873 = arith.constant 48 : index
        %get3A_2874 = tpu.vector_load %arg23[%get3A_2872, %get3A_2873] {strides = array<i32>} : memref<16x64xf32, #tpu.memory_space<vmem>>, vector<16xf32>,
        %add3A_2875 = arith.constant 48 : i32
        %add3A_2876 = vector.broadcast %add3A_2875 : i32 to vector<16xi32>
        %add3A_2877 = arith.addi %iota3A, %add3A_2876 : vector<16xi32>
        %gather3A_2878 = tpu.vector_load_idx %arg18[%gather3A_2826, %add3A_2877] : memref<8x64xf32, #tpu.memory_space<vmem>>[vector<16xi32>, vector<16xi32>], vector<16xf32>,
        %add3A_2879 = arith.addf %get3A_2874, %gather3A_2878 : vector<16xf32>
        %max3A_2880 = arith.constant 0.000000e+00 : f32
        %max3A_2881 = vector.broadcast %max3A_2880 : f32 to vector<16xf32>
        %max3A_2882 = arith.maximumf %add3A_2879, %max3A_2881 : vector<16xf32>
        %mul3A_2883 = arith.mulf %max3A_2882, %convert_element_type3A_2828 : vector<16xf32>
        %add3A_2884 = arith.addf %add3A_2816, %mul3A_2883 : vector<16xf32>
        %add3A_2885 = arith.constant 39 : i32
        %add3A_2886 = vector.broadcast %add3A_2885 : i32 to vector<16xi32>
        %add3A_2887 = arith.addi %add3A_92, %add3A_2886 : vector<16xi32>
        %shift_right_arithmetic3A_2888 = arith.constant 4 : i32
        %shift_right_arithmetic3A_2889 = vector.broadcast %shift_right_arithmetic3A_2888 : i32 to vector<16xi32>
        %shift_right_arithmetic3A_2890 = arith.shrsi %add3A_2887, %shift_right_arithmetic3A_2889 : vector<16xi32>
        %and3A_2891 = arith.constant 15 : i32
        %and3A_2892 = vector.broadcast %and3A_2891 : i32 to vector<16xi32>
        %and3A_2893 = arith.andi %add3A_2887, %and3A_2892 : vector<16xi32>
        %gather3A_2894 = tpu.vector_load_idx %arg17[%shift_right_arithmetic3A_2890, %and3A_2893] : memref<64x16xi32, #tpu.memory_space<vmem>>[vector<16xi32>, vector<16xi32>], vector<16xi32>,
        %gather3A_2895 = tpu.vector_load_idx %arg16[%shift_right_arithmetic3A_2890, %and3A_2893] : memref<64x16xi32, #tpu.memory_space<vmem>>[vector<16xi32>, vector<16xi32>], vector<16xi32>,
        %convert_element_type3A_2896 = arith.sitofp %gather3A_2895 : vector<16xi32> to vector<16xf32>
        %get3A_2897 = arith.constant 7 : i32
        %get3A_2898 = arith.index_cast %get3A_2897 : i32 to index
        %get3A_2899 = arith.constant 0 : index
        %get3A_2900 = tpu.vector_load %arg23[%get3A_2898, %get3A_2899] {strides = array<i32>} : memref<16x64xf32, #tpu.memory_space<vmem>>, vector<16xf32>,
        %add3A_2901 = arith.constant 0 : i32
        %add3A_2902 = vector.broadcast %add3A_2901 : i32 to vector<16xi32>
        %add3A_2903 = arith.addi %iota3A, %add3A_2902 : vector<16xi32>
        %gather3A_2904 = tpu.vector_load_idx %arg18[%gather3A_2894, %add3A_2903] : memref<8x64xf32, #tpu.memory_space<vmem>>[vector<16xi32>, vector<16xi32>], vector<16xf32>,
        %add3A_2905 = arith.addf %get3A_2900, %gather3A_2904 : vector<16xf32>
        %max3A_2906 = arith.constant 0.000000e+00 : f32
        %max3A_2907 = vector.broadcast %max3A_2906 : f32 to vector<16xf32>
        %max3A_2908 = arith.maximumf %add3A_2905, %max3A_2907 : vector<16xf32>
        %mul3A_2909 = arith.mulf %max3A_2908, %convert_element_type3A_2896 : vector<16xf32>
        %add3A_2910 = arith.addf %add3A_2842, %mul3A_2909 : vector<16xf32>
        %get3A_2911 = arith.constant 7 : i32
        %get3A_2912 = arith.index_cast %get3A_2911 : i32 to index
        %get3A_2913 = arith.constant 16 : index
        %get3A_2914 = tpu.vector_load %arg23[%get3A_2912, %get3A_2913] {strides = array<i32>} : memref<16x64xf32, #tpu.memory_space<vmem>>, vector<16xf32>,
        %add3A_2915 = arith.constant 16 : i32
        %add3A_2916 = vector.broadcast %add3A_2915 : i32 to vector<16xi32>
        %add3A_2917 = arith.addi %iota3A, %add3A_2916 : vector<16xi32>
        %gather3A_2918 = tpu.vector_load_idx %arg18[%gather3A_2894, %add3A_2917] : memref<8x64xf32, #tpu.memory_space<vmem>>[vector<16xi32>, vector<16xi32>], vector<16xf32>,
        %add3A_2919 = arith.addf %get3A_2914, %gather3A_2918 : vector<16xf32>
        %max3A_2920 = arith.constant 0.000000e+00 : f32
        %max3A_2921 = vector.broadcast %max3A_2920 : f32 to vector<16xf32>
        %max3A_2922 = arith.maximumf %add3A_2919, %max3A_2921 : vector<16xf32>
        %mul3A_2923 = arith.mulf %max3A_2922, %convert_element_type3A_2896 : vector<16xf32>
        %add3A_2924 = arith.addf %add3A_2856, %mul3A_2923 : vector<16xf32>
        %get3A_2925 = arith.constant 7 : i32
        %get3A_2926 = arith.index_cast %get3A_2925 : i32 to index
        %get3A_2927 = arith.constant 32 : index
        %get3A_2928 = tpu.vector_load %arg23[%get3A_2926, %get3A_2927] {strides = array<i32>} : memref<16x64xf32, #tpu.memory_space<vmem>>, vector<16xf32>,
        %add3A_2929 = arith.constant 32 : i32
        %add3A_2930 = vector.broadcast %add3A_2929 : i32 to vector<16xi32>
        %add3A_2931 = arith.addi %iota3A, %add3A_2930 : vector<16xi32>
        %gather3A_2932 = tpu.vector_load_idx %arg18[%gather3A_2894, %add3A_2931] : memref<8x64xf32, #tpu.memory_space<vmem>>[vector<16xi32>, vector<16xi32>], vector<16xf32>,
        %add3A_2933 = arith.addf %get3A_2928, %gather3A_2932 : vector<16xf32>
        %max3A_2934 = arith.constant 0.000000e+00 : f32
        %max3A_2935 = vector.broadcast %max3A_2934 : f32 to vector<16xf32>
        %max3A_2936 = arith.maximumf %add3A_2933, %max3A_2935 : vector<16xf32>
        %mul3A_2937 = arith.mulf %max3A_2936, %convert_element_type3A_2896 : vector<16xf32>
        %add3A_2938 = arith.addf %add3A_2870, %mul3A_2937 : vector<16xf32>
        %get3A_2939 = arith.constant 7 : i32
        %get3A_2940 = arith.index_cast %get3A_2939 : i32 to index
        %get3A_2941 = arith.constant 48 : index
        %get3A_2942 = tpu.vector_load %arg23[%get3A_2940, %get3A_2941] {strides = array<i32>} : memref<16x64xf32, #tpu.memory_space<vmem>>, vector<16xf32>,
        %add3A_2943 = arith.constant 48 : i32
        %add3A_2944 = vector.broadcast %add3A_2943 : i32 to vector<16xi32>
        %add3A_2945 = arith.addi %iota3A, %add3A_2944 : vector<16xi32>
        %gather3A_2946 = tpu.vector_load_idx %arg18[%gather3A_2894, %add3A_2945] : memref<8x64xf32, #tpu.memory_space<vmem>>[vector<16xi32>, vector<16xi32>], vector<16xf32>,
        %add3A_2947 = arith.addf %get3A_2942, %gather3A_2946 : vector<16xf32>
        %max3A_2948 = arith.constant 0.000000e+00 : f32
        %max3A_2949 = vector.broadcast %max3A_2948 : f32 to vector<16xf32>
        %max3A_2950 = arith.maximumf %add3A_2947, %max3A_2949 : vector<16xf32>
        %mul3A_2951 = arith.mulf %max3A_2950, %convert_element_type3A_2896 : vector<16xf32>
        %add3A_2952 = arith.addf %add3A_2884, %mul3A_2951 : vector<16xf32>
        %add3A_2953 = arith.constant 40 : i32
        %add3A_2954 = vector.broadcast %add3A_2953 : i32 to vector<16xi32>
        %add3A_2955 = arith.addi %add3A_92, %add3A_2954 : vector<16xi32>
        %shift_right_arithmetic3A_2956 = arith.constant 4 : i32
        %shift_right_arithmetic3A_2957 = vector.broadcast %shift_right_arithmetic3A_2956 : i32 to vector<16xi32>
        %shift_right_arithmetic3A_2958 = arith.shrsi %add3A_2955, %shift_right_arithmetic3A_2957 : vector<16xi32>
        %and3A_2959 = arith.constant 15 : i32
        %and3A_2960 = vector.broadcast %and3A_2959 : i32 to vector<16xi32>
        %and3A_2961 = arith.andi %add3A_2955, %and3A_2960 : vector<16xi32>
        %gather3A_2962 = tpu.vector_load_idx %arg17[%shift_right_arithmetic3A_2958, %and3A_2961] : memref<64x16xi32, #tpu.memory_space<vmem>>[vector<16xi32>, vector<16xi32>], vector<16xi32>,
        %gather3A_2963 = tpu.vector_load_idx %arg16[%shift_right_arithmetic3A_2958, %and3A_2961] : memref<64x16xi32, #tpu.memory_space<vmem>>[vector<16xi32>, vector<16xi32>], vector<16xi32>,
        %convert_element_type3A_2964 = arith.sitofp %gather3A_2963 : vector<16xi32> to vector<16xf32>
        %get3A_2965 = arith.constant 8 : i32
        %get3A_2966 = arith.index_cast %get3A_2965 : i32 to index
        %get3A_2967 = arith.constant 0 : index
        %get3A_2968 = tpu.vector_load %arg23[%get3A_2966, %get3A_2967] {strides = array<i32>} : memref<16x64xf32, #tpu.memory_space<vmem>>, vector<16xf32>,
        %add3A_2969 = arith.constant 0 : i32
        %add3A_2970 = vector.broadcast %add3A_2969 : i32 to vector<16xi32>
        %add3A_2971 = arith.addi %iota3A, %add3A_2970 : vector<16xi32>
        %gather3A_2972 = tpu.vector_load_idx %arg18[%gather3A_2962, %add3A_2971] : memref<8x64xf32, #tpu.memory_space<vmem>>[vector<16xi32>, vector<16xi32>], vector<16xf32>,
        %add3A_2973 = arith.addf %get3A_2968, %gather3A_2972 : vector<16xf32>
        %max3A_2974 = arith.constant 0.000000e+00 : f32
        %max3A_2975 = vector.broadcast %max3A_2974 : f32 to vector<16xf32>
        %max3A_2976 = arith.maximumf %add3A_2973, %max3A_2975 : vector<16xf32>
        %mul3A_2977 = arith.mulf %max3A_2976, %convert_element_type3A_2964 : vector<16xf32>
        %add3A_2978 = arith.addf %add3A_2910, %mul3A_2977 : vector<16xf32>
        %get3A_2979 = arith.constant 8 : i32
        %get3A_2980 = arith.index_cast %get3A_2979 : i32 to index
        %get3A_2981 = arith.constant 16 : index
        %get3A_2982 = tpu.vector_load %arg23[%get3A_2980, %get3A_2981] {strides = array<i32>} : memref<16x64xf32, #tpu.memory_space<vmem>>, vector<16xf32>,
        %add3A_2983 = arith.constant 16 : i32
        %add3A_2984 = vector.broadcast %add3A_2983 : i32 to vector<16xi32>
        %add3A_2985 = arith.addi %iota3A, %add3A_2984 : vector<16xi32>
        %gather3A_2986 = tpu.vector_load_idx %arg18[%gather3A_2962, %add3A_2985] : memref<8x64xf32, #tpu.memory_space<vmem>>[vector<16xi32>, vector<16xi32>], vector<16xf32>,
        %add3A_2987 = arith.addf %get3A_2982, %gather3A_2986 : vector<16xf32>
        %max3A_2988 = arith.constant 0.000000e+00 : f32
        %max3A_2989 = vector.broadcast %max3A_2988 : f32 to vector<16xf32>
        %max3A_2990 = arith.maximumf %add3A_2987, %max3A_2989 : vector<16xf32>
        %mul3A_2991 = arith.mulf %max3A_2990, %convert_element_type3A_2964 : vector<16xf32>
        %add3A_2992 = arith.addf %add3A_2924, %mul3A_2991 : vector<16xf32>
        %get3A_2993 = arith.constant 8 : i32
        %get3A_2994 = arith.index_cast %get3A_2993 : i32 to index
        %get3A_2995 = arith.constant 32 : index
        %get3A_2996 = tpu.vector_load %arg23[%get3A_2994, %get3A_2995] {strides = array<i32>} : memref<16x64xf32, #tpu.memory_space<vmem>>, vector<16xf32>,
        %add3A_2997 = arith.constant 32 : i32
        %add3A_2998 = vector.broadcast %add3A_2997 : i32 to vector<16xi32>
        %add3A_2999 = arith.addi %iota3A, %add3A_2998 : vector<16xi32>
        %gather3A_3000 = tpu.vector_load_idx %arg18[%gather3A_2962, %add3A_2999] : memref<8x64xf32, #tpu.memory_space<vmem>>[vector<16xi32>, vector<16xi32>], vector<16xf32>,
        %add3A_3001 = arith.addf %get3A_2996, %gather3A_3000 : vector<16xf32>
        %max3A_3002 = arith.constant 0.000000e+00 : f32
        %max3A_3003 = vector.broadcast %max3A_3002 : f32 to vector<16xf32>
        %max3A_3004 = arith.maximumf %add3A_3001, %max3A_3003 : vector<16xf32>
        %mul3A_3005 = arith.mulf %max3A_3004, %convert_element_type3A_2964 : vector<16xf32>
        %add3A_3006 = arith.addf %add3A_2938, %mul3A_3005 : vector<16xf32>
        %get3A_3007 = arith.constant 8 : i32
        %get3A_3008 = arith.index_cast %get3A_3007 : i32 to index
        %get3A_3009 = arith.constant 48 : index
        %get3A_3010 = tpu.vector_load %arg23[%get3A_3008, %get3A_3009] {strides = array<i32>} : memref<16x64xf32, #tpu.memory_space<vmem>>, vector<16xf32>,
        %add3A_3011 = arith.constant 48 : i32
        %add3A_3012 = vector.broadcast %add3A_3011 : i32 to vector<16xi32>
        %add3A_3013 = arith.addi %iota3A, %add3A_3012 : vector<16xi32>
        %gather3A_3014 = tpu.vector_load_idx %arg18[%gather3A_2962, %add3A_3013] : memref<8x64xf32, #tpu.memory_space<vmem>>[vector<16xi32>, vector<16xi32>], vector<16xf32>,
        %add3A_3015 = arith.addf %get3A_3010, %gather3A_3014 : vector<16xf32>
        %max3A_3016 = arith.constant 0.000000e+00 : f32
        %max3A_3017 = vector.broadcast %max3A_3016 : f32 to vector<16xf32>
        %max3A_3018 = arith.maximumf %add3A_3015, %max3A_3017 : vector<16xf32>
        %mul3A_3019 = arith.mulf %max3A_3018, %convert_element_type3A_2964 : vector<16xf32>
        %add3A_3020 = arith.addf %add3A_2952, %mul3A_3019 : vector<16xf32>
        %add3A_3021 = arith.constant 41 : i32
        %add3A_3022 = vector.broadcast %add3A_3021 : i32 to vector<16xi32>
        %add3A_3023 = arith.addi %add3A_92, %add3A_3022 : vector<16xi32>
        %shift_right_arithmetic3A_3024 = arith.constant 4 : i32
        %shift_right_arithmetic3A_3025 = vector.broadcast %shift_right_arithmetic3A_3024 : i32 to vector<16xi32>
        %shift_right_arithmetic3A_3026 = arith.shrsi %add3A_3023, %shift_right_arithmetic3A_3025 : vector<16xi32>
        %and3A_3027 = arith.constant 15 : i32
        %and3A_3028 = vector.broadcast %and3A_3027 : i32 to vector<16xi32>
        %and3A_3029 = arith.andi %add3A_3023, %and3A_3028 : vector<16xi32>
        %gather3A_3030 = tpu.vector_load_idx %arg17[%shift_right_arithmetic3A_3026, %and3A_3029] : memref<64x16xi32, #tpu.memory_space<vmem>>[vector<16xi32>, vector<16xi32>], vector<16xi32>,
        %gather3A_3031 = tpu.vector_load_idx %arg16[%shift_right_arithmetic3A_3026, %and3A_3029] : memref<64x16xi32, #tpu.memory_space<vmem>>[vector<16xi32>, vector<16xi32>], vector<16xi32>,
        %convert_element_type3A_3032 = arith.sitofp %gather3A_3031 : vector<16xi32> to vector<16xf32>
        %get3A_3033 = arith.constant 9 : i32
        %get3A_3034 = arith.index_cast %get3A_3033 : i32 to index
        %get3A_3035 = arith.constant 0 : index
        %get3A_3036 = tpu.vector_load %arg23[%get3A_3034, %get3A_3035] {strides = array<i32>} : memref<16x64xf32, #tpu.memory_space<vmem>>, vector<16xf32>,
        %add3A_3037 = arith.constant 0 : i32
        %add3A_3038 = vector.broadcast %add3A_3037 : i32 to vector<16xi32>
        %add3A_3039 = arith.addi %iota3A, %add3A_3038 : vector<16xi32>
        %gather3A_3040 = tpu.vector_load_idx %arg18[%gather3A_3030, %add3A_3039] : memref<8x64xf32, #tpu.memory_space<vmem>>[vector<16xi32>, vector<16xi32>], vector<16xf32>,
        %add3A_3041 = arith.addf %get3A_3036, %gather3A_3040 : vector<16xf32>
        %max3A_3042 = arith.constant 0.000000e+00 : f32
        %max3A_3043 = vector.broadcast %max3A_3042 : f32 to vector<16xf32>
        %max3A_3044 = arith.maximumf %add3A_3041, %max3A_3043 : vector<16xf32>
        %mul3A_3045 = arith.mulf %max3A_3044, %convert_element_type3A_3032 : vector<16xf32>
        %add3A_3046 = arith.addf %add3A_2978, %mul3A_3045 : vector<16xf32>
        %get3A_3047 = arith.constant 9 : i32
        %get3A_3048 = arith.index_cast %get3A_3047 : i32 to index
        %get3A_3049 = arith.constant 16 : index
        %get3A_3050 = tpu.vector_load %arg23[%get3A_3048, %get3A_3049] {strides = array<i32>} : memref<16x64xf32, #tpu.memory_space<vmem>>, vector<16xf32>,
        %add3A_3051 = arith.constant 16 : i32
        %add3A_3052 = vector.broadcast %add3A_3051 : i32 to vector<16xi32>
        %add3A_3053 = arith.addi %iota3A, %add3A_3052 : vector<16xi32>
        %gather3A_3054 = tpu.vector_load_idx %arg18[%gather3A_3030, %add3A_3053] : memref<8x64xf32, #tpu.memory_space<vmem>>[vector<16xi32>, vector<16xi32>], vector<16xf32>,
        %add3A_3055 = arith.addf %get3A_3050, %gather3A_3054 : vector<16xf32>
        %max3A_3056 = arith.constant 0.000000e+00 : f32
        %max3A_3057 = vector.broadcast %max3A_3056 : f32 to vector<16xf32>
        %max3A_3058 = arith.maximumf %add3A_3055, %max3A_3057 : vector<16xf32>
        %mul3A_3059 = arith.mulf %max3A_3058, %convert_element_type3A_3032 : vector<16xf32>
        %add3A_3060 = arith.addf %add3A_2992, %mul3A_3059 : vector<16xf32>
        %get3A_3061 = arith.constant 9 : i32
        %get3A_3062 = arith.index_cast %get3A_3061 : i32 to index
        %get3A_3063 = arith.constant 32 : index
        %get3A_3064 = tpu.vector_load %arg23[%get3A_3062, %get3A_3063] {strides = array<i32>} : memref<16x64xf32, #tpu.memory_space<vmem>>, vector<16xf32>,
        %add3A_3065 = arith.constant 32 : i32
        %add3A_3066 = vector.broadcast %add3A_3065 : i32 to vector<16xi32>
        %add3A_3067 = arith.addi %iota3A, %add3A_3066 : vector<16xi32>
        %gather3A_3068 = tpu.vector_load_idx %arg18[%gather3A_3030, %add3A_3067] : memref<8x64xf32, #tpu.memory_space<vmem>>[vector<16xi32>, vector<16xi32>], vector<16xf32>,
        %add3A_3069 = arith.addf %get3A_3064, %gather3A_3068 : vector<16xf32>
        %max3A_3070 = arith.constant 0.000000e+00 : f32
        %max3A_3071 = vector.broadcast %max3A_3070 : f32 to vector<16xf32>
        %max3A_3072 = arith.maximumf %add3A_3069, %max3A_3071 : vector<16xf32>
        %mul3A_3073 = arith.mulf %max3A_3072, %convert_element_type3A_3032 : vector<16xf32>
        %add3A_3074 = arith.addf %add3A_3006, %mul3A_3073 : vector<16xf32>
        %get3A_3075 = arith.constant 9 : i32
        %get3A_3076 = arith.index_cast %get3A_3075 : i32 to index
        %get3A_3077 = arith.constant 48 : index
        %get3A_3078 = tpu.vector_load %arg23[%get3A_3076, %get3A_3077] {strides = array<i32>} : memref<16x64xf32, #tpu.memory_space<vmem>>, vector<16xf32>,
        %add3A_3079 = arith.constant 48 : i32
        %add3A_3080 = vector.broadcast %add3A_3079 : i32 to vector<16xi32>
        %add3A_3081 = arith.addi %iota3A, %add3A_3080 : vector<16xi32>
        %gather3A_3082 = tpu.vector_load_idx %arg18[%gather3A_3030, %add3A_3081] : memref<8x64xf32, #tpu.memory_space<vmem>>[vector<16xi32>, vector<16xi32>], vector<16xf32>,
        %add3A_3083 = arith.addf %get3A_3078, %gather3A_3082 : vector<16xf32>
        %max3A_3084 = arith.constant 0.000000e+00 : f32
        %max3A_3085 = vector.broadcast %max3A_3084 : f32 to vector<16xf32>
        %max3A_3086 = arith.maximumf %add3A_3083, %max3A_3085 : vector<16xf32>
        %mul3A_3087 = arith.mulf %max3A_3086, %convert_element_type3A_3032 : vector<16xf32>
        %add3A_3088 = arith.addf %add3A_3020, %mul3A_3087 : vector<16xf32>
        %add3A_3089 = arith.constant 42 : i32
        %add3A_3090 = vector.broadcast %add3A_3089 : i32 to vector<16xi32>
        %add3A_3091 = arith.addi %add3A_92, %add3A_3090 : vector<16xi32>
        %shift_right_arithmetic3A_3092 = arith.constant 4 : i32
        %shift_right_arithmetic3A_3093 = vector.broadcast %shift_right_arithmetic3A_3092 : i32 to vector<16xi32>
        %shift_right_arithmetic3A_3094 = arith.shrsi %add3A_3091, %shift_right_arithmetic3A_3093 : vector<16xi32>
        %and3A_3095 = arith.constant 15 : i32
        %and3A_3096 = vector.broadcast %and3A_3095 : i32 to vector<16xi32>
        %and3A_3097 = arith.andi %add3A_3091, %and3A_3096 : vector<16xi32>
        %gather3A_3098 = tpu.vector_load_idx %arg17[%shift_right_arithmetic3A_3094, %and3A_3097] : memref<64x16xi32, #tpu.memory_space<vmem>>[vector<16xi32>, vector<16xi32>], vector<16xi32>,
        %gather3A_3099 = tpu.vector_load_idx %arg16[%shift_right_arithmetic3A_3094, %and3A_3097] : memref<64x16xi32, #tpu.memory_space<vmem>>[vector<16xi32>, vector<16xi32>], vector<16xi32>,
        %convert_element_type3A_3100 = arith.sitofp %gather3A_3099 : vector<16xi32> to vector<16xf32>
        %get3A_3101 = arith.constant 10 : i32
        %get3A_3102 = arith.index_cast %get3A_3101 : i32 to index
        %get3A_3103 = arith.constant 0 : index
        %get3A_3104 = tpu.vector_load %arg23[%get3A_3102, %get3A_3103] {strides = array<i32>} : memref<16x64xf32, #tpu.memory_space<vmem>>, vector<16xf32>,
        %add3A_3105 = arith.constant 0 : i32
        %add3A_3106 = vector.broadcast %add3A_3105 : i32 to vector<16xi32>
        %add3A_3107 = arith.addi %iota3A, %add3A_3106 : vector<16xi32>
        %gather3A_3108 = tpu.vector_load_idx %arg18[%gather3A_3098, %add3A_3107] : memref<8x64xf32, #tpu.memory_space<vmem>>[vector<16xi32>, vector<16xi32>], vector<16xf32>,
        %add3A_3109 = arith.addf %get3A_3104, %gather3A_3108 : vector<16xf32>
        %max3A_3110 = arith.constant 0.000000e+00 : f32
        %max3A_3111 = vector.broadcast %max3A_3110 : f32 to vector<16xf32>
        %max3A_3112 = arith.maximumf %add3A_3109, %max3A_3111 : vector<16xf32>
        %mul3A_3113 = arith.mulf %max3A_3112, %convert_element_type3A_3100 : vector<16xf32>
        %add3A_3114 = arith.addf %add3A_3046, %mul3A_3113 : vector<16xf32>
        %get3A_3115 = arith.constant 10 : i32
        %get3A_3116 = arith.index_cast %get3A_3115 : i32 to index
        %get3A_3117 = arith.constant 16 : index
        %get3A_3118 = tpu.vector_load %arg23[%get3A_3116, %get3A_3117] {strides = array<i32>} : memref<16x64xf32, #tpu.memory_space<vmem>>, vector<16xf32>,
        %add3A_3119 = arith.constant 16 : i32
        %add3A_3120 = vector.broadcast %add3A_3119 : i32 to vector<16xi32>
        %add3A_3121 = arith.addi %iota3A, %add3A_3120 : vector<16xi32>
        %gather3A_3122 = tpu.vector_load_idx %arg18[%gather3A_3098, %add3A_3121] : memref<8x64xf32, #tpu.memory_space<vmem>>[vector<16xi32>, vector<16xi32>], vector<16xf32>,
        %add3A_3123 = arith.addf %get3A_3118, %gather3A_3122 : vector<16xf32>
        %max3A_3124 = arith.constant 0.000000e+00 : f32
        %max3A_3125 = vector.broadcast %max3A_3124 : f32 to vector<16xf32>
        %max3A_3126 = arith.maximumf %add3A_3123, %max3A_3125 : vector<16xf32>
        %mul3A_3127 = arith.mulf %max3A_3126, %convert_element_type3A_3100 : vector<16xf32>
        %add3A_3128 = arith.addf %add3A_3060, %mul3A_3127 : vector<16xf32>
        %get3A_3129 = arith.constant 10 : i32
        %get3A_3130 = arith.index_cast %get3A_3129 : i32 to index
        %get3A_3131 = arith.constant 32 : index
        %get3A_3132 = tpu.vector_load %arg23[%get3A_3130, %get3A_3131] {strides = array<i32>} : memref<16x64xf32, #tpu.memory_space<vmem>>, vector<16xf32>,
        %add3A_3133 = arith.constant 32 : i32
        %add3A_3134 = vector.broadcast %add3A_3133 : i32 to vector<16xi32>
        %add3A_3135 = arith.addi %iota3A, %add3A_3134 : vector<16xi32>
        %gather3A_3136 = tpu.vector_load_idx %arg18[%gather3A_3098, %add3A_3135] : memref<8x64xf32, #tpu.memory_space<vmem>>[vector<16xi32>, vector<16xi32>], vector<16xf32>,
        %add3A_3137 = arith.addf %get3A_3132, %gather3A_3136 : vector<16xf32>
        %max3A_3138 = arith.constant 0.000000e+00 : f32
        %max3A_3139 = vector.broadcast %max3A_3138 : f32 to vector<16xf32>
        %max3A_3140 = arith.maximumf %add3A_3137, %max3A_3139 : vector<16xf32>
        %mul3A_3141 = arith.mulf %max3A_3140, %convert_element_type3A_3100 : vector<16xf32>
        %add3A_3142 = arith.addf %add3A_3074, %mul3A_3141 : vector<16xf32>
        %get3A_3143 = arith.constant 10 : i32
        %get3A_3144 = arith.index_cast %get3A_3143 : i32 to index
        %get3A_3145 = arith.constant 48 : index
        %get3A_3146 = tpu.vector_load %arg23[%get3A_3144, %get3A_3145] {strides = array<i32>} : memref<16x64xf32, #tpu.memory_space<vmem>>, vector<16xf32>,
        %add3A_3147 = arith.constant 48 : i32
        %add3A_3148 = vector.broadcast %add3A_3147 : i32 to vector<16xi32>
        %add3A_3149 = arith.addi %iota3A, %add3A_3148 : vector<16xi32>
        %gather3A_3150 = tpu.vector_load_idx %arg18[%gather3A_3098, %add3A_3149] : memref<8x64xf32, #tpu.memory_space<vmem>>[vector<16xi32>, vector<16xi32>], vector<16xf32>,
        %add3A_3151 = arith.addf %get3A_3146, %gather3A_3150 : vector<16xf32>
        %max3A_3152 = arith.constant 0.000000e+00 : f32
        %max3A_3153 = vector.broadcast %max3A_3152 : f32 to vector<16xf32>
        %max3A_3154 = arith.maximumf %add3A_3151, %max3A_3153 : vector<16xf32>
        %mul3A_3155 = arith.mulf %max3A_3154, %convert_element_type3A_3100 : vector<16xf32>
        %add3A_3156 = arith.addf %add3A_3088, %mul3A_3155 : vector<16xf32>
        %add3A_3157 = arith.constant 43 : i32
        %add3A_3158 = vector.broadcast %add3A_3157 : i32 to vector<16xi32>
        %add3A_3159 = arith.addi %add3A_92, %add3A_3158 : vector<16xi32>
        %shift_right_arithmetic3A_3160 = arith.constant 4 : i32
        %shift_right_arithmetic3A_3161 = vector.broadcast %shift_right_arithmetic3A_3160 : i32 to vector<16xi32>
        %shift_right_arithmetic3A_3162 = arith.shrsi %add3A_3159, %shift_right_arithmetic3A_3161 : vector<16xi32>
        %and3A_3163 = arith.constant 15 : i32
        %and3A_3164 = vector.broadcast %and3A_3163 : i32 to vector<16xi32>
        %and3A_3165 = arith.andi %add3A_3159, %and3A_3164 : vector<16xi32>
        %gather3A_3166 = tpu.vector_load_idx %arg17[%shift_right_arithmetic3A_3162, %and3A_3165] : memref<64x16xi32, #tpu.memory_space<vmem>>[vector<16xi32>, vector<16xi32>], vector<16xi32>,
        %gather3A_3167 = tpu.vector_load_idx %arg16[%shift_right_arithmetic3A_3162, %and3A_3165] : memref<64x16xi32, #tpu.memory_space<vmem>>[vector<16xi32>, vector<16xi32>], vector<16xi32>,
        %convert_element_type3A_3168 = arith.sitofp %gather3A_3167 : vector<16xi32> to vector<16xf32>
        %get3A_3169 = arith.constant 11 : i32
        %get3A_3170 = arith.index_cast %get3A_3169 : i32 to index
        %get3A_3171 = arith.constant 0 : index
        %get3A_3172 = tpu.vector_load %arg23[%get3A_3170, %get3A_3171] {strides = array<i32>} : memref<16x64xf32, #tpu.memory_space<vmem>>, vector<16xf32>,
        %add3A_3173 = arith.constant 0 : i32
        %add3A_3174 = vector.broadcast %add3A_3173 : i32 to vector<16xi32>
        %add3A_3175 = arith.addi %iota3A, %add3A_3174 : vector<16xi32>
        %gather3A_3176 = tpu.vector_load_idx %arg18[%gather3A_3166, %add3A_3175] : memref<8x64xf32, #tpu.memory_space<vmem>>[vector<16xi32>, vector<16xi32>], vector<16xf32>,
        %add3A_3177 = arith.addf %get3A_3172, %gather3A_3176 : vector<16xf32>
        %max3A_3178 = arith.constant 0.000000e+00 : f32
        %max3A_3179 = vector.broadcast %max3A_3178 : f32 to vector<16xf32>
        %max3A_3180 = arith.maximumf %add3A_3177, %max3A_3179 : vector<16xf32>
        %mul3A_3181 = arith.mulf %max3A_3180, %convert_element_type3A_3168 : vector<16xf32>
        %add3A_3182 = arith.addf %add3A_3114, %mul3A_3181 : vector<16xf32>
        %get3A_3183 = arith.constant 11 : i32
        %get3A_3184 = arith.index_cast %get3A_3183 : i32 to index
        %get3A_3185 = arith.constant 16 : index
        %get3A_3186 = tpu.vector_load %arg23[%get3A_3184, %get3A_3185] {strides = array<i32>} : memref<16x64xf32, #tpu.memory_space<vmem>>, vector<16xf32>,
        %add3A_3187 = arith.constant 16 : i32
        %add3A_3188 = vector.broadcast %add3A_3187 : i32 to vector<16xi32>
        %add3A_3189 = arith.addi %iota3A, %add3A_3188 : vector<16xi32>
        %gather3A_3190 = tpu.vector_load_idx %arg18[%gather3A_3166, %add3A_3189] : memref<8x64xf32, #tpu.memory_space<vmem>>[vector<16xi32>, vector<16xi32>], vector<16xf32>,
        %add3A_3191 = arith.addf %get3A_3186, %gather3A_3190 : vector<16xf32>
        %max3A_3192 = arith.constant 0.000000e+00 : f32
        %max3A_3193 = vector.broadcast %max3A_3192 : f32 to vector<16xf32>
        %max3A_3194 = arith.maximumf %add3A_3191, %max3A_3193 : vector<16xf32>
        %mul3A_3195 = arith.mulf %max3A_3194, %convert_element_type3A_3168 : vector<16xf32>
        %add3A_3196 = arith.addf %add3A_3128, %mul3A_3195 : vector<16xf32>
        %get3A_3197 = arith.constant 11 : i32
        %get3A_3198 = arith.index_cast %get3A_3197 : i32 to index
        %get3A_3199 = arith.constant 32 : index
        %get3A_3200 = tpu.vector_load %arg23[%get3A_3198, %get3A_3199] {strides = array<i32>} : memref<16x64xf32, #tpu.memory_space<vmem>>, vector<16xf32>,
        %add3A_3201 = arith.constant 32 : i32
        %add3A_3202 = vector.broadcast %add3A_3201 : i32 to vector<16xi32>
        %add3A_3203 = arith.addi %iota3A, %add3A_3202 : vector<16xi32>
        %gather3A_3204 = tpu.vector_load_idx %arg18[%gather3A_3166, %add3A_3203] : memref<8x64xf32, #tpu.memory_space<vmem>>[vector<16xi32>, vector<16xi32>], vector<16xf32>,
        %add3A_3205 = arith.addf %get3A_3200, %gather3A_3204 : vector<16xf32>
        %max3A_3206 = arith.constant 0.000000e+00 : f32
        %max3A_3207 = vector.broadcast %max3A_3206 : f32 to vector<16xf32>
        %max3A_3208 = arith.maximumf %add3A_3205, %max3A_3207 : vector<16xf32>
        %mul3A_3209 = arith.mulf %max3A_3208, %convert_element_type3A_3168 : vector<16xf32>
        %add3A_3210 = arith.addf %add3A_3142, %mul3A_3209 : vector<16xf32>
        %get3A_3211 = arith.constant 11 : i32
        %get3A_3212 = arith.index_cast %get3A_3211 : i32 to index
        %get3A_3213 = arith.constant 48 : index
        %get3A_3214 = tpu.vector_load %arg23[%get3A_3212, %get3A_3213] {strides = array<i32>} : memref<16x64xf32, #tpu.memory_space<vmem>>, vector<16xf32>,
        %add3A_3215 = arith.constant 48 : i32
        %add3A_3216 = vector.broadcast %add3A_3215 : i32 to vector<16xi32>
        %add3A_3217 = arith.addi %iota3A, %add3A_3216 : vector<16xi32>
        %gather3A_3218 = tpu.vector_load_idx %arg18[%gather3A_3166, %add3A_3217] : memref<8x64xf32, #tpu.memory_space<vmem>>[vector<16xi32>, vector<16xi32>], vector<16xf32>,
        %add3A_3219 = arith.addf %get3A_3214, %gather3A_3218 : vector<16xf32>
        %max3A_3220 = arith.constant 0.000000e+00 : f32
        %max3A_3221 = vector.broadcast %max3A_3220 : f32 to vector<16xf32>
        %max3A_3222 = arith.maximumf %add3A_3219, %max3A_3221 : vector<16xf32>
        %mul3A_3223 = arith.mulf %max3A_3222, %convert_element_type3A_3168 : vector<16xf32>
        %add3A_3224 = arith.addf %add3A_3156, %mul3A_3223 : vector<16xf32>
        %add3A_3225 = arith.constant 44 : i32
        %add3A_3226 = vector.broadcast %add3A_3225 : i32 to vector<16xi32>
        %add3A_3227 = arith.addi %add3A_92, %add3A_3226 : vector<16xi32>
        %shift_right_arithmetic3A_3228 = arith.constant 4 : i32
        %shift_right_arithmetic3A_3229 = vector.broadcast %shift_right_arithmetic3A_3228 : i32 to vector<16xi32>
        %shift_right_arithmetic3A_3230 = arith.shrsi %add3A_3227, %shift_right_arithmetic3A_3229 : vector<16xi32>
        %and3A_3231 = arith.constant 15 : i32
        %and3A_3232 = vector.broadcast %and3A_3231 : i32 to vector<16xi32>
        %and3A_3233 = arith.andi %add3A_3227, %and3A_3232 : vector<16xi32>
        %gather3A_3234 = tpu.vector_load_idx %arg17[%shift_right_arithmetic3A_3230, %and3A_3233] : memref<64x16xi32, #tpu.memory_space<vmem>>[vector<16xi32>, vector<16xi32>], vector<16xi32>,
        %gather3A_3235 = tpu.vector_load_idx %arg16[%shift_right_arithmetic3A_3230, %and3A_3233] : memref<64x16xi32, #tpu.memory_space<vmem>>[vector<16xi32>, vector<16xi32>], vector<16xi32>,
        %convert_element_type3A_3236 = arith.sitofp %gather3A_3235 : vector<16xi32> to vector<16xf32>
        %get3A_3237 = arith.constant 12 : i32
        %get3A_3238 = arith.index_cast %get3A_3237 : i32 to index
        %get3A_3239 = arith.constant 0 : index
        %get3A_3240 = tpu.vector_load %arg23[%get3A_3238, %get3A_3239] {strides = array<i32>} : memref<16x64xf32, #tpu.memory_space<vmem>>, vector<16xf32>,
        %add3A_3241 = arith.constant 0 : i32
        %add3A_3242 = vector.broadcast %add3A_3241 : i32 to vector<16xi32>
        %add3A_3243 = arith.addi %iota3A, %add3A_3242 : vector<16xi32>
        %gather3A_3244 = tpu.vector_load_idx %arg18[%gather3A_3234, %add3A_3243] : memref<8x64xf32, #tpu.memory_space<vmem>>[vector<16xi32>, vector<16xi32>], vector<16xf32>,
        %add3A_3245 = arith.addf %get3A_3240, %gather3A_3244 : vector<16xf32>
        %max3A_3246 = arith.constant 0.000000e+00 : f32
        %max3A_3247 = vector.broadcast %max3A_3246 : f32 to vector<16xf32>
        %max3A_3248 = arith.maximumf %add3A_3245, %max3A_3247 : vector<16xf32>
        %mul3A_3249 = arith.mulf %max3A_3248, %convert_element_type3A_3236 : vector<16xf32>
        %add3A_3250 = arith.addf %add3A_3182, %mul3A_3249 : vector<16xf32>
        %get3A_3251 = arith.constant 12 : i32
        %get3A_3252 = arith.index_cast %get3A_3251 : i32 to index
        %get3A_3253 = arith.constant 16 : index
        %get3A_3254 = tpu.vector_load %arg23[%get3A_3252, %get3A_3253] {strides = array<i32>} : memref<16x64xf32, #tpu.memory_space<vmem>>, vector<16xf32>,
        %add3A_3255 = arith.constant 16 : i32
        %add3A_3256 = vector.broadcast %add3A_3255 : i32 to vector<16xi32>
        %add3A_3257 = arith.addi %iota3A, %add3A_3256 : vector<16xi32>
        %gather3A_3258 = tpu.vector_load_idx %arg18[%gather3A_3234, %add3A_3257] : memref<8x64xf32, #tpu.memory_space<vmem>>[vector<16xi32>, vector<16xi32>], vector<16xf32>,
        %add3A_3259 = arith.addf %get3A_3254, %gather3A_3258 : vector<16xf32>
        %max3A_3260 = arith.constant 0.000000e+00 : f32
        %max3A_3261 = vector.broadcast %max3A_3260 : f32 to vector<16xf32>
        %max3A_3262 = arith.maximumf %add3A_3259, %max3A_3261 : vector<16xf32>
        %mul3A_3263 = arith.mulf %max3A_3262, %convert_element_type3A_3236 : vector<16xf32>
        %add3A_3264 = arith.addf %add3A_3196, %mul3A_3263 : vector<16xf32>
        %get3A_3265 = arith.constant 12 : i32
        %get3A_3266 = arith.index_cast %get3A_3265 : i32 to index
        %get3A_3267 = arith.constant 32 : index
        %get3A_3268 = tpu.vector_load %arg23[%get3A_3266, %get3A_3267] {strides = array<i32>} : memref<16x64xf32, #tpu.memory_space<vmem>>, vector<16xf32>,
        %add3A_3269 = arith.constant 32 : i32
        %add3A_3270 = vector.broadcast %add3A_3269 : i32 to vector<16xi32>
        %add3A_3271 = arith.addi %iota3A, %add3A_3270 : vector<16xi32>
        %gather3A_3272 = tpu.vector_load_idx %arg18[%gather3A_3234, %add3A_3271] : memref<8x64xf32, #tpu.memory_space<vmem>>[vector<16xi32>, vector<16xi32>], vector<16xf32>,
        %add3A_3273 = arith.addf %get3A_3268, %gather3A_3272 : vector<16xf32>
        %max3A_3274 = arith.constant 0.000000e+00 : f32
        %max3A_3275 = vector.broadcast %max3A_3274 : f32 to vector<16xf32>
        %max3A_3276 = arith.maximumf %add3A_3273, %max3A_3275 : vector<16xf32>
        %mul3A_3277 = arith.mulf %max3A_3276, %convert_element_type3A_3236 : vector<16xf32>
        %add3A_3278 = arith.addf %add3A_3210, %mul3A_3277 : vector<16xf32>
        %get3A_3279 = arith.constant 12 : i32
        %get3A_3280 = arith.index_cast %get3A_3279 : i32 to index
        %get3A_3281 = arith.constant 48 : index
        %get3A_3282 = tpu.vector_load %arg23[%get3A_3280, %get3A_3281] {strides = array<i32>} : memref<16x64xf32, #tpu.memory_space<vmem>>, vector<16xf32>,
        %add3A_3283 = arith.constant 48 : i32
        %add3A_3284 = vector.broadcast %add3A_3283 : i32 to vector<16xi32>
        %add3A_3285 = arith.addi %iota3A, %add3A_3284 : vector<16xi32>
        %gather3A_3286 = tpu.vector_load_idx %arg18[%gather3A_3234, %add3A_3285] : memref<8x64xf32, #tpu.memory_space<vmem>>[vector<16xi32>, vector<16xi32>], vector<16xf32>,
        %add3A_3287 = arith.addf %get3A_3282, %gather3A_3286 : vector<16xf32>
        %max3A_3288 = arith.constant 0.000000e+00 : f32
        %max3A_3289 = vector.broadcast %max3A_3288 : f32 to vector<16xf32>
        %max3A_3290 = arith.maximumf %add3A_3287, %max3A_3289 : vector<16xf32>
        %mul3A_3291 = arith.mulf %max3A_3290, %convert_element_type3A_3236 : vector<16xf32>
        %add3A_3292 = arith.addf %add3A_3224, %mul3A_3291 : vector<16xf32>
        %add3A_3293 = arith.constant 45 : i32
        %add3A_3294 = vector.broadcast %add3A_3293 : i32 to vector<16xi32>
        %add3A_3295 = arith.addi %add3A_92, %add3A_3294 : vector<16xi32>
        %shift_right_arithmetic3A_3296 = arith.constant 4 : i32
        %shift_right_arithmetic3A_3297 = vector.broadcast %shift_right_arithmetic3A_3296 : i32 to vector<16xi32>
        %shift_right_arithmetic3A_3298 = arith.shrsi %add3A_3295, %shift_right_arithmetic3A_3297 : vector<16xi32>
        %and3A_3299 = arith.constant 15 : i32
        %and3A_3300 = vector.broadcast %and3A_3299 : i32 to vector<16xi32>
        %and3A_3301 = arith.andi %add3A_3295, %and3A_3300 : vector<16xi32>
        %gather3A_3302 = tpu.vector_load_idx %arg17[%shift_right_arithmetic3A_3298, %and3A_3301] : memref<64x16xi32, #tpu.memory_space<vmem>>[vector<16xi32>, vector<16xi32>], vector<16xi32>,
        %gather3A_3303 = tpu.vector_load_idx %arg16[%shift_right_arithmetic3A_3298, %and3A_3301] : memref<64x16xi32, #tpu.memory_space<vmem>>[vector<16xi32>, vector<16xi32>], vector<16xi32>,
        %convert_element_type3A_3304 = arith.sitofp %gather3A_3303 : vector<16xi32> to vector<16xf32>
        %get3A_3305 = arith.constant 13 : i32
        %get3A_3306 = arith.index_cast %get3A_3305 : i32 to index
        %get3A_3307 = arith.constant 0 : index
        %get3A_3308 = tpu.vector_load %arg23[%get3A_3306, %get3A_3307] {strides = array<i32>} : memref<16x64xf32, #tpu.memory_space<vmem>>, vector<16xf32>,
        %add3A_3309 = arith.constant 0 : i32
        %add3A_3310 = vector.broadcast %add3A_3309 : i32 to vector<16xi32>
        %add3A_3311 = arith.addi %iota3A, %add3A_3310 : vector<16xi32>
        %gather3A_3312 = tpu.vector_load_idx %arg18[%gather3A_3302, %add3A_3311] : memref<8x64xf32, #tpu.memory_space<vmem>>[vector<16xi32>, vector<16xi32>], vector<16xf32>,
        %add3A_3313 = arith.addf %get3A_3308, %gather3A_3312 : vector<16xf32>
        %max3A_3314 = arith.constant 0.000000e+00 : f32
        %max3A_3315 = vector.broadcast %max3A_3314 : f32 to vector<16xf32>
        %max3A_3316 = arith.maximumf %add3A_3313, %max3A_3315 : vector<16xf32>
        %mul3A_3317 = arith.mulf %max3A_3316, %convert_element_type3A_3304 : vector<16xf32>
        %add3A_3318 = arith.addf %add3A_3250, %mul3A_3317 : vector<16xf32>
        %get3A_3319 = arith.constant 13 : i32
        %get3A_3320 = arith.index_cast %get3A_3319 : i32 to index
        %get3A_3321 = arith.constant 16 : index
        %get3A_3322 = tpu.vector_load %arg23[%get3A_3320, %get3A_3321] {strides = array<i32>} : memref<16x64xf32, #tpu.memory_space<vmem>>, vector<16xf32>,
        %add3A_3323 = arith.constant 16 : i32
        %add3A_3324 = vector.broadcast %add3A_3323 : i32 to vector<16xi32>
        %add3A_3325 = arith.addi %iota3A, %add3A_3324 : vector<16xi32>
        %gather3A_3326 = tpu.vector_load_idx %arg18[%gather3A_3302, %add3A_3325] : memref<8x64xf32, #tpu.memory_space<vmem>>[vector<16xi32>, vector<16xi32>], vector<16xf32>,
        %add3A_3327 = arith.addf %get3A_3322, %gather3A_3326 : vector<16xf32>
        %max3A_3328 = arith.constant 0.000000e+00 : f32
        %max3A_3329 = vector.broadcast %max3A_3328 : f32 to vector<16xf32>
        %max3A_3330 = arith.maximumf %add3A_3327, %max3A_3329 : vector<16xf32>
        %mul3A_3331 = arith.mulf %max3A_3330, %convert_element_type3A_3304 : vector<16xf32>
        %add3A_3332 = arith.addf %add3A_3264, %mul3A_3331 : vector<16xf32>
        %get3A_3333 = arith.constant 13 : i32
        %get3A_3334 = arith.index_cast %get3A_3333 : i32 to index
        %get3A_3335 = arith.constant 32 : index
        %get3A_3336 = tpu.vector_load %arg23[%get3A_3334, %get3A_3335] {strides = array<i32>} : memref<16x64xf32, #tpu.memory_space<vmem>>, vector<16xf32>,
        %add3A_3337 = arith.constant 32 : i32
        %add3A_3338 = vector.broadcast %add3A_3337 : i32 to vector<16xi32>
        %add3A_3339 = arith.addi %iota3A, %add3A_3338 : vector<16xi32>
        %gather3A_3340 = tpu.vector_load_idx %arg18[%gather3A_3302, %add3A_3339] : memref<8x64xf32, #tpu.memory_space<vmem>>[vector<16xi32>, vector<16xi32>], vector<16xf32>,
        %add3A_3341 = arith.addf %get3A_3336, %gather3A_3340 : vector<16xf32>
        %max3A_3342 = arith.constant 0.000000e+00 : f32
        %max3A_3343 = vector.broadcast %max3A_3342 : f32 to vector<16xf32>
        %max3A_3344 = arith.maximumf %add3A_3341, %max3A_3343 : vector<16xf32>
        %mul3A_3345 = arith.mulf %max3A_3344, %convert_element_type3A_3304 : vector<16xf32>
        %add3A_3346 = arith.addf %add3A_3278, %mul3A_3345 : vector<16xf32>
        %get3A_3347 = arith.constant 13 : i32
        %get3A_3348 = arith.index_cast %get3A_3347 : i32 to index
        %get3A_3349 = arith.constant 48 : index
        %get3A_3350 = tpu.vector_load %arg23[%get3A_3348, %get3A_3349] {strides = array<i32>} : memref<16x64xf32, #tpu.memory_space<vmem>>, vector<16xf32>,
        %add3A_3351 = arith.constant 48 : i32
        %add3A_3352 = vector.broadcast %add3A_3351 : i32 to vector<16xi32>
        %add3A_3353 = arith.addi %iota3A, %add3A_3352 : vector<16xi32>
        %gather3A_3354 = tpu.vector_load_idx %arg18[%gather3A_3302, %add3A_3353] : memref<8x64xf32, #tpu.memory_space<vmem>>[vector<16xi32>, vector<16xi32>], vector<16xf32>,
        %add3A_3355 = arith.addf %get3A_3350, %gather3A_3354 : vector<16xf32>
        %max3A_3356 = arith.constant 0.000000e+00 : f32
        %max3A_3357 = vector.broadcast %max3A_3356 : f32 to vector<16xf32>
        %max3A_3358 = arith.maximumf %add3A_3355, %max3A_3357 : vector<16xf32>
        %mul3A_3359 = arith.mulf %max3A_3358, %convert_element_type3A_3304 : vector<16xf32>
        %add3A_3360 = arith.addf %add3A_3292, %mul3A_3359 : vector<16xf32>
        %add3A_3361 = arith.constant 46 : i32
        %add3A_3362 = vector.broadcast %add3A_3361 : i32 to vector<16xi32>
        %add3A_3363 = arith.addi %add3A_92, %add3A_3362 : vector<16xi32>
        %shift_right_arithmetic3A_3364 = arith.constant 4 : i32
        %shift_right_arithmetic3A_3365 = vector.broadcast %shift_right_arithmetic3A_3364 : i32 to vector<16xi32>
        %shift_right_arithmetic3A_3366 = arith.shrsi %add3A_3363, %shift_right_arithmetic3A_3365 : vector<16xi32>
        %and3A_3367 = arith.constant 15 : i32
        %and3A_3368 = vector.broadcast %and3A_3367 : i32 to vector<16xi32>
        %and3A_3369 = arith.andi %add3A_3363, %and3A_3368 : vector<16xi32>
        %gather3A_3370 = tpu.vector_load_idx %arg17[%shift_right_arithmetic3A_3366, %and3A_3369] : memref<64x16xi32, #tpu.memory_space<vmem>>[vector<16xi32>, vector<16xi32>], vector<16xi32>,
        %gather3A_3371 = tpu.vector_load_idx %arg16[%shift_right_arithmetic3A_3366, %and3A_3369] : memref<64x16xi32, #tpu.memory_space<vmem>>[vector<16xi32>, vector<16xi32>], vector<16xi32>,
        %convert_element_type3A_3372 = arith.sitofp %gather3A_3371 : vector<16xi32> to vector<16xf32>
        %get3A_3373 = arith.constant 14 : i32
        %get3A_3374 = arith.index_cast %get3A_3373 : i32 to index
        %get3A_3375 = arith.constant 0 : index
        %get3A_3376 = tpu.vector_load %arg23[%get3A_3374, %get3A_3375] {strides = array<i32>} : memref<16x64xf32, #tpu.memory_space<vmem>>, vector<16xf32>,
        %add3A_3377 = arith.constant 0 : i32
        %add3A_3378 = vector.broadcast %add3A_3377 : i32 to vector<16xi32>
        %add3A_3379 = arith.addi %iota3A, %add3A_3378 : vector<16xi32>
        %gather3A_3380 = tpu.vector_load_idx %arg18[%gather3A_3370, %add3A_3379] : memref<8x64xf32, #tpu.memory_space<vmem>>[vector<16xi32>, vector<16xi32>], vector<16xf32>,
        %add3A_3381 = arith.addf %get3A_3376, %gather3A_3380 : vector<16xf32>
        %max3A_3382 = arith.constant 0.000000e+00 : f32
        %max3A_3383 = vector.broadcast %max3A_3382 : f32 to vector<16xf32>
        %max3A_3384 = arith.maximumf %add3A_3381, %max3A_3383 : vector<16xf32>
        %mul3A_3385 = arith.mulf %max3A_3384, %convert_element_type3A_3372 : vector<16xf32>
        %add3A_3386 = arith.addf %add3A_3318, %mul3A_3385 : vector<16xf32>
        %get3A_3387 = arith.constant 14 : i32
        %get3A_3388 = arith.index_cast %get3A_3387 : i32 to index
        %get3A_3389 = arith.constant 16 : index
        %get3A_3390 = tpu.vector_load %arg23[%get3A_3388, %get3A_3389] {strides = array<i32>} : memref<16x64xf32, #tpu.memory_space<vmem>>, vector<16xf32>,
        %add3A_3391 = arith.constant 16 : i32
        %add3A_3392 = vector.broadcast %add3A_3391 : i32 to vector<16xi32>
        %add3A_3393 = arith.addi %iota3A, %add3A_3392 : vector<16xi32>
        %gather3A_3394 = tpu.vector_load_idx %arg18[%gather3A_3370, %add3A_3393] : memref<8x64xf32, #tpu.memory_space<vmem>>[vector<16xi32>, vector<16xi32>], vector<16xf32>,
        %add3A_3395 = arith.addf %get3A_3390, %gather3A_3394 : vector<16xf32>
        %max3A_3396 = arith.constant 0.000000e+00 : f32
        %max3A_3397 = vector.broadcast %max3A_3396 : f32 to vector<16xf32>
        %max3A_3398 = arith.maximumf %add3A_3395, %max3A_3397 : vector<16xf32>
        %mul3A_3399 = arith.mulf %max3A_3398, %convert_element_type3A_3372 : vector<16xf32>
        %add3A_3400 = arith.addf %add3A_3332, %mul3A_3399 : vector<16xf32>
        %get3A_3401 = arith.constant 14 : i32
        %get3A_3402 = arith.index_cast %get3A_3401 : i32 to index
        %get3A_3403 = arith.constant 32 : index
        %get3A_3404 = tpu.vector_load %arg23[%get3A_3402, %get3A_3403] {strides = array<i32>} : memref<16x64xf32, #tpu.memory_space<vmem>>, vector<16xf32>,
        %add3A_3405 = arith.constant 32 : i32
        %add3A_3406 = vector.broadcast %add3A_3405 : i32 to vector<16xi32>
        %add3A_3407 = arith.addi %iota3A, %add3A_3406 : vector<16xi32>
        %gather3A_3408 = tpu.vector_load_idx %arg18[%gather3A_3370, %add3A_3407] : memref<8x64xf32, #tpu.memory_space<vmem>>[vector<16xi32>, vector<16xi32>], vector<16xf32>,
        %add3A_3409 = arith.addf %get3A_3404, %gather3A_3408 : vector<16xf32>
        %max3A_3410 = arith.constant 0.000000e+00 : f32
        %max3A_3411 = vector.broadcast %max3A_3410 : f32 to vector<16xf32>
        %max3A_3412 = arith.maximumf %add3A_3409, %max3A_3411 : vector<16xf32>
        %mul3A_3413 = arith.mulf %max3A_3412, %convert_element_type3A_3372 : vector<16xf32>
        %add3A_3414 = arith.addf %add3A_3346, %mul3A_3413 : vector<16xf32>
        %get3A_3415 = arith.constant 14 : i32
        %get3A_3416 = arith.index_cast %get3A_3415 : i32 to index
        %get3A_3417 = arith.constant 48 : index
        %get3A_3418 = tpu.vector_load %arg23[%get3A_3416, %get3A_3417] {strides = array<i32>} : memref<16x64xf32, #tpu.memory_space<vmem>>, vector<16xf32>,
        %add3A_3419 = arith.constant 48 : i32
        %add3A_3420 = vector.broadcast %add3A_3419 : i32 to vector<16xi32>
        %add3A_3421 = arith.addi %iota3A, %add3A_3420 : vector<16xi32>
        %gather3A_3422 = tpu.vector_load_idx %arg18[%gather3A_3370, %add3A_3421] : memref<8x64xf32, #tpu.memory_space<vmem>>[vector<16xi32>, vector<16xi32>], vector<16xf32>,
        %add3A_3423 = arith.addf %get3A_3418, %gather3A_3422 : vector<16xf32>
        %max3A_3424 = arith.constant 0.000000e+00 : f32
        %max3A_3425 = vector.broadcast %max3A_3424 : f32 to vector<16xf32>
        %max3A_3426 = arith.maximumf %add3A_3423, %max3A_3425 : vector<16xf32>
        %mul3A_3427 = arith.mulf %max3A_3426, %convert_element_type3A_3372 : vector<16xf32>
        %add3A_3428 = arith.addf %add3A_3360, %mul3A_3427 : vector<16xf32>
        %add3A_3429 = arith.constant 47 : i32
        %add3A_3430 = vector.broadcast %add3A_3429 : i32 to vector<16xi32>
        %add3A_3431 = arith.addi %add3A_92, %add3A_3430 : vector<16xi32>
        %shift_right_arithmetic3A_3432 = arith.constant 4 : i32
        %shift_right_arithmetic3A_3433 = vector.broadcast %shift_right_arithmetic3A_3432 : i32 to vector<16xi32>
        %shift_right_arithmetic3A_3434 = arith.shrsi %add3A_3431, %shift_right_arithmetic3A_3433 : vector<16xi32>
        %and3A_3435 = arith.constant 15 : i32
        %and3A_3436 = vector.broadcast %and3A_3435 : i32 to vector<16xi32>
        %and3A_3437 = arith.andi %add3A_3431, %and3A_3436 : vector<16xi32>
        %gather3A_3438 = tpu.vector_load_idx %arg17[%shift_right_arithmetic3A_3434, %and3A_3437] : memref<64x16xi32, #tpu.memory_space<vmem>>[vector<16xi32>, vector<16xi32>], vector<16xi32>,
        %gather3A_3439 = tpu.vector_load_idx %arg16[%shift_right_arithmetic3A_3434, %and3A_3437] : memref<64x16xi32, #tpu.memory_space<vmem>>[vector<16xi32>, vector<16xi32>], vector<16xi32>,
        %convert_element_type3A_3440 = arith.sitofp %gather3A_3439 : vector<16xi32> to vector<16xf32>
        %get3A_3441 = arith.constant 15 : i32
        %get3A_3442 = arith.index_cast %get3A_3441 : i32 to index
        %get3A_3443 = arith.constant 0 : index
        %get3A_3444 = tpu.vector_load %arg23[%get3A_3442, %get3A_3443] {strides = array<i32>} : memref<16x64xf32, #tpu.memory_space<vmem>>, vector<16xf32>,
        %add3A_3445 = arith.constant 0 : i32
        %add3A_3446 = vector.broadcast %add3A_3445 : i32 to vector<16xi32>
        %add3A_3447 = arith.addi %iota3A, %add3A_3446 : vector<16xi32>
        %gather3A_3448 = tpu.vector_load_idx %arg18[%gather3A_3438, %add3A_3447] : memref<8x64xf32, #tpu.memory_space<vmem>>[vector<16xi32>, vector<16xi32>], vector<16xf32>,
        %add3A_3449 = arith.addf %get3A_3444, %gather3A_3448 : vector<16xf32>
        %max3A_3450 = arith.constant 0.000000e+00 : f32
        %max3A_3451 = vector.broadcast %max3A_3450 : f32 to vector<16xf32>
        %max3A_3452 = arith.maximumf %add3A_3449, %max3A_3451 : vector<16xf32>
        %mul3A_3453 = arith.mulf %max3A_3452, %convert_element_type3A_3440 : vector<16xf32>
        %add3A_3454 = arith.addf %add3A_3386, %mul3A_3453 : vector<16xf32>
        %get3A_3455 = arith.constant 15 : i32
        %get3A_3456 = arith.index_cast %get3A_3455 : i32 to index
        %get3A_3457 = arith.constant 16 : index
        %get3A_3458 = tpu.vector_load %arg23[%get3A_3456, %get3A_3457] {strides = array<i32>} : memref<16x64xf32, #tpu.memory_space<vmem>>, vector<16xf32>,
        %add3A_3459 = arith.constant 16 : i32
        %add3A_3460 = vector.broadcast %add3A_3459 : i32 to vector<16xi32>
        %add3A_3461 = arith.addi %iota3A, %add3A_3460 : vector<16xi32>
        %gather3A_3462 = tpu.vector_load_idx %arg18[%gather3A_3438, %add3A_3461] : memref<8x64xf32, #tpu.memory_space<vmem>>[vector<16xi32>, vector<16xi32>], vector<16xf32>,
        %add3A_3463 = arith.addf %get3A_3458, %gather3A_3462 : vector<16xf32>
        %max3A_3464 = arith.constant 0.000000e+00 : f32
        %max3A_3465 = vector.broadcast %max3A_3464 : f32 to vector<16xf32>
        %max3A_3466 = arith.maximumf %add3A_3463, %max3A_3465 : vector<16xf32>
        %mul3A_3467 = arith.mulf %max3A_3466, %convert_element_type3A_3440 : vector<16xf32>
        %add3A_3468 = arith.addf %add3A_3400, %mul3A_3467 : vector<16xf32>
        %get3A_3469 = arith.constant 15 : i32
        %get3A_3470 = arith.index_cast %get3A_3469 : i32 to index
        %get3A_3471 = arith.constant 32 : index
        %get3A_3472 = tpu.vector_load %arg23[%get3A_3470, %get3A_3471] {strides = array<i32>} : memref<16x64xf32, #tpu.memory_space<vmem>>, vector<16xf32>,
        %add3A_3473 = arith.constant 32 : i32
        %add3A_3474 = vector.broadcast %add3A_3473 : i32 to vector<16xi32>
        %add3A_3475 = arith.addi %iota3A, %add3A_3474 : vector<16xi32>
        %gather3A_3476 = tpu.vector_load_idx %arg18[%gather3A_3438, %add3A_3475] : memref<8x64xf32, #tpu.memory_space<vmem>>[vector<16xi32>, vector<16xi32>], vector<16xf32>,
        %add3A_3477 = arith.addf %get3A_3472, %gather3A_3476 : vector<16xf32>
        %max3A_3478 = arith.constant 0.000000e+00 : f32
        %max3A_3479 = vector.broadcast %max3A_3478 : f32 to vector<16xf32>
        %max3A_3480 = arith.maximumf %add3A_3477, %max3A_3479 : vector<16xf32>
        %mul3A_3481 = arith.mulf %max3A_3480, %convert_element_type3A_3440 : vector<16xf32>
        %add3A_3482 = arith.addf %add3A_3414, %mul3A_3481 : vector<16xf32>
        %get3A_3483 = arith.constant 15 : i32
        %get3A_3484 = arith.index_cast %get3A_3483 : i32 to index
        %get3A_3485 = arith.constant 48 : index
        %get3A_3486 = tpu.vector_load %arg23[%get3A_3484, %get3A_3485] {strides = array<i32>} : memref<16x64xf32, #tpu.memory_space<vmem>>, vector<16xf32>,
        %add3A_3487 = arith.constant 48 : i32
        %add3A_3488 = vector.broadcast %add3A_3487 : i32 to vector<16xi32>
        %add3A_3489 = arith.addi %iota3A, %add3A_3488 : vector<16xi32>
        %gather3A_3490 = tpu.vector_load_idx %arg18[%gather3A_3438, %add3A_3489] : memref<8x64xf32, #tpu.memory_space<vmem>>[vector<16xi32>, vector<16xi32>], vector<16xf32>,
        %add3A_3491 = arith.addf %get3A_3486, %gather3A_3490 : vector<16xf32>
        %max3A_3492 = arith.constant 0.000000e+00 : f32
        %max3A_3493 = vector.broadcast %max3A_3492 : f32 to vector<16xf32>
        %max3A_3494 = arith.maximumf %add3A_3491, %max3A_3493 : vector<16xf32>
        %mul3A_3495 = arith.mulf %max3A_3494, %convert_element_type3A_3440 : vector<16xf32>
        %add3A_3496 = arith.addf %add3A_3428, %mul3A_3495 : vector<16xf32>
        %dma_wait3A_3497 = arith.constant 0 : i32
        %dma_wait3A_3498 = arith.constant 0 : i32
        %dma_wait3A_3499 = tpu.memref_slice %arg6[%dma_wait3A_3497, %dma_wait3A_3498] : memref<100000x64xf32, #tpu.memory_space<hbm>> -> memref<100000x64xf32, #tpu.memory_space<hbm>>
        tpu.wait_indirect_dma semaphore(%arg29 : memref<!tpu.dma_semaphore, #tpu.memory_space<semaphore_mem>>) src(%dma_wait3A_3499 : memref<100000x64xf32, #tpu.memory_space<hbm>>) dst(%arg24 : memref<16x64xf32, #tpu.memory_space<vmem>>)
        %add3A_3500 = arith.constant 48 : i32
        %add3A_3501 = vector.broadcast %add3A_3500 : i32 to vector<16xi32>
        %add3A_3502 = arith.addi %add3A_92, %add3A_3501 : vector<16xi32>
        %shift_right_arithmetic3A_3503 = arith.constant 4 : i32
        %shift_right_arithmetic3A_3504 = vector.broadcast %shift_right_arithmetic3A_3503 : i32 to vector<16xi32>
        %shift_right_arithmetic3A_3505 = arith.shrsi %add3A_3502, %shift_right_arithmetic3A_3504 : vector<16xi32>
        %and3A_3506 = arith.constant 15 : i32
        %and3A_3507 = vector.broadcast %and3A_3506 : i32 to vector<16xi32>
        %and3A_3508 = arith.andi %add3A_3502, %and3A_3507 : vector<16xi32>
        %gather3A_3509 = tpu.vector_load_idx %arg17[%shift_right_arithmetic3A_3505, %and3A_3508] : memref<64x16xi32, #tpu.memory_space<vmem>>[vector<16xi32>, vector<16xi32>], vector<16xi32>,
        %gather3A_3510 = tpu.vector_load_idx %arg16[%shift_right_arithmetic3A_3505, %and3A_3508] : memref<64x16xi32, #tpu.memory_space<vmem>>[vector<16xi32>, vector<16xi32>], vector<16xi32>,
        %convert_element_type3A_3511 = arith.sitofp %gather3A_3510 : vector<16xi32> to vector<16xf32>
        %get3A_3512 = arith.constant 14 : i32
        %get3A_3513 = arith.index_cast %get3A_3512 : i32 to index
        %get3A_3514 = arith.constant 0 : index
        %get3A_3515 = tpu.vector_load %arg24[%get3A_3513, %get3A_3514] {strides = array<i32>} : memref<16x64xf32, #tpu.memory_space<vmem>>, vector<16xf32>,
        %add3A_3516 = arith.constant 0 : i32
        %add3A_3517 = vector.broadcast %add3A_3516 : i32 to vector<16xi32>
        %add3A_3518 = arith.addi %iota3A, %add3A_3517 : vector<16xi32>
        %gather3A_3519 = tpu.vector_load_idx %arg18[%gather3A_3509, %add3A_3518] : memref<8x64xf32, #tpu.memory_space<vmem>>[vector<16xi32>, vector<16xi32>], vector<16xf32>,
        %add3A_3520 = arith.addf %get3A_3515, %gather3A_3519 : vector<16xf32>
        %max3A_3521 = arith.constant 0.000000e+00 : f32
        %max3A_3522 = vector.broadcast %max3A_3521 : f32 to vector<16xf32>
        %max3A_3523 = arith.maximumf %add3A_3520, %max3A_3522 : vector<16xf32>
        %mul3A_3524 = arith.mulf %max3A_3523, %convert_element_type3A_3511 : vector<16xf32>
        %add3A_3525 = arith.addf %add3A_3454, %mul3A_3524 : vector<16xf32>
        %get3A_3526 = arith.constant 14 : i32
        %get3A_3527 = arith.index_cast %get3A_3526 : i32 to index
        %get3A_3528 = arith.constant 16 : index
        %get3A_3529 = tpu.vector_load %arg24[%get3A_3527, %get3A_3528] {strides = array<i32>} : memref<16x64xf32, #tpu.memory_space<vmem>>, vector<16xf32>,
        %add3A_3530 = arith.constant 16 : i32
        %add3A_3531 = vector.broadcast %add3A_3530 : i32 to vector<16xi32>
        %add3A_3532 = arith.addi %iota3A, %add3A_3531 : vector<16xi32>
        %gather3A_3533 = tpu.vector_load_idx %arg18[%gather3A_3509, %add3A_3532] : memref<8x64xf32, #tpu.memory_space<vmem>>[vector<16xi32>, vector<16xi32>], vector<16xf32>,
        %add3A_3534 = arith.addf %get3A_3529, %gather3A_3533 : vector<16xf32>
        %max3A_3535 = arith.constant 0.000000e+00 : f32
        %max3A_3536 = vector.broadcast %max3A_3535 : f32 to vector<16xf32>
        %max3A_3537 = arith.maximumf %add3A_3534, %max3A_3536 : vector<16xf32>
        %mul3A_3538 = arith.mulf %max3A_3537, %convert_element_type3A_3511 : vector<16xf32>
        %add3A_3539 = arith.addf %add3A_3468, %mul3A_3538 : vector<16xf32>
        %get3A_3540 = arith.constant 14 : i32
        %get3A_3541 = arith.index_cast %get3A_3540 : i32 to index
        %get3A_3542 = arith.constant 32 : index
        %get3A_3543 = tpu.vector_load %arg24[%get3A_3541, %get3A_3542] {strides = array<i32>} : memref<16x64xf32, #tpu.memory_space<vmem>>, vector<16xf32>,
        %add3A_3544 = arith.constant 32 : i32
        %add3A_3545 = vector.broadcast %add3A_3544 : i32 to vector<16xi32>
        %add3A_3546 = arith.addi %iota3A, %add3A_3545 : vector<16xi32>
        %gather3A_3547 = tpu.vector_load_idx %arg18[%gather3A_3509, %add3A_3546] : memref<8x64xf32, #tpu.memory_space<vmem>>[vector<16xi32>, vector<16xi32>], vector<16xf32>,
        %add3A_3548 = arith.addf %get3A_3543, %gather3A_3547 : vector<16xf32>
        %max3A_3549 = arith.constant 0.000000e+00 : f32
        %max3A_3550 = vector.broadcast %max3A_3549 : f32 to vector<16xf32>
        %max3A_3551 = arith.maximumf %add3A_3548, %max3A_3550 : vector<16xf32>
        %mul3A_3552 = arith.mulf %max3A_3551, %convert_element_type3A_3511 : vector<16xf32>
        %add3A_3553 = arith.addf %add3A_3482, %mul3A_3552 : vector<16xf32>
        %get3A_3554 = arith.constant 14 : i32
        %get3A_3555 = arith.index_cast %get3A_3554 : i32 to index
        %get3A_3556 = arith.constant 48 : index
        %get3A_3557 = tpu.vector_load %arg24[%get3A_3555, %get3A_3556] {strides = array<i32>} : memref<16x64xf32, #tpu.memory_space<vmem>>, vector<16xf32>,
        %add3A_3558 = arith.constant 48 : i32
        %add3A_3559 = vector.broadcast %add3A_3558 : i32 to vector<16xi32>
        %add3A_3560 = arith.addi %iota3A, %add3A_3559 : vector<16xi32>
        %gather3A_3561 = tpu.vector_load_idx %arg18[%gather3A_3509, %add3A_3560] : memref<8x64xf32, #tpu.memory_space<vmem>>[vector<16xi32>, vector<16xi32>], vector<16xf32>,
        %add3A_3562 = arith.addf %get3A_3557, %gather3A_3561 : vector<16xf32>
        %max3A_3563 = arith.constant 0.000000e+00 : f32
        %max3A_3564 = vector.broadcast %max3A_3563 : f32 to vector<16xf32>
        %max3A_3565 = arith.maximumf %add3A_3562, %max3A_3564 : vector<16xf32>
        %mul3A_3566 = arith.mulf %max3A_3565, %convert_element_type3A_3511 : vector<16xf32>
        %add3A_3567 = arith.addf %add3A_3496, %mul3A_3566 : vector<16xf32>
        %add3A_3568 = arith.constant 49 : i32
        %add3A_3569 = vector.broadcast %add3A_3568 : i32 to vector<16xi32>
        %add3A_3570 = arith.addi %add3A_92, %add3A_3569 : vector<16xi32>
        %shift_right_arithmetic3A_3571 = arith.constant 4 : i32
        %shift_right_arithmetic3A_3572 = vector.broadcast %shift_right_arithmetic3A_3571 : i32 to vector<16xi32>
        %shift_right_arithmetic3A_3573 = arith.shrsi %add3A_3570, %shift_right_arithmetic3A_3572 : vector<16xi32>
        %and3A_3574 = arith.constant 15 : i32
        %and3A_3575 = vector.broadcast %and3A_3574 : i32 to vector<16xi32>
        %and3A_3576 = arith.andi %add3A_3570, %and3A_3575 : vector<16xi32>
        %gather3A_3577 = tpu.vector_load_idx %arg17[%shift_right_arithmetic3A_3573, %and3A_3576] : memref<64x16xi32, #tpu.memory_space<vmem>>[vector<16xi32>, vector<16xi32>], vector<16xi32>,
        %gather3A_3578 = tpu.vector_load_idx %arg16[%shift_right_arithmetic3A_3573, %and3A_3576] : memref<64x16xi32, #tpu.memory_space<vmem>>[vector<16xi32>, vector<16xi32>], vector<16xi32>,
        %convert_element_type3A_3579 = arith.sitofp %gather3A_3578 : vector<16xi32> to vector<16xf32>
        %get3A_3580 = arith.constant 15 : i32
        %get3A_3581 = arith.index_cast %get3A_3580 : i32 to index
        %get3A_3582 = arith.constant 0 : index
        %get3A_3583 = tpu.vector_load %arg24[%get3A_3581, %get3A_3582] {strides = array<i32>} : memref<16x64xf32, #tpu.memory_space<vmem>>, vector<16xf32>,
        %add3A_3584 = arith.constant 0 : i32
        %add3A_3585 = vector.broadcast %add3A_3584 : i32 to vector<16xi32>
        %add3A_3586 = arith.addi %iota3A, %add3A_3585 : vector<16xi32>
        %gather3A_3587 = tpu.vector_load_idx %arg18[%gather3A_3577, %add3A_3586] : memref<8x64xf32, #tpu.memory_space<vmem>>[vector<16xi32>, vector<16xi32>], vector<16xf32>,
        %add3A_3588 = arith.addf %get3A_3583, %gather3A_3587 : vector<16xf32>
        %max3A_3589 = arith.constant 0.000000e+00 : f32
        %max3A_3590 = vector.broadcast %max3A_3589 : f32 to vector<16xf32>
        %max3A_3591 = arith.maximumf %add3A_3588, %max3A_3590 : vector<16xf32>
        %mul3A_3592 = arith.mulf %max3A_3591, %convert_element_type3A_3579 : vector<16xf32>
        %add3A_3593 = arith.addf %add3A_3525, %mul3A_3592 : vector<16xf32>
        %get3A_3594 = arith.constant 15 : i32
        %get3A_3595 = arith.index_cast %get3A_3594 : i32 to index
        %get3A_3596 = arith.constant 16 : index
        %get3A_3597 = tpu.vector_load %arg24[%get3A_3595, %get3A_3596] {strides = array<i32>} : memref<16x64xf32, #tpu.memory_space<vmem>>, vector<16xf32>,
        %add3A_3598 = arith.constant 16 : i32
        %add3A_3599 = vector.broadcast %add3A_3598 : i32 to vector<16xi32>
        %add3A_3600 = arith.addi %iota3A, %add3A_3599 : vector<16xi32>
        %gather3A_3601 = tpu.vector_load_idx %arg18[%gather3A_3577, %add3A_3600] : memref<8x64xf32, #tpu.memory_space<vmem>>[vector<16xi32>, vector<16xi32>], vector<16xf32>,
        %add3A_3602 = arith.addf %get3A_3597, %gather3A_3601 : vector<16xf32>
        %max3A_3603 = arith.constant 0.000000e+00 : f32
        %max3A_3604 = vector.broadcast %max3A_3603 : f32 to vector<16xf32>
        %max3A_3605 = arith.maximumf %add3A_3602, %max3A_3604 : vector<16xf32>
        %mul3A_3606 = arith.mulf %max3A_3605, %convert_element_type3A_3579 : vector<16xf32>
        %add3A_3607 = arith.addf %add3A_3539, %mul3A_3606 : vector<16xf32>
        %get3A_3608 = arith.constant 15 : i32
        %get3A_3609 = arith.index_cast %get3A_3608 : i32 to index
        %get3A_3610 = arith.constant 32 : index
        %get3A_3611 = tpu.vector_load %arg24[%get3A_3609, %get3A_3610] {strides = array<i32>} : memref<16x64xf32, #tpu.memory_space<vmem>>, vector<16xf32>,
        %add3A_3612 = arith.constant 32 : i32
        %add3A_3613 = vector.broadcast %add3A_3612 : i32 to vector<16xi32>
        %add3A_3614 = arith.addi %iota3A, %add3A_3613 : vector<16xi32>
        %gather3A_3615 = tpu.vector_load_idx %arg18[%gather3A_3577, %add3A_3614] : memref<8x64xf32, #tpu.memory_space<vmem>>[vector<16xi32>, vector<16xi32>], vector<16xf32>,
        %add3A_3616 = arith.addf %get3A_3611, %gather3A_3615 : vector<16xf32>
        %max3A_3617 = arith.constant 0.000000e+00 : f32
        %max3A_3618 = vector.broadcast %max3A_3617 : f32 to vector<16xf32>
        %max3A_3619 = arith.maximumf %add3A_3616, %max3A_3618 : vector<16xf32>
        %mul3A_3620 = arith.mulf %max3A_3619, %convert_element_type3A_3579 : vector<16xf32>
        %add3A_3621 = arith.addf %add3A_3553, %mul3A_3620 : vector<16xf32>
        %get3A_3622 = arith.constant 15 : i32
        %get3A_3623 = arith.index_cast %get3A_3622 : i32 to index
        %get3A_3624 = arith.constant 48 : index
        %get3A_3625 = tpu.vector_load %arg24[%get3A_3623, %get3A_3624] {strides = array<i32>} : memref<16x64xf32, #tpu.memory_space<vmem>>, vector<16xf32>,
        %add3A_3626 = arith.constant 48 : i32
        %add3A_3627 = vector.broadcast %add3A_3626 : i32 to vector<16xi32>
        %add3A_3628 = arith.addi %iota3A, %add3A_3627 : vector<16xi32>
        %gather3A_3629 = tpu.vector_load_idx %arg18[%gather3A_3577, %add3A_3628] : memref<8x64xf32, #tpu.memory_space<vmem>>[vector<16xi32>, vector<16xi32>], vector<16xf32>,
        %add3A_3630 = arith.addf %get3A_3625, %gather3A_3629 : vector<16xf32>
        %max3A_3631 = arith.constant 0.000000e+00 : f32
        %max3A_3632 = vector.broadcast %max3A_3631 : f32 to vector<16xf32>
        %max3A_3633 = arith.maximumf %add3A_3630, %max3A_3632 : vector<16xf32>
        %mul3A_3634 = arith.mulf %max3A_3633, %convert_element_type3A_3579 : vector<16xf32>
        %add3A_3635 = arith.addf %add3A_3567, %mul3A_3634 : vector<16xf32>
        %broadcast_in_dim3A_3636 = arith.constant 1.000000e+00 : f32
        %broadcast_in_dim3A_3637 = vector.broadcast %broadcast_in_dim3A_3636 : f32 to vector<16xf32>
        %broadcast_in_dim3A_3638 = vector.broadcast %max3A_151 : f32 to vector<16xf32>
        %div3A = arith.divf %broadcast_in_dim3A_3637, %broadcast_in_dim3A_3638 : vector<16xf32>
        %mul3A_3639 = arith.mulf %add3A_3593, %div3A : vector<16xf32>
        %swap3A_3640 = arith.index_cast %scan3A_87 : i32 to index
        %swap3A_3641 = arith.constant 0 : index
        %swap3A_3642 = tpu.vector_load %arg20[%swap3A_3640, %swap3A_3641] {strides = array<i32>} : memref<16x64xf32, #tpu.memory_space<vmem>>, vector<16xf32>,
        tpu.vector_store %arg20[%swap3A_3640, %swap3A_3641], %mul3A_3639 {strides = array<i32>} : memref<16x64xf32, #tpu.memory_space<vmem>>, vector<16xf32>,
        %mul3A_3643 = arith.mulf %add3A_3607, %div3A : vector<16xf32>
        %swap3A_3644 = arith.index_cast %scan3A_87 : i32 to index
        %swap3A_3645 = arith.constant 16 : index
        %swap3A_3646 = tpu.vector_load %arg20[%swap3A_3644, %swap3A_3645] {strides = array<i32>} : memref<16x64xf32, #tpu.memory_space<vmem>>, vector<16xf32>,
        tpu.vector_store %arg20[%swap3A_3644, %swap3A_3645], %mul3A_3643 {strides = array<i32>} : memref<16x64xf32, #tpu.memory_space<vmem>>, vector<16xf32>,
        %mul3A_3647 = arith.mulf %add3A_3621, %div3A : vector<16xf32>
        %swap3A_3648 = arith.index_cast %scan3A_87 : i32 to index
        %swap3A_3649 = arith.constant 32 : index
        %swap3A_3650 = tpu.vector_load %arg20[%swap3A_3648, %swap3A_3649] {strides = array<i32>} : memref<16x64xf32, #tpu.memory_space<vmem>>, vector<16xf32>,
        tpu.vector_store %arg20[%swap3A_3648, %swap3A_3649], %mul3A_3647 {strides = array<i32>} : memref<16x64xf32, #tpu.memory_space<vmem>>, vector<16xf32>,
        %mul3A_3651 = arith.mulf %add3A_3635, %div3A : vector<16xf32>
        %swap3A_3652 = arith.index_cast %scan3A_87 : i32 to index
        %swap3A_3653 = arith.constant 48 : index
        %swap3A_3654 = tpu.vector_load %arg20[%swap3A_3652, %swap3A_3653] {strides = array<i32>} : memref<16x64xf32, #tpu.memory_space<vmem>>, vector<16xf32>,
        tpu.vector_store %arg20[%swap3A_3652, %swap3A_3653], %mul3A_3651 {strides = array<i32>} : memref<16x64xf32, #tpu.memory_space<vmem>>, vector<16xf32>,
      }
      %scan3A_83 = arith.constant 16 : i32
      %dma_wait3A_84 = arith.constant 0 : i32
      %dma_wait3A_85 = arith.constant 0 : i32
      %dma_wait3A_86 = tpu.memref_slice %arg8[%dma_wait3A_84, %dma_wait3A_85] : memref<100000x64xf32, #tpu.memory_space<hbm>> -> memref<100000x64xf32, #tpu.memory_space<hbm>>
      tpu.wait_indirect_dma semaphore(%arg30 : memref<!tpu.dma_semaphore, #tpu.memory_space<semaphore_mem>>) src(%dma_wait3A_86 : memref<100000x64xf32, #tpu.memory_space<hbm>>) dst(%arg19 : memref<16x64xf32, #tpu.memory_space<vmem>>)
      "tpu.region"() ({
        %run_scoped3A = tpu.sem_alloc : memref<!tpu.dma_semaphore, #tpu.memory_space<semaphore_mem>>
        %dma_start3A_87 = arith.constant 0 : i32
        %dma_start3A_88 = tpu.memref_slice %arg9[%add3A_14, %dma_start3A_87] : memref<16384x64xf32, #tpu.memory_space<hbm>> -> memref<16x64xf32, #tpu.memory_space<hbm>>
        %dma_start3A_89 = arith.constant 0 : i32
        %dma_start3A_90 = tpu.memref_slice %arg9[%add3A_14, %dma_start3A_89] : memref<16384x64xf32, #tpu.memory_space<hbm>> -> memref<16x64xf32, #tpu.memory_space<hbm>>
        tpu.enqueue_dma source(%arg20 : memref<16x64xf32, #tpu.memory_space<vmem>>) target(%dma_start3A_90 : memref<16x64xf32, #tpu.memory_space<hbm>>) target_semaphore(%run_scoped3A : memref<!tpu.dma_semaphore, #tpu.memory_space<semaphore_mem>>)
        %dma_wait3A_91 = arith.constant 0 : i32
        %dma_wait3A_92 = tpu.memref_slice %arg9[%add3A_14, %dma_wait3A_91] : memref<16384x64xf32, #tpu.memory_space<hbm>> -> memref<16x64xf32, #tpu.memory_space<hbm>>
        %dma_wait3A_93 = arith.constant 0 : i32
        %dma_wait3A_94 = tpu.memref_slice %arg9[%add3A_14, %dma_wait3A_93] : memref<16384x64xf32, #tpu.memory_space<hbm>> -> memref<16x64xf32, #tpu.memory_space<hbm>>
        tpu.wait_dma2 semaphore(%run_scoped3A : memref<!tpu.dma_semaphore, #tpu.memory_space<semaphore_mem>>) src(%arg20 : memref<16x64xf32, #tpu.memory_space<vmem>>) dst(%dma_wait3A_94 : memref<16x64xf32, #tpu.memory_space<hbm>>)
        tpu.yield
      }) : () -> ()
      "tpu.region"() ({
        %run_scoped3A = tpu.sem_alloc : memref<!tpu.dma_semaphore, #tpu.memory_space<semaphore_mem>>
        %dma_start3A_87 = arith.constant 0 : i32
        %dma_start3A_88 = tpu.memref_slice %arg10[%add3A_14, %dma_start3A_87] : memref<16384x64xf32, #tpu.memory_space<hbm>> -> memref<16x64xf32, #tpu.memory_space<hbm>>
        %dma_start3A_89 = arith.constant 0 : i32
        %dma_start3A_90 = tpu.memref_slice %arg10[%add3A_14, %dma_start3A_89] : memref<16384x64xf32, #tpu.memory_space<hbm>> -> memref<16x64xf32, #tpu.memory_space<hbm>>
        tpu.enqueue_dma source(%arg19 : memref<16x64xf32, #tpu.memory_space<vmem>>) target(%dma_start3A_90 : memref<16x64xf32, #tpu.memory_space<hbm>>) target_semaphore(%run_scoped3A : memref<!tpu.dma_semaphore, #tpu.memory_space<semaphore_mem>>)
        %dma_wait3A_91 = arith.constant 0 : i32
        %dma_wait3A_92 = tpu.memref_slice %arg10[%add3A_14, %dma_wait3A_91] : memref<16384x64xf32, #tpu.memory_space<hbm>> -> memref<16x64xf32, #tpu.memory_space<hbm>>
        %dma_wait3A_93 = arith.constant 0 : i32
        %dma_wait3A_94 = tpu.memref_slice %arg10[%add3A_14, %dma_wait3A_93] : memref<16384x64xf32, #tpu.memory_space<hbm>> -> memref<16x64xf32, #tpu.memory_space<hbm>>
        tpu.wait_dma2 semaphore(%run_scoped3A : memref<!tpu.dma_semaphore, #tpu.memory_space<semaphore_mem>>) src(%arg19 : memref<16x64xf32, #tpu.memory_space<vmem>>) dst(%dma_wait3A_94 : memref<16x64xf32, #tpu.memory_space<hbm>>)
        tpu.yield
      }) : () -> ()
    }
    %scan3A_8 = arith.constant 32 : i32
    return
  }
}

module attributes {stable_mosaic.version = 14 : i64} {
  func.func @body(%arg0: i32, %arg1: memref<2000x64xf32, #tpu.memory_space<vmem>>, %arg2: memref<64x64xf32, #tpu.memory_space<vmem>>, %arg3: memref<8x64xf32, #tpu.memory_space<vmem>>, %arg4: memref<64x64xf32, #tpu.memory_space<vmem>>, %arg5: memref<8x64xf32, #tpu.memory_space<vmem>>, %arg6: memref<2000x64xf32, #tpu.memory_space<vmem>>, %arg7: memref<8x64xf32, #tpu.memory_space<vmem>>) attributes {dimension_semantics = [#tpu.dimension_semantics<arbitrary>], iteration_bounds = array<i64: 50>, scalar_prefetch = 0 : i64, scratch_operands = 0 : i64, tpu.core_type = #tpu.core_type<tc>, window_params = [{transform_indices = @transform_0, window_bounds = array<i64: 2000, 64>}, {pipeline_mode = #tpu.pipeline_mode<synchronous>, transform_indices = @transform_1, window_bounds = array<i64: 64, 64>}, {pipeline_mode = #tpu.pipeline_mode<synchronous>, transform_indices = @transform_2, window_bounds = array<i64: 8, 64>}, {pipeline_mode = #tpu.pipeline_mode<synchronous>, transform_indices = @transform_3, window_bounds = array<i64: 64, 64>}, {pipeline_mode = #tpu.pipeline_mode<synchronous>, transform_indices = @transform_4, window_bounds = array<i64: 8, 64>}, {transform_indices = @transform_5, window_bounds = array<i64: 2000, 64>}, {pipeline_mode = #tpu.pipeline_mode<synchronous>, transform_indices = @transform_6, window_bounds = array<i64: 8, 64>}]} {
    %get3A = arith.constant 0 : index
    %get3A_0 = arith.constant 0 : index
    %get3A_1 = vector.load %arg1[%get3A, %get3A_0] : memref<2000x64xf32, #tpu.memory_space<vmem>>, vector<2000x64xf32>
    %get3A_2 = arith.constant 0 : index
    %get3A_3 = arith.constant 0 : index
    %get3A_4 = vector.load %arg2[%get3A_2, %get3A_3] : memref<64x64xf32, #tpu.memory_space<vmem>>, vector<64x64xf32>
    %dot_general3A = arith.constant dense<0.000000e+00> : vector<2000x64xf32>
    %dot_general3A_5 = tpu.matmul %get3A_1, %get3A_4, %dot_general3A {dimension_numbers = #tpu.dot_dimension_numbers<[1], [0], [0], [1], [0, 0, 1, 1], [], []>, precision = #tpu.contract_precision<fp32>, transpose_lhs_hint = false} : vector<2000x64xf32>, vector<64x64xf32>, vector<2000x64xf32> -> vector<2000x64xf32>
    %swap3A = arith.constant 0 : index
    %swap3A_6 = arith.constant 0 : index
    %swap3A_7 = vector.load %arg6[%swap3A, %swap3A_6] : memref<2000x64xf32, #tpu.memory_space<vmem>>, vector<2000x64xf32>
    tpu.vector_store %arg6[%swap3A, %swap3A_6], %dot_general3A_5 {strides = array<i32>} : memref<2000x64xf32, #tpu.memory_space<vmem>>, vector<2000x64xf32>,
    %eq3A = arith.constant 0 : i32
    %eq3A_8 = arith.cmpi eq, %arg0, %eq3A : i32
    %convert_element_type3A = arith.extui %eq3A_8 : i1 to i32
    %cond3A = arith.constant 0 : i32
    %cond3A_9 = arith.cmpi ne, %convert_element_type3A, %cond3A : i32
    scf.if %cond3A_9 {
      %get3A_10 = arith.constant 0 : index
      %get3A_11 = arith.constant 0 : index
      %get3A_12 = vector.load %arg3[%get3A_10, %get3A_11] : memref<8x64xf32, #tpu.memory_space<vmem>>, vector<8x64xf32>
      %get3A_13 = arith.constant 0 : index
      %get3A_14 = arith.constant 0 : index
      %get3A_15 = vector.load %arg4[%get3A_13, %get3A_14] : memref<64x64xf32, #tpu.memory_space<vmem>>, vector<64x64xf32>
      %dot_general3A_16 = arith.constant dense<0.000000e+00> : vector<8x64xf32>
      %dot_general3A_17 = tpu.matmul %get3A_12, %get3A_15, %dot_general3A_16 {dimension_numbers = #tpu.dot_dimension_numbers<[1], [0], [0], [1], [0, 0, 1, 1], [], []>, precision = #tpu.contract_precision<fp32>, transpose_lhs_hint = false} : vector<8x64xf32>, vector<64x64xf32>, vector<8x64xf32> -> vector<8x64xf32>
      %get3A_18 = arith.constant 0 : index
      %get3A_19 = arith.constant 0 : index
      %get3A_20 = vector.load %arg5[%get3A_18, %get3A_19] : memref<8x64xf32, #tpu.memory_space<vmem>>, vector<8x64xf32>
      %add3A = arith.addf %dot_general3A_17, %get3A_20 : vector<8x64xf32>
      %swap3A_21 = arith.constant 0 : index
      %swap3A_22 = arith.constant 0 : index
      %swap3A_23 = vector.load %arg7[%swap3A_21, %swap3A_22] : memref<8x64xf32, #tpu.memory_space<vmem>>, vector<8x64xf32>
      tpu.vector_store %arg7[%swap3A_21, %swap3A_22], %add3A {strides = array<i32>} : memref<8x64xf32, #tpu.memory_space<vmem>>, vector<8x64xf32>,
    } else {
    }
    return
  }
  func.func @transform_0(%arg0: i32) -> (i32, i32) {
    %c0_i32 = arith.constant 0 : i32
    %c0_i32_0 = arith.constant 0 : i32
    return %arg0, %c0_i32 : i32, i32
  }
  func.func @transform_1(%arg0: i32) -> (i32, i32) {
    %c0_i32 = arith.constant 0 : i32
    %c0_i32_0 = arith.constant 0 : i32
    %c0_i32_1 = arith.constant 0 : i32
    return %c0_i32, %c0_i32_0 : i32, i32
  }
  func.func @transform_2(%arg0: i32) -> (i32, i32) {
    %c0_i32 = arith.constant 0 : i32
    %c0_i32_0 = arith.constant 0 : i32
    %c0_i32_1 = arith.constant 0 : i32
    return %c0_i32, %c0_i32_0 : i32, i32
  }
  func.func @transform_3(%arg0: i32) -> (i32, i32) {
    %c0_i32 = arith.constant 0 : i32
    %c0_i32_0 = arith.constant 0 : i32
    %c0_i32_1 = arith.constant 0 : i32
    return %c0_i32, %c0_i32_0 : i32, i32
  }
  func.func @transform_4(%arg0: i32) -> (i32, i32) {
    %c0_i32 = arith.constant 0 : i32
    %c0_i32_0 = arith.constant 0 : i32
    %c0_i32_1 = arith.constant 0 : i32
    return %c0_i32, %c0_i32_0 : i32, i32
  }
  func.func @transform_5(%arg0: i32) -> (i32, i32) {
    %c0_i32 = arith.constant 0 : i32
    %c0_i32_0 = arith.constant 0 : i32
    return %arg0, %c0_i32 : i32, i32
  }
  func.func @transform_6(%arg0: i32) -> (i32, i32) {
    %c0_i32 = arith.constant 0 : i32
    %c0_i32_0 = arith.constant 0 : i32
    %c0_i32_1 = arith.constant 0 : i32
    return %c0_i32, %c0_i32_0 : i32, i32
  }
}

module attributes {stable_mosaic.version = 14 : i64} {
  func.func @body(%arg0: i32, %arg1: memref<2048x64xf32, #tpu.memory_space<vmem>>, %arg2: memref<2048x64xf32, #tpu.memory_space<vmem>>, %arg3: memref<64x64xf32, #tpu.memory_space<vmem>>, %arg4: memref<64x64xf32, #tpu.memory_space<vmem>>, %arg5: memref<1x64xf32, #tpu.memory_space<vmem>>, %arg6: memref<2048x64xf32, #tpu.memory_space<vmem>>) attributes {dimension_semantics = [#tpu.dimension_semantics<arbitrary>], iteration_bounds = array<i64: 8>, scalar_prefetch = 0 : i64, scratch_operands = 0 : i64, tpu.core_type = #tpu.core_type<tc>, window_params = [{transform_indices = @transform_0, window_bounds = array<i64: 2048, 64>}, {transform_indices = @transform_1, window_bounds = array<i64: 2048, 64>}, {pipeline_mode = #tpu.pipeline_mode<synchronous>, transform_indices = @transform_2, window_bounds = array<i64: 64, 64>}, {pipeline_mode = #tpu.pipeline_mode<synchronous>, transform_indices = @transform_3, window_bounds = array<i64: 64, 64>}, {pipeline_mode = #tpu.pipeline_mode<synchronous>, transform_indices = @transform_4, window_bounds = array<i64: 1, 64>}, {transform_indices = @transform_5, window_bounds = array<i64: 2048, 64>}]} {
    %get3A = arith.constant 0 : index
    %get3A_0 = arith.constant 0 : index
    %get3A_1 = vector.load %arg1[%get3A, %get3A_0] : memref<2048x64xf32, #tpu.memory_space<vmem>>, vector<2048x64xf32>
    %get3A_2 = arith.constant 0 : index
    %get3A_3 = arith.constant 0 : index
    %get3A_4 = vector.load %arg3[%get3A_2, %get3A_3] : memref<64x64xf32, #tpu.memory_space<vmem>>, vector<64x64xf32>
    %dot_general3A = arith.constant dense<0.000000e+00> : vector<2048x64xf32>
    %dot_general3A_5 = tpu.matmul %get3A_1, %get3A_4, %dot_general3A {dimension_numbers = #tpu.dot_dimension_numbers<[1], [0], [0], [1], [0, 0, 1, 1], [], []>, precision = #tpu.contract_precision<fp32>, transpose_lhs_hint = false} : vector<2048x64xf32>, vector<64x64xf32>, vector<2048x64xf32> -> vector<2048x64xf32>
    %get3A_6 = arith.constant 0 : index
    %get3A_7 = arith.constant 0 : index
    %get3A_8 = vector.load %arg2[%get3A_6, %get3A_7] : memref<2048x64xf32, #tpu.memory_space<vmem>>, vector<2048x64xf32>
    %get3A_9 = arith.constant 0 : index
    %get3A_10 = arith.constant 0 : index
    %get3A_11 = vector.load %arg4[%get3A_9, %get3A_10] : memref<64x64xf32, #tpu.memory_space<vmem>>, vector<64x64xf32>
    %dot_general3A_12 = arith.constant dense<0.000000e+00> : vector<2048x64xf32>
    %dot_general3A_13 = tpu.matmul %get3A_8, %get3A_11, %dot_general3A_12 {dimension_numbers = #tpu.dot_dimension_numbers<[1], [0], [0], [1], [0, 0, 1, 1], [], []>, precision = #tpu.contract_precision<fp32>, transpose_lhs_hint = false} : vector<2048x64xf32>, vector<64x64xf32>, vector<2048x64xf32> -> vector<2048x64xf32>
    %add3A = arith.addf %dot_general3A_5, %dot_general3A_13 : vector<2048x64xf32>
    %get3A_14 = arith.constant 0 : index
    %get3A_15 = arith.constant 0 : index
    %get3A_16 = vector.load %arg5[%get3A_14, %get3A_15] : memref<1x64xf32, #tpu.memory_space<vmem>>, vector<1x64xf32>
    %add3A_17 = vector.broadcast %get3A_16 : vector<1x64xf32> to vector<2048x64xf32>
    %add3A_18 = arith.addf %add3A, %add3A_17 : vector<2048x64xf32>
    %max3A = arith.constant 0.000000e+00 : f32
    %max3A_19 = vector.broadcast %max3A : f32 to vector<2048x64xf32>
    %max3A_20 = arith.maximumf %add3A_18, %max3A_19 : vector<2048x64xf32>
    %swap3A = arith.constant 0 : index
    %swap3A_21 = arith.constant 0 : index
    %swap3A_22 = vector.load %arg6[%swap3A, %swap3A_21] : memref<2048x64xf32, #tpu.memory_space<vmem>>, vector<2048x64xf32>
    tpu.vector_store %arg6[%swap3A, %swap3A_21], %max3A_20 {strides = array<i32>} : memref<2048x64xf32, #tpu.memory_space<vmem>>, vector<2048x64xf32>,
    return
  }
  func.func @transform_0(%arg0: i32) -> (i32, i32) {
    %c0_i32 = arith.constant 0 : i32
    %c0_i32_0 = arith.constant 0 : i32
    return %arg0, %c0_i32 : i32, i32
  }
  func.func @transform_1(%arg0: i32) -> (i32, i32) {
    %c0_i32 = arith.constant 0 : i32
    %c0_i32_0 = arith.constant 0 : i32
    return %arg0, %c0_i32 : i32, i32
  }
  func.func @transform_2(%arg0: i32) -> (i32, i32) {
    %c0_i32 = arith.constant 0 : i32
    %c0_i32_0 = arith.constant 0 : i32
    %c0_i32_1 = arith.constant 0 : i32
    return %c0_i32, %c0_i32_0 : i32, i32
  }
  func.func @transform_3(%arg0: i32) -> (i32, i32) {
    %c0_i32 = arith.constant 0 : i32
    %c0_i32_0 = arith.constant 0 : i32
    %c0_i32_1 = arith.constant 0 : i32
    return %c0_i32, %c0_i32_0 : i32, i32
  }
  func.func @transform_4(%arg0: i32) -> (i32, i32) {
    %c0_i32 = arith.constant 0 : i32
    %c0_i32_0 = arith.constant 0 : i32
    %c0_i32_1 = arith.constant 0 : i32
    return %c0_i32, %c0_i32_0 : i32, i32
  }
  func.func @transform_5(%arg0: i32) -> (i32, i32) {
    %c0_i32 = arith.constant 0 : i32
    %c0_i32_0 = arith.constant 0 : i32
    return %arg0, %c0_i32 : i32, i32
  }
}

</mosaic_0001>

<sc_bundles>
// kernel: kernel.5.cloned.1.call-start
scs
__scs_entry_jumppad:
0x0: {  	(pc) =	sbr.rel $0x88, $3  }
0x1: {  	(tag) =	ssettag $0x0;
	lr =	simm.s32 $0x1  }
0x2: {  	[smem:$0x3F96] =	sst lr;
	_ =	strace $0xD0000000  }
0x3: {  	_ = 	snop  }
0x4: {  	_ = 	snop  }
0x5: {  	_ = 	snop  }
0x6: {  	_ = 	snop  }
0x7: {  	_ = 	snop  }
__scs_overlays_trampoline_lowered:
0x8: {  	[smem:$0x3FA5] =	sst s0  }
0x9: {  	[smem:$0x3FA6] =	sst s1  }
0xa: {  	[smem:$0x3FA7] =	sst s2  }
0xb: {  	[smem:$0x3FA8] =	sst s3  }
0xc: {  	[smem:$0x3FA9] =	sst s4  }
0xd: {  	[smem:$0x3FAA] =	sst s5  }
0xe: {  	[smem:$0x3FAB] =	sst s6  }
0xf: {  	[smem:$0x3FAC] =	sst s7  }
0x10: {  	[smem:$0x3FAD] =	sst s8  }
0x11: {  	[smem:$0x3FAE] =	sst s9;
	s0 =	simm.s32 @!p0 $0x0  }
0x12: {  	s1 =	sld [smem:$0x3F94];
	s0 =	simm.s32 @p0 $0x1  }
0x13: {  	[smem:$0x3FAF] =	sst s0;
	s0 =	simm.s32 @!p1 $0x0  }
0x14: {  	s2 =	sld [smem:$0x3F93];
	s0 =	simm.s32 @p1 $0x1  }
0x15: {  	[smem:$0x3FB0] =	sst s0;
	s0 =	simm.s32 @!p2 $0x0  }
0x16: {  	s3 =	sld [smem:$0x3FDB];
	s0 =	simm.s32 @p2 $0x1  }
0x17: {  	s4 =	simm.s32 $0x1BF5;
	[smem:$0x3FB2] =	sst s0  }
0x18: {  	s0 =	sld [smem:$0x3F95];
	_ =	swait.ge [sflag:s4], $0x0  }
0x19: {  	s7 =	sld [smem:$0x3F96]  }
0x1a: {  	s8 =	sadd.s32 $0xFFFFE003, lr  }
0x1b: {  	s9 =	sadd.s32 $0xFFFFFEF7, lr;
	s5 =	simm.s32 $0xFFFFFFFF;
	p2 =	slt.u32 s8, $0xFFFFF086  }
0x1c: {  	p1 =	slt.u32 s9, $0xF7A;
	s5 =	simm.s32 @!p2 $0x0  }
0x1d: {  	s5 =	simm.s32 @p1 $0x1;
	p0 =	seq.s32 s7, s2  }
0x1e: {  	s7 =	smul.u32 @!p0 $0xF7A, s2;
	p2 =	seq.s32 @!p0 s5, $0x0  }
0x1f: {  	s9 =	smul.u32 $0xF7A, s1;
	s8 =	simm.s32 @!p0 $0x1BF5;
	p2 =	por !p2, p0  }
0x20: {  	[sflag:s8] =	ssyncset.s32 @!p0 $0xFFFFF086;
	s6 =	sadd.s32 @!p0 s3, s7;
	s7 =	simm.s32 @!p0 $0x108  }
0x21: {  	s3 =	sadd.s32 s3, s9;
	s6 =	sadd.s32 @!p0 $0x88, s6;
	s7 =	simm.s32 @p2 $0x1082  }
0x22: {  	[simem:s7], [sflag:s8] =	dma.local @!p0 [hbm:s6], $0xF7A  }
0x23: {  	s9 =	sor.u32 $0xD0000000, s2;
	s6 =	simm.s32 $0x108;
	_ =	swait.ge @!p0 [sflag:s8], $0x0  }
0x24: {  	s3 =	sadd.s32 $0x88, s3;
	s6 =	simm.s32 @!p1 $0x1082;
	[sflag:s4] =	ssyncset.s32 $0xFFFFF086  }
0x25: {  	[simem:s6], [sflag:s4] =	dma.local [hbm:s3], $0xF7A  }
0x26: {  	[smem:$0x3F96] =	sst s1;
	(tag) =	ssettag s2;
	_ =	strace s9  }
0x27: {  	s1 =	sld [smem:$0x3FA6]  }
0x28: {  	s2 =	sld [smem:$0x3FA7]  }
0x29: {  	s4 =	sld [smem:$0x3FA9]  }
0x2a: {  	p0 =	seq.s32 s5, $0x0;
	s5 =	sld [smem:$0x3FAA]  }
0x2b: {  	s6 =	sld [smem:$0x3FAB]  }
0x2c: {  	s7 =	sld [smem:$0x3FAC]  }
0x2d: {  	s3 =	simm.s32 $0x108;
	s8 =	sld [smem:$0x3FAD]  }
0x2e: {  	s3 =	simm.s32 @!p0 $0x1082;
	s9 =	sld [smem:$0x3FAE]  }
0x2f: {  	lr =	sadd.s32 s0, s3;
	s0 =	sld [smem:$0x3FA5]  }
0x30: {  	s3 =	sld [smem:$0x3FA8]  }
0x31: {  	[smem:$0x3FB1] =	sst s10  }
0x32: {  	s10 =	sld [smem:$0x3FAF];
	_ =	sdelay $0x3  }
0x33: {  	p0 =	seq.s32 s10, $0x1;
	s10 =	sld [smem:$0x3FB1];
	_ =	sdelay $0x3  }
0x34: {  	[smem:$0x3FB1] =	sst s10  }
0x35: {  	s10 =	sld [smem:$0x3FB0];
	_ =	sdelay $0x3  }
0x36: {  	p1 =	seq.s32 s10, $0x1;
	s10 =	sld [smem:$0x3FB1];
	_ =	sdelay $0x3  }
0x37: {  	[smem:$0x3FB1] =	sst s10  }
0x38: {  	s10 =	sld [smem:$0x3FB2]  }
0x39: {  	_ = 	snop;
	(pc) =	sbr.ind lr, $3  }
0x3a: {  	_ = 	snop  }
0x3b: {  	_ = 	snop  }
0x3c: {  	p2 =	seq.s32 s10, $0x1;
	s10 =	sld [smem:$0x3FB1]  }
0x3d: {  	_ =	shalt  }
0x3e: {  	_ =	shalt  }
0x3f: {  	_ =	shalt  }
0x40: {  	_ =	shalt  }
0x41: {  	_ =	shalt  }
0x42: {  	_ =	shalt  }
0x43: {  	_ =	shalt  }
0x44: {  	_ =	shalt  }
0x45: {  	_ =	shalt  }
0x46: {  	_ =	shalt  }
0x47: {  	_ =	shalt  }
0x48: {  	_ =	shalt  }
0x49: {  	_ =	shalt  }
0x4a: {  	_ =	shalt  }
0x4b: {  	_ =	shalt  }
0x4c: {  	_ =	shalt  }
0x4d: {  	_ =	shalt  }
0x4e: {  	_ =	shalt  }
0x4f: {  	_ =	shalt  }
0x50: {  	_ =	shalt  }
0x51: {  	_ =	shalt  }
0x52: {  	_ =	shalt  }
0x53: {  	_ =	shalt  }
0x54: {  	_ =	shalt  }
0x55: {  	_ =	shalt  }
0x56: {  	_ =	shalt  }
0x57: {  	_ =	shalt  }
0x58: {  	_ =	shalt  }
0x59: {  	_ =	shalt  }
0x5a: {  	_ =	shalt  }
0x5b: {  	_ =	shalt  }
0x5c: {  	_ =	shalt  }
0x5d: {  	_ =	shalt  }
0x5e: {  	_ =	shalt  }
0x5f: {  	_ =	shalt  }
0x60: {  	_ =	shalt  }
0x61: {  	_ =	shalt  }
0x62: {  	_ =	shalt  }
0x63: {  	_ =	shalt  }
0x64: {  	_ =	shalt  }
0x65: {  	_ =	shalt  }
0x66: {  	_ =	shalt  }
0x67: {  	_ =	shalt  }
0x68: {  	_ =	shalt  }
0x69: {  	_ =	shalt  }
0x6a: {  	_ =	shalt  }
0x6b: {  	_ =	shalt  }
0x6c: {  	_ =	shalt  }
0x6d: {  	_ =	shalt  }
0x6e: {  	_ =	shalt  }
0x6f: {  	_ =	shalt  }
0x70: {  	_ =	shalt  }
0x71: {  	_ =	shalt  }
0x72: {  	_ =	shalt  }
0x73: {  	_ =	shalt  }
0x74: {  	_ =	shalt  }
0x75: {  	_ =	shalt  }
0x76: {  	_ =	shalt  }
0x77: {  	_ =	shalt  }
0x78: {  	_ =	shalt  }
0x79: {  	_ =	shalt  }
0x7a: {  	_ =	shalt  }
0x7b: {  	_ =	shalt  }
0x7c: {  	_ =	shalt  }
0x7d: {  	_ =	shalt  }
0x7e: {  	_ =	shalt  }
0x7f: {  	_ =	shalt  }
0x80: {  	_ =	shalt  }
0x81: {  	_ =	shalt  }
0x82: {  	_ =	shalt  }
0x83: {  	_ =	shalt  }
0x84: {  	_ =	shalt  }
0x85: {  	_ =	shalt  }
0x86: {  	_ =	shalt  }
0x87: {  	_ =	shalt  }
.Lfunc_end0:
.L_simem_size_0:
called_computation_lowered:
.L_overlay_start_0:
0x88: {  	s2 =	sld [smem:$0x3FD9]  }
0x89: {  	s3 =	sld [smem:$0x3FFE];
	_ =	sdelay $0x1  }
0x8a: {  	s1 =	srdreg.scid  }
0x8b: {  	s0 =	sand.u32 $0x1, s1  }
0x8c: {  	s17 =	sshll.u32 s0, $0xA;
	s2 =	sadd.s32 s3, s2  }
0x8d: {  	s2 =	sadd.s32 s2, s17  }
0x8e: {  	[smem:$0x3FBD] =	sst s2  }
0x8f: {  	_ = 	snop  }
0x90: {  	s2 =	sld [smem:$0x3FC9]  }
0x91: {  	s18 =	sld [smem:$0x3FD0];
	(tm) =	ssettm $0x1  }
0x92: {  	s4 =	sld [smem:$0x3FFB];
	_ =	sdelay $0x3  }
0x93: {  	_ =	strace s4  }
0x94: {  	s4 =	sld [smem:$0x3FFC];
	_ =	sdelay $0x3  }
0x95: {  	_ =	strace s4  }
0x96: {  	s4 =	sld [smem:$0x3FFD];
	_ =	sdelay $0x3  }
0x97: {  	_ =	strace s4  }
0x98: {  	_ =	strace $0x8FFFFFFF  }
0x99: {  	s19 =	sld [smem:$0x3FDB];
	_ =	sdelay $0x1  }
0x9a: {  	s5 =	simm.s32 $_scs_section_size  }
0x9b: {  	s6 =	simm.s32 $_size__tile_overlayer_lowered;
	s7 =	simm.s32 $_tile_overlayer_lowered  }
0x9c: {  	s22 =	simm.s32 $0x1BFF;
	s21 =	sshll.u32 s7, $0x1;
	s4 =	sadd.s32 s5, s19  }
0x9d: {  	s8 =	simm.s32 $0x0;
	s20 =	sshll.u32 s6, $0x1;
	s6 =	sadd.s32 s21, s4  }
0x9e: {  	[timem:s8], [sflag:s22] =	dma.local [hbm:s6], s20  }
0x9f: {  	_ =	swait.ge [sflag:s22], s20  }
0xa0: {  	s5 =	ssub.s32 $0x0, s20;
	[sflag:s22] =	ssyncset.done $0x0  }
0xa1: {  	[sflag:s22] =	ssyncadd.s32 s5;
	_ =	sdelay $0x1  }
0xa2: {  	s23 =	simm.s32 $0x1B8B  }
0xa3: {  	_ =	swait.ge [sflag:s23], $0x1  }
0xa4: {  	[sflag:s23] =	ssyncset.done $0x0  }
0xa5: {  	s25 =	simm.s32 $0x1B8E;
	s24 =	sld [smem:$0x3FFE];
	[sflag:s23] =	ssyncadd.s32 $0xFFFFFFFF  }
0xa6: {  	s26 =	simm.s32 $execute0_lowered;
	[smem:$0x3FD2] =	sst s25  }
0xa7: {  	s6 =	sshll.u32 s26, $0x1;
	_ =	strace $0x80000046;
	[dreg:$0x1] =	wrdreg $0xFFFFFFFF  }
0xa8: {  	s28 =	simm.s32 $_size_execute0_lowered;
	s4 =	sadd.s32 s4, s6;
	[dreg:$0x0] =	wrdreg $0x0  }
0xa9: {  	s6 =	sshll.u32 s28, $0x1;
	[dreg:$0x2] =	wrdreg s4  }
0xaa: {  	[dreg:$0x3] =	wrdreg s6  }
0xab: {  	[dreg:$0x4] =	wrdreg $0xC0  }
0xac: {  	_ =	task [dreg:s8], $0x5FFFF  }
0xad: {  	[dreg:$0x1] =	wrdreg $0xFFFFFFFF  }
0xae: {  	[dreg:$0x0] =	wrdreg $0x60  }
0xaf: {  	[dreg:$0x2] =	wrdreg s2  }
0xb0: {  	[dreg:$0x3] =	wrdreg s24  }
0xb1: {  	[dreg:$0x4] =	wrdreg s18  }
0xb2: {  	[dreg:$0x5] =	wrdreg $0x9  }
0xb3: {  	_ =	task.clear_ibuf [dreg:s8], $0x6FFFF;
	_ =	strace $0x90000046  }
0xb4: {  	s29 =	simm.s32 $0x9;
	_ =	strace $0x80000048  }
0xb5: {  	_ =	swait.ge [sflag:s29], $0x1  }
0xb6: {  	[sflag:s29] =	ssyncadd.s32 $0xFFFFFFFF  }
0xb7: {  	_ =	strace $0x90000048  }
0xb8: {  	_ =	sfence  }
0xb9: {  	s30 =	sld [smem:$0x0];
	_ =	sdelay $0x2  }
0xba: {  	s31 =	sshll.u32 s1, $0xD;
	s1 =	sshrl.u32 s1, $0x2  }
0xbb: {  	s3 =	sand.u32 $0x4000, s31;
	s1 =	sadd.s32 s1, s30  }
0xbc: {  	s0 =	sor.u32 s3, s0;
	s1 =	sshll.u32 s1, $0x11  }
0xbd: {  	s0 =	sor.u32 s1, s0  }
0xbe: {  	s0 =	sadd.s32 $0x8F2B, s0  }
0xbf: {  	[sflag:s0] =	ssyncadd.remote.s32 $0x1  }
0xc0: {  	_ =	sfence.sel $0xFFFF  }
0xc1: {  	[dreg:$0x0] =	wrdreg $0xFFFFFFFF;
	(pc) =	sbr.abs _section_cstart, $3  }
0xc2: {  	[dreg:$0x1] =	wrdreg $0xFFFFFFFF  }
0xc3: {  	_ =	task.clear_ibuf [dreg:s8], $0x2FFFF;
	_ =	strace $0x9FFFFFFF  }
0xc4: {  	(tm) =	ssettm $0x7FFFFFFF  }
0xc5: {  	_ =	shalt  }
tec
execute0_lowered:
.L_overlay_start_1:
0x0: {  	(tag) =	ssettag $0x1  }
0x1: {  	s0 =	rddreg [dreg:$0x1]  }
0x2: {  	s3 =	simm.s32 $0x0;
	s23 =	srdreg.scid;
	s4 =	stileid.u32  }
0x3: {  	s14 =	simm.s32 $0xC70;
	s15 =	simm.s32 $0x3;
	s16 =	simm.s32 $0x10  }
0x4: {  	s17 =	simm.s32 $0xE70;
	s18 =	simm.s32 $0x40;
	s19 =	simm.s32 $0x30  }
0x5: {  	v28 =	vlaneseq.u32;
	s20 =	simm.s32 $0x70;
	s21 =	simm.s32 $0x470;
	s28 =	simm.s32 $0x2680  }
0x6: {  	s29 =	simm.s32 $0x1A70;
	s30 =	simm.s32 $0x2690;
	[smem:$0x7FF] =	sst s3;
	v1 =	vand.u32 $0x3, v28  }
0x7: {  	s31 =	simm.s32 $0x1E70;
	s8 =	simm.s32 $0x2270;
	v0 =	vshrl.u32 v28, $0x2;
	_ =	strace $0x80000047;
	[tilespmem:$0x1FF60] =	vst v1  }
0x8: {  	s9 =	simm.s32 $0x2;
	s1 =	sadd.s32 $0x443600, s0;
	s22 =	sadd.s32 $0x3AAC00, s0;
	v27 =	vor.u32 $0x10, v28;
	[tilespmem:$0x1FF90] =	vst v0  }
0x9: {  	s6 =	sadd.s32 $0x312200, s0;
	s7 =	sadd.s32 $0x4A00, s0;
	s2 =	sadd.s32 $0xC8000, s0;
	v25 =	vor.u32 $0x20, v28;
	[tilespmem:$0x1FFB0] =	vst v27  }
0xa: {  	v63 =	vimm.f32 $1.000000000e+00;
	vm0 =	vcmask $0x3700;
	s10 =	sadd.s32 $0x24EC00, s0;
	s11 =	sadd.s32 $0xC8200, s0;
	v4 =	vadd.s32 $0x22, v28;
	[dreg:$0x4] =	wrdreg s1;
	[tilespmem:$0x1FFC0] =	vst v25  }
0xb: {  	s26 =	sshll.u32 s4, $0xA;
	v6 =	vsel vm0, $0x0, v63;
	[dreg:$0x5] =	wrdreg s22;
	s1 =	sand.u32 $0x1, s23;
	[tilespmem:$0x1FFD0] =	vst v4  }
0xc: {  	v21 =	vor.u32 $0x30, v28;
	[dreg:$0x6] =	wrdreg s2;
	s22 =	simm.s32 $0x870;
	[tilespmem:$0x1FFE0] =	vst v6;
	s24 =	ssub.s32 $0x2, s1  }
0xd: {  	s23 =	simm.s32 $0x1;
	v61 =	vor.u32 $0x4, v0;
	[tilespmem:$0x1FFF0] =	vst v21;
	s1 =	sshll.u32 s1, $0x9;
	s25 =	sshrl.u32 s24, $0x1  }
0xe: {  	v62 =	vor.u32 $0x8, v0;
	s2 =	simm.s32 $0x0;
	[tilespmem:$0x1FF70] =	vst v61;
	s12 =	sor.u32 s1, s26;
	s0 =	ssub.s32 s24, s25  }
0xf: {  	v0 =	vor.u32 $0xC, v0;
	[tilespmem:$0x1FF80] =	vst v62;
	s26 =	simm.s32 $0x1670;
	s24 =	simm.s32 $0x20;
	s0 =	smax.u32 s0, $0x1  }
0x10: {  	[tilespmem:$0x1FFA0] =	vst v0;
	s25 =	simm.s32 $0x2670;
	[dreg:$0x7] =	wrdreg s0;
	s0 =	simm.s32 $0x26A0  }
.LBB2_1:
0x11: {  	[dreg:$0x8] =	wrdreg s2  }
0x12: {  	s1 =	rddreg [dreg:$0x6]  }
0x13: {  	[tilespmem:s14], [sflag:$0x3] =	stream.linear.gather [hbm4b:s1+s3], $0x200, $0x38;
	[tilespmem:$0x26B0] =	vst v63  }
0x14: {  	_ =	swait.ge [sflag:s15], $0x200  }
0x15: {  	[sflag:s15] =	ssyncset.done $0x0  }
0x16: {  	s1 =	simm.s32 $0x0;
	[sflag:s15] =	ssyncadd.s32 $0xFFFFFE00  }
.LBB2_2:
0x17: {  	s2 =	sshll.u32 s1, $0x4  }
0x18: {  	s2 =	sadd.s32 s12, s2  }
0x19: {  	s5 =	rddreg [dreg:$0x0];
	s4 =	sshrl.u32 s2, $0x3  }
0x1a: {  	s13 =	simm.s32 $0x0;
	s4 =	sadd.s32 s5, s4  }
0x1b: {  	[tilespmem:s13], [sflag:$0x3] =	stream.linear.gather [hbm4b:s4+s13], $0x10, $0x38;
	[tilespmem:$0x26B0] =	vst v63  }
0x1c: {  	_ =	swait.ge [sflag:s15], $0x10  }
0x1d: {  	[sflag:s15] =	ssyncset.done $0x0  }
0x1e: {  	[sflag:s15] =	ssyncadd.s32 $0xFFFFFFF0  }
0x1f: {  	v0 =	vld [tilespmem:$0x0];
	_ =	sdelay $0x1  }
0x20: {  	v59 =	vld [tilespmem:$0x1FF90];
	_ =	sdelay $0x2  }
0x21: {  	v0 =	vmul.u32 $0x32, v0;
	_ =	sdelay $0x1  }
0x22: {  	[tilespmem:s17], [sflag:$0x2] =	stream.indirect.gather [hbm4b:s10+s16], $0x40, s13, s16, $0xb8;
	v1 =	vshra.s32 v0, $0x4;
	[tilespmem:$0x26B0] =	vst v63  }
0x23: {  	v60 =	vld [tilespmem:$0x1FF60];
	v0 =	vand.u32 $0xE, v0;
	[tilespmem:$0x10] =	vst v1  }
0x24: {  	v61 =	vld [tilespmem:$0x1FF70];
	[tilespmem:$0x20] =	vst v0  }
0x25: {  	v0 =	vld.idx.msk [tilespmem:v59+s16+$0x0], $0xffff;
	_ =	sdelay $0x4  }
0x26: {  	v0 =	vadd.s32 v60, v0  }
0x27: {  	v62 =	vld [tilespmem:$0x1FF80];
	[tilespmem:$0x30] =	vst v0  }
0x28: {  	v0 =	vld.idx.msk [tilespmem:v61+s16+$0x0], $0xffff;
	_ =	sdelay $0x4  }
0x29: {  	v0 =	vadd.s32 v60, v0  }
0x2a: {  	v63 =	vld [tilespmem:$0x1FFA0];
	[tilespmem:$0x40] =	vst v0  }
0x2b: {  	v0 =	vld.idx.msk [tilespmem:v62+s16+$0x0], $0xffff;
	_ =	sdelay $0x4  }
0x2c: {  	v0 =	vadd.s32 v60, v0  }
0x2d: {  	[tilespmem:$0x50] =	vst v0  }
0x2e: {  	v0 =	vld.idx.msk [tilespmem:v63+s16+$0x0], $0xffff;
	_ =	sdelay $0x4  }
0x2f: {  	v0 =	vadd.s32 v60, v0  }
0x30: {  	s5 =	rddreg [dreg:$0x4];
	[tilespmem:$0x60] =	vst v0  }
0x31: {  	[tilespmem:s20], [sflag:$0x1] =	stream.indirect.gather [hbm4b:s5+s18], $0x10, s19, s18, $0xb8;
	[tilespmem:$0x26B0] =	vst v63  }
0x32: {  	s5 =	rddreg [dreg:$0x5]  }
0x33: {  	[tilespmem:s21], [sflag:$0x1] =	stream.indirect.gather [hbm4b:s5+s18], $0x10, s19, s18, $0xb8;
	[tilespmem:$0x26B0] =	vst v63  }
0x34: {  	_ = 	snop  }
0x35: {  	[tilespmem:s22], [sflag:$0x1] =	stream.indirect.gather [hbm4b:s6+s18], $0x10, s19, s18, $0xb8;
	[tilespmem:$0x26B0] =	vst v63  }
0x36: {  	_ =	swait.ge [sflag:s23], $0x400  }
0x37: {  	[sflag:s23] =	ssyncset.done $0x0  }
0x38: {  	[sflag:s23] =	ssyncadd.s32 $0xFFFFFC00  }
0x39: {  	_ =	swait.ge [sflag:s23], $0x400  }
0x3a: {  	[sflag:s23] =	ssyncset.done $0x0  }
0x3b: {  	[sflag:s23] =	ssyncadd.s32 $0xFFFFFC00  }
0x3c: {  	_ =	swait.ge [sflag:s23], $0x400  }
0x3d: {  	[sflag:s23] =	ssyncset.done $0x0  }
0x3e: {  	s4 =	simm.s32 $0x1290;
	[sflag:s23] =	ssyncadd.s32 $0xFFFFFC00  }
.LBB2_3:
0x3f: {  	v0 =	vmov s13;
	_ =	sdelay $0x4  }
0x40: {  	v15 =	vld.idx.msk [tilespmem:v0+s24+$0x0], $0xffff;
	_ =	sdelay $0x3  }
0x41: {  	v1 =	vld [tilespmem:$0x1FFD0];
	v0 =	vshll.u32 v0, $0x6  }
0x42: {  	v11 =	vadd.s32 v0, v15  }
0x43: {  	v0 =	vadd.s32 v28, v11  }
0x44: {  	v2 =	vadd.s32 v27, v11  }
0x45: {  	v3 =	vadd.s32 v25, v11  }
0x46: {  	v4 =	vadd.s32 v1, v11;
	_ =	sdelay $0x1  }
0x47: {  	v5 =	vld.idx.msk [tilespmem:v0+s21+$0x0], $0xffff  }
0x48: {  	v8 =	vld.idx.msk [tilespmem:v2+s21+$0x0], $0xffff  }
0x49: {  	v9 =	vld.idx.msk [tilespmem:v3+s21+$0x0], $0xffff  }
0x4a: {  	v12 =	vld.idx.msk [tilespmem:v4+s21+$0x0], $0xffff;
	_ =	sdelay $0x2  }
0x4b: {  	v5 =	vcvt.s32.f32 v5;
	v8 =	vcvt.s32.f32 v8;
	_ =	sdelay $0x1  }
0x4c: {  	v12 =	vcvt.s32.f32 v12;
	v5 =	vadd.f32 v8, v5;
	v8 =	vcvt.s32.f32 v9;
	_ =	sdelay $0x1  }
0x4d: {  	v5 =	vadd.f32 v8, v5;
	v8 =	vmul.f32 v6, v12;
	_ =	sdelay $0x1  }
0x4e: {  	v0 =	vld.idx.msk [tilespmem:v0+s20+$0x0], $0xffff;
	v5 =	vadd.f32 v8, v5;
	_ =	sdelay $0x1  }
0x4f: {  	(xrf2) =	vadd.scan.msk.f32 $0xffff, v5;
	_ =	sdelay $0x2  }
0x50: {  	[tilespmem:$0x2670] =	vst v0  }
0x51: {  	[tilespmem:s26], [sflag:$0x1] =	stream.indirect.gather [hbm4b:s7+s16], $0x40, s25, s16, $0xb8;
	[tilespmem:$0x26B0] =	vst v63  }
0x52: {  	v0 =	vld.idx.msk [tilespmem:v2+s20+$0x0], $0xffff;
	_ =	sdelay $0x4  }
0x53: {  	v2, _, _ =	vpop (xrf2);
	[tilespmem:$0x2680] =	vst v0  }
0x54: {  	(v2sf) =	vpush v2, $0xF;
	[tilespmem:s29], [sflag:$0x1] =	stream.indirect.gather [hbm4b:s7+s16], $0x40, s28, s16, $0xb8;
	[tilespmem:$0x26B0] =	vst v63  }
0x55: {  	v0 =	vld.idx.msk [tilespmem:v3+s20+$0x0], $0xffff;
	_ =	sdelay $0x4  }
0x56: {  	[tilespmem:$0x2690] =	vst v0  }
0x57: {  	[tilespmem:s31], [sflag:$0x1] =	stream.indirect.gather [hbm4b:s7+s16], $0x40, s30, s16, $0xb8;
	[tilespmem:$0x26B0] =	vst v63  }
0x58: {  	v0 =	vld.idx.msk [tilespmem:v4+s20+$0x0], $0xffff;
	_ =	sdelay $0x4  }
0x59: {  	[tilespmem:$0x26A0] =	vst v0  }
0x5a: {  	[tilespmem:s8], [sflag:$0x1] =	stream.indirect.gather [hbm4b:s7+s16], $0x40, s0, s16, $0xb8;
	[tilespmem:$0x26B0] =	vst v63  }
0x5b: {  	s5 =	spop (v2sf)  }
0x5c: {  	_ =	swait.ge [sflag:s23], $0x400  }
0x5d: {  	[sflag:s23] =	ssyncset.done $0x0  }
0x5e: {  	[sflag:s23] =	ssyncadd.s32 $0xFFFFFC00  }
0x5f: {  	v4 =	vadd.s32 $0x1, v11;
	v13 =	vld.idx.msk [tilespmem:v11+s22+$0x0], $0xffff  }
0x60: {  	v39 =	vld.idx.msk [tilespmem:v11+s21+$0x0], $0xffff  }
0x61: {  	v34 =	vld [tilespmem:$0x1670]  }
0x62: {  	v62 =	vld [tilespmem:$0x1680]  }
0x63: {  	v19 =	vadd.s32 $0x2, v11;
	v43 =	vld [tilespmem:$0x1690]  }
0x64: {  	v5 =	vadd.s32 $0x3, v11;
	v18 =	vld.idx.msk [tilespmem:v4+s22+$0x0], $0xffff  }
0x65: {  	v36 =	vld [tilespmem:$0x16A0]  }
0x66: {  	v9 =	vadd.s32 $0x5, v11;
	v44 =	vld.idx.msk [tilespmem:v4+s21+$0x0], $0xffff  }
0x67: {  	v32 =	vadd.s32 $0x6, v11;
	v37 =	vld [tilespmem:$0x16B0]  }
0x68: {  	v4 =	vld.idx.msk [tilespmem:v19+s22+$0x0], $0xffff  }
0x69: {  	v49 =	vld.idx.msk [tilespmem:v5+s22+$0x0], $0xffff  }
0x6a: {  	v58 =	vld.idx.msk [tilespmem:v19+s21+$0x0], $0xffff  }
0x6b: {  	v19 =	vld.idx.msk [tilespmem:v9+s22+$0x0], $0xffff;
	v41 =	vshll.u32 v18, $0x6  }
0x6c: {  	v52 =	vld.idx.msk [tilespmem:v32+s22+$0x0], $0xffff;
	v8 =	vor.u32 v27, v41  }
0x6d: {  	v12 =	vld [tilespmem:$0x1710]  }
0x6e: {  	v20 =	vld [tilespmem:$0x1770]  }
0x6f: {  	v23 =	vld [tilespmem:$0x17A0];
	v48 =	vshll.u32 v4, $0x6  }
0x70: {  	v24 =	vld [tilespmem:$0x17B0];
	v4 =	vor.u32 v28, v48  }
0x71: {  	v47 =	vld.idx.msk [tilespmem:v8+s14+$0x0], $0xffff;
	v8 =	vadd.s32 $0x4, v11  }
0x72: {  	v26 =	vld [tilespmem:$0x17D0];
	v0 =	vshll.u32 v13, $0x6  }
0x73: {  	v31 =	vld [tilespmem:$0x1800];
	v14 =	vor.u32 v28, v0  }
0x74: {  	v29 =	vld [tilespmem:$0x1810];
	v16 =	vor.u32 v27, v0  }
0x75: {  	v61 =	vshll.u32 v49, $0x6;
	v17 =	vor.u32 v25, v0;
	v57 =	vld.idx.msk [tilespmem:v4+s14+$0x0], $0xffff  }
0x76: {  	v4 =	vor.u32 v28, v61;
	v63 =	vld.idx.msk [tilespmem:v8+s22+$0x0], $0xffff  }
0x77: {  	v13 =	vld.idx.msk [tilespmem:v9+s21+$0x0], $0xffff  }
0x78: {  	v3 =	vor.u32 v28, v41;
	v33 =	vld.idx.msk [tilespmem:v14+s14+$0x0], $0xffff  }
0x79: {  	v42 =	vor.u32 v25, v41;
	v40 =	vld.idx.msk [tilespmem:v16+s14+$0x0], $0xffff  }
0x7a: {  	v50 =	vor.u32 v27, v48;
	v38 =	vld.idx.msk [tilespmem:v17+s14+$0x0], $0xffff  }
0x7b: {  	v51 =	vor.u32 v25, v48;
	v18 =	vld.idx.msk [tilespmem:v4+s14+$0x0], $0xffff;
	v4 =	vshll.u32 v63, $0x6  }
0x7c: {  	v17 =	vld.idx.msk [tilespmem:v5+s21+$0x0], $0xffff;
	v5 =	vor.u32 v28, v4  }
0x7d: {  	v30 =	vld.idx.msk [tilespmem:v3+s14+$0x0], $0xffff  }
0x7e: {  	v0 =	vor.u32 v21, v0;
	v45 =	vld.idx.msk [tilespmem:v42+s14+$0x0], $0xffff  }
0x7f: {  	v10 =	vor.u32 v27, v61;
	v55 =	vld.idx.msk [tilespmem:v50+s14+$0x0], $0xffff  }
0x80: {  	v54 =	vld.idx.msk [tilespmem:v51+s14+$0x0], $0xffff;
	v3 =	vor.u32 v21, v61;
	v42 =	vor.u32 v27, v4  }
0x81: {  	v49 =	vor.u32 v25, v4;
	v4 =	vor.u32 v21, v4;
	v51 =	vld.idx.msk [tilespmem:v5+s14+$0x0], $0xffff;
	v5 =	vshll.u32 v19, $0x6  }
0x82: {  	v50 =	vld.idx.msk [tilespmem:v8+s21+$0x0], $0xffff;
	v8 =	vor.u32 v28, v5  }
0x83: {  	v35 =	vld.idx.msk [tilespmem:v0+s14+$0x0], $0xffff;
	v63 =	vor.u32 v27, v5  }
0x84: {  	v60 =	vor.u32 v21, v48;
	v16 =	vor.u32 v25, v61;
	v61 =	vld.idx.msk [tilespmem:v10+s14+$0x0], $0xffff  }
0x85: {  	v0 =	vor.u32 v21, v41;
	v48 =	vld.idx.msk [tilespmem:v3+s14+$0x0], $0xffff  }
0x86: {  	v10 =	vld.idx.msk [tilespmem:v4+s14+$0x0], $0xffff  }
0x87: {  	v14 =	vld.idx.msk [tilespmem:v8+s14+$0x0], $0xffff  }
0x88: {  	v59 =	vadd.s32 $0x7, v11;
	v3 =	vld.idx.msk [tilespmem:v63+s14+$0x0], $0xffff  }
0x89: {  	v56 =	vld.idx.msk [tilespmem:v60+s14+$0x0], $0xffff  }
0x8a: {  	v46 =	vld.idx.msk [tilespmem:v0+s14+$0x0], $0xffff;
	[tilespmem:$0x1F3E0] =	vst v17  }
0x8b: {  	v41 =	vld.idx.msk [tilespmem:v16+s14+$0x0], $0xffff;
	v16 =	vand.u32 $0x7, v15;
	v17 =	vand.u32 $0xFFFFFFF8, v11;
	v4 =	vor.u32 v25, v5;
	[tilespmem:$0x1F430] =	vst v10  }
0x8c: {  	v0 =	vld.idx.msk [tilespmem:v32+s21+$0x0], $0xffff;
	v5 =	vor.u32 v21, v5;
	v10 =	vor.u32 v16, v17;
	[tilespmem:$0x1F450] =	vst v14  }
0x8d: {  	v8 =	vshll.u32 v52, $0x6;
	v14 =	vld.idx.msk [tilespmem:v59+s22+$0x0], $0xffff;
	[tilespmem:$0x1F460] =	vst v3;
	v3 =	vadd.s32 $0x8, v10  }
0x8e: {  	v53 =	vld.idx.msk [tilespmem:v42+s14+$0x0], $0xffff;
	v32 =	vor.u32 v21, v8  }
0x8f: {  	[tilespmem:$0x1F480] =	vst v13;
	v60 =	vld.idx.msk [tilespmem:v49+s14+$0x0], $0xffff  }
0x90: {  	[tilespmem:$0x1F3C0] =	vst v18;
	v18 =	vld.idx.msk [tilespmem:v4+s14+$0x0], $0xffff;
	v4 =	vor.u32 v27, v8  }
0x91: {  	[tilespmem:$0x1F3F0] =	vst v48;
	v19 =	vld.idx.msk [tilespmem:v5+s14+$0x0], $0xffff;
	v13 =	vor.u32 v28, v8  }
0x92: {  	[tilespmem:$0x1F4E0] =	vst v0;
	v5 =	vor.u32 v25, v8;
	v8 =	vshll.u32 v14, $0x6;
	v48 =	vld.idx.msk [tilespmem:v3+s22+$0x0], $0xffff  }
0x93: {  	[tilespmem:$0x1F400] =	vst v51;
	v0 =	vld.idx.msk [tilespmem:v32+s14+$0x0], $0xffff;
	v51 =	vor.u32 v25, v8  }
0x94: {  	v52 =	vld.idx.msk [tilespmem:v59+s21+$0x0], $0xffff  }
0x95: {  	[tilespmem:$0x1F3D0] =	vst v41;
	v49 =	vld.idx.msk [tilespmem:v4+s14+$0x0], $0xffff;
	v4 =	vadd.s32 $0x9, v11  }
0x96: {  	[tilespmem:$0x1F440] =	vst v50;
	v41 =	vld.idx.msk [tilespmem:v13+s14+$0x0], $0xffff;
	v42 =	vor.u32 v28, v8  }
0x97: {  	[tilespmem:$0x1F410] =	vst v53;
	v50 =	vld.idx.msk [tilespmem:v5+s14+$0x0], $0xffff;
	v5 =	vor.u32 v27, v8;
	v53 =	vor.u32 v21, v8;
	v8 =	vshll.u32 v48, $0x6  }
0x98: {  	[tilespmem:$0x1F4D0] =	vst v0;
	v0 =	vld.idx.msk [tilespmem:v51+s14+$0x0], $0xffff;
	v16 =	vor.u32 v27, v8  }
0x99: {  	[tilespmem:$0x1F490] =	vst v19;
	v19 =	vld.idx.msk [tilespmem:v3+s21+$0x0], $0xffff  }
0x9a: {  	v63 =	vld.idx.msk [tilespmem:v4+s22+$0x0], $0xffff  }
0x9b: {  	[tilespmem:$0x1F420] =	vst v60;
	v59 =	vld.idx.msk [tilespmem:v42+s14+$0x0], $0xffff;
	v60 =	vor.u32 v28, v8  }
0x9c: {  	[tilespmem:$0x1F470] =	vst v18;
	v14 =	vld.idx.msk [tilespmem:v5+s14+$0x0], $0xffff;
	v5 =	vadd.s32 $0xA, v11  }
0x9d: {  	v18 =	vor.u32 v25, v8;
	[tilespmem:$0x1F510] =	vst v0;
	v0 =	vld.idx.msk [tilespmem:v16+s14+$0x0], $0xffff  }
0x9e: {  	v17 =	vld.idx.msk [tilespmem:v53+s14+$0x0], $0xffff;
	v32 =	vor.u32 v21, v8  }
0x9f: {  	v8 =	vshll.u32 v63, $0x6;
	v53 =	vld.idx.msk [tilespmem:v4+s21+$0x0], $0xffff  }
0xa0: {  	[tilespmem:$0x1F4A0] =	vst v41;
	v42 =	vor.u32 v28, v8;
	v41 =	vld.idx.msk [tilespmem:v60+s14+$0x0], $0xffff  }
0xa1: {  	[tilespmem:$0x1F4B0] =	vst v49;
	v4 =	vor.u32 v21, v8;
	v48 =	vld.idx.msk [tilespmem:v5+s22+$0x0], $0xffff  }
0xa2: {  	v49 =	vld.idx.msk [tilespmem:v18+s14+$0x0], $0xffff;
	[tilespmem:$0x1F550] =	vst v0;
	v0 =	vadd.s32 $0xB, v11  }
0xa3: {  	[tilespmem:$0x1F4C0] =	vst v50;
	v50 =	vor.u32 v27, v8;
	v51 =	vld.idx.msk [tilespmem:v32+s14+$0x0], $0xffff  }
0xa4: {  	[tilespmem:$0x1F520] =	vst v52;
	v52 =	vor.u32 v25, v8;
	v32 =	vld.idx.msk [tilespmem:v5+s21+$0x0], $0xffff  }
0xa5: {  	v2 =	vadd.s32 $0xC, v11;
	[tilespmem:$0x1F4F0] =	vst v59;
	v59 =	vld.idx.msk [tilespmem:v42+s14+$0x0], $0xffff  }
0xa6: {  	[tilespmem:$0x1F570] =	vst v19;
	v19 =	vld.idx.msk [tilespmem:v4+s14+$0x0], $0xffff;
	v8 =	vshll.u32 v48, $0x6  }
0xa7: {  	v4 =	vor.u32 v25, v8;
	v63 =	vld.idx.msk [tilespmem:v0+s22+$0x0], $0xffff  }
0xa8: {  	v16 =	vld.idx.msk [tilespmem:v50+s14+$0x0], $0xffff  }
0xa9: {  	[tilespmem:$0x1F530] =	vst v17;
	v17 =	vld.idx.msk [tilespmem:v52+s14+$0x0], $0xffff;
	v60 =	vor.u32 v28, v8  }
0xaa: {  	v48 =	vld.idx.msk [tilespmem:v2+s22+$0x0], $0xffff;
	v5 =	vor.u32 v21, v8  }
0xab: {  	[tilespmem:$0x1F650] =	vst v32;
	v32 =	vld.idx.msk [tilespmem:v2+s21+$0x0], $0xffff;
	v18 =	vor.u32 v27, v8  }
0xac: {  	[tilespmem:$0x1F580] =	vst v51;
	v51 =	vld.idx.msk [tilespmem:v4+s14+$0x0], $0xffff;
	v4 =	vadd.s32 $0xD, v11;
	v8 =	vshll.u32 v63, $0x6  }
0xad: {  	[tilespmem:$0x1F620] =	vst v53;
	v0 =	vld.idx.msk [tilespmem:v0+s21+$0x0], $0xffff;
	v42 =	vor.u32 v28, v8  }
0xae: {  	[tilespmem:$0x1F540] =	vst v41;
	v41 =	vld.idx.msk [tilespmem:v60+s14+$0x0], $0xffff;
	v50 =	vor.u32 v27, v8  }
0xaf: {  	[tilespmem:$0x1F560] =	vst v49;
	v52 =	vld.idx.msk [tilespmem:v5+s14+$0x0], $0xffff;
	v5 =	vor.u32 v25, v8  }
0xb0: {  	[tilespmem:$0x1F5C0] =	vst v16;
	v49 =	vld.idx.msk [tilespmem:v18+s14+$0x0], $0xffff;
	v53 =	vor.u32 v21, v8  }
0xb1: {  	[tilespmem:$0x1F5E0] =	vst v17;
	v17 =	vadd.s32 $0xE, v11;
	v16 =	vld.idx.msk [tilespmem:v4+s22+$0x0], $0xffff  }
0xb2: {  	[tilespmem:$0x1F5A0] =	vst v59;
	v59 =	vld.idx.msk [tilespmem:v42+s14+$0x0], $0xffff  }
0xb3: {  	v8 =	vshll.u32 v48, $0x6;
	v60 =	vld.idx.msk [tilespmem:v50+s14+$0x0], $0xffff  }
0xb4: {  	[tilespmem:$0x1F700] =	vst v0;
	v63 =	vor.u32 v28, v8;
	v18 =	vld.idx.msk [tilespmem:v5+s14+$0x0], $0xffff  }
0xb5: {  	[tilespmem:$0x1F630] =	vst v41;
	v41 =	vor.u32 v21, v8;
	v0 =	vld.idx.msk [tilespmem:v53+s14+$0x0], $0xffff  }
0xb6: {  	[tilespmem:$0x1F600] =	vst v19;
	v19 =	vor.u32 v25, v8;
	v5 =	vor.u32 v27, v8;
	v8 =	vld.idx.msk [tilespmem:v17+s22+$0x0], $0xffff  }
0xb7: {  	v53 =	vld.idx.msk [tilespmem:v4+s21+$0x0], $0xffff  }
0xb8: {  	v9 =	vadd.s32 $0xF, v11;
	v17 =	vld.idx.msk [tilespmem:v17+s21+$0x0], $0xffff  }
0xb9: {  	[tilespmem:$0x1F660] =	vst v49;
	v42 =	vld.idx.msk [tilespmem:v63+s14+$0x0], $0xffff  }
0xba: {  	[tilespmem:$0x1F680] =	vst v51;
	v48 =	vshll.u32 v16, $0x6;
	v51 =	vld.idx.msk [tilespmem:v41+s14+$0x0], $0xffff  }
0xbb: {  	[tilespmem:$0x1F6A0] =	vst v52;
	v52 =	vor.u32 v25, v48;
	v49 =	vld.idx.msk [tilespmem:v5+s14+$0x0], $0xffff  }
0xbc: {  	v3 =	vor.u32 v21, v48;
	[tilespmem:$0x1F730] =	vst v0;
	v0 =	vld.idx.msk [tilespmem:v19+s14+$0x0], $0xffff  }
0xbd: {  	v4 =	vshll.u32 v8, $0x6;
	v8 =	vld.idx.msk [tilespmem:v9+s22+$0x0], $0xffff  }
0xbe: {  	v5 =	vor.u32 v28, v48;
	[tilespmem:$0x1F890] =	vst v17;
	v17 =	vld [tilespmem:$0x1730]  }
0xbf: {  	v50 =	vor.u32 v27, v48;
	[tilespmem:$0x1F840] =	vst v53;
	v53 =	vld [tilespmem:$0x1890]  }
0xc0: {  	v63 =	vld.idx.msk [tilespmem:v52+s14+$0x0], $0xffff  }
0xc1: {  	[tilespmem:$0x1F500] =	vst v14;
	v14 =	vld.idx.msk [tilespmem:v3+s14+$0x0], $0xffff  }
0xc2: {  	v52 =	vld [tilespmem:$0x18A0]  }
0xc3: {  	[tilespmem:$0x1F6C0] =	vst v59;
	v13 =	vor.u32 v25, v4;
	v59 =	vld.idx.msk [tilespmem:v5+s14+$0x0], $0xffff  }
0xc4: {  	v16 =	vor.u32 v21, v4;
	[tilespmem:$0x1F790] =	vst v0;
	v0 =	vld.idx.msk [tilespmem:v50+s14+$0x0], $0xffff  }
0xc5: {  	[tilespmem:$0x1F770] =	vst v49;
	v49 =	vld.idx.msk [tilespmem:v9+s21+$0x0], $0xffff  }
0xc6: {  	[tilespmem:$0x1F6E0] =	vst v60;
	v60 =	vor.u32 v27, v4;
	v5 =	vor.u32 v28, v4;
	v4 =	vshll.u32 v8, $0x6;
	v8 =	vld [tilespmem:$0x16E0]  }
0xc7: {  	v9 =	vld [tilespmem:$0x16F0]  }
0xc8: {  	[tilespmem:$0x1F7B0] =	vst v32;
	v32 =	vld.idx.msk [tilespmem:v13+s14+$0x0], $0xffff  }
0xc9: {  	[tilespmem:$0x1F750] =	vst v42;
	v42 =	vld.idx.msk [tilespmem:v16+s14+$0x0], $0xffff  }
0xca: {  	[tilespmem:$0x1F820] =	vst v63;
	v63 =	vld [tilespmem:$0x18B0]  }
0xcb: {  	v13 =	vld [tilespmem:$0x1700]  }
0xcc: {  	[tilespmem:$0x1F850] =	vst v14;
	v14 =	vld [tilespmem:$0x1720]  }
0xcd: {  	[tilespmem:$0x1F590] =	vst v52;
	v52 =	vld [tilespmem:$0x18D0]  }
0xce: {  	[tilespmem:$0x1F8E0] =	vst v42;
	v42 =	vld [tilespmem:$0x18C0]  }
0xcf: {  	[tilespmem:$0x1F5B0] =	vst v63;
	v63 =	vld [tilespmem:$0x18E0]  }
0xd0: {  	v16 =	vld [tilespmem:$0x1740]  }
0xd1: {  	v48 =	vor.u32 v21, v4;
	v21 =	vld [tilespmem:$0x1790]  }
0xd2: {  	[tilespmem:$0x1F5F0] =	vst v52;
	v52 =	vld [tilespmem:$0x1900]  }
0xd3: {  	[tilespmem:$0x1F5D0] =	vst v42;
	v42 =	vld [tilespmem:$0x18F0]  }
0xd4: {  	[tilespmem:$0x1F610] =	vst v63;
	v63 =	vld [tilespmem:$0x1910]  }
0xd5: {  	v41 =	vor.u32 v25, v4;
	v25 =	vld [tilespmem:$0x17C0]  }
0xd6: {  	v19 =	vor.u32 v27, v4;
	v27 =	vld [tilespmem:$0x17E0]  }
0xd7: {  	[tilespmem:$0x1F670] =	vst v52;
	v52 =	vld [tilespmem:$0x1930]  }
0xd8: {  	[tilespmem:$0x1F640] =	vst v42;
	v42 =	vld [tilespmem:$0x1920]  }
0xd9: {  	[tilespmem:$0x1F690] =	vst v63;
	v63 =	vld [tilespmem:$0x1940]  }
0xda: {  	[tilespmem:$0x1F710] =	vst v18;
	v18 =	vld.idx.msk [tilespmem:v5+s14+$0x0], $0xffff  }
0xdb: {  	[tilespmem:$0x1F800] =	vst v0;
	v0 =	vld.idx.msk [tilespmem:v60+s14+$0x0], $0xffff  }
0xdc: {  	[tilespmem:$0x1F6D0] =	vst v52;
	v52 =	vld [tilespmem:$0x1960]  }
0xdd: {  	[tilespmem:$0x1F6B0] =	vst v42;
	v42 =	vld [tilespmem:$0x1950]  }
0xde: {  	[tilespmem:$0x1F6F0] =	vst v63;
	v63 =	vld [tilespmem:$0x1970]  }
0xdf: {  	v5 =	vor.u32 v28, v4;
	v4 =	vld [tilespmem:$0x16C0]  }
0xe0: {  	v28 =	vld [tilespmem:$0x17F0]  }
0xe1: {  	[tilespmem:$0x1F740] =	vst v52;
	v52 =	vld [tilespmem:$0x1990]  }
0xe2: {  	[tilespmem:$0x1F720] =	vst v42;
	v42 =	vld [tilespmem:$0x1980]  }
0xe3: {  	[tilespmem:$0x1F760] =	vst v63;
	v63 =	vld [tilespmem:$0x19A0]  }
0xe4: {  	[tilespmem:$0x1F940] =	vst v49;
	v49 =	vld [tilespmem:$0x1840]  }
0xe5: {  	[tilespmem:$0x1F7E0] =	vst v59;
	v59 =	vld [tilespmem:$0x1870]  }
0xe6: {  	[tilespmem:$0x1F7A0] =	vst v52;
	v52 =	vld [tilespmem:$0x19C0]  }
0xe7: {  	[tilespmem:$0x1F780] =	vst v42;
	v42 =	vld [tilespmem:$0x19B0]  }
0xe8: {  	[tilespmem:$0x1F7D0] =	vst v63;
	v63 =	vld [tilespmem:$0x19D0]  }
0xe9: {  	[tilespmem:$0x1FC60] =	vst v10;
	v60 =	vld [tilespmem:$0x1880]  }
0xea: {  	[tilespmem:$0x1F7C0] =	vst v51;
	v51 =	vld.idx.msk [tilespmem:v41+s14+$0x0], $0xffff  }
0xeb: {  	[tilespmem:$0x1F810] =	vst v52;
	v52 =	vld [tilespmem:$0x19F0]  }
0xec: {  	[tilespmem:$0x1F7F0] =	vst v42;
	v42 =	vld [tilespmem:$0x19E0]  }
0xed: {  	[tilespmem:$0x1F830] =	vst v63;
	v63 =	vld [tilespmem:$0x1A00]  }
0xee: {  	[tilespmem:$0x1F8C0] =	vst v32;
	v22 =	vld.idx.msk [tilespmem:v48+s14+$0x0], $0xffff  }
0xef: {  	v41 =	vld [tilespmem:$0x1780];
	[tilespmem:$0x1F870] =	vst v18  }
0xf0: {  	[tilespmem:$0x1F880] =	vst v52;
	v52 =	vld [tilespmem:$0x1A20]  }
0xf1: {  	[tilespmem:$0x1F860] =	vst v42;
	v42 =	vld [tilespmem:$0x1A10]  }
0xf2: {  	[tilespmem:$0x1F8B0] =	vst v63;
	v63 =	vld [tilespmem:$0x1A30]  }
0xf3: {  	[tilespmem:$0x1F8A0] =	vst v0;
	v50 =	vld.idx.msk [tilespmem:v5+s14+$0x0], $0xffff  }
0xf4: {  	v0 =	vld.idx.msk [tilespmem:v19+s14+$0x0], $0xffff;
	[tilespmem:$0x1F950] =	vst v51  }
0xf5: {  	[tilespmem:$0x1F8F0] =	vst v52;
	v52 =	vld [tilespmem:$0x1A50]  }
0xf6: {  	v32 =	vld [tilespmem:$0x1820];
	[tilespmem:$0x1F8D0] =	vst v42  }
0xf7: {  	v15 =	vand.u32 $0xF, v15;
	[tilespmem:$0x1F910] =	vst v63;
	v63 =	vand.u32 $0xFFFFFFF0, v11;
	v42 =	vld [tilespmem:$0x1A40]  }
0xf8: {  	[tilespmem:$0x1F900] =	vst v50;
	v7 =	vor.u32 v15, v63;
	v63 =	vld [tilespmem:$0x1A60]  }
0xf9: {  	v48 =	vld [tilespmem:$0x1830];
	[tilespmem:$0x1F920] =	vst v0  }
0xfa: {  	v5 =	vld [tilespmem:$0x16D0];
	[tilespmem:$0x1F960] =	vst v52  }
0xfb: {  	v18 =	vld [tilespmem:$0x1750];
	[tilespmem:$0x1FF50] =	vst v7  }
0xfc: {  	v19 =	vld [tilespmem:$0x1760];
	v15 =	vadd.s32 $0x10, v7;
	[tilespmem:$0x1F930] =	vst v42  }
0xfd: {  	v51 =	vld [tilespmem:$0x1860];
	[tilespmem:$0x1F970] =	vst v63  }
0xfe: {  	v50 =	vld [tilespmem:$0x1850];
	_ =	swait.ge [sflag:s23], $0x400  }
0xff: {  	[sflag:s23] =	ssyncset.done $0x0  }
0x100: {  	[sflag:s23] =	ssyncadd.s32 $0xFFFFFC00  }
0x101: {  	v42 =	vld.idx.msk [tilespmem:v15+s22+$0x0], $0xffff  }
0x102: {  	v6 =	vld [tilespmem:$0x1FFB0];
	_ =	sdelay $0x3  }
0x103: {  	v63 =	vshll.u32 v42, $0x6  }
0x104: {  	v42 =	vor.u32 v6, v63;
	v6 =	vld [tilespmem:$0x1FFC0];
	_ =	sdelay $0x3  }
0x105: {  	v52 =	vlaneseq.u32  }
0x106: {  	v1 =	vor.u32 v52, v63;
	v52 =	vor.u32 v6, v63;
	v6 =	vld.idx.msk [tilespmem:v15+s21+$0x0], $0xffff;
	_ =	sdelay $0x4  }
0x107: {  	[tilespmem:$0x1F9B0] =	vst v6;
	v6 =	vld [tilespmem:$0x1FFF0];
	_ =	sdelay $0x4  }
0x108: {  	v15 =	vor.u32 v6, v63;
	v6 =	vld.idx.msk [tilespmem:v42+s14+$0x0], $0xffff;
	_ =	sdelay $0x1  }
0x109: {  	v0 =	vadd.s32 $0x11, v11;
	_ =	sdelay $0x2  }
0x10a: {  	[tilespmem:$0x1F990] =	vst v6;
	v6 =	vld.idx.msk [tilespmem:v52+s14+$0x0], $0xffff;
	_ =	sdelay $0x1  }
0x10b: {  	v2 =	vld.idx.msk [tilespmem:v0+s22+$0x0], $0xffff  }
0x10c: {  	v1 =	vld.idx.msk [tilespmem:v1+s14+$0x0], $0xffff;
	_ =	sdelay $0x1  }
0x10d: {  	[tilespmem:$0x1F9A0] =	vst v6;
	v6 =	vld [tilespmem:$0x1FFB0];
	_ =	sdelay $0x2  }
0x10e: {  	v3 =	vadd.s32 $0x12, v11;
	[tilespmem:$0x1F980] =	vst v1;
	v1 =	vshll.u32 v2, $0x6;
	v63 =	vlaneseq.u32  }
0x10f: {  	v2 =	vor.u32 v63, v1  }
0x110: {  	v33 =	vadd.f32 v33, v34;
	v34 =	vor.u32 v6, v1;
	v6 =	vld.idx.msk [tilespmem:v15+s14+$0x0], $0xffff;
	_ =	sdelay $0x2  }
0x111: {  	v63 =	vld.idx.msk [tilespmem:v3+s22+$0x0], $0xffff  }
0x112: {  	v2 =	vld.idx.msk [tilespmem:v2+s14+$0x0], $0xffff  }
0x113: {  	[tilespmem:$0x1F9C0] =	vst v6;
	v6 =	vld [tilespmem:$0x1FFC0];
	_ =	sdelay $0x4  }
0x114: {  	[tilespmem:$0x1F9D0] =	vst v2;
	v2 =	vshll.u32 v63, $0x6;
	v15 =	vor.u32 v6, v1;
	v6 =	vlaneseq.u32  }
0x115: {  	v35 =	vadd.f32 v35, v36;
	v36 =	vor.u32 v6, v2;
	v6 =	vld.idx.msk [tilespmem:v34+s14+$0x0], $0xffff;
	_ =	sdelay $0x3  }
0x116: {  	v52 =	vld.idx.msk [tilespmem:v0+s21+$0x0], $0xffff  }
0x117: {  	[tilespmem:$0x1F9E0] =	vst v6;
	v6 =	vld.idx.msk [tilespmem:v15+s14+$0x0], $0xffff  }
0x118: {  	v0 =	vld [tilespmem:$0x1FFF0];
	_ =	sdelay $0x2  }
0x119: {  	v42 =	vadd.s32 $0x13, v11  }
0x11a: {  	[tilespmem:$0x1F9F0] =	vst v6;
	v6 =	vld [tilespmem:$0x1FFB0]  }
0x11b: {  	v0 =	vor.u32 v0, v1;
	_ =	sdelay $0x1  }
0x11c: {  	v30 =	vadd.f32 v30, v37;
	v37 =	vcvt.s32.f32 v44;
	v44 =	vld [tilespmem:$0x1FFC0]  }
0x11d: {  	v62 =	vadd.f32 v40, v62;
	v40 =	vld.idx.msk [tilespmem:v42+s22+$0x0], $0xffff  }
0x11e: {  	v15 =	vor.u32 v6, v2;
	v6 =	vld.idx.msk [tilespmem:v36+s14+$0x0], $0xffff  }
0x11f: {  	v0 =	vld.idx.msk [tilespmem:v0+s14+$0x0], $0xffff;
	_ =	sdelay $0x3  }
0x120: {  	v1 =	vmax.f32 v62, $0.0e+00;
	v62 =	vld [tilespmem:$0x1FFF0];
	v36 =	vshll.u32 v40, $0x6;
	[tilespmem:$0x1FA10] =	vst v6;
	v6 =	vlaneseq.u32  }
0x121: {  	[tilespmem:$0x1FA00] =	vst v0;
	v0 =	vor.u32 v44, v2;
	v44 =	vor.u32 v6, v36;
	v6 =	vld.idx.msk [tilespmem:v15+s14+$0x0], $0xffff  }
0x122: {  	v38 =	vadd.f32 v38, v43  }
0x123: {  	v39 =	vcvt.s32.f32 v39  }
0x124: {  	v38 =	vmax.f32 v38, $0.0e+00  }
0x125: {  	v43 =	vmul.f32 v39, v38;
	v63 =	vld.idx.msk [tilespmem:v3+s21+$0x0], $0xffff;
	v2 =	vor.u32 v62, v2  }
0x126: {  	[tilespmem:$0x1FA20] =	vst v6;
	v6 =	vld.idx.msk [tilespmem:v42+s21+$0x0], $0xffff  }
0x127: {  	v3 =	vadd.f32 $0.0e+00, v43;
	v43 =	vld [tilespmem:$0x1FFC0]  }
0x128: {  	v0 =	vld.idx.msk [tilespmem:v0+s14+$0x0], $0xffff  }
0x129: {  	v40 =	vld [tilespmem:$0x1FFB0]  }
0x12a: {  	v34 =	vadd.s32 $0x14, v11;
	v2 =	vld.idx.msk [tilespmem:v2+s14+$0x0], $0xffff  }
0x12b: {  	[tilespmem:$0x1FA70] =	vst v6;
	v6 =	vld [tilespmem:$0x1FFF0];
	_ =	sdelay $0x3  }
0x12c: {  	[tilespmem:$0x1FA30] =	vst v0;
	v62 =	vld.idx.msk [tilespmem:v34+s22+$0x0], $0xffff;
	v0 =	vor.u32 v40, v36  }
0x12d: {  	[tilespmem:$0x1FA40] =	vst v2;
	v2 =	vor.u32 v43, v36;
	v36 =	vor.u32 v6, v36;
	v6 =	vld.idx.msk [tilespmem:v44+s14+$0x0], $0xffff;
	_ =	sdelay $0x4  }
0x12e: {  	v44 =	vshll.u32 v62, $0x6;
	[tilespmem:$0x1FA50] =	vst v6;
	v6 =	vlaneseq.u32  }
0x12f: {  	v5 =	vadd.f32 v45, v5;
	v45 =	vor.u32 v6, v44;
	v6 =	vld.idx.msk [tilespmem:v36+s14+$0x0], $0xffff;
	_ =	sdelay $0x3  }
0x130: {  	v4 =	vadd.f32 v47, v4  }
0x131: {  	v35 =	vmax.f32 v35, $0.0e+00;
	v8 =	vadd.f32 v46, v8;
	v1 =	vmul.f32 v39, v1;
	[tilespmem:$0x1FA80] =	vst v6;
	v6 =	vld [tilespmem:$0x1FFC0]  }
0x132: {  	v35 =	vmul.f32 v39, v35;
	v4 =	vmax.f32 v4, $0.0e+00  }
0x133: {  	v8 =	vmax.f32 v8, $0.0e+00;
	v4 =	vmul.f32 v37, v4;
	v1 =	vadd.f32 $0.0e+00, v1  }
0x134: {  	v35 =	vadd.f32 $0.0e+00, v35;
	v8 =	vmul.f32 v37, v8  }
0x135: {  	v33 =	vmax.f32 v33, $0.0e+00;
	v1 =	vadd.f32 v4, v1;
	v15 =	vadd.s32 $0x15, v11  }
0x136: {  	v4 =	vadd.f32 v8, v35;
	v8 =	vadd.f32 v55, v13;
	v55 =	vor.u32 v6, v44;
	v6 =	vld [tilespmem:$0x1FFF0]  }
0x137: {  	v33 =	vmul.f32 v39, v33  }
0x138: {  	v30 =	vmax.f32 v30, $0.0e+00  }
0x139: {  	v30 =	vmul.f32 v37, v30;
	v33 =	vadd.f32 $0.0e+00, v33  }
0x13a: {  	v46 =	vld.idx.msk [tilespmem:v15+s22+$0x0], $0xffff  }
0x13b: {  	v30 =	vadd.f32 v30, v33;
	v33 =	vor.u32 v6, v44;
	v6 =	vld.idx.msk [tilespmem:v45+s14+$0x0], $0xffff;
	_ =	sdelay $0x4  }
0x13c: {  	v42 =	vshll.u32 v46, $0x6;
	[tilespmem:$0x1FA90] =	vst v6;
	v6 =	vlaneseq.u32  }
0x13d: {  	v43 =	vor.u32 v6, v42;
	v6 =	vld.idx.msk [tilespmem:v55+s14+$0x0], $0xffff;
	_ =	sdelay $0x4  }
0x13e: {  	[tilespmem:$0x1FAB0] =	vst v6;
	v6 =	vld [tilespmem:$0x1FFB0];
	_ =	sdelay $0x4  }
0x13f: {  	v46 =	vor.u32 v6, v42;
	v6 =	vld.idx.msk [tilespmem:v33+s14+$0x0], $0xffff;
	_ =	sdelay $0x4  }
0x140: {  	[tilespmem:$0x1FAC0] =	vst v6;
	v6 =	vld [tilespmem:$0x1FFC0]  }
0x141: {  	v40 =	vcvt.s32.f32 v58  }
0x142: {  	v8 =	vmax.f32 v8, $0.0e+00  }
0x143: {  	v8 =	vmul.f32 v40, v8;
	_ =	sdelay $0x1  }
0x144: {  	v1 =	vadd.f32 v8, v1;
	v8 =	vor.u32 v6, v42;
	v6 =	vld.idx.msk [tilespmem:v15+s21+$0x0], $0xffff;
	_ =	sdelay $0x3  }
0x145: {  	v47 =	vld [tilespmem:$0x1FFB0]  }
0x146: {  	[tilespmem:$0x1FAF0] =	vst v6;
	v6 =	vld [tilespmem:$0x1FFF0]  }
0x147: {  	v5 =	vmax.f32 v5, $0.0e+00  }
0x148: {  	v5 =	vmul.f32 v37, v5;
	_ =	sdelay $0x1  }
0x149: {  	v3 =	vadd.f32 v5, v3;
	v5 =	vadd.f32 v57, v9;
	v57 =	vld.idx.msk [tilespmem:v2+s14+$0x0], $0xffff  }
0x14a: {  	v2 =	vor.u32 v47, v44;
	v47 =	vor.u32 v6, v42;
	v6 =	vld [tilespmem:$0x1F3C0];
	_ =	sdelay $0x2  }
0x14b: {  	v54 =	vadd.f32 v54, v12  }
0x14c: {  	v0 =	vld.idx.msk [tilespmem:v0+s14+$0x0], $0xffff  }
0x14d: {  	v9 =	vmax.f32 v54, $0.0e+00;
	v54 =	vadd.f32 v6, v17;
	v6 =	vld.idx.msk [tilespmem:v43+s14+$0x0], $0xffff;
	_ =	sdelay $0x3  }
0x14e: {  	[tilespmem:$0x1FA60] =	vst v0;
	v0 =	vadd.s32 $0x16, v11  }
0x14f: {  	[tilespmem:$0x1FAD0] =	vst v6;
	v6 =	vld [tilespmem:$0x1F3D0];
	_ =	sdelay $0x3  }
0x150: {  	v44 =	vld.idx.msk [tilespmem:v0+s22+$0x0], $0xffff  }
0x151: {  	v55 =	vadd.f32 v61, v16;
	v61 =	vadd.f32 v6, v18;
	v6 =	vld [tilespmem:$0x1F3E0];
	_ =	sdelay $0x1  }
0x152: {  	v62 =	vadd.f32 v56, v14;
	_ =	sdelay $0x1  }
0x153: {  	v13 =	vmax.f32 v62, $0.0e+00  }
0x154: {  	v56 =	vshll.u32 v44, $0x6;
	v62 =	vcvt.s32.f32 v6;
	v6 =	vlaneseq.u32  }
0x155: {  	v33 =	vor.u32 v6, v56;
	v6 =	vld [tilespmem:$0x1F3F0];
	_ =	sdelay $0x4  }
0x156: {  	v19 =	vadd.f32 v6, v19;
	v6 =	vld.idx.msk [tilespmem:v46+s14+$0x0], $0xffff;
	_ =	sdelay $0x4  }
0x157: {  	[tilespmem:$0x1FAE0] =	vst v6;
	v6 =	vld.idx.msk [tilespmem:v8+s14+$0x0], $0xffff;
	_ =	sdelay $0x4  }
0x158: {  	[tilespmem:$0x1FB00] =	vst v6;
	v6 =	vld [tilespmem:$0x1FFB0];
	_ =	sdelay $0x4  }
0x159: {  	v8 =	vor.u32 v6, v56;
	v6 =	vld.idx.msk [tilespmem:v47+s14+$0x0], $0xffff;
	_ =	sdelay $0x3  }
0x15a: {  	v45 =	vadd.s32 $0x17, v11  }
0x15b: {  	[tilespmem:$0x1FB10] =	vst v6;
	v6 =	vld [tilespmem:$0x1FFC0]  }
0x15c: {  	v5 =	vmax.f32 v5, $0.0e+00  }
0x15d: {  	v5 =	vmul.f32 v40, v5  }
0x15e: {  	v58 =	vld.idx.msk [tilespmem:v34+s21+$0x0], $0xffff  }
0x15f: {  	v5 =	vadd.f32 v5, v30;
	v30 =	vld.idx.msk [tilespmem:v45+s22+$0x0], $0xffff  }
0x160: {  	v34 =	vor.u32 v6, v56;
	v6 =	vld.idx.msk [tilespmem:v33+s14+$0x0], $0xffff;
	_ =	sdelay $0x4  }
0x161: {  	v37 =	vshll.u32 v30, $0x6;
	[tilespmem:$0x1FB20] =	vst v6;
	v6 =	vlaneseq.u32  }
0x162: {  	v38 =	vor.u32 v6, v37;
	v6 =	vld [tilespmem:$0x1F400];
	_ =	sdelay $0x4  }
0x163: {  	v9 =	vmul.f32 v40, v9;
	v13 =	vmul.f32 v40, v13;
	v40 =	vadd.f32 v6, v20;
	v6 =	vld.idx.msk [tilespmem:v8+s14+$0x0], $0xffff;
	_ =	sdelay $0x4  }
0x164: {  	[tilespmem:$0x1FB30] =	vst v6;
	v6 =	vld [tilespmem:$0x1F410];
	_ =	sdelay $0x4  }
0x165: {  	v41 =	vadd.f32 v6, v41;
	v6 =	vld [tilespmem:$0x1F420];
	_ =	sdelay $0x4  }
0x166: {  	v42 =	vadd.f32 v6, v21;
	v6 =	vld.idx.msk [tilespmem:v34+s14+$0x0], $0xffff;
	_ =	sdelay $0x4  }
0x167: {  	[tilespmem:$0x1FB40] =	vst v6;
	v6 =	vld [tilespmem:$0x1FFB0];
	_ =	sdelay $0x4  }
0x168: {  	v43 =	vor.u32 v6, v37;
	v6 =	vld [tilespmem:$0x1F430];
	_ =	sdelay $0x4  }
0x169: {  	v44 =	vadd.f32 v6, v23;
	v6 =	vld [tilespmem:$0x1F440];
	_ =	sdelay $0x2  }
0x16a: {  	v12 =	vadd.s32 $0x18, v10;
	_ =	sdelay $0x1  }
0x16b: {  	v20 =	vcvt.s32.f32 v6;
	v6 =	vld [tilespmem:$0x1FFC0];
	_ =	sdelay $0x2  }
0x16c: {  	v39 =	vld.idx.msk [tilespmem:v12+s22+$0x0], $0xffff  }
0x16d: {  	v35 =	vld [tilespmem:$0x1FFF0]  }
0x16e: {  	v21 =	vor.u32 v6, v37;
	v6 =	vld.idx.msk [tilespmem:v38+s14+$0x0], $0xffff  }
0x16f: {  	v0 =	vld.idx.msk [tilespmem:v0+s21+$0x0], $0xffff;
	_ =	sdelay $0x3  }
0x170: {  	v47 =	vshll.u32 v39, $0x6;
	[tilespmem:$0x1FB60] =	vst v6;
	v6 =	vlaneseq.u32  }
0x171: {  	[tilespmem:$0x1FB50] =	vst v0;
	v0 =	vor.u32 v35, v56;
	v56 =	vor.u32 v6, v47;
	v6 =	vld.idx.msk [tilespmem:v43+s14+$0x0], $0xffff;
	_ =	sdelay $0x4  }
0x172: {  	[tilespmem:$0x1FB70] =	vst v6;
	v6 =	vld.idx.msk [tilespmem:v21+s14+$0x0], $0xffff;
	_ =	sdelay $0x4  }
0x173: {  	[tilespmem:$0x1FB80] =	vst v6;
	v6 =	vld [tilespmem:$0x1FFB0];
	_ =	sdelay $0x4  }
0x174: {  	v34 =	vor.u32 v6, v47;
	v6 =	vld [tilespmem:$0x1F450];
	_ =	sdelay $0x1  }
0x175: {  	v2 =	vld.idx.msk [tilespmem:v2+s14+$0x0], $0xffff;
	v19 =	vmax.f32 v19, $0.0e+00  }
0x176: {  	v4 =	vadd.f32 v13, v4;
	v16 =	vmax.f32 v61, $0.0e+00;
	v61 =	vld.idx.msk [tilespmem:v45+s21+$0x0], $0xffff;
	v36 =	vmul.f32 v62, v19  }
0x177: {  	v45 =	vld [tilespmem:$0x1FFF0]  }
0x178: {  	v4 =	vadd.f32 v36, v4;
	v36 =	vadd.f32 v6, v24;
	v6 =	vld [tilespmem:$0x1F460];
	_ =	sdelay $0x4  }
0x179: {  	[tilespmem:$0x1FAA0] =	vst v2;
	v2 =	vor.u32 v45, v37;
	v37 =	vadd.f32 v6, v25;
	v6 =	vld [tilespmem:$0x1FFF0];
	_ =	sdelay $0x4  }
0x17a: {  	v38 =	vor.u32 v6, v47;
	v6 =	vld [tilespmem:$0x1F470];
	_ =	sdelay $0x4  }
0x17b: {  	v39 =	vadd.f32 v6, v26;
	v6 =	vld [tilespmem:$0x1F480];
	_ =	sdelay $0x1  }
0x17c: {  	v13 =	vmax.f32 v54, $0.0e+00  }
0x17d: {  	v13 =	vmul.f32 v62, v13;
	v8 =	vadd.s32 $0x19, v11;
	_ =	sdelay $0x1  }
0x17e: {  	v5 =	vadd.f32 v13, v5;
	v13 =	vmax.f32 v40, $0.0e+00;
	v40 =	vcvt.s32.f32 v6;
	v6 =	vld.idx.msk [tilespmem:v56+s14+$0x0], $0xffff;
	_ =	sdelay $0x2  }
0x17f: {  	v33 =	vld.idx.msk [tilespmem:v8+s22+$0x0], $0xffff;
	_ =	sdelay $0x1  }
0x180: {  	[tilespmem:$0x1FBA0] =	vst v6;
	v6 =	vld [tilespmem:$0x1F490]  }
0x181: {  	v3 =	vadd.f32 v9, v3;
	v16 =	vmul.f32 v62, v16  }
0x182: {  	v14 =	vmax.f32 v55, $0.0e+00  }
0x183: {  	v3 =	vadd.f32 v16, v3;
	v17 =	vmax.f32 v41, $0.0e+00;
	v41 =	vshll.u32 v33, $0x6  }
0x184: {  	v54 =	vmax.f32 v42, $0.0e+00;
	v55 =	vmax.f32 v44, $0.0e+00;
	v13 =	vmul.f32 v20, v13  }
0x185: {  	v46 =	vmul.f32 v20, v17;
	v42 =	vadd.f32 v6, v27;
	v6 =	vlaneseq.u32  }
0x186: {  	v16 =	vmul.f32 v20, v54;
	v17 =	vmul.f32 v20, v55;
	v20 =	vor.u32 v6, v41;
	v6 =	vld.idx.msk [tilespmem:v34+s14+$0x0], $0xffff;
	_ =	sdelay $0x4  }
0x187: {  	[tilespmem:$0x1FBB0] =	vst v6;
	v6 =	vld.idx.msk [tilespmem:v38+s14+$0x0], $0xffff;
	_ =	sdelay $0x4  }
0x188: {  	[tilespmem:$0x1FBD0] =	vst v6;
	v6 =	vld [tilespmem:$0x1FFC0];
	_ =	sdelay $0x4  }
0x189: {  	v44 =	vor.u32 v6, v41;
	v6 =	vld [tilespmem:$0x1FFF0];
	_ =	sdelay $0x3  }
0x18a: {  	v9 =	vadd.s32 $0x1A, v11;
	v10 =	vld.idx.msk [tilespmem:v8+s21+$0x0], $0xffff  }
0x18b: {  	v8 =	vor.u32 v6, v41;
	v6 =	vld.idx.msk [tilespmem:v20+s14+$0x0], $0xffff;
	_ =	sdelay $0x1  }
0x18c: {  	v35 =	vld [tilespmem:$0x1FFC0]  }
0x18d: {  	v2 =	vld.idx.msk [tilespmem:v2+s14+$0x0], $0xffff  }
0x18e: {  	v21 =	vld.idx.msk [tilespmem:v9+s22+$0x0], $0xffff  }
0x18f: {  	v14 =	vmul.f32 v62, v14;
	[tilespmem:$0x1FBE0] =	vst v6;
	v6 =	vld [tilespmem:$0x1F4A0];
	_ =	sdelay $0x1  }
0x190: {  	v1 =	vadd.f32 v14, v1;
	_ =	sdelay $0x1  }
0x191: {  	[tilespmem:$0x1FB90] =	vst v2;
	v2 =	vor.u32 v35, v47;
	v1 =	vadd.f32 v46, v1  }
0x192: {  	v46 =	vshll.u32 v21, $0x6;
	v47 =	vadd.f32 v6, v28;
	v6 =	vlaneseq.u32  }
0x193: {  	v54 =	vor.u32 v6, v46;
	v6 =	vld [tilespmem:$0x1F4B0];
	_ =	sdelay $0x4  }
0x194: {  	v56 =	vadd.f32 v6, v31;
	v6 =	vld [tilespmem:$0x1F4C0];
	_ =	sdelay $0x4  }
0x195: {  	v33 =	vadd.f32 v6, v29;
	v6 =	vld [tilespmem:$0x1F4D0];
	_ =	sdelay $0x4  }
0x196: {  	v20 =	vadd.f32 v6, v32;
	v6 =	vld [tilespmem:$0x1F4E0];
	_ =	sdelay $0x4  }
0x197: {  	v21 =	vcvt.s32.f32 v6;
	v6 =	vld.idx.msk [tilespmem:v44+s14+$0x0], $0xffff;
	_ =	sdelay $0x4  }
0x198: {  	[tilespmem:$0x1FC00] =	vst v6;
	v6 =	vld [tilespmem:$0x1FFB0];
	_ =	sdelay $0x4  }
0x199: {  	v35 =	vor.u32 v6, v46;
	v6 =	vld.idx.msk [tilespmem:v8+s14+$0x0], $0xffff;
	_ =	sdelay $0x4  }
0x19a: {  	[tilespmem:$0x1FC10] =	vst v6;
	v6 =	vld [tilespmem:$0x1FFC0];
	_ =	sdelay $0x4  }
0x19b: {  	v8 =	vor.u32 v6, v46;
	v6 =	vld.idx.msk [tilespmem:v9+s21+$0x0], $0xffff;
	_ =	sdelay $0x3  }
0x19c: {  	v5 =	vadd.f32 v13, v5;
	v13 =	vadd.s32 $0x1B, v11  }
0x19d: {  	[tilespmem:$0x1FC40] =	vst v6;
	v6 =	vld [tilespmem:$0x1FFF0];
	_ =	sdelay $0x2  }
0x19e: {  	v2 =	vld.idx.msk [tilespmem:v2+s14+$0x0], $0xffff  }
0x19f: {  	v55 =	vld.idx.msk [tilespmem:v13+s22+$0x0], $0xffff  }
0x1a0: {  	v15 =	vmax.f32 v36, $0.0e+00;
	v36 =	vor.u32 v6, v46;
	v6 =	vld.idx.msk [tilespmem:v54+s14+$0x0], $0xffff  }
0x1a1: {  	v43 =	vld [tilespmem:$0x1FFB0];
	_ =	sdelay $0x3  }
0x1a2: {  	v14 =	vmax.f32 v39, $0.0e+00;
	v39 =	vshll.u32 v55, $0x6;
	[tilespmem:$0x1FC20] =	vst v6;
	v6 =	vlaneseq.u32  }
0x1a3: {  	[tilespmem:$0x1FBC0] =	vst v2;
	v2 =	vor.u32 v43, v41;
	v41 =	vor.u32 v6, v39;
	v6 =	vld.idx.msk [tilespmem:v35+s14+$0x0], $0xffff;
	_ =	sdelay $0x4  }
0x1a4: {  	[tilespmem:$0x1FC30] =	vst v6;
	v6 =	vld [tilespmem:$0x1FFB0];
	_ =	sdelay $0x4  }
0x1a5: {  	v19 =	vmax.f32 v42, $0.0e+00;
	v42 =	vor.u32 v6, v39;
	v6 =	vld.idx.msk [tilespmem:v8+s14+$0x0], $0xffff;
	_ =	sdelay $0x4  }
0x1a6: {  	[tilespmem:$0x1FC50] =	vst v6;
	v6 =	vld [tilespmem:$0x1F4F0];
	_ =	sdelay $0x4  }
0x1a7: {  	v43 =	vadd.f32 v6, v48;
	v6 =	vld [tilespmem:$0x1F500];
	_ =	sdelay $0x4  }
0x1a8: {  	v44 =	vadd.f32 v6, v49;
	v6 =	vld.idx.msk [tilespmem:v36+s14+$0x0], $0xffff;
	_ =	sdelay $0x4  }
0x1a9: {  	[tilespmem:$0x1FC70] =	vst v6;
	v6 =	vld [tilespmem:$0x1FFC0];
	_ =	sdelay $0x2  }
0x1aa: {  	v4 =	vadd.f32 v17, v4;
	v45 =	vmul.f32 v40, v19;
	_ =	sdelay $0x1  }
0x1ab: {  	v4 =	vadd.f32 v45, v4;
	v45 =	vor.u32 v6, v39;
	v6 =	vld [tilespmem:$0x1F510];
	_ =	sdelay $0x4  }
0x1ac: {  	v46 =	vadd.f32 v6, v50;
	v6 =	vld [tilespmem:$0x1F520];
	_ =	sdelay $0x2  }
0x1ad: {  	v15 =	vmul.f32 v40, v15;
	_ =	sdelay $0x1  }
0x1ae: {  	v5 =	vadd.f32 v15, v5;
	v15 =	vmax.f32 v47, $0.0e+00;
	v47 =	vcvt.s32.f32 v6;
	v6 =	vld.idx.msk [tilespmem:v13+s21+$0x0], $0xffff;
	_ =	sdelay $0x4  }
0x1af: {  	[tilespmem:$0x1FCB0] =	vst v6;
	v6 =	vld [tilespmem:$0x1FFF0];
	_ =	sdelay $0x4  }
0x1b0: {  	v48 =	vor.u32 v6, v39;
	v6 =	vld [tilespmem:$0x1F530];
	_ =	sdelay $0x3  }
0x1b1: {  	v34 =	vadd.s32 $0x1C, v11  }
0x1b2: {  	v49 =	vadd.f32 v6, v51;
	v6 =	vld.idx.msk [tilespmem:v41+s14+$0x0], $0xffff;
	_ =	sdelay $0x3  }
0x1b3: {  	v38 =	vmax.f32 v20, $0.0e+00;
	v20 =	vld.idx.msk [tilespmem:v34+s22+$0x0], $0xffff  }
0x1b4: {  	[tilespmem:$0x1FC90] =	vst v6;
	v6 =	vld.idx.msk [tilespmem:v42+s14+$0x0], $0xffff;
	_ =	sdelay $0x4  }
0x1b5: {  	v50 =	vshll.u32 v20, $0x6;
	[tilespmem:$0x1FCA0] =	vst v6;
	v6 =	vlaneseq.u32  }
0x1b6: {  	v51 =	vor.u32 v6, v50;
	v6 =	vld.idx.msk [tilespmem:v45+s14+$0x0], $0xffff;
	_ =	sdelay $0x4  }
0x1b7: {  	[tilespmem:$0x1FCC0] =	vst v6;
	v6 =	vld [tilespmem:$0x1FFB0];
	_ =	sdelay $0x4  }
0x1b8: {  	v54 =	vor.u32 v6, v50;
	v6 =	vld.idx.msk [tilespmem:v48+s14+$0x0], $0xffff;
	_ =	sdelay $0x4  }
0x1b9: {  	[tilespmem:$0x1FCD0] =	vst v6;
	v6 =	vld [tilespmem:$0x1FFC0];
	_ =	sdelay $0x4  }
0x1ba: {  	v18 =	vmax.f32 v56, $0.0e+00;
	v56 =	vor.u32 v6, v50;
	v6 =	vld [tilespmem:$0x1F540];
	_ =	sdelay $0x4  }
0x1bb: {  	v32 =	vadd.f32 v6, v59;
	v6 =	vld.idx.msk [tilespmem:v51+s14+$0x0], $0xffff;
	_ =	sdelay $0x4  }
0x1bc: {  	[tilespmem:$0x1FCE0] =	vst v6;
	v6 =	vld [tilespmem:$0x1F550];
	_ =	sdelay $0x3  }
0x1bd: {  	v3 =	vadd.f32 v16, v3  }
0x1be: {  	v16 =	vmax.f32 v37, $0.0e+00;
	v37 =	vmax.f32 v33, $0.0e+00;
	v33 =	vadd.f32 v6, v60;
	v6 =	vld [tilespmem:$0x1F560];
	_ =	sdelay $0x2  }
0x1bf: {  	v14 =	vmul.f32 v40, v14  }
0x1c0: {  	v8 =	vadd.s32 $0x1D, v11  }
0x1c1: {  	v3 =	vadd.f32 v14, v3;
	v14 =	vmul.f32 v21, v37;
	v37 =	vadd.f32 v6, v53;
	v6 =	vld [tilespmem:$0x1F570];
	_ =	sdelay $0x2  }
0x1c2: {  	v2 =	vld.idx.msk [tilespmem:v2+s14+$0x0], $0xffff  }
0x1c3: {  	v16 =	vmul.f32 v40, v16;
	v20 =	vld.idx.msk [tilespmem:v8+s22+$0x0], $0xffff  }
0x1c4: {  	v40 =	vmul.f32 v21, v38;
	v38 =	vcvt.s32.f32 v6;
	v6 =	vld.idx.msk [tilespmem:v54+s14+$0x0], $0xffff;
	_ =	sdelay $0x3  }
0x1c5: {  	[tilespmem:$0x1FBF0] =	vst v2;
	v2 =	vld.idx.msk [tilespmem:v34+s21+$0x0], $0xffff  }
0x1c6: {  	v34 =	vshll.u32 v20, $0x6;
	v20 =	vld [tilespmem:$0x1F590];
	[tilespmem:$0x1FD00] =	vst v6;
	v6 =	vlaneseq.u32  }
0x1c7: {  	v39 =	vor.u32 v6, v34;
	v6 =	vld [tilespmem:$0x1F580];
	_ =	sdelay $0x4  }
0x1c8: {  	v20 =	vadd.f32 v6, v20;
	v6 =	vld.idx.msk [tilespmem:v56+s14+$0x0], $0xffff;
	_ =	sdelay $0x4  }
0x1c9: {  	[tilespmem:$0x1FD20] =	vst v6;
	v6 =	vld [tilespmem:$0x1FFB0];
	_ =	sdelay $0x4  }
0x1ca: {  	v4 =	vadd.f32 v40, v4;
	v40 =	vor.u32 v6, v34;
	v6 =	vld.idx.msk [tilespmem:v8+s21+$0x0], $0xffff;
	_ =	sdelay $0x3  }
0x1cb: {  	v15 =	vmul.f32 v21, v15;
	v18 =	vmul.f32 v21, v18;
	v21 =	vadd.s32 $0x1E, v11  }
0x1cc: {  	[tilespmem:$0x1FDA0] =	vst v6;
	v6 =	vld [tilespmem:$0x1FFF0];
	_ =	sdelay $0x3  }
0x1cd: {  	v35 =	vld.idx.msk [tilespmem:v21+s22+$0x0], $0xffff  }
0x1ce: {  	v8 =	vor.u32 v6, v34;
	v6 =	vld.idx.msk [tilespmem:v39+s14+$0x0], $0xffff;
	_ =	sdelay $0x3  }
0x1cf: {  	v1 =	vadd.f32 v16, v1;
	v16 =	vmax.f32 v49, $0.0e+00  }
0x1d0: {  	v55 =	vmul.f32 v47, v16;
	v16 =	vshll.u32 v35, $0x6;
	[tilespmem:$0x1FD60] =	vst v6;
	v6 =	vlaneseq.u32  }
0x1d1: {  	v45 =	vor.u32 v6, v16;
	v6 =	vld.idx.msk [tilespmem:v40+s14+$0x0], $0xffff;
	_ =	sdelay $0x4  }
0x1d2: {  	[tilespmem:$0x1FD80] =	vst v6;
	v6 =	vld [tilespmem:$0x1FFB0];
	_ =	sdelay $0x1  }
0x1d3: {  	v5 =	vadd.f32 v15, v5;
	v3 =	vadd.f32 v14, v3;
	v14 =	vmax.f32 v43, $0.0e+00  }
0x1d4: {  	v15 =	vmax.f32 v44, $0.0e+00;
	v17 =	vmax.f32 v46, $0.0e+00;
	v14 =	vmul.f32 v47, v14  }
0x1d5: {  	v15 =	vmul.f32 v47, v15;
	v17 =	vmul.f32 v47, v17;
	v47 =	vld [tilespmem:$0x1F5B0]  }
0x1d6: {  	v46 =	vor.u32 v6, v16;
	v6 =	vld [tilespmem:$0x1F5A0]  }
0x1d7: {  	v1 =	vadd.f32 v18, v1;
	v18 =	vld [tilespmem:$0x1FFF0];
	_ =	sdelay $0x2  }
0x1d8: {  	v49 =	vld [tilespmem:$0x1F5D0]  }
0x1d9: {  	v13 =	vadd.f32 v6, v47;
	v6 =	vld [tilespmem:$0x1F5C0]  }
0x1da: {  	[tilespmem:$0x1FD10] =	vst v2;
	v2 =	vor.u32 v18, v50  }
0x1db: {  	v5 =	vadd.f32 v14, v5;
	v14 =	vmax.f32 v32, $0.0e+00  }
0x1dc: {  	v14 =	vmul.f32 v38, v14  }
0x1dd: {  	v50 =	vld [tilespmem:$0x1F5F0]  }
0x1de: {  	v5 =	vadd.f32 v14, v5;
	v14 =	vadd.f32 v6, v49;
	v6 =	vld [tilespmem:$0x1F5E0]  }
0x1df: {  	v2 =	vld.idx.msk [tilespmem:v2+s14+$0x0], $0xffff  }
0x1e0: {  	v41 =	vld [tilespmem:$0x1FFC0];
	_ =	sdelay $0x2  }
0x1e1: {  	v1 =	vadd.f32 v15, v1;
	v15 =	vadd.f32 v6, v50;
	v6 =	vld.idx.msk [tilespmem:v8+s14+$0x0], $0xffff;
	_ =	sdelay $0x1  }
0x1e2: {  	[tilespmem:$0x1FD40] =	vst v2;
	v2 =	vor.u32 v41, v34;
	_ =	sdelay $0x2  }
0x1e3: {  	[tilespmem:$0x1FDB0] =	vst v6;
	v6 =	vld [tilespmem:$0x1FFF0];
	_ =	sdelay $0x1  }
0x1e4: {  	v2 =	vld.idx.msk [tilespmem:v2+s14+$0x0], $0xffff  }
0x1e5: {  	v48 =	vld [tilespmem:$0x1FFC0]  }
0x1e6: {  	v36 =	vadd.s32 $0x1F, v11;
	v51 =	vld [tilespmem:$0x1F610]  }
0x1e7: {  	v8 =	vor.u32 v6, v16;
	v6 =	vld [tilespmem:$0x1F600];
	_ =	sdelay $0x1  }
0x1e8: {  	v0 =	vld.idx.msk [tilespmem:v0+s14+$0x0], $0xffff  }
0x1e9: {  	v62 =	vld.idx.msk [tilespmem:v12+s21+$0x0], $0xffff  }
0x1ea: {  	[tilespmem:$0x1FD90] =	vst v2;
	v43 =	vmax.f32 v20, $0.0e+00;
	v20 =	vld.idx.msk [tilespmem:v36+s22+$0x0], $0xffff  }
0x1eb: {  	v2 =	vor.u32 v48, v16;
	v16 =	vadd.f32 v6, v51;
	v6 =	vld [tilespmem:$0x1F620];
	_ =	sdelay $0x4  }
0x1ec: {  	v53 =	vcvt.s32.f32 v6;
	v6 =	vld.idx.msk [tilespmem:v21+s21+$0x0], $0xffff;
	_ =	sdelay $0x3  }
0x1ed: {  	v54 =	vshll.u32 v20, $0x6;
	v20 =	vld [tilespmem:$0x1F640]  }
0x1ee: {  	[tilespmem:$0x1FDF0] =	vst v6;
	v6 =	vld [tilespmem:$0x1F630];
	_ =	sdelay $0x4  }
0x1ef: {  	v20 =	vadd.f32 v6, v20;
	v6 =	vld.idx.msk [tilespmem:v45+s14+$0x0], $0xffff;
	_ =	sdelay $0x4  }
0x1f0: {  	[tilespmem:$0x1FDC0] =	vst v6;
	v6 =	vlaneseq.u32  }
0x1f1: {  	v4 =	vadd.f32 v55, v4;
	v55 =	vor.u32 v6, v54;
	v6 =	vld.idx.msk [tilespmem:v46+s14+$0x0], $0xffff;
	_ =	sdelay $0x4  }
0x1f2: {  	[tilespmem:$0x1FDD0] =	vst v6;
	v6 =	vld [tilespmem:$0x1FFB0];
	_ =	sdelay $0x4  }
0x1f3: {  	v56 =	vor.u32 v6, v54;
	v6 =	vld [tilespmem:$0x1F650];
	_ =	sdelay $0x4  }
0x1f4: {  	v21 =	vcvt.s32.f32 v6;
	v6 =	vld.idx.msk [tilespmem:v8+s14+$0x0], $0xffff;
	_ =	sdelay $0x4  }
0x1f5: {  	[tilespmem:$0x1FE00] =	vst v6;
	v6 =	vld [tilespmem:$0x1FFF0];
	_ =	sdelay $0x4  }
0x1f6: {  	v8 =	vor.u32 v6, v54;
	v6 =	vld.idx.msk [tilespmem:v36+s21+$0x0], $0xffff;
	_ =	sdelay $0x4  }
0x1f7: {  	[tilespmem:$0x1FE90] =	vst v6;
	v6 =	vld.idx.msk [tilespmem:v55+s14+$0x0], $0xffff;
	_ =	sdelay $0x2  }
0x1f8: {  	v2 =	vld.idx.msk [tilespmem:v2+s14+$0x0], $0xffff  }
0x1f9: {  	v59 =	vld [tilespmem:$0x1FFC0]  }
0x1fa: {  	[tilespmem:$0x1FE10] =	vst v6;
	v6 =	vld.idx.msk [tilespmem:v56+s14+$0x0], $0xffff;
	_ =	sdelay $0x3  }
0x1fb: {  	v19 =	vld [tilespmem:$0x1F670];
	[tilespmem:$0x1FDE0] =	vst v2;
	v2 =	vor.u32 v59, v54  }
0x1fc: {  	[tilespmem:$0x1FE30] =	vst v6;
	v6 =	vld [tilespmem:$0x1F660];
	_ =	sdelay $0x2  }
0x1fd: {  	v32 =	vld [tilespmem:$0x1F680]  }
0x1fe: {  	v2 =	vld.idx.msk [tilespmem:v2+s14+$0x0], $0xffff  }
0x1ff: {  	v9 =	vadd.f32 v6, v19;
	v6 =	vld [tilespmem:$0x1F690];
	_ =	sdelay $0x3  }
0x200: {  	v12 =	vmax.f32 v33, $0.0e+00;
	v33 =	vld [tilespmem:$0x1F6B0]  }
0x201: {  	[tilespmem:$0x1FE50] =	vst v2;
	v2 =	vadd.f32 v32, v6;
	v6 =	vld [tilespmem:$0x1F6A0];
	_ =	sdelay $0x2  }
0x202: {  	v12 =	vmul.f32 v38, v12;
	_ =	sdelay $0x1  }
0x203: {  	v1 =	vadd.f32 v12, v1;
	v12 =	vadd.f32 v6, v33;
	v6 =	vld.idx.msk [tilespmem:v8+s14+$0x0], $0xffff;
	_ =	sdelay $0x3  }
0x204: {  	v8 =	vld [tilespmem:$0x1F6D0]  }
0x205: {  	[tilespmem:$0x1FE70] =	vst v6;
	v6 =	vld [tilespmem:$0x1F6C0];
	_ =	sdelay $0x3  }
0x206: {  	v34 =	vld [tilespmem:$0x1F6F0]  }
0x207: {  	v8 =	vadd.f32 v6, v8;
	v6 =	vld [tilespmem:$0x1F6E0];
	_ =	sdelay $0x1  }
0x208: {  	v13 =	vmax.f32 v13, $0.0e+00  }
0x209: {  	v18 =	vmax.f32 v37, $0.0e+00;
	v13 =	vmul.f32 v53, v13  }
0x20a: {  	v3 =	vadd.f32 v17, v3;
	v42 =	vmul.f32 v38, v18  }
0x20b: {  	v5 =	vadd.f32 v13, v5;
	v13 =	vadd.f32 v6, v34;
	v6 =	vld [tilespmem:$0x1F700]  }
0x20c: {  	v3 =	vadd.f32 v42, v3;
	v14 =	vmax.f32 v14, $0.0e+00;
	v15 =	vmax.f32 v15, $0.0e+00  }
0x20d: {  	v14 =	vmul.f32 v53, v14;
	v15 =	vmul.f32 v53, v15;
	v60 =	vmax.f32 v20, $0.0e+00  }
0x20e: {  	v18 =	vmul.f32 v21, v60  }
0x20f: {  	v37 =	vld [tilespmem:$0x1F710];
	v1 =	vadd.f32 v14, v1;
	v3 =	vadd.f32 v15, v3  }
0x210: {  	v5 =	vadd.f32 v18, v5;
	v9 =	vmax.f32 v9, $0.0e+00;
	v35 =	vcvt.s32.f32 v6;
	v6 =	vld [tilespmem:$0x1F720]  }
0x211: {  	v9 =	vmul.f32 v21, v9;
	v2 =	vmax.f32 v2, $0.0e+00;
	v8 =	vmax.f32 v8, $0.0e+00  }
0x212: {  	v2 =	vmul.f32 v21, v2;
	v13 =	vmax.f32 v13, $0.0e+00;
	v8 =	vmul.f32 v35, v8  }
0x213: {  	v1 =	vadd.f32 v9, v1;
	v36 =	vmul.f32 v35, v13  }
0x214: {  	v2 =	vadd.f32 v2, v3;
	v5 =	vadd.f32 v8, v5;
	v8 =	vld [tilespmem:$0x1F740]  }
0x215: {  	v3 =	vadd.f32 v36, v1;
	v1 =	vadd.f32 v37, v6;
	v6 =	vld [tilespmem:$0x1F730];
	_ =	sdelay $0x3  }
0x216: {  	v44 =	vmul.f32 v38, v43;
	v38 =	vld [tilespmem:$0x1F760]  }
0x217: {  	v8 =	vadd.f32 v6, v8;
	v6 =	vld [tilespmem:$0x1F750];
	_ =	sdelay $0x3  }
0x218: {  	v39 =	vld [tilespmem:$0x1F780]  }
0x219: {  	v9 =	vadd.f32 v6, v38;
	v6 =	vld [tilespmem:$0x1F770];
	_ =	sdelay $0x3  }
0x21a: {  	v42 =	vld [tilespmem:$0x1F7A0]  }
0x21b: {  	v40 =	vadd.f32 v6, v39;
	v6 =	vld [tilespmem:$0x1F790];
	_ =	sdelay $0x4  }
0x21c: {  	v43 =	vadd.f32 v6, v42;
	v6 =	vld [tilespmem:$0x1F7B0];
	_ =	sdelay $0x3  }
0x21d: {  	v16 =	vmax.f32 v16, $0.0e+00;
	v46 =	vld [tilespmem:$0x1F7D0]  }
0x21e: {  	v4 =	vadd.f32 v44, v4;
	v16 =	vmul.f32 v53, v16;
	v25 =	vcvt.s32.f32 v6;
	v6 =	vld [tilespmem:$0x1F7C0]  }
0x21f: {  	v12 =	vmax.f32 v12, $0.0e+00  }
0x220: {  	v4 =	vadd.f32 v16, v4;
	v12 =	vmul.f32 v21, v12  }
0x221: {  	v45 =	vmax.f32 v8, $0.0e+00  }
0x222: {  	v4 =	vadd.f32 v12, v4;
	v26 =	vmul.f32 v35, v45;
	v9 =	vmax.f32 v9, $0.0e+00  }
0x223: {  	v50 =	vld [tilespmem:$0x1F800];
	v44 =	vmax.f32 v1, $0.0e+00;
	v9 =	vmul.f32 v25, v9;
	v27 =	vadd.f32 v6, v46  }
0x224: {  	v24 =	vmul.f32 v35, v44;
	v4 =	vadd.f32 v26, v4;
	v6 =	vld [tilespmem:$0x1F810]  }
0x225: {  	v49 =	vld [tilespmem:$0x1F7E0];
	v17 =	vmax.f32 v43, $0.0e+00;
	v26 =	vadd.f32 v9, v5;
	v5 =	vmax.f32 v27, $0.0e+00  }
0x226: {  	v51 =	vld [tilespmem:$0x1F820];
	v2 =	vadd.f32 v24, v2;
	v28 =	vmul.f32 v25, v17;
	v48 =	vmul.f32 v25, v5  }
0x227: {  	v30 =	vld [tilespmem:$0x1F860]  }
0x228: {  	v47 =	vmax.f32 v40, $0.0e+00;
	v27 =	vadd.f32 v28, v2;
	v28 =	vadd.f32 v48, v4;
	v4 =	vld [tilespmem:$0x1F830]  }
0x229: {  	v24 =	vmul.f32 v25, v47;
	v25 =	vadd.f32 v50, v6;
	v6 =	vld [tilespmem:$0x1F850]  }
0x22a: {  	v53 =	vld [tilespmem:$0x1F880]  }
0x22b: {  	v55 =	vld [tilespmem:$0x1F890]  }
0x22c: {  	v5 =	vld [tilespmem:$0x1F7F0]  }
0x22d: {  	v2 =	vadd.f32 v51, v4;
	v4 =	vld [tilespmem:$0x1F840]  }
0x22e: {  	v30 =	vadd.f32 v6, v30;
	v6 =	vld [tilespmem:$0x1F870];
	_ =	sdelay $0x2  }
0x22f: {  	v56 =	vcvt.s32.f32 v55;
	v5 =	vadd.f32 v49, v5  }
0x230: {  	v24 =	vadd.f32 v24, v3;
	v25 =	vmax.f32 v25, $0.0e+00;
	v29 =	vcvt.s32.f32 v4  }
0x231: {  	v31 =	vmax.f32 v5, $0.0e+00;
	v54 =	vmax.f32 v2, $0.0e+00;
	v32 =	vadd.f32 v6, v53  }
0x232: {  	v30 =	vmax.f32 v30, $0.0e+00;
	v31 =	vmul.f32 v29, v31;
	v25 =	vmul.f32 v29, v25  }
0x233: {  	v33 =	vmul.f32 v29, v54;
	v29 =	vmul.f32 v29, v30;
	v30 =	vmax.f32 v32, $0.0e+00  }
0x234: {  	v26 =	vadd.f32 v31, v26;
	v24 =	vadd.f32 v25, v24;
	v25 =	vmul.f32 v56, v30  }
0x235: {  	v6 =	vld [tilespmem:$0x1F8A0]  }
0x236: {  	v25 =	vadd.f32 v25, v26;
	v26 =	vld [tilespmem:$0x1F8B0];
	_ =	sdelay $0x3  }
0x237: {  	v28 =	vadd.f32 v29, v28;
	v29 =	vld [tilespmem:$0x1F8D0]  }
0x238: {  	v26 =	vadd.f32 v6, v26;
	v6 =	vld [tilespmem:$0x1F8C0];
	_ =	sdelay $0x3  }
0x239: {  	v30 =	vld [tilespmem:$0x1F8F0]  }
0x23a: {  	v29 =	vadd.f32 v6, v29;
	v6 =	vld [tilespmem:$0x1F8E0];
	_ =	sdelay $0x3  }
0x23b: {  	v31 =	vld [tilespmem:$0x1F910]  }
0x23c: {  	v30 =	vadd.f32 v6, v30;
	v6 =	vld [tilespmem:$0x1F900];
	_ =	sdelay $0x3  }
0x23d: {  	v59 =	vld [tilespmem:$0x1F930]  }
0x23e: {  	v31 =	vadd.f32 v6, v31;
	v6 =	vld [tilespmem:$0x1F920];
	_ =	sdelay $0x4  }
0x23f: {  	v32 =	vadd.f32 v6, v59;
	v6 =	vld [tilespmem:$0x1F940];
	_ =	sdelay $0x2  }
0x240: {  	v26 =	vmax.f32 v26, $0.0e+00  }
0x241: {  	v26 =	vmul.f32 v56, v26;
	v29 =	vmax.f32 v29, $0.0e+00  }
0x242: {  	v27 =	vadd.f32 v33, v27;
	v29 =	vmul.f32 v56, v29;
	v60 =	vcvt.s32.f32 v6  }
0x243: {  	v32 =	vmax.f32 v32, $0.0e+00  }
0x244: {  	v24 =	vadd.f32 v26, v24;
	v26 =	vadd.f32 v29, v27;
	v27 =	vmul.f32 v60, v32  }
0x245: {  	v6 =	vld [tilespmem:$0x1F950]  }
0x246: {  	v24 =	vadd.f32 v27, v24;
	v27 =	vld [tilespmem:$0x1F960];
	_ =	sdelay $0x4  }
0x247: {  	v27 =	vadd.f32 v6, v27;
	v6 =	vld [tilespmem:$0x1F970];
	_ =	sdelay $0x3  }
0x248: {  	v18 =	vld [tilespmem:$0x1A70]  }
0x249: {  	v29 =	vadd.f32 v22, v6;
	v6 =	vld [tilespmem:$0x1F980];
	_ =	sdelay $0x3  }
0x24a: {  	v19 =	vld [tilespmem:$0x1A80]  }
0x24b: {  	v18 =	vadd.f32 v6, v18;
	v6 =	vld [tilespmem:$0x1F990];
	_ =	sdelay $0x3  }
0x24c: {  	v20 =	vld [tilespmem:$0x1A90]  }
0x24d: {  	v19 =	vadd.f32 v6, v19;
	v6 =	vld [tilespmem:$0x1F9A0];
	_ =	sdelay $0x4  }
0x24e: {  	v20 =	vadd.f32 v6, v20;
	v6 =	vld [tilespmem:$0x1F9B0];
	_ =	sdelay $0x1  }
0x24f: {  	v41 =	vld [tilespmem:$0x1AD0];
	v31 =	vmax.f32 v31, $0.0e+00  }
0x250: {  	v23 =	vld [tilespmem:$0x1AE0];
	v31 =	vmul.f32 v60, v31  }
0x251: {  	v14 =	vld [tilespmem:$0x1AA0]  }
0x252: {  	v25 =	vadd.f32 v31, v25;
	v31 =	vcvt.s32.f32 v6;
	v6 =	vld [tilespmem:$0x1F9C0]  }
0x253: {  	v16 =	vld [tilespmem:$0x1AB0]  }
0x254: {  	v15 =	vld [tilespmem:$0x1B30]  }
0x255: {  	v21 =	vld [tilespmem:$0x1AC0]  }
0x256: {  	v12 =	vld [tilespmem:$0x1B10]  }
0x257: {  	v14 =	vadd.f32 v6, v14;
	v6 =	vld [tilespmem:$0x1F9D0]  }
0x258: {  	v34 =	vld [tilespmem:$0x1C80]  }
0x259: {  	v13 =	vld [tilespmem:$0x1B20]  }
0x25a: {  	v36 =	vld [tilespmem:$0x1C30]  }
0x25b: {  	v37 =	vld [tilespmem:$0x1CA0]  }
0x25c: {  	v16 =	vadd.f32 v6, v16;
	v6 =	vld [tilespmem:$0x1F9E0]  }
0x25d: {  	v1 =	vld [tilespmem:$0x1AF0]  }
0x25e: {  	v44 =	vld [tilespmem:$0x1C10]  }
0x25f: {  	v8 =	vld [tilespmem:$0x1B00]  }
0x260: {  	v45 =	vld [tilespmem:$0x1C20]  }
0x261: {  	v21 =	vadd.f32 v6, v21;
	v6 =	vld [tilespmem:$0x1F9F0]  }
0x262: {  	v35 =	vld [tilespmem:$0x1C90]  }
0x263: {  	v38 =	vld [tilespmem:$0x1C40]  }
0x264: {  	v39 =	vld [tilespmem:$0x1C50]  }
0x265: {  	v40 =	vld [tilespmem:$0x1BF0]  }
0x266: {  	v54 =	vadd.f32 v6, v41;
	v6 =	vld [tilespmem:$0x1FA00]  }
0x267: {  	v43 =	vld [tilespmem:$0x1C00]  }
0x268: {  	v17 =	vld [tilespmem:$0x1B40]  }
0x269: {  	v9 =	vld [tilespmem:$0x1B50]  }
0x26a: {  	v47 =	vld [tilespmem:$0x1BC0]  }
0x26b: {  	v23 =	vadd.f32 v6, v23;
	v6 =	vld [tilespmem:$0x1D20]  }
0x26c: {  	v3 =	vld [tilespmem:$0x1B60]  }
0x26d: {  	v46 =	vld [tilespmem:$0x1BB0]  }
0x26e: {  	v57 =	vadd.f32 v57, v9;
	v9 =	vld [tilespmem:$0x1DE0]  }
0x26f: {  	v50 =	vld [tilespmem:$0x1B90]  }
0x270: {  	[tilespmem:$0x1FC80] =	vst v6;
	v6 =	vld [tilespmem:$0x1FA10]  }
0x271: {  	v48 =	vld [tilespmem:$0x1BD0]  }
0x272: {  	v49 =	vld [tilespmem:$0x1BE0]  }
0x273: {  	v5 =	vld [tilespmem:$0x1B80]  }
0x274: {  	v2 =	vld [tilespmem:$0x1BA0]  }
0x275: {  	v1 =	vadd.f32 v6, v1;
	v6 =	vld [tilespmem:$0x1FA20]  }
0x276: {  	v4 =	vld [tilespmem:$0x1B70]  }
0x277: {  	v53 =	vld [tilespmem:$0x1C60]  }
0x278: {  	v33 =	vld [tilespmem:$0x1C70];
	v30 =	vmax.f32 v30, $0.0e+00  }
0x279: {  	v30 =	vmul.f32 v56, v30;
	v32 =	vld [tilespmem:$0x1CC0];
	v27 =	vmax.f32 v27, $0.0e+00  }
0x27a: {  	v27 =	vmul.f32 v60, v27;
	v29 =	vmax.f32 v29, $0.0e+00;
	v8 =	vadd.f32 v6, v8;
	v6 =	vld [tilespmem:$0x1D70]  }
0x27b: {  	v28 =	vadd.f32 v30, v28;
	v30 =	vmul.f32 v60, v29;
	v29 =	vld [tilespmem:$0x1CB0]  }
0x27c: {  	v55 =	vcvt.s32.f32 v52;
	v26 =	vadd.f32 v27, v26;
	v60 =	vld [tilespmem:$0x1D90]  }
0x27d: {  	v27 =	vadd.f32 v30, v28;
	v30 =	vld [tilespmem:$0x1CD0];
	v18 =	vmax.f32 v18, $0.0e+00;
	v19 =	vmax.f32 v19, $0.0e+00  }
0x27e: {  	v28 =	vld [tilespmem:$0x1CE0];
	v18 =	vmul.f32 v31, v18;
	v19 =	vmul.f32 v31, v19  }
0x27f: {  	v20 =	vmax.f32 v20, $0.0e+00;
	v16 =	vmax.f32 v16, $0.0e+00;
	[tilespmem:$0x1FCF0] =	vst v6;
	v6 =	vld [tilespmem:$0x1FA30]  }
0x280: {  	v18 =	vadd.f32 v18, v25;
	v19 =	vadd.f32 v19, v24;
	v24 =	vld [tilespmem:$0x1CF0];
	v16 =	vmul.f32 v55, v16  }
0x281: {  	v20 =	vmul.f32 v31, v20;
	v25 =	vld [tilespmem:$0x1D00]  }
0x282: {  	v59 =	vadd.f32 v16, v18;
	v18 =	vld [tilespmem:$0x1DA0]  }
0x283: {  	v20 =	vadd.f32 v20, v26;
	v26 =	vld [tilespmem:$0x1D10];
	v14 =	vmax.f32 v14, $0.0e+00  }
0x284: {  	v14 =	vmul.f32 v31, v14;
	v21 =	vmax.f32 v21, $0.0e+00;
	v12 =	vadd.f32 v6, v12;
	v6 =	vld [tilespmem:$0x1FA40]  }
0x285: {  	v16 =	vld [tilespmem:$0x1D50];
	v31 =	vmul.f32 v55, v21;
	v42 =	vmax.f32 v54, $0.0e+00  }
0x286: {  	v14 =	vadd.f32 v14, v27;
	v21 =	vld [tilespmem:$0x1D30];
	v27 =	vmul.f32 v55, v42  }
0x287: {  	v19 =	vadd.f32 v31, v19;
	[tilespmem:$0x1FD50] =	vst v18;
	v18 =	vld [tilespmem:$0x1FA80]  }
0x288: {  	v52 =	vadd.f32 v27, v20;
	v27 =	vcvt.s32.f32 v63;
	v20 =	vld [tilespmem:$0x1D80];
	v23 =	vmax.f32 v23, $0.0e+00  }
0x289: {  	v56 =	vmul.f32 v55, v23;
	v31 =	vmax.f32 v1, $0.0e+00;
	v13 =	vadd.f32 v6, v13;
	v6 =	vld [tilespmem:$0x1FA50]  }
0x28a: {  	v23 =	vld [tilespmem:$0x1D40];
	v31 =	vmul.f32 v27, v31;
	v63 =	vmax.f32 v8, $0.0e+00  }
0x28b: {  	v42 =	vadd.f32 v56, v14;
	v56 =	vld [tilespmem:$0x1DB0];
	v54 =	vmul.f32 v27, v63  }
0x28c: {  	v51 =	vadd.f32 v31, v59;
	v59 =	vld [tilespmem:$0x1FA70];
	v12 =	vmax.f32 v12, $0.0e+00  }
0x28d: {  	v1 =	vadd.f32 v54, v19;
	v54 =	vld [tilespmem:$0x1FAA0];
	v41 =	vmul.f32 v27, v12  }
0x28e: {  	v15 =	vadd.f32 v6, v15;
	v6 =	vld [tilespmem:$0x1FA60]  }
0x28f: {  	v52 =	vadd.f32 v41, v52;
	v41 =	vld [tilespmem:$0x1FA90]  }
0x290: {  	v14 =	vld [tilespmem:$0x1D60]  }
0x291: {  	[tilespmem:$0x1FD70] =	vst v56;
	v31 =	vld [tilespmem:$0x1DD0];
	v56 =	vcvt.s32.f32 v59  }
0x292: {  	[tilespmem:$0x1FD30] =	vst v60;
	v19 =	vld [tilespmem:$0x1E20];
	v5 =	vadd.f32 v54, v5;
	v54 =	vcvt.s32.f32 v58;
	v60 =	vmax.f32 v15, $0.0e+00  }
0x293: {  	v58 =	vld [tilespmem:$0x1E30];
	v13 =	vmax.f32 v13, $0.0e+00;
	v59 =	vmul.f32 v56, v60;
	v17 =	vadd.f32 v6, v17  }
0x294: {  	v13 =	vmul.f32 v27, v13;
	v4 =	vadd.f32 v41, v4;
	v41 =	vld [tilespmem:$0x1E60]  }
0x295: {  	v60 =	vmax.f32 v57, $0.0e+00;
	v51 =	vadd.f32 v59, v51;
	v59 =	vld [tilespmem:$0x1E40];
	v63 =	vmax.f32 v17, $0.0e+00  }
0x296: {  	v15 =	vmul.f32 v56, v63;
	v63 =	vmul.f32 v56, v60;
	v60 =	vld [tilespmem:$0x1E50]  }
0x297: {  	v12 =	vld [tilespmem:$0x1DC0]  }
0x298: {  	[tilespmem:$0x1FE20] =	vst v58;
	v42 =	vadd.f32 v13, v42;
	v13 =	vld [tilespmem:$0x1DF0]  }
0x299: {  	v57 =	vld [tilespmem:$0x1FAB0];
	[tilespmem:$0x1FE80] =	vst v41  }
0x29a: {  	v17 =	vld [tilespmem:$0x1E10];
	[tilespmem:$0x1FE40] =	vst v59  }
0x29b: {  	v55 =	vadd.f32 v15, v1;
	v15 =	vld [tilespmem:$0x1E00];
	[tilespmem:$0x1FE60] =	vst v60  }
0x29c: {  	v52 =	vadd.f32 v63, v52;
	v63 =	vld [tilespmem:$0x1FAC0];
	_ =	swait.ge [sflag:s23], $0x400  }
0x29d: {  	v59 =	vld [tilespmem:$0x1FAD0];
	_ =	sdelay $0x1  }
0x29e: {  	v3 =	vadd.f32 v18, v3;
	_ =	sdelay $0x1  }
0x29f: {  	v3 =	vmax.f32 v3, $0.0e+00;
	v60 =	vld [tilespmem:$0x1FAE0]  }
0x2a0: {  	v4 =	vmax.f32 v4, $0.0e+00;
	v50 =	vadd.f32 v57, v50;
	v46 =	vadd.f32 v59, v46;
	v59 =	vld [tilespmem:$0x1FB00]  }
0x2a1: {  	v57 =	vmul.f32 v54, v4;
	v4 =	vmax.f32 v5, $0.0e+00;
	v2 =	vadd.f32 v63, v2;
	v63 =	vld [tilespmem:$0x1FAF0]  }
0x2a2: {  	v56 =	vmul.f32 v56, v3;
	v58 =	vmul.f32 v54, v4;
	v5 =	vmax.f32 v50, $0.0e+00  }
0x2a3: {  	v50 =	vadd.s32 $0x20, v7;
	v18 =	vmul.f32 v54, v5  }
0x2a4: {  	v42 =	vadd.f32 v56, v42;
	v55 =	vadd.f32 v58, v55;
	v56 =	vld [tilespmem:$0x1FB40]  }
0x2a5: {  	v52 =	vadd.f32 v18, v52;
	v58 =	vld [tilespmem:$0x1FB50];
	v48 =	vadd.f32 v59, v48  }
0x2a6: {  	[sflag:s23] =	ssyncset.done $0x0;
	v2 =	vmax.f32 v2, $0.0e+00;
	v47 =	vadd.f32 v60, v47;
	v18 =	vcvt.s32.f32 v63;
	v60 =	vld [tilespmem:$0x1FB10]  }
0x2a7: {  	[sflag:s23] =	ssyncadd.s32 $0xFFFFFC00;
	v2 =	vmul.f32 v54, v2;
	v54 =	vld [tilespmem:$0x1FB30];
	v48 =	vmax.f32 v48, $0.0e+00  }
0x2a8: {  	v0 =	vadd.f32 v0, v45;
	v63 =	vld.idx.msk [tilespmem:v50+s22+$0x0], $0xffff;
	v3 =	vmul.f32 v18, v48  }
0x2a9: {  	v51 =	vadd.f32 v57, v51;
	v57 =	vadd.s32 $0x21, v11;
	v2 =	vadd.f32 v2, v42;
	v59 =	vld [tilespmem:$0x1FFB0]  }
0x2aa: {  	v44 =	vadd.f32 v56, v44;
	v42 =	vadd.f32 v3, v52;
	v52 =	vld [tilespmem:$0x1FB20]  }
0x2ab: {  	v0 =	vmax.f32 v0, $0.0e+00;
	v56 =	vadd.s32 $0x22, v11;
	v49 =	vadd.f32 v60, v49  }
0x2ac: {  	v46 =	vmax.f32 v46, $0.0e+00;
	v47 =	vmax.f32 v47, $0.0e+00;
	v44 =	vmax.f32 v44, $0.0e+00  }
0x2ad: {  	v46 =	vmul.f32 v18, v46;
	v47 =	vmul.f32 v18, v47;
	v49 =	vmax.f32 v49, $0.0e+00  }
0x2ae: {  	v27 =	vld.idx.msk [tilespmem:v57+s21+$0x0], $0xffff;
	v43 =	vadd.f32 v54, v43;
	v18 =	vmul.f32 v18, v49;
	v48 =	vshll.u32 v63, $0x6  }
0x2af: {  	v45 =	vor.u32 v59, v48;
	v40 =	vadd.f32 v52, v40;
	v52 =	vcvt.s32.f32 v58;
	v58 =	vld [tilespmem:$0x1FFC0]  }
0x2b0: {  	v46 =	vadd.f32 v46, v51;
	v47 =	vadd.f32 v47, v55;
	v55 =	vlaneseq.u32;
	v51 =	vld.idx.msk [tilespmem:v57+s22+$0x0], $0xffff  }
0x2b1: {  	v49 =	vor.u32 v55, v48;
	v55 =	vmax.f32 v43, $0.0e+00;
	v2 =	vadd.f32 v18, v2;
	v18 =	vld [tilespmem:$0x1FFF0]  }
0x2b2: {  	v40 =	vmax.f32 v40, $0.0e+00;
	v63 =	vmul.f32 v52, v55;
	v44 =	vmul.f32 v52, v44;
	v55 =	vld [tilespmem:$0x1FB70]  }
0x2b3: {  	v0 =	vmul.f32 v52, v0;
	v60 =	vmul.f32 v52, v40;
	v52 =	vld [tilespmem:$0x1FFB0]  }
0x2b4: {  	v47 =	vadd.f32 v63, v47;
	v63 =	vld.idx.msk [tilespmem:v45+s14+$0x0], $0xffff;
	v59 =	vor.u32 v58, v48  }
0x2b5: {  	v42 =	vadd.f32 v44, v42;
	v44 =	vld [tilespmem:$0x1FB60]  }
0x2b6: {  	v48 =	vor.u32 v18, v48;
	v18 =	vld.idx.msk [tilespmem:v49+s14+$0x0], $0xffff  }
0x2b7: {  	v49 =	vshll.u32 v51, $0x6;
	v51 =	vld.idx.msk [tilespmem:v56+s22+$0x0], $0xffff  }
0x2b8: {  	v46 =	vadd.f32 v60, v46;
	v60 =	vld [tilespmem:$0x1FB90]  }
0x2b9: {  	v45 =	vadd.s32 $0x23, v11;
	v54 =	vld.idx.msk [tilespmem:v59+s14+$0x0], $0xffff  }
0x2ba: {  	v59 =	vld [tilespmem:$0x1FFC0]  }
0x2bb: {  	v0 =	vadd.f32 v0, v2;
	v58 =	vld [tilespmem:$0x1FB80];
	v38 =	vadd.f32 v55, v38  }
0x2bc: {  	v2 =	vadd.f32 v44, v36;
	v36 =	vor.u32 v52, v49;
	v52 =	vcvt.s32.f32 v61;
	v61 =	vld [tilespmem:$0x1FFF0]  }
0x2bd: {  	v38 =	vmax.f32 v38, $0.0e+00;
	v44 =	vld.idx.msk [tilespmem:v48+s14+$0x0], $0xffff  }
0x2be: {  	v41 =	vlaneseq.u32;
	v48 =	vadd.f32 v60, v53;
	v60 =	vld.idx.msk [tilespmem:v45+s22+$0x0], $0xffff;
	v38 =	vmul.f32 v52, v38  }
0x2bf: {  	v40 =	vld.idx.msk [tilespmem:v50+s21+$0x0], $0xffff;
	v50 =	vor.u32 v41, v49;
	v2 =	vmax.f32 v2, $0.0e+00;
	v43 =	vor.u32 v59, v49  }
0x2c0: {  	v39 =	vadd.f32 v58, v39;
	v2 =	vmul.f32 v52, v2;
	v38 =	vadd.f32 v38, v47;
	v47 =	vld [tilespmem:$0x1FFF0]  }
0x2c1: {  	v41 =	vlaneseq.u32;
	v57 =	vshll.u32 v51, $0x6;
	v55 =	vld.idx.msk [tilespmem:v36+s14+$0x0], $0xffff;
	v49 =	vor.u32 v61, v49  }
0x2c2: {  	v39 =	vmax.f32 v39, $0.0e+00;
	v48 =	vmax.f32 v48, $0.0e+00;
	v2 =	vadd.f32 v2, v46;
	v46 =	vld [tilespmem:$0x1FFC0]  }
0x2c3: {  	v36 =	vmul.f32 v52, v39;
	v39 =	vmul.f32 v52, v48;
	v52 =	vshll.u32 v60, $0x6;
	v60 =	vld [tilespmem:$0x1FBC0]  }
0x2c4: {  	v59 =	vor.u32 v41, v57;
	v58 =	vld.idx.msk [tilespmem:v43+s14+$0x0], $0xffff  }
0x2c5: {  	v43 =	vld [tilespmem:$0x1FFB0]  }
0x2c6: {  	v51 =	vld.idx.msk [tilespmem:v49+s14+$0x0], $0xffff  }
0x2c7: {  	v61 =	vadd.s32 $0x24, v11;
	v49 =	vadd.f32 v36, v42;
	v36 =	vld.idx.msk [tilespmem:v56+s21+$0x0], $0xffff  }
0x2c8: {  	v56 =	vld [tilespmem:$0x1FBA0]  }
0x2c9: {  	v48 =	vor.u32 v47, v57;
	v46 =	vor.u32 v46, v57;
	v47 =	vld.idx.msk [tilespmem:v59+s14+$0x0], $0xffff  }
0x2ca: {  	v42 =	vld [tilespmem:$0x1FBD0]  }
0x2cb: {  	v43 =	vor.u32 v43, v57;
	v57 =	vld [tilespmem:$0x1FBB0]  }
0x2cc: {  	v53 =	vld.idx.msk [tilespmem:v61+s22+$0x0], $0xffff  }
0x2cd: {  	v35 =	vadd.f32 v60, v35;
	v59 =	vcvt.s32.f32 v62;
	v62 =	vld [tilespmem:$0x1FFF0]  }
0x2ce: {  	v33 =	vadd.f32 v56, v33;
	v56 =	vld.idx.msk [tilespmem:v46+s14+$0x0], $0xffff  }
0x2cf: {  	v35 =	vmax.f32 v35, $0.0e+00;
	v46 =	vld [tilespmem:$0x1FFB0]  }
0x2d0: {  	v35 =	vmul.f32 v59, v35;
	v37 =	vadd.f32 v42, v37;
	v34 =	vadd.f32 v57, v34;
	v57 =	vld.idx.msk [tilespmem:v48+s14+$0x0], $0xffff  }
0x2d1: {  	v41 =	vlaneseq.u32;
	v48 =	vld [tilespmem:$0x1FFC0]  }
0x2d2: {  	v60 =	vor.u32 v41, v52;
	v35 =	vadd.f32 v35, v49;
	v49 =	vld [tilespmem:$0x1FBE0];
	v37 =	vmax.f32 v37, $0.0e+00  }
0x2d3: {  	v0 =	vadd.f32 v39, v0;
	v41 =	vmul.f32 v59, v37;
	v37 =	vld [tilespmem:$0x1FC00]  }
0x2d4: {  	v42 =	vld.idx.msk [tilespmem:v43+s14+$0x0], $0xffff  }
0x2d5: {  	v33 =	vmax.f32 v33, $0.0e+00;
	v46 =	vor.u32 v46, v52;
	v0 =	vadd.f32 v41, v0;
	v41 =	vld [tilespmem:$0x1FFC0]  }
0x2d6: {  	v34 =	vmax.f32 v34, $0.0e+00;
	v39 =	vor.u32 v48, v52;
	v52 =	vor.u32 v62, v52;
	v62 =	vld [tilespmem:$0x1FBF0]  }
0x2d7: {  	v33 =	vmul.f32 v59, v33;
	v34 =	vmul.f32 v59, v34;
	v59 =	vld.idx.msk [tilespmem:v60+s14+$0x0], $0xffff  }
0x2d8: {  	v30 =	vadd.f32 v37, v30;
	v37 =	vld.idx.msk [tilespmem:v61+s21+$0x0], $0xffff  }
0x2d9: {  	v43 =	vadd.s32 $0x25, v11;
	v61 =	vld [tilespmem:$0x1FC10]  }
0x2da: {  	v48 =	vld.idx.msk [tilespmem:v45+s21+$0x0], $0xffff  }
0x2db: {  	v32 =	vadd.f32 v62, v32;
	v62 =	vcvt.s32.f32 v10;
	v10 =	vld [tilespmem:$0x1FFB0]  }
0x2dc: {  	v29 =	vadd.f32 v49, v29;
	v49 =	vld.idx.msk [tilespmem:v52+s14+$0x0], $0xffff  }
0x2dd: {  	v53 =	vshll.u32 v53, $0x6;
	v45 =	vlaneseq.u32;
	v52 =	vld [tilespmem:$0x1FFF0]  }
0x2de: {  	v34 =	vadd.f32 v34, v38;
	v60 =	vld.idx.msk [tilespmem:v43+s22+$0x0], $0xffff;
	v38 =	vor.u32 v45, v53  }
0x2df: {  	v45 =	vld.idx.msk [tilespmem:v46+s14+$0x0], $0xffff  }
0x2e0: {  	v46 =	vld.idx.msk [tilespmem:v39+s14+$0x0], $0xffff;
	v39 =	vor.u32 v10, v53  }
0x2e1: {  	v32 =	vmax.f32 v32, $0.0e+00  }
0x2e2: {  	v41 =	vor.u32 v41, v53;
	v32 =	vmul.f32 v62, v32;
	v53 =	vor.u32 v52, v53  }
0x2e3: {  	v52 =	vld.idx.msk [tilespmem:v38+s14+$0x0], $0xffff  }
0x2e4: {  	v28 =	vadd.f32 v61, v28;
	v32 =	vadd.f32 v32, v34;
	v34 =	vld [tilespmem:$0x1FFC0]  }
0x2e5: {  	v29 =	vmax.f32 v29, $0.0e+00;
	v38 =	vshll.u32 v60, $0x6;
	v60 =	vld.idx.msk [tilespmem:v39+s14+$0x0], $0xffff  }
0x2e6: {  	v30 =	vmax.f32 v30, $0.0e+00;
	v28 =	vmax.f32 v28, $0.0e+00;
	v29 =	vmul.f32 v62, v29;
	v39 =	vld [tilespmem:$0x1FFB0]  }
0x2e7: {  	v30 =	vmul.f32 v62, v30;
	v28 =	vmul.f32 v62, v28;
	v62 =	vld.idx.msk [tilespmem:v53+s14+$0x0], $0xffff  }
0x2e8: {  	v53 =	vld [tilespmem:$0x1FFF0]  }
0x2e9: {  	v61 =	vld.idx.msk [tilespmem:v41+s14+$0x0], $0xffff  }
0x2ea: {  	v2 =	vadd.f32 v33, v2;
	v41 =	vld [tilespmem:$0x1FC20]  }
0x2eb: {  	v33 =	vadd.s32 $0x26, v11;
	v10 =	vlaneseq.u32  }
0x2ec: {  	v29 =	vadd.f32 v29, v2;
	v22 =	vor.u32 v10, v38  }
0x2ed: {  	v34 =	vor.u32 v34, v38;
	v2 =	vor.u32 v39, v38;
	v38 =	vor.u32 v53, v38  }
0x2ee: {  	v39 =	vld [tilespmem:$0x1FC30]  }
0x2ef: {  	v24 =	vadd.f32 v41, v24;
	v41 =	vld [tilespmem:$0x1FC40]  }
0x2f0: {  	v10 =	vld.idx.msk [tilespmem:v33+s22+$0x0], $0xffff  }
0x2f1: {  	v3 =	vadd.f32 v28, v0;
	v0 =	vld [tilespmem:$0x1FFB0]  }
0x2f2: {  	v38 =	vld.idx.msk [tilespmem:v38+s14+$0x0], $0xffff  }
0x2f3: {  	[tilespmem:$0x1FEA0] =	vst v62;
	v62 =	vld.idx.msk [tilespmem:v43+s21+$0x0], $0xffff;
	v25 =	vadd.f32 v39, v25  }
0x2f4: {  	v24 =	vmax.f32 v24, $0.0e+00;
	v41 =	vcvt.s32.f32 v41;
	v39 =	vld [tilespmem:$0x1FC50]  }
0x2f5: {  	v10 =	vshll.u32 v10, $0x6;
	v53 =	vld.idx.msk [tilespmem:v22+s14+$0x0], $0xffff;
	v43 =	vlaneseq.u32;
	v25 =	vmax.f32 v25, $0.0e+00  }
0x2f6: {  	v22 =	vmul.f32 v41, v24;
	v24 =	vor.u32 v43, v10;
	v43 =	vld [tilespmem:$0x1FC60];
	v25 =	vmul.f32 v41, v25  }
0x2f7: {  	v30 =	vadd.f32 v30, v35;
	v35 =	vadd.s32 $0x27, v11;
	[tilespmem:$0x1FEB0] =	vst v38;
	v38 =	vld [tilespmem:$0x1FFC0]  }
0x2f8: {  	v25 =	vadd.f32 v25, v32;
	v32 =	vld [tilespmem:$0x1FFF0]  }
0x2f9: {  	v26 =	vadd.f32 v39, v26  }
0x2fa: {  	v1 =	vld [tilespmem:$0x1FC80]  }
0x2fb: {  	v6 =	vor.u32 v0, v10;
	v0 =	vld [tilespmem:$0x1FC70];
	v26 =	vmax.f32 v26, $0.0e+00  }
0x2fc: {  	v28 =	vadd.s32 $0x28, v43;
	v43 =	vld.idx.msk [tilespmem:v35+s22+$0x0], $0xffff;
	v26 =	vmul.f32 v41, v26  }
0x2fd: {  	v38 =	vor.u32 v38, v10;
	v10 =	vor.u32 v32, v10;
	v32 =	vld [tilespmem:$0x1FCA0]  }
0x2fe: {  	v30 =	vadd.f32 v26, v30;
	v26 =	vld.idx.msk [tilespmem:v33+s21+$0x0], $0xffff  }
0x2ff: {  	v33 =	vld [tilespmem:$0x1FC90]  }
0x300: {  	v7 =	vadd.f32 v0, v1  }
0x301: {  	v29 =	vadd.f32 v22, v29;
	v22 =	vld.idx.msk [tilespmem:v24+s14+$0x0], $0xffff  }
0x302: {  	v0 =	vshll.u32 v43, $0x6;
	v43 =	vld.idx.msk [tilespmem:v6+s14+$0x0], $0xffff;
	v23 =	vadd.f32 v32, v23;
	v32 =	vmax.f32 v7, $0.0e+00  }
0x303: {  	v24 =	vmul.f32 v41, v32;
	v41 =	vld [tilespmem:$0x1FFB0]  }
0x304: {  	v21 =	vadd.f32 v33, v21;
	v33 =	vld [tilespmem:$0x1FCB0];
	v32 =	vlaneseq.u32  }
0x305: {  	v6 =	vor.u32 v32, v0;
	v32 =	vld.idx.msk [tilespmem:v38+s14+$0x0], $0xffff  }
0x306: {  	v7 =	vadd.f32 v24, v3;
	v24 =	vld.idx.msk [tilespmem:v10+s14+$0x0], $0xffff  }
0x307: {  	v10 =	vld [tilespmem:$0x1FFC0]  }
0x308: {  	v38 =	vor.u32 v41, v0;
	v41 =	vld [tilespmem:$0x1FCC0]  }
0x309: {  	v33 =	vcvt.s32.f32 v33  }
0x30a: {  	v21 =	vmax.f32 v21, $0.0e+00  }
0x30b: {  	v21 =	vmul.f32 v33, v21;
	_ =	sdelay $0x1  }
0x30c: {  	v10 =	vor.u32 v10, v0;
	v21 =	vadd.f32 v21, v29;
	v29 =	vadd.f32 v41, v16;
	v41 =	vld.idx.msk [tilespmem:v35+s21+$0x0], $0xffff  }
0x30d: {  	v35 =	vld [tilespmem:$0x1FCD0];
	_ =	sdelay $0x1  }
0x30e: {  	v16 =	vld [tilespmem:$0x1FFF0];
	_ =	sdelay $0x1  }
0x30f: {  	v4 =	vld.idx.msk [tilespmem:v10+s14+$0x0], $0xffff  }
0x310: {  	v14 =	vadd.f32 v35, v14;
	v35 =	vld.idx.msk [tilespmem:v6+s14+$0x0], $0xffff  }
0x311: {  	[tilespmem:$0x1FED0] =	vst v41;
	v41 =	vld [tilespmem:$0x1FCE0]  }
0x312: {  	v3 =	vor.u32 v16, v0;
	v16 =	vld [tilespmem:$0x1FCF0]  }
0x313: {  	v39 =	vld.idx.msk [tilespmem:v2+s14+$0x0], $0xffff  }
0x314: {  	v1 =	vld.idx.msk [tilespmem:v28+s22+$0x0], $0xffff  }
0x315: {  	[tilespmem:$0x1FEC0] =	vst v35;
	v35 =	vld [tilespmem:$0x1FD00]  }
0x316: {  	v0 =	vld [tilespmem:$0x1FD10]  }
0x317: {  	[tilespmem:$0x1FEE0] =	vst v4;
	v4 =	vld [tilespmem:$0x1FFC0];
	v16 =	vadd.f32 v41, v16  }
0x318: {  	v3 =	vld.idx.msk [tilespmem:v3+s14+$0x0], $0xffff  }
0x319: {  	v5 =	vadd.s32 $0x29, v11;
	v10 =	vmax.f32 v16, $0.0e+00;
	v16 =	vld [tilespmem:$0x1FFF0]  }
0x31a: {  	v2 =	vadd.f32 v35, v20;
	v35 =	vld.idx.msk [tilespmem:v38+s14+$0x0], $0xffff  }
0x31b: {  	v23 =	vmax.f32 v23, $0.0e+00;
	v38 =	vld [tilespmem:$0x1FFB0]  }
0x31c: {  	v1 =	vshll.u32 v1, $0x6;
	v23 =	vmul.f32 v33, v23;
	v29 =	vmax.f32 v29, $0.0e+00  }
0x31d: {  	v14 =	vmax.f32 v14, $0.0e+00;
	v0 =	vcvt.s32.f32 v0;
	v4 =	vor.u32 v4, v1  }
0x31e: {  	v23 =	vadd.f32 v23, v25;
	v25 =	vld.idx.msk [tilespmem:v5+s22+$0x0], $0xffff;
	v29 =	vmul.f32 v33, v29;
	v33 =	vmul.f32 v33, v14  }
0x31f: {  	[tilespmem:$0x1FEF0] =	vst v3;
	v3 =	vor.u32 v16, v1;
	v16 =	vmul.f32 v0, v10;
	v2 =	vmax.f32 v2, $0.0e+00;
	v10 =	vld.idx.msk [tilespmem:v28+s21+$0x0], $0xffff  }
0x320: {  	v6 =	vld [tilespmem:$0x1FD30];
	v2 =	vmul.f32 v0, v2;
	v38 =	vor.u32 v38, v1  }
0x321: {  	v7 =	vadd.f32 v33, v7;
	v33 =	vld [tilespmem:$0x1FFB0]  }
0x322: {  	v2 =	vadd.f32 v2, v23;
	v23 =	vld.idx.msk [tilespmem:v4+s14+$0x0], $0xffff  }
0x323: {  	v4 =	vld [tilespmem:$0x1FD50]  }
0x324: {  	[tilespmem:$0x1FF00] =	vst v10;
	v10 =	vld [tilespmem:$0x1FD40]  }
0x325: {  	v8 =	vshll.u32 v25, $0x6;
	v25 =	vadd.f32 v29, v30;
	v29 =	vadd.f32 v16, v21;
	v16 =	vld.idx.msk [tilespmem:v38+s14+$0x0], $0xffff  }
0x326: {  	v38 =	vld [tilespmem:$0x1FD20];
	_ =	sdelay $0x1  }
0x327: {  	v14 =	vlaneseq.u32  }
0x328: {  	v28 =	vor.u32 v14, v8;
	v14 =	vld [tilespmem:$0x1FD60]  }
0x329: {  	v4 =	vadd.f32 v10, v4;
	v10 =	vld [tilespmem:$0x1FD80]  }
0x32a: {  	v30 =	vor.u32 v33, v8;
	v33 =	vadd.f32 v38, v6;
	v6 =	vld [tilespmem:$0x1FD70];
	_ =	sdelay $0x2  }
0x32b: {  	[tilespmem:$0x1FF10] =	vst v16;
	v16 =	vld.idx.msk [tilespmem:v3+s14+$0x0], $0xffff  }
0x32c: {  	v3 =	vadd.f32 v10, v12;
	v10 =	vld [tilespmem:$0x1FDA0]  }
0x32d: {  	v38 =	vadd.f32 v14, v6;
	v14 =	vld [tilespmem:$0x1FD90];
	_ =	sdelay $0x2  }
0x32e: {  	v50 =	vld.idx.msk [tilespmem:v50+s14+$0x0], $0xffff  }
0x32f: {  	[tilespmem:$0x1FF20] =	vst v16;
	v16 =	vld.idx.msk [tilespmem:v5+s21+$0x0], $0xffff  }
0x330: {  	v5 =	vmax.f32 v33, $0.0e+00;
	v33 =	vcvt.s32.f32 v10;
	v31 =	vadd.f32 v14, v31;
	v14 =	vld [tilespmem:$0x1FDB0]  }
0x331: {  	v12 =	vld.idx.msk [tilespmem:v28+s14+$0x0], $0xffff;
	v3 =	vmax.f32 v3, $0.0e+00;
	v5 =	vmul.f32 v0, v5  }
0x332: {  	v28 =	vld.idx.msk [tilespmem:v30+s14+$0x0], $0xffff;
	v3 =	vmul.f32 v33, v3;
	v30 =	vmax.f32 v31, $0.0e+00  }
0x333: {  	v34 =	vld.idx.msk [tilespmem:v34+s14+$0x0], $0xffff;
	v4 =	vmax.f32 v4, $0.0e+00;
	v5 =	vadd.f32 v5, v25;
	v25 =	vmul.f32 v33, v30  }
0x334: {  	v0 =	vmul.f32 v0, v4;
	v4 =	vmax.f32 v38, $0.0e+00;
	v38 =	vld [tilespmem:$0x1FDD0];
	v2 =	vadd.f32 v3, v2  }
0x335: {  	v41 =	vlaneseq.u32;
	v3 =	vadd.f32 v25, v5;
	v25 =	vadd.f32 v14, v9;
	v9 =	vld [tilespmem:$0x1FDE0]  }
0x336: {  	v41 =	vor.u32 v41, v1;
	v10 =	vld [tilespmem:$0x1FDF0]  }
0x337: {  	v21 =	vld [tilespmem:$0x1FF0]  }
0x338: {  	[tilespmem:$0x1FF40] =	vst v16;
	v16 =	vld [tilespmem:$0x1FDC0]  }
0x339: {  	v14 =	vld [tilespmem:$0x1FE00]  }
0x33a: {  	v20 =	vld [tilespmem:$0x1F40];
	v17 =	vadd.f32 v9, v17  }
0x33b: {  	v41 =	vld.idx.msk [tilespmem:v41+s14+$0x0], $0xffff;
	v15 =	vadd.f32 v38, v15;
	v38 =	vcvt.s32.f32 v10  }
0x33c: {  	v21 =	vadd.f32 v22, v21;
	v22 =	vcvt.s32.f32 v26;
	v26 =	vld [tilespmem:$0x1FFF0];
	v17 =	vmax.f32 v17, $0.0e+00  }
0x33d: {  	[tilespmem:$0x1FF30] =	vst v12;
	v12 =	vld [tilespmem:$0x1EA0];
	v0 =	vadd.f32 v0, v7;
	v17 =	vmul.f32 v38, v17  }
0x33e: {  	v13 =	vadd.f32 v16, v13;
	v16 =	vld [tilespmem:$0x1FE10];
	v25 =	vmax.f32 v25, $0.0e+00;
	v19 =	vadd.f32 v14, v19  }
0x33f: {  	v4 =	vmul.f32 v33, v4;
	v25 =	vmul.f32 v33, v25;
	v3 =	vadd.f32 v17, v3;
	v17 =	vld [tilespmem:$0x1FE20]  }
0x340: {  	v7 =	vld [tilespmem:$0x1E90];
	v19 =	vmax.f32 v19, $0.0e+00  }
0x341: {  	v4 =	vadd.f32 v4, v29;
	v29 =	vld [tilespmem:$0x1EB0];
	v0 =	vadd.f32 v25, v0;
	v19 =	vmul.f32 v38, v19  }
0x342: {  	v31 =	vld [tilespmem:$0x1E70]  }
0x343: {  	v6 =	vadd.f32 v19, v0;
	v0 =	vld [tilespmem:$0x1FE50]  }
0x344: {  	v17 =	vadd.f32 v16, v17;
	v16 =	vld [tilespmem:$0x1FE60]  }
0x345: {  	v10 =	vld [tilespmem:$0x1EC0];
	v7 =	vadd.f32 v54, v7;
	v15 =	vmax.f32 v15, $0.0e+00  }
0x346: {  	v30 =	vld [tilespmem:$0x1E80];
	v15 =	vmul.f32 v38, v15  }
0x347: {  	v54 =	vmax.f32 v7, $0.0e+00;
	v7 =	vld [tilespmem:$0x1FB0]  }
0x348: {  	v5 =	vadd.f32 v15, v2;
	v15 =	vld [tilespmem:$0x1F20]  }
0x349: {  	v1 =	vadd.f32 v0, v16;
	v0 =	vld [tilespmem:$0x1FE70]  }
0x34a: {  	v16 =	vld [tilespmem:$0x1FE80]  }
0x34b: {  	v18 =	vadd.f32 v18, v31;
	v31 =	vld [tilespmem:$0x1F50]  }
0x34c: {  	v13 =	vmax.f32 v13, $0.0e+00;
	v33 =	vld [tilespmem:$0x1EE0]  }
0x34d: {  	v13 =	vmul.f32 v38, v13;
	v38 =	vld [tilespmem:$0x1FE40]  }
0x34e: {  	v19 =	vld [tilespmem:$0x1FE30]  }
0x34f: {  	v2 =	vadd.f32 v0, v16;
	v16 =	vld [tilespmem:$0x1FE90]  }
0x350: {  	v9 =	vld [tilespmem:$0x1ED0]  }
0x351: {  	v30 =	vadd.f32 v63, v30;
	v63 =	vld [tilespmem:$0x1F60]  }
0x352: {  	v14 =	vld [tilespmem:$0x1EF0]  }
0x353: {  	v25 =	vld [tilespmem:$0x1F00]  }
0x354: {  	v4 =	vadd.f32 v13, v4;
	v13 =	vld [tilespmem:$0x1F10];
	v19 =	vadd.f32 v19, v38;
	v0 =	vcvt.s32.f32 v16  }
0x355: {  	v9 =	vadd.f32 v58, v9;
	v58 =	vld [tilespmem:$0x2010];
	v17 =	vmax.f32 v17, $0.0e+00  }
0x356: {  	v38 =	vld [tilespmem:$0x1F30];
	v19 =	vmax.f32 v19, $0.0e+00;
	v1 =	vmax.f32 v1, $0.0e+00;
	v17 =	vmul.f32 v0, v17  }
0x357: {  	v2 =	vmax.f32 v2, $0.0e+00;
	v16 =	vld [tilespmem:$0x1F70];
	v19 =	vmul.f32 v0, v19;
	v1 =	vmul.f32 v0, v1  }
0x358: {  	v0 =	vmul.f32 v0, v2;
	v2 =	vcvt.s32.f32 v40;
	v40 =	vld [tilespmem:$0x1F90]  }
0x359: {  	v30 =	vmax.f32 v30, $0.0e+00;
	v4 =	vadd.f32 v17, v4;
	v17 =	vld [tilespmem:$0x1F80]  }
0x35a: {  	v18 =	vmax.f32 v18, $0.0e+00;
	v5 =	vadd.f32 v19, v5;
	v19 =	vmul.f32 v2, v30;
	v30 =	vld [tilespmem:$0x1FA0]  }
0x35b: {  	v0 =	vadd.f32 v0, v6;
	v6 =	vadd.f32 v44, v12;
	v44 =	vcvt.s32.f32 v27;
	v27 =	vld [tilespmem:$0x1FE0]  }
0x35c: {  	v1 =	vadd.f32 v1, v3;
	v3 =	vmul.f32 v2, v54;
	v54 =	vadd.f32 v50, v29;
	v50 =	vld [tilespmem:$0x2030]  }
0x35d: {  	v18 =	vmul.f32 v2, v18;
	v29 =	vadd.f32 v51, v33;
	v51 =	vld [tilespmem:$0x2050]  }
0x35e: {  	v33 =	vadd.f32 v56, v13;
	v13 =	vld [tilespmem:$0x20C0]  }
0x35f: {  	v55 =	vadd.f32 v55, v10;
	v4 =	vadd.f32 v18, v4;
	v18 =	vld [tilespmem:$0x1FC0]  }
0x360: {  	v5 =	vadd.f32 v19, v5;
	v19 =	vld [tilespmem:$0x1FD0];
	v6 =	vmax.f32 v6, $0.0e+00  }
0x361: {  	v1 =	vadd.f32 v3, v1;
	v3 =	vmax.f32 v55, $0.0e+00;
	v55 =	vld [tilespmem:$0x2020];
	v2 =	vmul.f32 v2, v6  }
0x362: {  	v36 =	vcvt.s32.f32 v36;
	v12 =	vmax.f32 v54, $0.0e+00;
	v54 =	vld [tilespmem:$0x2040];
	v3 =	vmul.f32 v44, v3  }
0x363: {  	v9 =	vmax.f32 v9, $0.0e+00;
	v6 =	vmul.f32 v44, v12;
	v12 =	vld [tilespmem:$0x2000];
	v0 =	vadd.f32 v2, v0  }
0x364: {  	v3 =	vadd.f32 v3, v5;
	v5 =	vmax.f32 v29, $0.0e+00;
	v29 =	vcvt.s32.f32 v48;
	v48 =	vld [tilespmem:$0x2090]  }
0x365: {  	v2 =	vadd.f32 v6, v4;
	v4 =	vmul.f32 v44, v9;
	v6 =	vadd.f32 v42, v25;
	v42 =	vld [tilespmem:$0x20A0]  }
0x366: {  	v45 =	vadd.f32 v45, v20;
	v9 =	vadd.s32 $0x2A, v11;
	v13 =	vadd.f32 v28, v13;
	v28 =	vld [tilespmem:$0x1FF40]  }
0x367: {  	v46 =	vadd.f32 v46, v31;
	v1 =	vadd.f32 v4, v1;
	v4 =	vmul.f32 v44, v5;
	v44 =	vld [tilespmem:$0x2060]  }
0x368: {  	v31 =	vmax.f32 v45, $0.0e+00;
	v5 =	vadd.f32 v47, v14;
	v47 =	vmax.f32 v6, $0.0e+00;
	v6 =	vld [tilespmem:$0x2070]  }
0x369: {  	v16 =	vadd.f32 v52, v16;
	v10 =	vmax.f32 v33, $0.0e+00;
	v14 =	vmul.f32 v36, v47;
	v47 =	vld [tilespmem:$0x2080]  }
0x36a: {  	v10 =	vmul.f32 v36, v10;
	v0 =	vadd.f32 v4, v0;
	v4 =	vadd.f32 v57, v15;
	v57 =	vld [tilespmem:$0x1FFC0]  }
0x36b: {  	v5 =	vmax.f32 v5, $0.0e+00;
	v25 =	vld.idx.msk [tilespmem:v9+s22+$0x0], $0xffff;
	v14 =	vadd.f32 v14, v3;
	v3 =	vmax.f32 v46, $0.0e+00  }
0x36c: {  	v5 =	vmul.f32 v36, v5;
	v4 =	vmax.f32 v4, $0.0e+00;
	v52 =	vmul.f32 v29, v3;
	v3 =	vld.idx.msk [tilespmem:v9+s21+$0x0], $0xffff  }
0x36d: {  	v31 =	vmul.f32 v29, v31;
	v4 =	vmul.f32 v36, v4;
	v36 =	vld [tilespmem:$0x1FFF0]  }
0x36e: {  	v56 =	vadd.f32 v59, v38;
	v2 =	vadd.f32 v5, v2;
	v5 =	vld [tilespmem:$0x20B0]  }
0x36f: {  	v14 =	vadd.f32 v31, v14;
	v31 =	vld [tilespmem:$0x1FFC0]  }
0x370: {  	v59 =	vmax.f32 v56, $0.0e+00;
	v6 =	vadd.f32 v41, v6;
	v41 =	vld [tilespmem:$0x21C0]  }
0x371: {  	v38 =	vmul.f32 v29, v59;
	v33 =	vor.u32 v57, v8;
	v15 =	vadd.f32 v4, v0;
	v57 =	vld [tilespmem:$0x1FFB0]  }
0x372: {  	v4 =	vadd.f32 v49, v63;
	v49 =	vadd.f32 v61, v40;
	v40 =	vcvt.s32.f32 v37;
	v37 =	vld [tilespmem:$0x1FFF0]  }
0x373: {  	v2 =	vadd.f32 v38, v2;
	v38 =	vld [tilespmem:$0x2140]  }
0x374: {  	v56 =	vmax.f32 v4, $0.0e+00;
	v4 =	vld [tilespmem:$0x20E0]  }
0x375: {  	v20 =	vshll.u32 v25, $0x6;
	v25 =	vlaneseq.u32;
	v8 =	vor.u32 v36, v8;
	v36 =	vld [tilespmem:$0x20D0]  }
0x376: {  	v17 =	vadd.f32 v60, v17;
	v25 =	vor.u32 v25, v20;
	v60 =	vor.u32 v31, v20;
	v31 =	vld [tilespmem:$0x20F0]  }
0x377: {  	v29 =	vmul.f32 v29, v56;
	v0 =	vld.idx.msk [tilespmem:v33+s14+$0x0], $0xffff  }
0x378: {  	v59 =	vor.u32 v57, v20;
	v20 =	vor.u32 v37, v20;
	v37 =	vld [tilespmem:$0x2100]  }
0x379: {  	v63 =	vadd.f32 v29, v15;
	v15 =	vld [tilespmem:$0x2110]  }
0x37a: {  	v33 =	vld [tilespmem:$0x2130]  }
0x37b: {  	v10 =	vadd.f32 v10, v1;
	v9 =	vld.idx.msk [tilespmem:v25+s14+$0x0], $0xffff  }
0x37c: {  	v25 =	vmax.f32 v49, $0.0e+00;
	v49 =	vld [tilespmem:$0x1FEA0]  }
0x37d: {  	v16 =	vmax.f32 v16, $0.0e+00;
	v10 =	vadd.f32 v52, v10;
	v1 =	vld.idx.msk [tilespmem:v8+s14+$0x0], $0xffff  }
0x37e: {  	v52 =	vadd.f32 v53, v7;
	v8 =	vadd.s32 $0x2B, v11;
	v25 =	vmul.f32 v40, v25;
	v7 =	vld.idx.msk [tilespmem:v60+s14+$0x0], $0xffff  }
0x37f: {  	v17 =	vmax.f32 v17, $0.0e+00;
	v18 =	vadd.f32 v39, v18;
	v16 =	vmul.f32 v40, v16;
	v45 =	vld.idx.msk [tilespmem:v59+s14+$0x0], $0xffff  }
0x380: {  	v17 =	vmul.f32 v40, v17;
	v10 =	vadd.f32 v25, v10;
	v25 =	vcvt.s32.f32 v62;
	v62 =	vld [tilespmem:$0x1FFC0]  }
0x381: {  	v16 =	vadd.f32 v16, v2;
	v60 =	vmax.f32 v18, $0.0e+00;
	v2 =	vadd.f32 v49, v30;
	v49 =	vld [tilespmem:$0x1FEB0]  }
0x382: {  	v18 =	vmul.f32 v25, v60;
	v60 =	vld [tilespmem:$0x1FFC0]  }
0x383: {  	v14 =	vadd.f32 v17, v14;
	v17 =	vmax.f32 v52, $0.0e+00;
	v61 =	vld.idx.msk [tilespmem:v8+s22+$0x0], $0xffff  }
0x384: {  	v46 =	vadd.s32 $0x2C, v11;
	v59 =	vmul.f32 v25, v17;
	v17 =	vld.idx.msk [tilespmem:v8+s21+$0x0], $0xffff  }
0x385: {  	v8 =	vld [tilespmem:$0x1FFB0]  }
0x386: {  	v1 =	vadd.f32 v1, v4;
	v4 =	vld [tilespmem:$0x21F0];
	v29 =	vmax.f32 v2, $0.0e+00  }
0x387: {  	v2 =	vld [tilespmem:$0x2120];
	v57 =	vmul.f32 v40, v29  }
0x388: {  	v21 =	vmax.f32 v21, $0.0e+00;
	v19 =	vadd.f32 v34, v19;
	v12 =	vadd.f32 v43, v12;
	v29 =	vld.idx.msk [tilespmem:v20+s14+$0x0], $0xffff  }
0x389: {  	v53 =	vlaneseq.u32;
	v16 =	vadd.f32 v59, v16;
	v20 =	vadd.f32 v57, v63;
	v63 =	vld.idx.msk [tilespmem:v46+s22+$0x0], $0xffff  }
0x38a: {  	v57 =	vadd.f32 v24, v55;
	v24 =	vld.idx.msk [tilespmem:v46+s21+$0x0], $0xffff;
	v30 =	vshll.u32 v61, $0x6;
	v61 =	vmax.f32 v19, $0.0e+00  }
0x38b: {  	v56 =	vor.u32 v53, v30;
	v53 =	vmul.f32 v22, v21;
	v21 =	vadd.f32 v32, v58;
	v32 =	vld [tilespmem:$0x2160]  }
0x38c: {  	v14 =	vadd.f32 v18, v14;
	v19 =	vor.u32 v62, v30;
	v18 =	vmul.f32 v25, v61;
	v62 =	vld [tilespmem:$0x1FEE0]  }
0x38d: {  	v12 =	vmax.f32 v12, $0.0e+00;
	v8 =	vor.u32 v8, v30;
	v16 =	vadd.f32 v53, v16;
	v53 =	vld [tilespmem:$0x1FEF0]  }
0x38e: {  	v10 =	vadd.f32 v18, v10;
	v21 =	vmax.f32 v21, $0.0e+00;
	v18 =	vmax.f32 v57, $0.0e+00;
	v57 =	vld [tilespmem:$0x1FF00]  }
0x38f: {  	v12 =	vmul.f32 v22, v12;
	v58 =	vmul.f32 v22, v21;
	v21 =	vld [tilespmem:$0x1FFB0]  }
0x390: {  	v27 =	vadd.f32 v49, v27;
	v30 =	vor.u32 v26, v30;
	v18 =	vmul.f32 v22, v18;
	v22 =	vld [tilespmem:$0x1FED0]  }
0x391: {  	v34 =	vld.idx.msk [tilespmem:v56+s14+$0x0], $0xffff  }
0x392: {  	v52 =	vmax.f32 v27, $0.0e+00;
	v27 =	vadd.s32 $0x2D, v11;
	v43 =	vld.idx.msk [tilespmem:v8+s14+$0x0], $0xffff  }
0x393: {  	v8 =	vmul.f32 v25, v52;
	v25 =	vld [tilespmem:$0x2150]  }
0x394: {  	v26 =	vld.idx.msk [tilespmem:v19+s14+$0x0], $0xffff  }
0x395: {  	v39 =	vld.idx.msk [tilespmem:v30+s14+$0x0], $0xffff  }
0x396: {  	v30 =	vld [tilespmem:$0x1FEC0]  }
0x397: {  	v61 =	vld.idx.msk [tilespmem:v27+s22+$0x0], $0xffff  }
0x398: {  	v56 =	vshll.u32 v63, $0x6;
	v63 =	vld [tilespmem:$0x1FFF0];
	v8 =	vadd.f32 v8, v20  }
0x399: {  	v35 =	vadd.f32 v35, v54;
	v49 =	vadd.s32 $0x2E, v11;
	v54 =	vadd.f32 v53, v44;
	v53 =	vld [tilespmem:$0x1FFB0]  }
0x39a: {  	v46 =	vor.u32 v60, v56;
	v8 =	vadd.f32 v18, v8;
	v18 =	vld [tilespmem:$0x21A0]  }
0x39b: {  	v59 =	vadd.f32 v30, v50;
	v30 =	vld [tilespmem:$0x2170]  }
0x39c: {  	v50 =	vadd.f32 v62, v51;
	v51 =	vld [tilespmem:$0x2180]  }
0x39d: {  	v20 =	vlaneseq.u32;
	v22 =	vcvt.s32.f32 v22;
	v62 =	vld [tilespmem:$0x1FFC0]  }
0x39e: {  	v35 =	vmax.f32 v35, $0.0e+00;
	v20 =	vor.u32 v20, v56;
	v19 =	vor.u32 v63, v56;
	v63 =	vld.idx.msk [tilespmem:v49+s22+$0x0], $0xffff  }
0x39f: {  	v12 =	vadd.f32 v12, v14;
	v21 =	vor.u32 v21, v56;
	v35 =	vmul.f32 v22, v35;
	v44 =	vld.idx.msk [tilespmem:v46+s14+$0x0], $0xffff  }
0x3a0: {  	v46 =	vshll.u32 v61, $0x6;
	v61 =	vld [tilespmem:$0x1FF20]  }
0x3a1: {  	v12 =	vadd.f32 v35, v12;
	v35 =	vld [tilespmem:$0x2190]  }
0x3a2: {  	v40 =	vmax.f32 v59, $0.0e+00;
	v59 =	vld [tilespmem:$0x1FF10]  }
0x3a3: {  	v52 =	vmax.f32 v50, $0.0e+00;
	v20 =	vld.idx.msk [tilespmem:v20+s14+$0x0], $0xffff  }
0x3a4: {  	v10 =	vadd.f32 v58, v10;
	v21 =	vld.idx.msk [tilespmem:v21+s14+$0x0], $0xffff;
	v14 =	vmul.f32 v22, v52  }
0x3a5: {  	v55 =	vlaneseq.u32;
	v19 =	vld.idx.msk [tilespmem:v19+s14+$0x0], $0xffff  }
0x3a6: {  	v56 =	vor.u32 v55, v46;
	v10 =	vadd.f32 v14, v10;
	v14 =	vld.idx.msk [tilespmem:v27+s21+$0x0], $0xffff  }
0x3a7: {  	v23 =	vadd.f32 v23, v48;
	v28 =	vcvt.s32.f32 v28;
	v27 =	vld [tilespmem:$0x1FFB0]  }
0x3a8: {  	v40 =	vmul.f32 v22, v40;
	v48 =	vor.u32 v62, v46;
	v62 =	vadd.f32 v45, v37;
	v37 =	vld [tilespmem:$0x2200]  }
0x3a9: {  	v23 =	vmax.f32 v23, $0.0e+00;
	v58 =	vcvt.s32.f32 v57;
	v57 =	vshll.u32 v63, $0x6;
	v63 =	vld [tilespmem:$0x1FFF0]  }
0x3aa: {  	v16 =	vadd.f32 v40, v16;
	v40 =	vmax.f32 v54, $0.0e+00;
	v42 =	vadd.f32 v61, v42;
	v61 =	vld [tilespmem:$0x1FFC0]  }
0x3ab: {  	v13 =	vmax.f32 v13, $0.0e+00;
	v23 =	vmul.f32 v58, v23;
	v22 =	vmul.f32 v22, v40;
	v40 =	vld.idx.msk [tilespmem:v56+s14+$0x0], $0xffff  }
0x3ac: {  	v13 =	vmul.f32 v28, v13;
	v6 =	vmax.f32 v6, $0.0e+00;
	v0 =	vadd.f32 v0, v36;
	v56 =	vld [tilespmem:$0x1FFF0]  }
0x3ad: {  	v3 =	vcvt.s32.f32 v3;
	v47 =	vadd.f32 v59, v47;
	v10 =	vadd.f32 v23, v10;
	v23 =	vld [tilespmem:$0x1FF30]  }
0x3ae: {  	v0 =	vmax.f32 v0, $0.0e+00;
	v9 =	vadd.f32 v9, v31;
	v6 =	vmul.f32 v58, v6;
	v59 =	vld [tilespmem:$0x1FFB0]  }
0x3af: {  	v7 =	vadd.f32 v7, v15;
	v55 =	vmax.f32 v42, $0.0e+00;
	v60 =	vmax.f32 v47, $0.0e+00;
	v47 =	vld [tilespmem:$0x21B0]  }
0x3b0: {  	v6 =	vadd.f32 v6, v16;
	v16 =	vmul.f32 v58, v55;
	v55 =	vld [tilespmem:$0x2230];
	v27 =	vor.u32 v27, v46  }
0x3b1: {  	v0 =	vmul.f32 v28, v0;
	v9 =	vmax.f32 v9, $0.0e+00;
	v8 =	vadd.f32 v22, v8;
	v36 =	vld.idx.msk [tilespmem:v48+s14+$0x0], $0xffff  }
0x3b2: {  	v1 =	vmax.f32 v1, $0.0e+00;
	v9 =	vmul.f32 v3, v9;
	v7 =	vmax.f32 v7, $0.0e+00;
	v48 =	vld [tilespmem:$0x21E0]  }
0x3b3: {  	v22 =	vmul.f32 v58, v60;
	v58 =	vlaneseq.u32;
	v8 =	vadd.f32 v16, v8;
	v16 =	vld.idx.msk [tilespmem:v49+s21+$0x0], $0xffff  }
0x3b4: {  	v7 =	vmul.f32 v3, v7;
	v0 =	vadd.f32 v0, v10;
	v50 =	vor.u32 v58, v57;
	v58 =	vld [tilespmem:$0x2240]  }
0x3b5: {  	v2 =	vadd.f32 v29, v2;
	v12 =	vadd.f32 v22, v12;
	v22 =	vld.idx.msk [tilespmem:v27+s14+$0x0], $0xffff;
	v27 =	vadd.s32 $0x2F, v11  }
0x3b6: {  	v1 =	vmul.f32 v28, v1;
	v0 =	vadd.f32 v7, v0;
	v7 =	vadd.f32 v26, v25;
	v26 =	vld [tilespmem:$0x2260]  }
0x3b7: {  	v17 =	vcvt.s32.f32 v17;
	v45 =	vor.u32 v63, v57;
	v5 =	vadd.f32 v23, v5;
	v23 =	vld [tilespmem:$0x21D0]  }
0x3b8: {  	v2 =	vmax.f32 v2, $0.0e+00;
	v24 =	vcvt.s32.f32 v24;
	v42 =	vor.u32 v56, v46;
	v46 =	vld [tilespmem:$0x2210]  }
0x3b9: {  	v29 =	vadd.f32 v34, v33;
	v10 =	vor.u32 v61, v57;
	v56 =	vld [tilespmem:$0x1FFC0];
	v5 =	vmax.f32 v5, $0.0e+00  }
0x3ba: {  	v2 =	vmul.f32 v3, v2;
	v54 =	vadd.f32 v43, v38;
	v5 =	vmul.f32 v28, v5;
	v60 =	vld.idx.msk [tilespmem:v27+s22+$0x0], $0xffff  }
0x3bb: {  	v21 =	vadd.f32 v21, v51;
	v49 =	vor.u32 v59, v57;
	v57 =	vmax.f32 v29, $0.0e+00;
	v59 =	vld [tilespmem:$0x1FFF0]  }
0x3bc: {  	v52 =	vld.idx.msk [tilespmem:v45+s14+$0x0], $0xffff;
	v5 =	vadd.f32 v5, v6;
	v6 =	vadd.f32 v13, v12;
	v13 =	vmax.f32 v62, $0.0e+00  }
0x3bd: {  	v29 =	vmax.f32 v54, $0.0e+00;
	v1 =	vadd.f32 v1, v8;
	v31 =	vld.idx.msk [tilespmem:v50+s14+$0x0], $0xffff;
	v13 =	vmul.f32 v3, v13  }
0x3be: {  	v29 =	vmul.f32 v17, v29;
	v8 =	vld.idx.msk [tilespmem:v10+s14+$0x0], $0xffff;
	v50 =	vlaneseq.u32;
	v3 =	vmul.f32 v17, v57  }
0x3bf: {  	v42 =	vld.idx.msk [tilespmem:v42+s14+$0x0], $0xffff;
	v5 =	vadd.f32 v9, v5;
	v6 =	vadd.f32 v13, v6;
	v12 =	vshll.u32 v60, $0x6  }
0x3c0: {  	v20 =	vadd.f32 v20, v30;
	v21 =	vmax.f32 v21, $0.0e+00;
	v28 =	vld.idx.msk [tilespmem:v49+s14+$0x0], $0xffff;
	v10 =	vor.u32 v50, v12  }
0x3c1: {  	v3 =	vadd.f32 v3, v5;
	v5 =	vadd.f32 v29, v6;
	v29 =	vld [tilespmem:$0x1FF50];
	v15 =	vor.u32 v53, v12  }
0x3c2: {  	v14 =	vcvt.s32.f32 v14;
	v7 =	vmax.f32 v7, $0.0e+00;
	v9 =	vld [tilespmem:$0x2220];
	v38 =	vor.u32 v56, v12  }
0x3c3: {  	v61 =	vadd.f32 v39, v32;
	v7 =	vmul.f32 v17, v7;
	v27 =	vld.idx.msk [tilespmem:v27+s21+$0x0], $0xffff;
	v12 =	vor.u32 v59, v12  }
0x3c4: {  	v32 =	vadd.f32 v19, v18;
	v1 =	vadd.f32 v2, v1;
	v11 =	vadd.s32 $0x31, v11;
	v6 =	vld [tilespmem:$0x2250]  }
0x3c5: {  	v0 =	vadd.f32 v7, v0;
	v62 =	vmax.f32 v20, $0.0e+00;
	v20 =	vadd.f32 v44, v35;
	v10 =	vld.idx.msk [tilespmem:v10+s14+$0x0], $0xffff  }
0x3c6: {  	v7 =	vmul.f32 v24, v21;
	v4 =	vadd.f32 v31, v4;
	v29 =	vadd.s32 $0x30, v29;
	v60 =	vld.idx.msk [tilespmem:v15+s14+$0x0], $0xffff  }
0x3c7: {  	v16 =	vcvt.s32.f32 v16;
	v63 =	vmax.f32 v20, $0.0e+00;
	v44 =	vadd.f32 v42, v48;
	v25 =	vld.idx.msk [tilespmem:v38+s14+$0x0], $0xffff  }
0x3c8: {  	v21 =	vadd.f32 v28, v37;
	v28 =	vlaneseq.u32;
	v4 =	vmax.f32 v4, $0.0e+00;
	v12 =	vld.idx.msk [tilespmem:v12+s14+$0x0], $0xffff;
	_ =	swait.ge [sflag:s23], $0x400  }
0x3c9: {  	v5 =	vadd.f32 v7, v5;
	v7 =	vadd.f32 v40, v47;
	v4 =	vmul.f32 v16, v4;
	[sflag:s23] =	ssyncset.done $0x0;
	v20 =	vld [tilespmem:$0x1FFB0]  }
0x3ca: {  	v48 =	vmax.f32 v21, $0.0e+00;
	v38 =	vadd.f32 v22, v41;
	v41 =	vadd.f32 v36, v23;
	v23 =	vld [tilespmem:$0x1FFC0];
	[sflag:s23] =	ssyncadd.s32 $0xFFFFFC00  }
0x3cb: {  	v9 =	vadd.f32 v52, v9;
	v49 =	vmul.f32 v16, v48;
	v15 =	vmax.f32 v61, $0.0e+00;
	v35 =	vld.idx.msk [tilespmem:v29+s22+$0x0], $0xffff  }
0x3cc: {  	s5 =	smax.f32 s5, $1.000000000e+00;
	v7 =	vmax.f32 v7, $0.0e+00;
	v15 =	vmul.f32 v17, v15;
	v17 =	vmul.f32 v24, v62;
	v22 =	vld.idx.msk [tilespmem:v11+s22+$0x0], $0xffff  }
0x3cd: {  	v9 =	vmax.f32 v9, $0.0e+00;
	v7 =	vmul.f32 v14, v7;
	v61 =	vmov s5;
	v21 =	vld [tilespmem:$0x1FFF0]  }
0x3ce: {  	(erf) = vrcp.f32 v61;
	v40 =	vmax.f32 v38, $0.0e+00;
	v3 =	vadd.f32 v17, v3;
	v45 =	vld.idx.msk [tilespmem:v29+s21+$0x0], $0xffff  }
0x3cf: {  	v1 =	vadd.f32 v15, v1;
	v15 =	vmul.f32 v24, v63;
	v17 =	vmax.f32 v32, $0.0e+00;
	v47 =	vld [tilespmem:$0x25F0]  }
0x3d0: {  	v50 =	vld [tilespmem:$0x2600];
	v3 =	vadd.f32 v7, v3;
	v7 =	vlaneseq.u32;
	v18 =	vshll.u32 v35, $0x6  }
0x3d1: {  	v51 =	vld [tilespmem:$0x2610];
	v52 =	vshll.u32 v22, $0x6;
	v7 =	vor.u32 v7, v18;
	v20 =	vor.u32 v20, v18  }
0x3d2: {  	v54 =	vld.idx.msk [tilespmem:v11+s21+$0x0], $0xffff;
	v23 =	vor.u32 v23, v18;
	v18 =	vor.u32 v21, v18;
	v21 =	vor.u32 v28, v52  }
0x3d3: {  	v43 =	vmax.f32 v41, $0.0e+00;
	v59 =	vld [tilespmem:$0x2650];
	v39 =	vmul.f32 v24, v17;
	v17 =	vmul.f32 v14, v40  }
0x3d4: {  	v0 =	vadd.f32 v15, v0;
	v10 =	vadd.f32 v10, v55;
	v22 =	vcvt.s32.f32 v27;
	v27 =	vld [tilespmem:$0x1FFB0]  }
0x3d5: {  	v15 =	vmul.f32 v14, v43;
	v6 =	vadd.f32 v25, v6;
	v25 =	vld [tilespmem:$0x1FFC0];
	v5 =	vadd.f32 v17, v5  }
0x3d6: {  	v17 =	vmax.f32 v44, $0.0e+00;
	v3 =	vadd.f32 v4, v3;
	v4 =	vadd.f32 v8, v46;
	v7 =	vld.idx.msk [tilespmem:v7+s14+$0x0], $0xffff  }
0x3d7: {  	v2 =	vadd.f32 v60, v58;
	v1 =	vadd.f32 v39, v1;
	v14 =	vmul.f32 v14, v17;
	v57 =	vld.idx.msk [tilespmem:v21+s14+$0x0], $0xffff  }
0x3d8: {  	v0 =	vadd.f32 v15, v0;
	v10 =	vmax.f32 v10, $0.0e+00;
	v4 =	vmax.f32 v4, $0.0e+00;
	v21 =	vld [tilespmem:$0x1FFF0]  }
0x3d9: {  	v2 =	vmax.f32 v2, $0.0e+00;
	v4 =	vmul.f32 v16, v4;
	v24 =	vor.u32 v27, v52;
	v8 =	vld.idx.msk [tilespmem:v20+s14+$0x0], $0xffff  }
0x3da: {  	v6 =	vmax.f32 v6, $0.0e+00;
	v5 =	vadd.f32 v49, v5;
	v60 =	vcvt.s32.f32 v45;
	v20 =	vld.idx.msk [tilespmem:v23+s14+$0x0], $0xffff  }
0x3db: {  	v62 =	vld [tilespmem:$0x2660];
	v1 =	vadd.f32 v14, v1;
	v0 =	vadd.f32 v4, v0;
	v4 =	vmul.f32 v16, v9  }
0x3dc: {  	v55 =	vld [tilespmem:$0x2630];
	v53 =	vmul.f32 v22, v10;
	v56 =	vor.u32 v25, v52;
	v2 =	vmul.f32 v22, v2  }
0x3dd: {  	v58 =	vld [tilespmem:$0x2640];
	v1 =	vadd.f32 v4, v1;
	v4 =	vadd.f32 v12, v26;
	v14 =	vor.u32 v21, v52  }
0x3de: {  	v2 =	vadd.f32 v2, v5;
	v5 =	vmul.f32 v22, v6;
	v6 =	vld.idx.msk [tilespmem:v24+s14+$0x0], $0xffff;
	v7 =	vadd.f32 v7, v47  }
0x3df: {  	v3 =	vadd.f32 v53, v3;
	v23 =	vld [tilespmem:$0x2620];
	v4 =	vmax.f32 v4, $0.0e+00;
	v13 =	vadd.f32 v20, v51  }
0x3e0: {  	v18 =	vld.idx.msk [tilespmem:v18+s14+$0x0], $0xffff;
	v4 =	vmul.f32 v22, v4;
	v8 =	vadd.f32 v8, v50;
	v7 =	vmax.f32 v7, $0.0e+00  }
0x3e1: {  	v0 =	vadd.f32 v5, v0;
	v16 =	vld.idx.msk [tilespmem:v56+s14+$0x0], $0xffff;
	v13 =	vmax.f32 v13, $0.0e+00;
	v7 =	vmul.f32 v60, v7  }
0x3e2: {  	v1 =	vadd.f32 v4, v1;
	v8 =	vmax.f32 v8, $0.0e+00;
	v4 =	vmul.f32 v60, v13;
	v14 =	vld.idx.msk [tilespmem:v14+s14+$0x0], $0xffff  }
0x3e3: {  	v8 =	vmul.f32 v60, v8;
	v6 =	vadd.f32 v6, v58;
	v3 =	vadd.f32 v7, v3  }
0x3e4: {  	v0 =	vadd.f32 v4, v0;
	v4 =	vadd.f32 v57, v55;
	v7 =	vcvt.s32.f32 v54  }
0x3e5: {  	v5 =	vadd.f32 v18, v23;
	v2 =	vadd.f32 v8, v2;
	v6 =	vmax.f32 v6, $0.0e+00  }
0x3e6: {  	v8 =	vadd.f32 v16, v59;
	v4 =	vmax.f32 v4, $0.0e+00;
	v6 =	vmul.f32 v7, v6  }
0x3e7: {  	v5 =	vmax.f32 v5, $0.0e+00;
	v4 =	vmul.f32 v7, v4;
	v63 =	vadd.f32 v14, v62  }
0x3e8: {  	v5 =	vmul.f32 v60, v5;
	v8 =	vmax.f32 v8, $0.0e+00  }
0x3e9: {  	v3 =	vadd.f32 v4, v3;
	v4 =	vmul.f32 v7, v8;
	v8 =	vmax.f32 v63, $0.0e+00  }
0x3ea: {  	v1 =	vadd.f32 v5, v1;
	v2 =	vadd.f32 v6, v2;
	v6 =	vpop (erf);
	v5 =	vmul.f32 v7, v8  }
0x3eb: {  	p0 =	sne.s32 s13, $0xF;
	v0 =	vadd.f32 v4, v0;
	v3 =	vmul.f32 v3, v6  }
.Ltmp0:
0x3ec: {  	v2 =	vmul.f32 v2, v6;
	v1 =	vadd.f32 v5, v1;
	(pc) =	sbr.rel @p0 .LBB2_3-.Ltmp0, $4  }
0x3ed: {  	[tilespmem:s4+$0xFFFFFFE0] =	vst v3;
	v0 =	vmul.f32 v0, v6  }
0x3ee: {  	[tilespmem:s4+$0xFFFFFFF0] =	vst v2;
	v1 =	vmul.f32 v1, v6  }
0x3ef: {  	[tilespmem:s4+$0x0] =	vst v0  }
0x3f0: {  	s13 =	sadd.s32 $0x1, s13;
	v6 =	vld [tilespmem:$0x1FFE0];
	[tilespmem:s4+$0x10] =	vst v1;
	s4 =	sadd.s32 $0x40, s4  }
0x3f1: {  	_ =	swait.ge [sflag:s9], $0x400  }
0x3f2: {  	[sflag:s9] =	ssyncset.done $0x0  }
0x3f3: {  	[sflag:s9] =	ssyncadd.s32 $0xFFFFFC00  }
0x3f4: {  	s2 =	sshll.u32 s2, $0x3;
	s4 =	rddreg [dreg:$0x2]  }
0x3f5: {  	s5 =	simm.s32 $0x1270;
	s4 =	sadd.s32 s4, s2  }
0x3f6: {  	[hbm4b:s4+s3] =	stream.linear.scatter [tilespmem:s5], [sflag:$0x3], $0x400, $0x38;
	[tilespmem:$0x26B0] =	vst v63  }
0x3f7: {  	s1 =	sadd.s32 $0x1, s1;
	_ =	swait.ge [sflag:s15], $0x400  }
0x3f8: {  	p0 =	sne.s32 s1, $0x20;
	[sflag:s15] =	ssyncset.done $0x0  }
.Ltmp1:
0x3f9: {  	s2 =	sadd.s32 s11, s2;
	[sflag:s15] =	ssyncadd.s32 $0xFFFFFC00;
	(pc) =	sbr.rel @p0 .LBB2_2-.Ltmp1, $4  }
0x3fa: {  	[hbm4b:s2+s3] =	stream.linear.scatter [tilespmem:s17], [sflag:$0x3], $0x400, $0x38;
	[tilespmem:$0x26B0] =	vst v63  }
0x3fb: {  	_ =	swait.ge [sflag:s15], $0x400  }
0x3fc: {  	[sflag:s15] =	ssyncset.done $0x0  }
0x3fd: {  	[sflag:s15] =	ssyncadd.s32 $0xFFFFFC00  }
0x3fe: {  	s2 =	rddreg [dreg:$0x8]  }
0x3ff: {  	s1 =	rddreg [dreg:$0x7];
	s2 =	sadd.s32 $0x1, s2  }
0x400: {  	p0 =	sne.s32 s2, s1  }
.Ltmp2:
0x401: {  	_ = 	snop;
	(pc) =	sbr.rel @p0 .LBB2_1-.Ltmp2, $1  }
0x402: {  	_ =	sdelay $0x3  }
0x403: {  	_ =	sfence.sel $0x180000  }
0x404: {  	[bflag:$0x0] =	sbarrier.arrive $0xFFFF  }
0x405: {  	_ =	strace $0x90000047  }
0x406: {  	s0 =	stileid.u32;
	[bflag:$0x2] =	sbarrier.arrive $0xFFFF  }
0x407: {  	p0 =	sne.s32 s0, $0x0;
	s0 =	rddreg [dreg:$0x3]  }
0x408: {  	s0 =	sadd.s32 @!p0 $0x100000, s0  }
0x409: {  	[sflag:s0] =	ssyncadd.tile.s32 @!p0 $0x1;
	_ =	shalt  }
.Lfunc_end2:
_tile_overlayer_lowered:
.L_overlay_start_2:
0x40a: {  	(tag) =	ssettag $0x2  }
0x40b: {  	s0 =	rddreg [dreg:$0x0];
	s2 =	stileid.u32  }
0x40c: {  	s1 =	rddreg [dreg:$0x1];
	p0 =	sne.s32 s2, $0x0  }
0x40d: {  	s3 =	rddreg [dreg:$0x2];
	[bflag:$0x3] =	sbarrier.arrive $0xFFFF;
	s2 =	simm.s32 @!p0 $0x1C03  }
0x40e: {  	[timem:s3], [sflag:s2] =	dma.local @!p0 [hbm:s0], s1  }
0x40f: {  	s0 =	simm.s32 @!p0 $0x3  }
0x410: {  	_ =	swait.ge @!p0 [sflag:s0], s1  }
0x411: {  	s1 =	ssub.s32 @!p0 $0x0, s1;
	[sflag:s0] =	ssyncset.done @!p0 $0x0  }
0x412: {  	[sflag:s0] =	ssyncadd.s32 @!p0 s1  }
0x413: {  	[bflag:$0x3] =	sbarrier.arrive $0xFFFF  }
0x414: {  	_ =	shalt  }

</sc_bundles>
